<compile_context>
chip_gen: v7x
topology: tpu7x:2x2x1
jax: 0.10.2.dev20260603
libtpu: 0.0.44.dev20260713+nightly
codegen_flags: <defaults>
</compile_context>

<pallas_src>
import functools

import jax
import jax.numpy as jnp
from jax import lax
from jax.experimental import pallas as pl
from jax.experimental.pallas import tpu as pltpu
from jax.experimental.pallas import tpu_sc as plsc

_D = 768
_T_OUT = 64
_H_OUT = 32
_W_OUT = 32
_NC = 2
_NS = 16
_NW = _NC * _NS
_TPW = _T_OUT // _NW
_C = _D // 16


def _sc_body(scal_hbm, t_hbm, h_hbm, w_hbm, out_hbm,
             scal_v, idx_h, idx_w, h_rows, w_rows, trow, th,
             strip0, strip1, sem_in, sem0, sem1):
    cid = lax.axis_index("c")
    sid = lax.axis_index("s")
    wid = sid * _NC + cid

    pltpu.sync_copy(scal_hbm, scal_v)
    sv = scal_v[pl.ds(0, 16)]
    T = sv[0]
    nh = sv[1]
    nw = sv[2]

    for chunk in range(_H_OUT // 16):
        vec = lax.broadcasted_iota(jnp.int32, (16,), 0) + chunk * 16
        idx_h[pl.ds(chunk * 16, 16)] = jnp.minimum(vec, nh - 1)
        idx_w[pl.ds(chunk * 16, 16)] = jnp.minimum(vec, nw - 1)

    pltpu.async_copy(h_hbm.at[idx_h], h_rows, sem_in).wait()
    pltpu.async_copy(w_hbm.at[idx_w], w_rows, sem_in).wait()

    def strip_into(h, buf):
        thc = [th[h, 16 * c:16 * (c + 1)] for c in range(_C)]

        def w_body(w, carry):
            for c in range(_C):
                buf[w, 16 * c:16 * (c + 1)] = (
                    w_rows[w, 16 * c:16 * (c + 1)] + thc[c])
            return carry

        lax.fori_loop(0, _W_OUT, w_body, 0)

    for ti in range(_TPW):
        t = wid * _TPW + ti
        t_idx = jnp.minimum(t, T - 1)
        pltpu.sync_copy(t_hbm.at[pl.ds(t_idx, 1)], trow)

        def th_c_body(c, carry):
            tr = trow[0, pl.ds(c * 16, 16)]

            def th_h_body(h, inner):
                th[h, pl.ds(c * 16, 16)] = h_rows[h, pl.ds(c * 16, 16)] + tr
                return inner

            return lax.fori_loop(0, _H_OUT, th_h_body, carry)

        lax.fori_loop(0, _C, th_c_body, 0)

        base_t = t * (_H_OUT * _W_OUT)

        def pair_body(p, carry):
            h0 = p * 2
            strip_into(h0, strip0)
            pltpu.sync_copy(
                strip0, out_hbm.at[pl.ds(base_t + h0 * _W_OUT, _W_OUT)])
            strip_into(h0 + 1, strip1)
            pltpu.sync_copy(
                strip1, out_hbm.at[pl.ds(base_t + (h0 + 1) * _W_OUT, _W_OUT)])
            return carry

        lax.fori_loop(0, _H_OUT // 2, pair_body, 0)


def kernel(T, n_h, n_w, t_w, h_w, w_w):
    scal = jnp.zeros((16,), jnp.int32)
    scal = scal.at[0].set(jnp.asarray(T, jnp.int32))
    scal = scal.at[1].set(jnp.asarray(n_h, jnp.int32))
    scal = scal.at[2].set(jnp.asarray(n_w, jnp.int32))

    mesh = plsc.VectorSubcoreMesh(core_axis_name="c", subcore_axis_name="s")
    run = pl.kernel(
        _sc_body,
        out_type=jax.ShapeDtypeStruct((_T_OUT * _H_OUT * _W_OUT, _D),
                                      jnp.float32),
        mesh=mesh,
        scratch_types=[
            pltpu.VMEM((16,), jnp.int32),
            pltpu.VMEM((_H_OUT,), jnp.int32),
            pltpu.VMEM((_W_OUT,), jnp.int32),
            pltpu.VMEM((_H_OUT, _D), jnp.float32),
            pltpu.VMEM((_W_OUT, _D), jnp.float32),
            pltpu.VMEM((1, _D), jnp.float32),
            pltpu.VMEM((_H_OUT, _D), jnp.float32),
            pltpu.VMEM((_W_OUT, _D), jnp.float32),
            pltpu.VMEM((_W_OUT, _D), jnp.float32),
            pltpu.SemaphoreType.DMA,
            pltpu.SemaphoreType.DMA,
            pltpu.SemaphoreType.DMA,
        ],
    )
    out = run(scal, t_w, h_w, w_w)
    return out.reshape(_T_OUT, _H_OUT, _W_OUT, _D)

# --- scband reference (transcript-rebuilt; emitter-appended) ---
"""Pipeline reference for scband-positional-encoding2-d-41953240547721 (READ-ONLY COPY).

The authoritative reference and input builder live on the scoring server;
editing this copy changes nothing except your own understanding.
"""

import jax, jax.numpy as jnp
import numpy as np

D = 768
MAX_T = 64
MAX_H = 64
MAX_W = 64

def setup_inputs(seed: int = 0) -> dict:
    key = jax.random.key(seed)
    k1, k2, k3 = jax.random.split(key, 3)
    t_w = jax.random.normal(k1, (MAX_T, D), dtype=jnp.float32) * 0.02
    h_w = jax.random.normal(k2, (MAX_H, D), dtype=jnp.float32) * 0.02
    w_w = jax.random.normal(k3, (MAX_W, D), dtype=jnp.float32) * 0.02
    return {"T": 64, "n_h": 32, "n_w": 32, "t_w": t_w, "h_w": h_w, "w_w": w_w}

def reference(T, n_h, n_w, t_w, h_w, w_w):
    t_ids = jnp.minimum(jnp.arange(64), T - 1)
    h_ids = jnp.minimum(jnp.arange(32), n_h - 1)
    w_ids = jnp.minimum(jnp.arange(32), n_w - 1)
    t_enc = jnp.take(t_w, t_ids, axis=0)[:, None, None, :]
    h_enc = jnp.take(h_w, h_ids, axis=0)[None, :, None, :]
    w_enc = jnp.take(w_w, w_ids, axis=0)[None, None, :, :]
    pos = t_enc + h_enc + w_enc
    return pos

if __name__ == "__main__":
    import jax
    _d = setup_inputs()
    print(jax.jit(kernel)(*tuple(_d.values())))

</pallas_src>

<mosaic_0001>
#map = affine_map<(d0, d1) -> (0)>
#map1 = affine_map<(d0, d1) -> (0, 0)>
module attributes {stable_mosaic.version = 14 : i64} {
  func.func @_sc_body(%arg0: i32, %arg1: i32, %arg2: memref<16xi32, #tpu.memory_space<hbm>>, %arg3: memref<64x768xf32, #tpu.memory_space<hbm>>, %arg4: memref<64x768xf32, #tpu.memory_space<hbm>>, %arg5: memref<64x768xf32, #tpu.memory_space<hbm>>, %arg6: memref<65536x768xf32, #tpu.memory_space<hbm>>, %arg7: memref<16xi32, #tpu.memory_space<vmem>>, %arg8: memref<32xi32, #tpu.memory_space<vmem>>, %arg9: memref<32xi32, #tpu.memory_space<vmem>>, %arg10: memref<32x768xf32, #tpu.memory_space<vmem>>, %arg11: memref<32x768xf32, #tpu.memory_space<vmem>>, %arg12: memref<1x768xf32, #tpu.memory_space<vmem>>, %arg13: memref<32x768xf32, #tpu.memory_space<vmem>>, %arg14: memref<32x768xf32, #tpu.memory_space<vmem>>, %arg15: memref<32x768xf32, #tpu.memory_space<vmem>>, %arg16: memref<!tpu.dma_semaphore, #tpu.memory_space<semaphore_mem>>, %arg17: memref<!tpu.dma_semaphore, #tpu.memory_space<semaphore_mem>>, %arg18: memref<!tpu.dma_semaphore, #tpu.memory_space<semaphore_mem>>) attributes {dimension_semantics = [#tpu.dimension_semantics<core_parallel>, #tpu.dimension_semantics<subcore_parallel>], iteration_bounds = array<i64: 2, 16>, scalar_prefetch = 0 : i64, scratch_operands = 12 : i64, tpu.core_type = #tpu.core_type<sc_vector_subcore>, window_params = [{transform_indices = #map}, {transform_indices = #map1}, {transform_indices = #map1}, {transform_indices = #map1}, {transform_indices = #map1}]} {
    %mul3A = arith.constant 2 : i32
    %mul3A_0 = arith.muli %arg1, %mul3A : i32
    %add3A = arith.addi %mul3A_0, %arg0 : i32
    "tpu.region"() ({
      %run_scoped3A = tpu.sem_alloc : memref<!tpu.dma_semaphore, #tpu.memory_space<semaphore_mem>>
      tpu.enqueue_dma source(%arg2 : memref<16xi32, #tpu.memory_space<hbm>>) target(%arg7 : memref<16xi32, #tpu.memory_space<vmem>>) target_semaphore(%run_scoped3A : memref<!tpu.dma_semaphore, #tpu.memory_space<semaphore_mem>>)
      tpu.wait_dma2 semaphore(%run_scoped3A : memref<!tpu.dma_semaphore, #tpu.memory_space<semaphore_mem>>) src(%arg2 : memref<16xi32, #tpu.memory_space<hbm>>) dst(%arg7 : memref<16xi32, #tpu.memory_space<vmem>>)
      tpu.yield
    }) : () -> ()
    %get3A = arith.constant 0 : index
    %get3A_1 = tpu.vector_load %arg7[%get3A] {strides = array<i32>} : memref<16xi32, #tpu.memory_space<vmem>>, vector<16xi32>,
    %get3A_2 = vector.shape_cast %get3A_1 : vector<16xi32> to vector<16xi32>
    %slice3A = vector.extract_strided_slice %get3A_2 {offsets = [0], sizes = [1], strides = [1]} : vector<16xi32> to vector<1xi32>
    %squeeze3A = vector.extract %slice3A[0] : i32 from vector<1xi32>
    %slice3A_3 = vector.extract_strided_slice %get3A_2 {offsets = [1], sizes = [1], strides = [1]} : vector<16xi32> to vector<1xi32>
    %squeeze3A_4 = vector.extract %slice3A_3[0] : i32 from vector<1xi32>
    %slice3A_5 = vector.extract_strided_slice %get3A_2 {offsets = [2], sizes = [1], strides = [1]} : vector<16xi32> to vector<1xi32>
    %squeeze3A_6 = vector.extract %slice3A_5[0] : i32 from vector<1xi32>
    %iota3A = tpu.iota {dimensions = array<i32: 0>} : vector<16xi32>
    %add3A_7 = arith.constant 0 : i32
    %add3A_8 = vector.broadcast %add3A_7 : i32 to vector<16xi32>
    %add3A_9 = arith.addi %iota3A, %add3A_8 : vector<16xi32>
    %sub3A = arith.constant 1 : i32
    %sub3A_10 = arith.subi %squeeze3A_4, %sub3A : i32
    %min3A = vector.broadcast %sub3A_10 : i32 to vector<16xi32>
    %min3A_11 = arith.minsi %add3A_9, %min3A : vector<16xi32>
    %swap3A = arith.constant 0 : index
    %swap3A_12 = tpu.vector_load %arg8[%swap3A] {strides = array<i32>} : memref<32xi32, #tpu.memory_space<vmem>>, vector<16xi32>,
    %swap3A_13 = vector.shape_cast %swap3A_12 : vector<16xi32> to vector<16xi32>
    %swap3A_14 = vector.shape_cast %min3A_11 : vector<16xi32> to vector<16xi32>
    tpu.vector_store %arg8[%swap3A], %swap3A_14 {strides = array<i32>} : memref<32xi32, #tpu.memory_space<vmem>>, vector<16xi32>,
    %sub3A_15 = arith.constant 1 : i32
    %sub3A_16 = arith.subi %squeeze3A_6, %sub3A_15 : i32
    %min3A_17 = vector.broadcast %sub3A_16 : i32 to vector<16xi32>
    %min3A_18 = arith.minsi %add3A_9, %min3A_17 : vector<16xi32>
    %swap3A_19 = arith.constant 0 : index
    %swap3A_20 = tpu.vector_load %arg9[%swap3A_19] {strides = array<i32>} : memref<32xi32, #tpu.memory_space<vmem>>, vector<16xi32>,
    %swap3A_21 = vector.shape_cast %swap3A_20 : vector<16xi32> to vector<16xi32>
    %swap3A_22 = vector.shape_cast %min3A_18 : vector<16xi32> to vector<16xi32>
    tpu.vector_store %arg9[%swap3A_19], %swap3A_22 {strides = array<i32>} : memref<32xi32, #tpu.memory_space<vmem>>, vector<16xi32>,
    %iota3A_23 = tpu.iota {dimensions = array<i32: 0>} : vector<16xi32>
    %add3A_24 = arith.constant 16 : i32
    %add3A_25 = vector.broadcast %add3A_24 : i32 to vector<16xi32>
    %add3A_26 = arith.addi %iota3A_23, %add3A_25 : vector<16xi32>
    %sub3A_27 = arith.constant 1 : i32
    %sub3A_28 = arith.subi %squeeze3A_4, %sub3A_27 : i32
    %min3A_29 = vector.broadcast %sub3A_28 : i32 to vector<16xi32>
    %min3A_30 = arith.minsi %add3A_26, %min3A_29 : vector<16xi32>
    %swap3A_31 = arith.constant 16 : index
    %swap3A_32 = tpu.vector_load %arg8[%swap3A_31] {strides = array<i32>} : memref<32xi32, #tpu.memory_space<vmem>>, vector<16xi32>,
    %swap3A_33 = vector.shape_cast %swap3A_32 : vector<16xi32> to vector<16xi32>
    %swap3A_34 = vector.shape_cast %min3A_30 : vector<16xi32> to vector<16xi32>
    tpu.vector_store %arg8[%swap3A_31], %swap3A_34 {strides = array<i32>} : memref<32xi32, #tpu.memory_space<vmem>>, vector<16xi32>,
    %sub3A_35 = arith.constant 1 : i32
    %sub3A_36 = arith.subi %squeeze3A_6, %sub3A_35 : i32
    %min3A_37 = vector.broadcast %sub3A_36 : i32 to vector<16xi32>
    %min3A_38 = arith.minsi %add3A_26, %min3A_37 : vector<16xi32>
    %swap3A_39 = arith.constant 16 : index
    %swap3A_40 = tpu.vector_load %arg9[%swap3A_39] {strides = array<i32>} : memref<32xi32, #tpu.memory_space<vmem>>, vector<16xi32>,
    %swap3A_41 = vector.shape_cast %swap3A_40 : vector<16xi32> to vector<16xi32>
    %swap3A_42 = vector.shape_cast %min3A_38 : vector<16xi32> to vector<16xi32>
    tpu.vector_store %arg9[%swap3A_39], %swap3A_42 {strides = array<i32>} : memref<32xi32, #tpu.memory_space<vmem>>, vector<16xi32>,
    %dma_start3A = arith.constant 0 : i32
    %dma_start3A_43 = arith.constant 0 : i32
    %dma_start3A_44 = tpu.memref_slice %arg4[%dma_start3A, %dma_start3A_43] : memref<64x768xf32, #tpu.memory_space<hbm>> -> memref<64x768xf32, #tpu.memory_space<hbm>>
    tpu.enqueue_indirect_dma source(%dma_start3A_44 : memref<64x768xf32, #tpu.memory_space<hbm>>) target(%arg10 : memref<32x768xf32, #tpu.memory_space<vmem>>) offsets(%arg8 : memref<32xi32, #tpu.memory_space<vmem>>) semaphore(%arg16 : memref<!tpu.dma_semaphore, #tpu.memory_space<semaphore_mem>>)
    %dma_wait3A = arith.constant 0 : i32
    %dma_wait3A_45 = arith.constant 0 : i32
    %dma_wait3A_46 = tpu.memref_slice %arg4[%dma_wait3A, %dma_wait3A_45] : memref<64x768xf32, #tpu.memory_space<hbm>> -> memref<64x768xf32, #tpu.memory_space<hbm>>
    tpu.wait_indirect_dma semaphore(%arg16 : memref<!tpu.dma_semaphore, #tpu.memory_space<semaphore_mem>>) src(%dma_wait3A_46 : memref<64x768xf32, #tpu.memory_space<hbm>>) dst(%arg10 : memref<32x768xf32, #tpu.memory_space<vmem>>)
    %dma_start3A_47 = arith.constant 0 : i32
    %dma_start3A_48 = arith.constant 0 : i32
    %dma_start3A_49 = tpu.memref_slice %arg5[%dma_start3A_47, %dma_start3A_48] : memref<64x768xf32, #tpu.memory_space<hbm>> -> memref<64x768xf32, #tpu.memory_space<hbm>>
    tpu.enqueue_indirect_dma source(%dma_start3A_49 : memref<64x768xf32, #tpu.memory_space<hbm>>) target(%arg11 : memref<32x768xf32, #tpu.memory_space<vmem>>) offsets(%arg9 : memref<32xi32, #tpu.memory_space<vmem>>) semaphore(%arg16 : memref<!tpu.dma_semaphore, #tpu.memory_space<semaphore_mem>>)
    %dma_wait3A_50 = arith.constant 0 : i32
    %dma_wait3A_51 = arith.constant 0 : i32
    %dma_wait3A_52 = tpu.memref_slice %arg5[%dma_wait3A_50, %dma_wait3A_51] : memref<64x768xf32, #tpu.memory_space<hbm>> -> memref<64x768xf32, #tpu.memory_space<hbm>>
    tpu.wait_indirect_dma semaphore(%arg16 : memref<!tpu.dma_semaphore, #tpu.memory_space<semaphore_mem>>) src(%dma_wait3A_52 : memref<64x768xf32, #tpu.memory_space<hbm>>) dst(%arg11 : memref<32x768xf32, #tpu.memory_space<vmem>>)
    %mul3A_53 = arith.constant 2 : i32
    %mul3A_54 = arith.muli %add3A, %mul3A_53 : i32
    %add3A_55 = arith.constant 0 : i32
    %add3A_56 = arith.addi %mul3A_54, %add3A_55 : i32
    %sub3A_57 = arith.constant 1 : i32
    %sub3A_58 = arith.subi %squeeze3A, %sub3A_57 : i32
    %min3A_59 = arith.minsi %add3A_56, %sub3A_58 : i32
    "tpu.region"() ({
      %run_scoped3A = tpu.sem_alloc : memref<!tpu.dma_semaphore, #tpu.memory_space<semaphore_mem>>
      %dma_start3A_94 = arith.constant 0 : i32
      %dma_start3A_95 = tpu.memref_slice %arg3[%min3A_59, %dma_start3A_94] : memref<64x768xf32, #tpu.memory_space<hbm>> -> memref<1x768xf32, #tpu.memory_space<hbm>>
      %dma_start3A_96 = arith.constant 0 : i32
      %dma_start3A_97 = tpu.memref_slice %arg3[%min3A_59, %dma_start3A_96] : memref<64x768xf32, #tpu.memory_space<hbm>> -> memref<1x768xf32, #tpu.memory_space<hbm>>
      tpu.enqueue_dma source(%dma_start3A_97 : memref<1x768xf32, #tpu.memory_space<hbm>>) target(%arg12 : memref<1x768xf32, #tpu.memory_space<vmem>>) target_semaphore(%run_scoped3A : memref<!tpu.dma_semaphore, #tpu.memory_space<semaphore_mem>>)
      %dma_wait3A_98 = arith.constant 0 : i32
      %dma_wait3A_99 = tpu.memref_slice %arg3[%min3A_59, %dma_wait3A_98] : memref<64x768xf32, #tpu.memory_space<hbm>> -> memref<1x768xf32, #tpu.memory_space<hbm>>
      %dma_wait3A_100 = arith.constant 0 : i32
      %dma_wait3A_101 = tpu.memref_slice %arg3[%min3A_59, %dma_wait3A_100] : memref<64x768xf32, #tpu.memory_space<hbm>> -> memref<1x768xf32, #tpu.memory_space<hbm>>
      tpu.wait_dma2 semaphore(%run_scoped3A : memref<!tpu.dma_semaphore, #tpu.memory_space<semaphore_mem>>) src(%dma_wait3A_101 : memref<1x768xf32, #tpu.memory_space<hbm>>) dst(%arg12 : memref<1x768xf32, #tpu.memory_space<vmem>>)
      tpu.yield
    }) : () -> ()
    %scan3A = arith.constant 0 : i32
    %scan3A_60 = arith.constant 0 : i32
    %scan3A_61 = arith.constant 48 : i32
    %scan3A_62 = arith.addi %scan3A_60, %scan3A_61 : i32
    %scan3A_63 = arith.constant 1 : i32
    scf.for %scan3A_94 = %scan3A_60 to %scan3A_62 step %scan3A_63  : i32 {
      %mul3A_95 = arith.constant 16 : i32
      %mul3A_96 = arith.muli %scan3A_94, %mul3A_95 : i32
      %get3A_97 = arith.constant 0 : i32
      %get3A_98 = arith.index_cast %get3A_97 : i32 to index
      %get3A_99 = arith.index_cast %mul3A_96 : i32 to index
      %get3A_100 = tpu.vector_load %arg12[%get3A_98, %get3A_99] {strides = array<i32>} : memref<1x768xf32, #tpu.memory_space<vmem>>, vector<1x16xf32>,
      %get3A_101 = vector.shape_cast %get3A_100 : vector<1x16xf32> to vector<16xf32>
      %scan3A_102 = arith.constant 0 : i32
      %scan3A_103 = arith.constant 32 : i32
      %scan3A_104 = arith.addi %scan3A_102, %scan3A_103 : i32
      %scan3A_105 = arith.constant 1 : i32
      scf.for %scan3A_107 = %scan3A_102 to %scan3A_104 step %scan3A_105  : i32 {
        %mul3A_108 = arith.constant 16 : i32
        %mul3A_109 = arith.muli %scan3A_94, %mul3A_108 : i32
        %get3A_110 = arith.index_cast %scan3A_107 : i32 to index
        %get3A_111 = arith.index_cast %mul3A_109 : i32 to index
        %get3A_112 = tpu.vector_load %arg10[%get3A_110, %get3A_111] {strides = array<i32>} : memref<32x768xf32, #tpu.memory_space<vmem>>, vector<1x16xf32>,
        %get3A_113 = vector.shape_cast %get3A_112 : vector<1x16xf32> to vector<16xf32>
        %add3A_114 = arith.addf %get3A_113, %get3A_101 : vector<16xf32>
        %mul3A_115 = arith.constant 16 : i32
        %mul3A_116 = arith.muli %scan3A_94, %mul3A_115 : i32
        %swap3A_117 = arith.index_cast %scan3A_107 : i32 to index
        %swap3A_118 = arith.index_cast %mul3A_116 : i32 to index
        %swap3A_119 = tpu.vector_load %arg13[%swap3A_117, %swap3A_118] {strides = array<i32>} : memref<32x768xf32, #tpu.memory_space<vmem>>, vector<1x16xf32>,
        %swap3A_120 = vector.shape_cast %swap3A_119 : vector<1x16xf32> to vector<16xf32>
        %swap3A_121 = vector.shape_cast %add3A_114 : vector<16xf32> to vector<1x16xf32>
        tpu.vector_store %arg13[%swap3A_117, %swap3A_118], %swap3A_121 {strides = array<i32>} : memref<32x768xf32, #tpu.memory_space<vmem>>, vector<1x16xf32>,
      }
      %scan3A_106 = arith.constant 32 : i32
    }
    %scan3A_64 = arith.constant 48 : i32
    %mul3A_65 = arith.constant 1024 : i32
    %mul3A_66 = arith.muli %add3A_56, %mul3A_65 : i32
    %scan3A_67 = arith.constant 0 : i32
    %scan3A_68 = arith.constant 0 : i32
    %scan3A_69 = arith.constant 16 : i32
    %scan3A_70 = arith.addi %scan3A_68, %scan3A_69 : i32
    %scan3A_71 = arith.constant 1 : i32
    scf.for %scan3A_94 = %scan3A_68 to %scan3A_70 step %scan3A_71  : i32 {
      %mul3A_95 = arith.constant 2 : i32
      %mul3A_96 = arith.muli %scan3A_94, %mul3A_95 : i32
      %get3A_97 = arith.index_cast %mul3A_96 : i32 to index
      %get3A_98 = arith.constant 0 : index
      %get3A_99 = tpu.vector_load %arg13[%get3A_97, %get3A_98] {strides = array<i32>} : memref<32x768xf32, #tpu.memory_space<vmem>>, vector<1x16xf32>,
      %get3A_100 = vector.shape_cast %get3A_99 : vector<1x16xf32> to vector<16xf32>
      %get3A_101 = arith.index_cast %mul3A_96 : i32 to index
      %get3A_102 = arith.constant 16 : index
      %get3A_103 = tpu.vector_load %arg13[%get3A_101, %get3A_102] {strides = array<i32>} : memref<32x768xf32, #tpu.memory_space<vmem>>, vector<1x16xf32>,
      %get3A_104 = vector.shape_cast %get3A_103 : vector<1x16xf32> to vector<16xf32>
      %get3A_105 = arith.index_cast %mul3A_96 : i32 to index
      %get3A_106 = arith.constant 32 : index
      %get3A_107 = tpu.vector_load %arg13[%get3A_105, %get3A_106] {strides = array<i32>} : memref<32x768xf32, #tpu.memory_space<vmem>>, vector<1x16xf32>,
      %get3A_108 = vector.shape_cast %get3A_107 : vector<1x16xf32> to vector<16xf32>
      %get3A_109 = arith.index_cast %mul3A_96 : i32 to index
      %get3A_110 = arith.constant 48 : index
      %get3A_111 = tpu.vector_load %arg13[%get3A_109, %get3A_110] {strides = array<i32>} : memref<32x768xf32, #tpu.memory_space<vmem>>, vector<1x16xf32>,
      %get3A_112 = vector.shape_cast %get3A_111 : vector<1x16xf32> to vector<16xf32>
      %get3A_113 = arith.index_cast %mul3A_96 : i32 to index
      %get3A_114 = arith.constant 64 : index
      %get3A_115 = tpu.vector_load %arg13[%get3A_113, %get3A_114] {strides = array<i32>} : memref<32x768xf32, #tpu.memory_space<vmem>>, vector<1x16xf32>,
      %get3A_116 = vector.shape_cast %get3A_115 : vector<1x16xf32> to vector<16xf32>
      %get3A_117 = arith.index_cast %mul3A_96 : i32 to index
      %get3A_118 = arith.constant 80 : index
      %get3A_119 = tpu.vector_load %arg13[%get3A_117, %get3A_118] {strides = array<i32>} : memref<32x768xf32, #tpu.memory_space<vmem>>, vector<1x16xf32>,
      %get3A_120 = vector.shape_cast %get3A_119 : vector<1x16xf32> to vector<16xf32>
      %get3A_121 = arith.index_cast %mul3A_96 : i32 to index
      %get3A_122 = arith.constant 96 : index
      %get3A_123 = tpu.vector_load %arg13[%get3A_121, %get3A_122] {strides = array<i32>} : memref<32x768xf32, #tpu.memory_space<vmem>>, vector<1x16xf32>,
      %get3A_124 = vector.shape_cast %get3A_123 : vector<1x16xf32> to vector<16xf32>
      %get3A_125 = arith.index_cast %mul3A_96 : i32 to index
      %get3A_126 = arith.constant 112 : index
      %get3A_127 = tpu.vector_load %arg13[%get3A_125, %get3A_126] {strides = array<i32>} : memref<32x768xf32, #tpu.memory_space<vmem>>, vector<1x16xf32>,
      %get3A_128 = vector.shape_cast %get3A_127 : vector<1x16xf32> to vector<16xf32>
      %get3A_129 = arith.index_cast %mul3A_96 : i32 to index
      %get3A_130 = arith.constant 128 : index
      %get3A_131 = tpu.vector_load %arg13[%get3A_129, %get3A_130] {strides = array<i32>} : memref<32x768xf32, #tpu.memory_space<vmem>>, vector<1x16xf32>,
      %get3A_132 = vector.shape_cast %get3A_131 : vector<1x16xf32> to vector<16xf32>
      %get3A_133 = arith.index_cast %mul3A_96 : i32 to index
      %get3A_134 = arith.constant 144 : index
      %get3A_135 = tpu.vector_load %arg13[%get3A_133, %get3A_134] {strides = array<i32>} : memref<32x768xf32, #tpu.memory_space<vmem>>, vector<1x16xf32>,
      %get3A_136 = vector.shape_cast %get3A_135 : vector<1x16xf32> to vector<16xf32>
      %get3A_137 = arith.index_cast %mul3A_96 : i32 to index
      %get3A_138 = arith.constant 160 : index
      %get3A_139 = tpu.vector_load %arg13[%get3A_137, %get3A_138] {strides = array<i32>} : memref<32x768xf32, #tpu.memory_space<vmem>>, vector<1x16xf32>,
      %get3A_140 = vector.shape_cast %get3A_139 : vector<1x16xf32> to vector<16xf32>
      %get3A_141 = arith.index_cast %mul3A_96 : i32 to index
      %get3A_142 = arith.constant 176 : index
      %get3A_143 = tpu.vector_load %arg13[%get3A_141, %get3A_142] {strides = array<i32>} : memref<32x768xf32, #tpu.memory_space<vmem>>, vector<1x16xf32>,
      %get3A_144 = vector.shape_cast %get3A_143 : vector<1x16xf32> to vector<16xf32>
      %get3A_145 = arith.index_cast %mul3A_96 : i32 to index
      %get3A_146 = arith.constant 192 : index
      %get3A_147 = tpu.vector_load %arg13[%get3A_145, %get3A_146] {strides = array<i32>} : memref<32x768xf32, #tpu.memory_space<vmem>>, vector<1x16xf32>,
      %get3A_148 = vector.shape_cast %get3A_147 : vector<1x16xf32> to vector<16xf32>
      %get3A_149 = arith.index_cast %mul3A_96 : i32 to index
      %get3A_150 = arith.constant 208 : index
      %get3A_151 = tpu.vector_load %arg13[%get3A_149, %get3A_150] {strides = array<i32>} : memref<32x768xf32, #tpu.memory_space<vmem>>, vector<1x16xf32>,
      %get3A_152 = vector.shape_cast %get3A_151 : vector<1x16xf32> to vector<16xf32>
      %get3A_153 = arith.index_cast %mul3A_96 : i32 to index
      %get3A_154 = arith.constant 224 : index
      %get3A_155 = tpu.vector_load %arg13[%get3A_153, %get3A_154] {strides = array<i32>} : memref<32x768xf32, #tpu.memory_space<vmem>>, vector<1x16xf32>,
      %get3A_156 = vector.shape_cast %get3A_155 : vector<1x16xf32> to vector<16xf32>
      %get3A_157 = arith.index_cast %mul3A_96 : i32 to index
      %get3A_158 = arith.constant 240 : index
      %get3A_159 = tpu.vector_load %arg13[%get3A_157, %get3A_158] {strides = array<i32>} : memref<32x768xf32, #tpu.memory_space<vmem>>, vector<1x16xf32>,
      %get3A_160 = vector.shape_cast %get3A_159 : vector<1x16xf32> to vector<16xf32>
      %get3A_161 = arith.index_cast %mul3A_96 : i32 to index
      %get3A_162 = arith.constant 256 : index
      %get3A_163 = tpu.vector_load %arg13[%get3A_161, %get3A_162] {strides = array<i32>} : memref<32x768xf32, #tpu.memory_space<vmem>>, vector<1x16xf32>,
      %get3A_164 = vector.shape_cast %get3A_163 : vector<1x16xf32> to vector<16xf32>
      %get3A_165 = arith.index_cast %mul3A_96 : i32 to index
      %get3A_166 = arith.constant 272 : index
      %get3A_167 = tpu.vector_load %arg13[%get3A_165, %get3A_166] {strides = array<i32>} : memref<32x768xf32, #tpu.memory_space<vmem>>, vector<1x16xf32>,
      %get3A_168 = vector.shape_cast %get3A_167 : vector<1x16xf32> to vector<16xf32>
      %get3A_169 = arith.index_cast %mul3A_96 : i32 to index
      %get3A_170 = arith.constant 288 : index
      %get3A_171 = tpu.vector_load %arg13[%get3A_169, %get3A_170] {strides = array<i32>} : memref<32x768xf32, #tpu.memory_space<vmem>>, vector<1x16xf32>,
      %get3A_172 = vector.shape_cast %get3A_171 : vector<1x16xf32> to vector<16xf32>
      %get3A_173 = arith.index_cast %mul3A_96 : i32 to index
      %get3A_174 = arith.constant 304 : index
      %get3A_175 = tpu.vector_load %arg13[%get3A_173, %get3A_174] {strides = array<i32>} : memref<32x768xf32, #tpu.memory_space<vmem>>, vector<1x16xf32>,
      %get3A_176 = vector.shape_cast %get3A_175 : vector<1x16xf32> to vector<16xf32>
      %get3A_177 = arith.index_cast %mul3A_96 : i32 to index
      %get3A_178 = arith.constant 320 : index
      %get3A_179 = tpu.vector_load %arg13[%get3A_177, %get3A_178] {strides = array<i32>} : memref<32x768xf32, #tpu.memory_space<vmem>>, vector<1x16xf32>,
      %get3A_180 = vector.shape_cast %get3A_179 : vector<1x16xf32> to vector<16xf32>
      %get3A_181 = arith.index_cast %mul3A_96 : i32 to index
      %get3A_182 = arith.constant 336 : index
      %get3A_183 = tpu.vector_load %arg13[%get3A_181, %get3A_182] {strides = array<i32>} : memref<32x768xf32, #tpu.memory_space<vmem>>, vector<1x16xf32>,
      %get3A_184 = vector.shape_cast %get3A_183 : vector<1x16xf32> to vector<16xf32>
      %get3A_185 = arith.index_cast %mul3A_96 : i32 to index
      %get3A_186 = arith.constant 352 : index
      %get3A_187 = tpu.vector_load %arg13[%get3A_185, %get3A_186] {strides = array<i32>} : memref<32x768xf32, #tpu.memory_space<vmem>>, vector<1x16xf32>,
      %get3A_188 = vector.shape_cast %get3A_187 : vector<1x16xf32> to vector<16xf32>
      %get3A_189 = arith.index_cast %mul3A_96 : i32 to index
      %get3A_190 = arith.constant 368 : index
      %get3A_191 = tpu.vector_load %arg13[%get3A_189, %get3A_190] {strides = array<i32>} : memref<32x768xf32, #tpu.memory_space<vmem>>, vector<1x16xf32>,
      %get3A_192 = vector.shape_cast %get3A_191 : vector<1x16xf32> to vector<16xf32>
      %get3A_193 = arith.index_cast %mul3A_96 : i32 to index
      %get3A_194 = arith.constant 384 : index
      %get3A_195 = tpu.vector_load %arg13[%get3A_193, %get3A_194] {strides = array<i32>} : memref<32x768xf32, #tpu.memory_space<vmem>>, vector<1x16xf32>,
      %get3A_196 = vector.shape_cast %get3A_195 : vector<1x16xf32> to vector<16xf32>
      %get3A_197 = arith.index_cast %mul3A_96 : i32 to index
      %get3A_198 = arith.constant 400 : index
      %get3A_199 = tpu.vector_load %arg13[%get3A_197, %get3A_198] {strides = array<i32>} : memref<32x768xf32, #tpu.memory_space<vmem>>, vector<1x16xf32>,
      %get3A_200 = vector.shape_cast %get3A_199 : vector<1x16xf32> to vector<16xf32>
      %get3A_201 = arith.index_cast %mul3A_96 : i32 to index
      %get3A_202 = arith.constant 416 : index
      %get3A_203 = tpu.vector_load %arg13[%get3A_201, %get3A_202] {strides = array<i32>} : memref<32x768xf32, #tpu.memory_space<vmem>>, vector<1x16xf32>,
      %get3A_204 = vector.shape_cast %get3A_203 : vector<1x16xf32> to vector<16xf32>
      %get3A_205 = arith.index_cast %mul3A_96 : i32 to index
      %get3A_206 = arith.constant 432 : index
      %get3A_207 = tpu.vector_load %arg13[%get3A_205, %get3A_206] {strides = array<i32>} : memref<32x768xf32, #tpu.memory_space<vmem>>, vector<1x16xf32>,
      %get3A_208 = vector.shape_cast %get3A_207 : vector<1x16xf32> to vector<16xf32>
      %get3A_209 = arith.index_cast %mul3A_96 : i32 to index
      %get3A_210 = arith.constant 448 : index
      %get3A_211 = tpu.vector_load %arg13[%get3A_209, %get3A_210] {strides = array<i32>} : memref<32x768xf32, #tpu.memory_space<vmem>>, vector<1x16xf32>,
      %get3A_212 = vector.shape_cast %get3A_211 : vector<1x16xf32> to vector<16xf32>
      %get3A_213 = arith.index_cast %mul3A_96 : i32 to index
      %get3A_214 = arith.constant 464 : index
      %get3A_215 = tpu.vector_load %arg13[%get3A_213, %get3A_214] {strides = array<i32>} : memref<32x768xf32, #tpu.memory_space<vmem>>, vector<1x16xf32>,
      %get3A_216 = vector.shape_cast %get3A_215 : vector<1x16xf32> to vector<16xf32>
      %get3A_217 = arith.index_cast %mul3A_96 : i32 to index
      %get3A_218 = arith.constant 480 : index
      %get3A_219 = tpu.vector_load %arg13[%get3A_217, %get3A_218] {strides = array<i32>} : memref<32x768xf32, #tpu.memory_space<vmem>>, vector<1x16xf32>,
      %get3A_220 = vector.shape_cast %get3A_219 : vector<1x16xf32> to vector<16xf32>
      %get3A_221 = arith.index_cast %mul3A_96 : i32 to index
      %get3A_222 = arith.constant 496 : index
      %get3A_223 = tpu.vector_load %arg13[%get3A_221, %get3A_222] {strides = array<i32>} : memref<32x768xf32, #tpu.memory_space<vmem>>, vector<1x16xf32>,
      %get3A_224 = vector.shape_cast %get3A_223 : vector<1x16xf32> to vector<16xf32>
      %get3A_225 = arith.index_cast %mul3A_96 : i32 to index
      %get3A_226 = arith.constant 512 : index
      %get3A_227 = tpu.vector_load %arg13[%get3A_225, %get3A_226] {strides = array<i32>} : memref<32x768xf32, #tpu.memory_space<vmem>>, vector<1x16xf32>,
      %get3A_228 = vector.shape_cast %get3A_227 : vector<1x16xf32> to vector<16xf32>
      %get3A_229 = arith.index_cast %mul3A_96 : i32 to index
      %get3A_230 = arith.constant 528 : index
      %get3A_231 = tpu.vector_load %arg13[%get3A_229, %get3A_230] {strides = array<i32>} : memref<32x768xf32, #tpu.memory_space<vmem>>, vector<1x16xf32>,
      %get3A_232 = vector.shape_cast %get3A_231 : vector<1x16xf32> to vector<16xf32>
      %get3A_233 = arith.index_cast %mul3A_96 : i32 to index
      %get3A_234 = arith.constant 544 : index
      %get3A_235 = tpu.vector_load %arg13[%get3A_233, %get3A_234] {strides = array<i32>} : memref<32x768xf32, #tpu.memory_space<vmem>>, vector<1x16xf32>,
      %get3A_236 = vector.shape_cast %get3A_235 : vector<1x16xf32> to vector<16xf32>
      %get3A_237 = arith.index_cast %mul3A_96 : i32 to index
      %get3A_238 = arith.constant 560 : index
      %get3A_239 = tpu.vector_load %arg13[%get3A_237, %get3A_238] {strides = array<i32>} : memref<32x768xf32, #tpu.memory_space<vmem>>, vector<1x16xf32>,
      %get3A_240 = vector.shape_cast %get3A_239 : vector<1x16xf32> to vector<16xf32>
      %get3A_241 = arith.index_cast %mul3A_96 : i32 to index
      %get3A_242 = arith.constant 576 : index
      %get3A_243 = tpu.vector_load %arg13[%get3A_241, %get3A_242] {strides = array<i32>} : memref<32x768xf32, #tpu.memory_space<vmem>>, vector<1x16xf32>,
      %get3A_244 = vector.shape_cast %get3A_243 : vector<1x16xf32> to vector<16xf32>
      %get3A_245 = arith.index_cast %mul3A_96 : i32 to index
      %get3A_246 = arith.constant 592 : index
      %get3A_247 = tpu.vector_load %arg13[%get3A_245, %get3A_246] {strides = array<i32>} : memref<32x768xf32, #tpu.memory_space<vmem>>, vector<1x16xf32>,
      %get3A_248 = vector.shape_cast %get3A_247 : vector<1x16xf32> to vector<16xf32>
      %get3A_249 = arith.index_cast %mul3A_96 : i32 to index
      %get3A_250 = arith.constant 608 : index
      %get3A_251 = tpu.vector_load %arg13[%get3A_249, %get3A_250] {strides = array<i32>} : memref<32x768xf32, #tpu.memory_space<vmem>>, vector<1x16xf32>,
      %get3A_252 = vector.shape_cast %get3A_251 : vector<1x16xf32> to vector<16xf32>
      %get3A_253 = arith.index_cast %mul3A_96 : i32 to index
      %get3A_254 = arith.constant 624 : index
      %get3A_255 = tpu.vector_load %arg13[%get3A_253, %get3A_254] {strides = array<i32>} : memref<32x768xf32, #tpu.memory_space<vmem>>, vector<1x16xf32>,
      %get3A_256 = vector.shape_cast %get3A_255 : vector<1x16xf32> to vector<16xf32>
      %get3A_257 = arith.index_cast %mul3A_96 : i32 to index
      %get3A_258 = arith.constant 640 : index
      %get3A_259 = tpu.vector_load %arg13[%get3A_257, %get3A_258] {strides = array<i32>} : memref<32x768xf32, #tpu.memory_space<vmem>>, vector<1x16xf32>,
      %get3A_260 = vector.shape_cast %get3A_259 : vector<1x16xf32> to vector<16xf32>
      %get3A_261 = arith.index_cast %mul3A_96 : i32 to index
      %get3A_262 = arith.constant 656 : index
      %get3A_263 = tpu.vector_load %arg13[%get3A_261, %get3A_262] {strides = array<i32>} : memref<32x768xf32, #tpu.memory_space<vmem>>, vector<1x16xf32>,
      %get3A_264 = vector.shape_cast %get3A_263 : vector<1x16xf32> to vector<16xf32>
      %get3A_265 = arith.index_cast %mul3A_96 : i32 to index
      %get3A_266 = arith.constant 672 : index
      %get3A_267 = tpu.vector_load %arg13[%get3A_265, %get3A_266] {strides = array<i32>} : memref<32x768xf32, #tpu.memory_space<vmem>>, vector<1x16xf32>,
      %get3A_268 = vector.shape_cast %get3A_267 : vector<1x16xf32> to vector<16xf32>
      %get3A_269 = arith.index_cast %mul3A_96 : i32 to index
      %get3A_270 = arith.constant 688 : index
      %get3A_271 = tpu.vector_load %arg13[%get3A_269, %get3A_270] {strides = array<i32>} : memref<32x768xf32, #tpu.memory_space<vmem>>, vector<1x16xf32>,
      %get3A_272 = vector.shape_cast %get3A_271 : vector<1x16xf32> to vector<16xf32>
      %get3A_273 = arith.index_cast %mul3A_96 : i32 to index
      %get3A_274 = arith.constant 704 : index
      %get3A_275 = tpu.vector_load %arg13[%get3A_273, %get3A_274] {strides = array<i32>} : memref<32x768xf32, #tpu.memory_space<vmem>>, vector<1x16xf32>,
      %get3A_276 = vector.shape_cast %get3A_275 : vector<1x16xf32> to vector<16xf32>
      %get3A_277 = arith.index_cast %mul3A_96 : i32 to index
      %get3A_278 = arith.constant 720 : index
      %get3A_279 = tpu.vector_load %arg13[%get3A_277, %get3A_278] {strides = array<i32>} : memref<32x768xf32, #tpu.memory_space<vmem>>, vector<1x16xf32>,
      %get3A_280 = vector.shape_cast %get3A_279 : vector<1x16xf32> to vector<16xf32>
      %get3A_281 = arith.index_cast %mul3A_96 : i32 to index
      %get3A_282 = arith.constant 736 : index
      %get3A_283 = tpu.vector_load %arg13[%get3A_281, %get3A_282] {strides = array<i32>} : memref<32x768xf32, #tpu.memory_space<vmem>>, vector<1x16xf32>,
      %get3A_284 = vector.shape_cast %get3A_283 : vector<1x16xf32> to vector<16xf32>
      %get3A_285 = arith.index_cast %mul3A_96 : i32 to index
      %get3A_286 = arith.constant 752 : index
      %get3A_287 = tpu.vector_load %arg13[%get3A_285, %get3A_286] {strides = array<i32>} : memref<32x768xf32, #tpu.memory_space<vmem>>, vector<1x16xf32>,
      %get3A_288 = vector.shape_cast %get3A_287 : vector<1x16xf32> to vector<16xf32>
      %scan3A_289 = arith.constant 0 : i32
      %scan3A_290 = arith.constant 0 : i32
      %scan3A_291 = arith.constant 32 : i32
      %scan3A_292 = arith.addi %scan3A_290, %scan3A_291 : i32
      %scan3A_293 = arith.constant 1 : i32
      scf.for %scan3A_503 = %scan3A_290 to %scan3A_292 step %scan3A_293  : i32 {
        %get3A_504 = arith.index_cast %scan3A_503 : i32 to index
        %get3A_505 = arith.constant 0 : index
        %get3A_506 = tpu.vector_load %arg11[%get3A_504, %get3A_505] {strides = array<i32>} : memref<32x768xf32, #tpu.memory_space<vmem>>, vector<1x16xf32>,
        %get3A_507 = vector.shape_cast %get3A_506 : vector<1x16xf32> to vector<16xf32>
        %add3A_508 = arith.addf %get3A_507, %get3A_100 : vector<16xf32>
        %swap3A_509 = arith.index_cast %scan3A_503 : i32 to index
        %swap3A_510 = arith.constant 0 : index
        %swap3A_511 = tpu.vector_load %arg14[%swap3A_509, %swap3A_510] {strides = array<i32>} : memref<32x768xf32, #tpu.memory_space<vmem>>, vector<1x16xf32>,
        %swap3A_512 = vector.shape_cast %swap3A_511 : vector<1x16xf32> to vector<16xf32>
        %swap3A_513 = vector.shape_cast %add3A_508 : vector<16xf32> to vector<1x16xf32>
        tpu.vector_store %arg14[%swap3A_509, %swap3A_510], %swap3A_513 {strides = array<i32>} : memref<32x768xf32, #tpu.memory_space<vmem>>, vector<1x16xf32>,
        %get3A_514 = arith.index_cast %scan3A_503 : i32 to index
        %get3A_515 = arith.constant 16 : index
        %get3A_516 = tpu.vector_load %arg11[%get3A_514, %get3A_515] {strides = array<i32>} : memref<32x768xf32, #tpu.memory_space<vmem>>, vector<1x16xf32>,
        %get3A_517 = vector.shape_cast %get3A_516 : vector<1x16xf32> to vector<16xf32>
        %add3A_518 = arith.addf %get3A_517, %get3A_104 : vector<16xf32>
        %swap3A_519 = arith.index_cast %scan3A_503 : i32 to index
        %swap3A_520 = arith.constant 16 : index
        %swap3A_521 = tpu.vector_load %arg14[%swap3A_519, %swap3A_520] {strides = array<i32>} : memref<32x768xf32, #tpu.memory_space<vmem>>, vector<1x16xf32>,
        %swap3A_522 = vector.shape_cast %swap3A_521 : vector<1x16xf32> to vector<16xf32>
        %swap3A_523 = vector.shape_cast %add3A_518 : vector<16xf32> to vector<1x16xf32>
        tpu.vector_store %arg14[%swap3A_519, %swap3A_520], %swap3A_523 {strides = array<i32>} : memref<32x768xf32, #tpu.memory_space<vmem>>, vector<1x16xf32>,
        %get3A_524 = arith.index_cast %scan3A_503 : i32 to index
        %get3A_525 = arith.constant 32 : index
        %get3A_526 = tpu.vector_load %arg11[%get3A_524, %get3A_525] {strides = array<i32>} : memref<32x768xf32, #tpu.memory_space<vmem>>, vector<1x16xf32>,
        %get3A_527 = vector.shape_cast %get3A_526 : vector<1x16xf32> to vector<16xf32>
        %add3A_528 = arith.addf %get3A_527, %get3A_108 : vector<16xf32>
        %swap3A_529 = arith.index_cast %scan3A_503 : i32 to index
        %swap3A_530 = arith.constant 32 : index
        %swap3A_531 = tpu.vector_load %arg14[%swap3A_529, %swap3A_530] {strides = array<i32>} : memref<32x768xf32, #tpu.memory_space<vmem>>, vector<1x16xf32>,
        %swap3A_532 = vector.shape_cast %swap3A_531 : vector<1x16xf32> to vector<16xf32>
        %swap3A_533 = vector.shape_cast %add3A_528 : vector<16xf32> to vector<1x16xf32>
        tpu.vector_store %arg14[%swap3A_529, %swap3A_530], %swap3A_533 {strides = array<i32>} : memref<32x768xf32, #tpu.memory_space<vmem>>, vector<1x16xf32>,
        %get3A_534 = arith.index_cast %scan3A_503 : i32 to index
        %get3A_535 = arith.constant 48 : index
        %get3A_536 = tpu.vector_load %arg11[%get3A_534, %get3A_535] {strides = array<i32>} : memref<32x768xf32, #tpu.memory_space<vmem>>, vector<1x16xf32>,
        %get3A_537 = vector.shape_cast %get3A_536 : vector<1x16xf32> to vector<16xf32>
        %add3A_538 = arith.addf %get3A_537, %get3A_112 : vector<16xf32>
        %swap3A_539 = arith.index_cast %scan3A_503 : i32 to index
        %swap3A_540 = arith.constant 48 : index
        %swap3A_541 = tpu.vector_load %arg14[%swap3A_539, %swap3A_540] {strides = array<i32>} : memref<32x768xf32, #tpu.memory_space<vmem>>, vector<1x16xf32>,
        %swap3A_542 = vector.shape_cast %swap3A_541 : vector<1x16xf32> to vector<16xf32>
        %swap3A_543 = vector.shape_cast %add3A_538 : vector<16xf32> to vector<1x16xf32>
        tpu.vector_store %arg14[%swap3A_539, %swap3A_540], %swap3A_543 {strides = array<i32>} : memref<32x768xf32, #tpu.memory_space<vmem>>, vector<1x16xf32>,
        %get3A_544 = arith.index_cast %scan3A_503 : i32 to index
        %get3A_545 = arith.constant 64 : index
        %get3A_546 = tpu.vector_load %arg11[%get3A_544, %get3A_545] {strides = array<i32>} : memref<32x768xf32, #tpu.memory_space<vmem>>, vector<1x16xf32>,
        %get3A_547 = vector.shape_cast %get3A_546 : vector<1x16xf32> to vector<16xf32>
        %add3A_548 = arith.addf %get3A_547, %get3A_116 : vector<16xf32>
        %swap3A_549 = arith.index_cast %scan3A_503 : i32 to index
        %swap3A_550 = arith.constant 64 : index
        %swap3A_551 = tpu.vector_load %arg14[%swap3A_549, %swap3A_550] {strides = array<i32>} : memref<32x768xf32, #tpu.memory_space<vmem>>, vector<1x16xf32>,
        %swap3A_552 = vector.shape_cast %swap3A_551 : vector<1x16xf32> to vector<16xf32>
        %swap3A_553 = vector.shape_cast %add3A_548 : vector<16xf32> to vector<1x16xf32>
        tpu.vector_store %arg14[%swap3A_549, %swap3A_550], %swap3A_553 {strides = array<i32>} : memref<32x768xf32, #tpu.memory_space<vmem>>, vector<1x16xf32>,
        %get3A_554 = arith.index_cast %scan3A_503 : i32 to index
        %get3A_555 = arith.constant 80 : index
        %get3A_556 = tpu.vector_load %arg11[%get3A_554, %get3A_555] {strides = array<i32>} : memref<32x768xf32, #tpu.memory_space<vmem>>, vector<1x16xf32>,
        %get3A_557 = vector.shape_cast %get3A_556 : vector<1x16xf32> to vector<16xf32>
        %add3A_558 = arith.addf %get3A_557, %get3A_120 : vector<16xf32>
        %swap3A_559 = arith.index_cast %scan3A_503 : i32 to index
        %swap3A_560 = arith.constant 80 : index
        %swap3A_561 = tpu.vector_load %arg14[%swap3A_559, %swap3A_560] {strides = array<i32>} : memref<32x768xf32, #tpu.memory_space<vmem>>, vector<1x16xf32>,
        %swap3A_562 = vector.shape_cast %swap3A_561 : vector<1x16xf32> to vector<16xf32>
        %swap3A_563 = vector.shape_cast %add3A_558 : vector<16xf32> to vector<1x16xf32>
        tpu.vector_store %arg14[%swap3A_559, %swap3A_560], %swap3A_563 {strides = array<i32>} : memref<32x768xf32, #tpu.memory_space<vmem>>, vector<1x16xf32>,
        %get3A_564 = arith.index_cast %scan3A_503 : i32 to index
        %get3A_565 = arith.constant 96 : index
        %get3A_566 = tpu.vector_load %arg11[%get3A_564, %get3A_565] {strides = array<i32>} : memref<32x768xf32, #tpu.memory_space<vmem>>, vector<1x16xf32>,
        %get3A_567 = vector.shape_cast %get3A_566 : vector<1x16xf32> to vector<16xf32>
        %add3A_568 = arith.addf %get3A_567, %get3A_124 : vector<16xf32>
        %swap3A_569 = arith.index_cast %scan3A_503 : i32 to index
        %swap3A_570 = arith.constant 96 : index
        %swap3A_571 = tpu.vector_load %arg14[%swap3A_569, %swap3A_570] {strides = array<i32>} : memref<32x768xf32, #tpu.memory_space<vmem>>, vector<1x16xf32>,
        %swap3A_572 = vector.shape_cast %swap3A_571 : vector<1x16xf32> to vector<16xf32>
        %swap3A_573 = vector.shape_cast %add3A_568 : vector<16xf32> to vector<1x16xf32>
        tpu.vector_store %arg14[%swap3A_569, %swap3A_570], %swap3A_573 {strides = array<i32>} : memref<32x768xf32, #tpu.memory_space<vmem>>, vector<1x16xf32>,
        %get3A_574 = arith.index_cast %scan3A_503 : i32 to index
        %get3A_575 = arith.constant 112 : index
        %get3A_576 = tpu.vector_load %arg11[%get3A_574, %get3A_575] {strides = array<i32>} : memref<32x768xf32, #tpu.memory_space<vmem>>, vector<1x16xf32>,
        %get3A_577 = vector.shape_cast %get3A_576 : vector<1x16xf32> to vector<16xf32>
        %add3A_578 = arith.addf %get3A_577, %get3A_128 : vector<16xf32>
        %swap3A_579 = arith.index_cast %scan3A_503 : i32 to index
        %swap3A_580 = arith.constant 112 : index
        %swap3A_581 = tpu.vector_load %arg14[%swap3A_579, %swap3A_580] {strides = array<i32>} : memref<32x768xf32, #tpu.memory_space<vmem>>, vector<1x16xf32>,
        %swap3A_582 = vector.shape_cast %swap3A_581 : vector<1x16xf32> to vector<16xf32>
        %swap3A_583 = vector.shape_cast %add3A_578 : vector<16xf32> to vector<1x16xf32>
        tpu.vector_store %arg14[%swap3A_579, %swap3A_580], %swap3A_583 {strides = array<i32>} : memref<32x768xf32, #tpu.memory_space<vmem>>, vector<1x16xf32>,
        %get3A_584 = arith.index_cast %scan3A_503 : i32 to index
        %get3A_585 = arith.constant 128 : index
        %get3A_586 = tpu.vector_load %arg11[%get3A_584, %get3A_585] {strides = array<i32>} : memref<32x768xf32, #tpu.memory_space<vmem>>, vector<1x16xf32>,
        %get3A_587 = vector.shape_cast %get3A_586 : vector<1x16xf32> to vector<16xf32>
        %add3A_588 = arith.addf %get3A_587, %get3A_132 : vector<16xf32>
        %swap3A_589 = arith.index_cast %scan3A_503 : i32 to index
        %swap3A_590 = arith.constant 128 : index
        %swap3A_591 = tpu.vector_load %arg14[%swap3A_589, %swap3A_590] {strides = array<i32>} : memref<32x768xf32, #tpu.memory_space<vmem>>, vector<1x16xf32>,
        %swap3A_592 = vector.shape_cast %swap3A_591 : vector<1x16xf32> to vector<16xf32>
        %swap3A_593 = vector.shape_cast %add3A_588 : vector<16xf32> to vector<1x16xf32>
        tpu.vector_store %arg14[%swap3A_589, %swap3A_590], %swap3A_593 {strides = array<i32>} : memref<32x768xf32, #tpu.memory_space<vmem>>, vector<1x16xf32>,
        %get3A_594 = arith.index_cast %scan3A_503 : i32 to index
        %get3A_595 = arith.constant 144 : index
        %get3A_596 = tpu.vector_load %arg11[%get3A_594, %get3A_595] {strides = array<i32>} : memref<32x768xf32, #tpu.memory_space<vmem>>, vector<1x16xf32>,
        %get3A_597 = vector.shape_cast %get3A_596 : vector<1x16xf32> to vector<16xf32>
        %add3A_598 = arith.addf %get3A_597, %get3A_136 : vector<16xf32>
        %swap3A_599 = arith.index_cast %scan3A_503 : i32 to index
        %swap3A_600 = arith.constant 144 : index
        %swap3A_601 = tpu.vector_load %arg14[%swap3A_599, %swap3A_600] {strides = array<i32>} : memref<32x768xf32, #tpu.memory_space<vmem>>, vector<1x16xf32>,
        %swap3A_602 = vector.shape_cast %swap3A_601 : vector<1x16xf32> to vector<16xf32>
        %swap3A_603 = vector.shape_cast %add3A_598 : vector<16xf32> to vector<1x16xf32>
        tpu.vector_store %arg14[%swap3A_599, %swap3A_600], %swap3A_603 {strides = array<i32>} : memref<32x768xf32, #tpu.memory_space<vmem>>, vector<1x16xf32>,
        %get3A_604 = arith.index_cast %scan3A_503 : i32 to index
        %get3A_605 = arith.constant 160 : index
        %get3A_606 = tpu.vector_load %arg11[%get3A_604, %get3A_605] {strides = array<i32>} : memref<32x768xf32, #tpu.memory_space<vmem>>, vector<1x16xf32>,
        %get3A_607 = vector.shape_cast %get3A_606 : vector<1x16xf32> to vector<16xf32>
        %add3A_608 = arith.addf %get3A_607, %get3A_140 : vector<16xf32>
        %swap3A_609 = arith.index_cast %scan3A_503 : i32 to index
        %swap3A_610 = arith.constant 160 : index
        %swap3A_611 = tpu.vector_load %arg14[%swap3A_609, %swap3A_610] {strides = array<i32>} : memref<32x768xf32, #tpu.memory_space<vmem>>, vector<1x16xf32>,
        %swap3A_612 = vector.shape_cast %swap3A_611 : vector<1x16xf32> to vector<16xf32>
        %swap3A_613 = vector.shape_cast %add3A_608 : vector<16xf32> to vector<1x16xf32>
        tpu.vector_store %arg14[%swap3A_609, %swap3A_610], %swap3A_613 {strides = array<i32>} : memref<32x768xf32, #tpu.memory_space<vmem>>, vector<1x16xf32>,
        %get3A_614 = arith.index_cast %scan3A_503 : i32 to index
        %get3A_615 = arith.constant 176 : index
        %get3A_616 = tpu.vector_load %arg11[%get3A_614, %get3A_615] {strides = array<i32>} : memref<32x768xf32, #tpu.memory_space<vmem>>, vector<1x16xf32>,
        %get3A_617 = vector.shape_cast %get3A_616 : vector<1x16xf32> to vector<16xf32>
        %add3A_618 = arith.addf %get3A_617, %get3A_144 : vector<16xf32>
        %swap3A_619 = arith.index_cast %scan3A_503 : i32 to index
        %swap3A_620 = arith.constant 176 : index
        %swap3A_621 = tpu.vector_load %arg14[%swap3A_619, %swap3A_620] {strides = array<i32>} : memref<32x768xf32, #tpu.memory_space<vmem>>, vector<1x16xf32>,
        %swap3A_622 = vector.shape_cast %swap3A_621 : vector<1x16xf32> to vector<16xf32>
        %swap3A_623 = vector.shape_cast %add3A_618 : vector<16xf32> to vector<1x16xf32>
        tpu.vector_store %arg14[%swap3A_619, %swap3A_620], %swap3A_623 {strides = array<i32>} : memref<32x768xf32, #tpu.memory_space<vmem>>, vector<1x16xf32>,
        %get3A_624 = arith.index_cast %scan3A_503 : i32 to index
        %get3A_625 = arith.constant 192 : index
        %get3A_626 = tpu.vector_load %arg11[%get3A_624, %get3A_625] {strides = array<i32>} : memref<32x768xf32, #tpu.memory_space<vmem>>, vector<1x16xf32>,
        %get3A_627 = vector.shape_cast %get3A_626 : vector<1x16xf32> to vector<16xf32>
        %add3A_628 = arith.addf %get3A_627, %get3A_148 : vector<16xf32>
        %swap3A_629 = arith.index_cast %scan3A_503 : i32 to index
        %swap3A_630 = arith.constant 192 : index
        %swap3A_631 = tpu.vector_load %arg14[%swap3A_629, %swap3A_630] {strides = array<i32>} : memref<32x768xf32, #tpu.memory_space<vmem>>, vector<1x16xf32>,
        %swap3A_632 = vector.shape_cast %swap3A_631 : vector<1x16xf32> to vector<16xf32>
        %swap3A_633 = vector.shape_cast %add3A_628 : vector<16xf32> to vector<1x16xf32>
        tpu.vector_store %arg14[%swap3A_629, %swap3A_630], %swap3A_633 {strides = array<i32>} : memref<32x768xf32, #tpu.memory_space<vmem>>, vector<1x16xf32>,
        %get3A_634 = arith.index_cast %scan3A_503 : i32 to index
        %get3A_635 = arith.constant 208 : index
        %get3A_636 = tpu.vector_load %arg11[%get3A_634, %get3A_635] {strides = array<i32>} : memref<32x768xf32, #tpu.memory_space<vmem>>, vector<1x16xf32>,
        %get3A_637 = vector.shape_cast %get3A_636 : vector<1x16xf32> to vector<16xf32>
        %add3A_638 = arith.addf %get3A_637, %get3A_152 : vector<16xf32>
        %swap3A_639 = arith.index_cast %scan3A_503 : i32 to index
        %swap3A_640 = arith.constant 208 : index
        %swap3A_641 = tpu.vector_load %arg14[%swap3A_639, %swap3A_640] {strides = array<i32>} : memref<32x768xf32, #tpu.memory_space<vmem>>, vector<1x16xf32>,
        %swap3A_642 = vector.shape_cast %swap3A_641 : vector<1x16xf32> to vector<16xf32>
        %swap3A_643 = vector.shape_cast %add3A_638 : vector<16xf32> to vector<1x16xf32>
        tpu.vector_store %arg14[%swap3A_639, %swap3A_640], %swap3A_643 {strides = array<i32>} : memref<32x768xf32, #tpu.memory_space<vmem>>, vector<1x16xf32>,
        %get3A_644 = arith.index_cast %scan3A_503 : i32 to index
        %get3A_645 = arith.constant 224 : index
        %get3A_646 = tpu.vector_load %arg11[%get3A_644, %get3A_645] {strides = array<i32>} : memref<32x768xf32, #tpu.memory_space<vmem>>, vector<1x16xf32>,
        %get3A_647 = vector.shape_cast %get3A_646 : vector<1x16xf32> to vector<16xf32>
        %add3A_648 = arith.addf %get3A_647, %get3A_156 : vector<16xf32>
        %swap3A_649 = arith.index_cast %scan3A_503 : i32 to index
        %swap3A_650 = arith.constant 224 : index
        %swap3A_651 = tpu.vector_load %arg14[%swap3A_649, %swap3A_650] {strides = array<i32>} : memref<32x768xf32, #tpu.memory_space<vmem>>, vector<1x16xf32>,
        %swap3A_652 = vector.shape_cast %swap3A_651 : vector<1x16xf32> to vector<16xf32>
        %swap3A_653 = vector.shape_cast %add3A_648 : vector<16xf32> to vector<1x16xf32>
        tpu.vector_store %arg14[%swap3A_649, %swap3A_650], %swap3A_653 {strides = array<i32>} : memref<32x768xf32, #tpu.memory_space<vmem>>, vector<1x16xf32>,
        %get3A_654 = arith.index_cast %scan3A_503 : i32 to index
        %get3A_655 = arith.constant 240 : index
        %get3A_656 = tpu.vector_load %arg11[%get3A_654, %get3A_655] {strides = array<i32>} : memref<32x768xf32, #tpu.memory_space<vmem>>, vector<1x16xf32>,
        %get3A_657 = vector.shape_cast %get3A_656 : vector<1x16xf32> to vector<16xf32>
        %add3A_658 = arith.addf %get3A_657, %get3A_160 : vector<16xf32>
        %swap3A_659 = arith.index_cast %scan3A_503 : i32 to index
        %swap3A_660 = arith.constant 240 : index
        %swap3A_661 = tpu.vector_load %arg14[%swap3A_659, %swap3A_660] {strides = array<i32>} : memref<32x768xf32, #tpu.memory_space<vmem>>, vector<1x16xf32>,
        %swap3A_662 = vector.shape_cast %swap3A_661 : vector<1x16xf32> to vector<16xf32>
        %swap3A_663 = vector.shape_cast %add3A_658 : vector<16xf32> to vector<1x16xf32>
        tpu.vector_store %arg14[%swap3A_659, %swap3A_660], %swap3A_663 {strides = array<i32>} : memref<32x768xf32, #tpu.memory_space<vmem>>, vector<1x16xf32>,
        %get3A_664 = arith.index_cast %scan3A_503 : i32 to index
        %get3A_665 = arith.constant 256 : index
        %get3A_666 = tpu.vector_load %arg11[%get3A_664, %get3A_665] {strides = array<i32>} : memref<32x768xf32, #tpu.memory_space<vmem>>, vector<1x16xf32>,
        %get3A_667 = vector.shape_cast %get3A_666 : vector<1x16xf32> to vector<16xf32>
        %add3A_668 = arith.addf %get3A_667, %get3A_164 : vector<16xf32>
        %swap3A_669 = arith.index_cast %scan3A_503 : i32 to index
        %swap3A_670 = arith.constant 256 : index
        %swap3A_671 = tpu.vector_load %arg14[%swap3A_669, %swap3A_670] {strides = array<i32>} : memref<32x768xf32, #tpu.memory_space<vmem>>, vector<1x16xf32>,
        %swap3A_672 = vector.shape_cast %swap3A_671 : vector<1x16xf32> to vector<16xf32>
        %swap3A_673 = vector.shape_cast %add3A_668 : vector<16xf32> to vector<1x16xf32>
        tpu.vector_store %arg14[%swap3A_669, %swap3A_670], %swap3A_673 {strides = array<i32>} : memref<32x768xf32, #tpu.memory_space<vmem>>, vector<1x16xf32>,
        %get3A_674 = arith.index_cast %scan3A_503 : i32 to index
        %get3A_675 = arith.constant 272 : index
        %get3A_676 = tpu.vector_load %arg11[%get3A_674, %get3A_675] {strides = array<i32>} : memref<32x768xf32, #tpu.memory_space<vmem>>, vector<1x16xf32>,
        %get3A_677 = vector.shape_cast %get3A_676 : vector<1x16xf32> to vector<16xf32>
        %add3A_678 = arith.addf %get3A_677, %get3A_168 : vector<16xf32>
        %swap3A_679 = arith.index_cast %scan3A_503 : i32 to index
        %swap3A_680 = arith.constant 272 : index
        %swap3A_681 = tpu.vector_load %arg14[%swap3A_679, %swap3A_680] {strides = array<i32>} : memref<32x768xf32, #tpu.memory_space<vmem>>, vector<1x16xf32>,
        %swap3A_682 = vector.shape_cast %swap3A_681 : vector<1x16xf32> to vector<16xf32>
        %swap3A_683 = vector.shape_cast %add3A_678 : vector<16xf32> to vector<1x16xf32>
        tpu.vector_store %arg14[%swap3A_679, %swap3A_680], %swap3A_683 {strides = array<i32>} : memref<32x768xf32, #tpu.memory_space<vmem>>, vector<1x16xf32>,
        %get3A_684 = arith.index_cast %scan3A_503 : i32 to index
        %get3A_685 = arith.constant 288 : index
        %get3A_686 = tpu.vector_load %arg11[%get3A_684, %get3A_685] {strides = array<i32>} : memref<32x768xf32, #tpu.memory_space<vmem>>, vector<1x16xf32>,
        %get3A_687 = vector.shape_cast %get3A_686 : vector<1x16xf32> to vector<16xf32>
        %add3A_688 = arith.addf %get3A_687, %get3A_172 : vector<16xf32>
        %swap3A_689 = arith.index_cast %scan3A_503 : i32 to index
        %swap3A_690 = arith.constant 288 : index
        %swap3A_691 = tpu.vector_load %arg14[%swap3A_689, %swap3A_690] {strides = array<i32>} : memref<32x768xf32, #tpu.memory_space<vmem>>, vector<1x16xf32>,
        %swap3A_692 = vector.shape_cast %swap3A_691 : vector<1x16xf32> to vector<16xf32>
        %swap3A_693 = vector.shape_cast %add3A_688 : vector<16xf32> to vector<1x16xf32>
        tpu.vector_store %arg14[%swap3A_689, %swap3A_690], %swap3A_693 {strides = array<i32>} : memref<32x768xf32, #tpu.memory_space<vmem>>, vector<1x16xf32>,
        %get3A_694 = arith.index_cast %scan3A_503 : i32 to index
        %get3A_695 = arith.constant 304 : index
        %get3A_696 = tpu.vector_load %arg11[%get3A_694, %get3A_695] {strides = array<i32>} : memref<32x768xf32, #tpu.memory_space<vmem>>, vector<1x16xf32>,
        %get3A_697 = vector.shape_cast %get3A_696 : vector<1x16xf32> to vector<16xf32>
        %add3A_698 = arith.addf %get3A_697, %get3A_176 : vector<16xf32>
        %swap3A_699 = arith.index_cast %scan3A_503 : i32 to index
        %swap3A_700 = arith.constant 304 : index
        %swap3A_701 = tpu.vector_load %arg14[%swap3A_699, %swap3A_700] {strides = array<i32>} : memref<32x768xf32, #tpu.memory_space<vmem>>, vector<1x16xf32>,
        %swap3A_702 = vector.shape_cast %swap3A_701 : vector<1x16xf32> to vector<16xf32>
        %swap3A_703 = vector.shape_cast %add3A_698 : vector<16xf32> to vector<1x16xf32>
        tpu.vector_store %arg14[%swap3A_699, %swap3A_700], %swap3A_703 {strides = array<i32>} : memref<32x768xf32, #tpu.memory_space<vmem>>, vector<1x16xf32>,
        %get3A_704 = arith.index_cast %scan3A_503 : i32 to index
        %get3A_705 = arith.constant 320 : index
        %get3A_706 = tpu.vector_load %arg11[%get3A_704, %get3A_705] {strides = array<i32>} : memref<32x768xf32, #tpu.memory_space<vmem>>, vector<1x16xf32>,
        %get3A_707 = vector.shape_cast %get3A_706 : vector<1x16xf32> to vector<16xf32>
        %add3A_708 = arith.addf %get3A_707, %get3A_180 : vector<16xf32>
        %swap3A_709 = arith.index_cast %scan3A_503 : i32 to index
        %swap3A_710 = arith.constant 320 : index
        %swap3A_711 = tpu.vector_load %arg14[%swap3A_709, %swap3A_710] {strides = array<i32>} : memref<32x768xf32, #tpu.memory_space<vmem>>, vector<1x16xf32>,
        %swap3A_712 = vector.shape_cast %swap3A_711 : vector<1x16xf32> to vector<16xf32>
        %swap3A_713 = vector.shape_cast %add3A_708 : vector<16xf32> to vector<1x16xf32>
        tpu.vector_store %arg14[%swap3A_709, %swap3A_710], %swap3A_713 {strides = array<i32>} : memref<32x768xf32, #tpu.memory_space<vmem>>, vector<1x16xf32>,
        %get3A_714 = arith.index_cast %scan3A_503 : i32 to index
        %get3A_715 = arith.constant 336 : index
        %get3A_716 = tpu.vector_load %arg11[%get3A_714, %get3A_715] {strides = array<i32>} : memref<32x768xf32, #tpu.memory_space<vmem>>, vector<1x16xf32>,
        %get3A_717 = vector.shape_cast %get3A_716 : vector<1x16xf32> to vector<16xf32>
        %add3A_718 = arith.addf %get3A_717, %get3A_184 : vector<16xf32>
        %swap3A_719 = arith.index_cast %scan3A_503 : i32 to index
        %swap3A_720 = arith.constant 336 : index
        %swap3A_721 = tpu.vector_load %arg14[%swap3A_719, %swap3A_720] {strides = array<i32>} : memref<32x768xf32, #tpu.memory_space<vmem>>, vector<1x16xf32>,
        %swap3A_722 = vector.shape_cast %swap3A_721 : vector<1x16xf32> to vector<16xf32>
        %swap3A_723 = vector.shape_cast %add3A_718 : vector<16xf32> to vector<1x16xf32>
        tpu.vector_store %arg14[%swap3A_719, %swap3A_720], %swap3A_723 {strides = array<i32>} : memref<32x768xf32, #tpu.memory_space<vmem>>, vector<1x16xf32>,
        %get3A_724 = arith.index_cast %scan3A_503 : i32 to index
        %get3A_725 = arith.constant 352 : index
        %get3A_726 = tpu.vector_load %arg11[%get3A_724, %get3A_725] {strides = array<i32>} : memref<32x768xf32, #tpu.memory_space<vmem>>, vector<1x16xf32>,
        %get3A_727 = vector.shape_cast %get3A_726 : vector<1x16xf32> to vector<16xf32>
        %add3A_728 = arith.addf %get3A_727, %get3A_188 : vector<16xf32>
        %swap3A_729 = arith.index_cast %scan3A_503 : i32 to index
        %swap3A_730 = arith.constant 352 : index
        %swap3A_731 = tpu.vector_load %arg14[%swap3A_729, %swap3A_730] {strides = array<i32>} : memref<32x768xf32, #tpu.memory_space<vmem>>, vector<1x16xf32>,
        %swap3A_732 = vector.shape_cast %swap3A_731 : vector<1x16xf32> to vector<16xf32>
        %swap3A_733 = vector.shape_cast %add3A_728 : vector<16xf32> to vector<1x16xf32>
        tpu.vector_store %arg14[%swap3A_729, %swap3A_730], %swap3A_733 {strides = array<i32>} : memref<32x768xf32, #tpu.memory_space<vmem>>, vector<1x16xf32>,
        %get3A_734 = arith.index_cast %scan3A_503 : i32 to index
        %get3A_735 = arith.constant 368 : index
        %get3A_736 = tpu.vector_load %arg11[%get3A_734, %get3A_735] {strides = array<i32>} : memref<32x768xf32, #tpu.memory_space<vmem>>, vector<1x16xf32>,
        %get3A_737 = vector.shape_cast %get3A_736 : vector<1x16xf32> to vector<16xf32>
        %add3A_738 = arith.addf %get3A_737, %get3A_192 : vector<16xf32>
        %swap3A_739 = arith.index_cast %scan3A_503 : i32 to index
        %swap3A_740 = arith.constant 368 : index
        %swap3A_741 = tpu.vector_load %arg14[%swap3A_739, %swap3A_740] {strides = array<i32>} : memref<32x768xf32, #tpu.memory_space<vmem>>, vector<1x16xf32>,
        %swap3A_742 = vector.shape_cast %swap3A_741 : vector<1x16xf32> to vector<16xf32>
        %swap3A_743 = vector.shape_cast %add3A_738 : vector<16xf32> to vector<1x16xf32>
        tpu.vector_store %arg14[%swap3A_739, %swap3A_740], %swap3A_743 {strides = array<i32>} : memref<32x768xf32, #tpu.memory_space<vmem>>, vector<1x16xf32>,
        %get3A_744 = arith.index_cast %scan3A_503 : i32 to index
        %get3A_745 = arith.constant 384 : index
        %get3A_746 = tpu.vector_load %arg11[%get3A_744, %get3A_745] {strides = array<i32>} : memref<32x768xf32, #tpu.memory_space<vmem>>, vector<1x16xf32>,
        %get3A_747 = vector.shape_cast %get3A_746 : vector<1x16xf32> to vector<16xf32>
        %add3A_748 = arith.addf %get3A_747, %get3A_196 : vector<16xf32>
        %swap3A_749 = arith.index_cast %scan3A_503 : i32 to index
        %swap3A_750 = arith.constant 384 : index
        %swap3A_751 = tpu.vector_load %arg14[%swap3A_749, %swap3A_750] {strides = array<i32>} : memref<32x768xf32, #tpu.memory_space<vmem>>, vector<1x16xf32>,
        %swap3A_752 = vector.shape_cast %swap3A_751 : vector<1x16xf32> to vector<16xf32>
        %swap3A_753 = vector.shape_cast %add3A_748 : vector<16xf32> to vector<1x16xf32>
        tpu.vector_store %arg14[%swap3A_749, %swap3A_750], %swap3A_753 {strides = array<i32>} : memref<32x768xf32, #tpu.memory_space<vmem>>, vector<1x16xf32>,
        %get3A_754 = arith.index_cast %scan3A_503 : i32 to index
        %get3A_755 = arith.constant 400 : index
        %get3A_756 = tpu.vector_load %arg11[%get3A_754, %get3A_755] {strides = array<i32>} : memref<32x768xf32, #tpu.memory_space<vmem>>, vector<1x16xf32>,
        %get3A_757 = vector.shape_cast %get3A_756 : vector<1x16xf32> to vector<16xf32>
        %add3A_758 = arith.addf %get3A_757, %get3A_200 : vector<16xf32>
        %swap3A_759 = arith.index_cast %scan3A_503 : i32 to index
        %swap3A_760 = arith.constant 400 : index
        %swap3A_761 = tpu.vector_load %arg14[%swap3A_759, %swap3A_760] {strides = array<i32>} : memref<32x768xf32, #tpu.memory_space<vmem>>, vector<1x16xf32>,
        %swap3A_762 = vector.shape_cast %swap3A_761 : vector<1x16xf32> to vector<16xf32>
        %swap3A_763 = vector.shape_cast %add3A_758 : vector<16xf32> to vector<1x16xf32>
        tpu.vector_store %arg14[%swap3A_759, %swap3A_760], %swap3A_763 {strides = array<i32>} : memref<32x768xf32, #tpu.memory_space<vmem>>, vector<1x16xf32>,
        %get3A_764 = arith.index_cast %scan3A_503 : i32 to index
        %get3A_765 = arith.constant 416 : index
        %get3A_766 = tpu.vector_load %arg11[%get3A_764, %get3A_765] {strides = array<i32>} : memref<32x768xf32, #tpu.memory_space<vmem>>, vector<1x16xf32>,
        %get3A_767 = vector.shape_cast %get3A_766 : vector<1x16xf32> to vector<16xf32>
        %add3A_768 = arith.addf %get3A_767, %get3A_204 : vector<16xf32>
        %swap3A_769 = arith.index_cast %scan3A_503 : i32 to index
        %swap3A_770 = arith.constant 416 : index
        %swap3A_771 = tpu.vector_load %arg14[%swap3A_769, %swap3A_770] {strides = array<i32>} : memref<32x768xf32, #tpu.memory_space<vmem>>, vector<1x16xf32>,
        %swap3A_772 = vector.shape_cast %swap3A_771 : vector<1x16xf32> to vector<16xf32>
        %swap3A_773 = vector.shape_cast %add3A_768 : vector<16xf32> to vector<1x16xf32>
        tpu.vector_store %arg14[%swap3A_769, %swap3A_770], %swap3A_773 {strides = array<i32>} : memref<32x768xf32, #tpu.memory_space<vmem>>, vector<1x16xf32>,
        %get3A_774 = arith.index_cast %scan3A_503 : i32 to index
        %get3A_775 = arith.constant 432 : index
        %get3A_776 = tpu.vector_load %arg11[%get3A_774, %get3A_775] {strides = array<i32>} : memref<32x768xf32, #tpu.memory_space<vmem>>, vector<1x16xf32>,
        %get3A_777 = vector.shape_cast %get3A_776 : vector<1x16xf32> to vector<16xf32>
        %add3A_778 = arith.addf %get3A_777, %get3A_208 : vector<16xf32>
        %swap3A_779 = arith.index_cast %scan3A_503 : i32 to index
        %swap3A_780 = arith.constant 432 : index
        %swap3A_781 = tpu.vector_load %arg14[%swap3A_779, %swap3A_780] {strides = array<i32>} : memref<32x768xf32, #tpu.memory_space<vmem>>, vector<1x16xf32>,
        %swap3A_782 = vector.shape_cast %swap3A_781 : vector<1x16xf32> to vector<16xf32>
        %swap3A_783 = vector.shape_cast %add3A_778 : vector<16xf32> to vector<1x16xf32>
        tpu.vector_store %arg14[%swap3A_779, %swap3A_780], %swap3A_783 {strides = array<i32>} : memref<32x768xf32, #tpu.memory_space<vmem>>, vector<1x16xf32>,
        %get3A_784 = arith.index_cast %scan3A_503 : i32 to index
        %get3A_785 = arith.constant 448 : index
        %get3A_786 = tpu.vector_load %arg11[%get3A_784, %get3A_785] {strides = array<i32>} : memref<32x768xf32, #tpu.memory_space<vmem>>, vector<1x16xf32>,
        %get3A_787 = vector.shape_cast %get3A_786 : vector<1x16xf32> to vector<16xf32>
        %add3A_788 = arith.addf %get3A_787, %get3A_212 : vector<16xf32>
        %swap3A_789 = arith.index_cast %scan3A_503 : i32 to index
        %swap3A_790 = arith.constant 448 : index
        %swap3A_791 = tpu.vector_load %arg14[%swap3A_789, %swap3A_790] {strides = array<i32>} : memref<32x768xf32, #tpu.memory_space<vmem>>, vector<1x16xf32>,
        %swap3A_792 = vector.shape_cast %swap3A_791 : vector<1x16xf32> to vector<16xf32>
        %swap3A_793 = vector.shape_cast %add3A_788 : vector<16xf32> to vector<1x16xf32>
        tpu.vector_store %arg14[%swap3A_789, %swap3A_790], %swap3A_793 {strides = array<i32>} : memref<32x768xf32, #tpu.memory_space<vmem>>, vector<1x16xf32>,
        %get3A_794 = arith.index_cast %scan3A_503 : i32 to index
        %get3A_795 = arith.constant 464 : index
        %get3A_796 = tpu.vector_load %arg11[%get3A_794, %get3A_795] {strides = array<i32>} : memref<32x768xf32, #tpu.memory_space<vmem>>, vector<1x16xf32>,
        %get3A_797 = vector.shape_cast %get3A_796 : vector<1x16xf32> to vector<16xf32>
        %add3A_798 = arith.addf %get3A_797, %get3A_216 : vector<16xf32>
        %swap3A_799 = arith.index_cast %scan3A_503 : i32 to index
        %swap3A_800 = arith.constant 464 : index
        %swap3A_801 = tpu.vector_load %arg14[%swap3A_799, %swap3A_800] {strides = array<i32>} : memref<32x768xf32, #tpu.memory_space<vmem>>, vector<1x16xf32>,
        %swap3A_802 = vector.shape_cast %swap3A_801 : vector<1x16xf32> to vector<16xf32>
        %swap3A_803 = vector.shape_cast %add3A_798 : vector<16xf32> to vector<1x16xf32>
        tpu.vector_store %arg14[%swap3A_799, %swap3A_800], %swap3A_803 {strides = array<i32>} : memref<32x768xf32, #tpu.memory_space<vmem>>, vector<1x16xf32>,
        %get3A_804 = arith.index_cast %scan3A_503 : i32 to index
        %get3A_805 = arith.constant 480 : index
        %get3A_806 = tpu.vector_load %arg11[%get3A_804, %get3A_805] {strides = array<i32>} : memref<32x768xf32, #tpu.memory_space<vmem>>, vector<1x16xf32>,
        %get3A_807 = vector.shape_cast %get3A_806 : vector<1x16xf32> to vector<16xf32>
        %add3A_808 = arith.addf %get3A_807, %get3A_220 : vector<16xf32>
        %swap3A_809 = arith.index_cast %scan3A_503 : i32 to index
        %swap3A_810 = arith.constant 480 : index
        %swap3A_811 = tpu.vector_load %arg14[%swap3A_809, %swap3A_810] {strides = array<i32>} : memref<32x768xf32, #tpu.memory_space<vmem>>, vector<1x16xf32>,
        %swap3A_812 = vector.shape_cast %swap3A_811 : vector<1x16xf32> to vector<16xf32>
        %swap3A_813 = vector.shape_cast %add3A_808 : vector<16xf32> to vector<1x16xf32>
        tpu.vector_store %arg14[%swap3A_809, %swap3A_810], %swap3A_813 {strides = array<i32>} : memref<32x768xf32, #tpu.memory_space<vmem>>, vector<1x16xf32>,
        %get3A_814 = arith.index_cast %scan3A_503 : i32 to index
        %get3A_815 = arith.constant 496 : index
        %get3A_816 = tpu.vector_load %arg11[%get3A_814, %get3A_815] {strides = array<i32>} : memref<32x768xf32, #tpu.memory_space<vmem>>, vector<1x16xf32>,
        %get3A_817 = vector.shape_cast %get3A_816 : vector<1x16xf32> to vector<16xf32>
        %add3A_818 = arith.addf %get3A_817, %get3A_224 : vector<16xf32>
        %swap3A_819 = arith.index_cast %scan3A_503 : i32 to index
        %swap3A_820 = arith.constant 496 : index
        %swap3A_821 = tpu.vector_load %arg14[%swap3A_819, %swap3A_820] {strides = array<i32>} : memref<32x768xf32, #tpu.memory_space<vmem>>, vector<1x16xf32>,
        %swap3A_822 = vector.shape_cast %swap3A_821 : vector<1x16xf32> to vector<16xf32>
        %swap3A_823 = vector.shape_cast %add3A_818 : vector<16xf32> to vector<1x16xf32>
        tpu.vector_store %arg14[%swap3A_819, %swap3A_820], %swap3A_823 {strides = array<i32>} : memref<32x768xf32, #tpu.memory_space<vmem>>, vector<1x16xf32>,
        %get3A_824 = arith.index_cast %scan3A_503 : i32 to index
        %get3A_825 = arith.constant 512 : index
        %get3A_826 = tpu.vector_load %arg11[%get3A_824, %get3A_825] {strides = array<i32>} : memref<32x768xf32, #tpu.memory_space<vmem>>, vector<1x16xf32>,
        %get3A_827 = vector.shape_cast %get3A_826 : vector<1x16xf32> to vector<16xf32>
        %add3A_828 = arith.addf %get3A_827, %get3A_228 : vector<16xf32>
        %swap3A_829 = arith.index_cast %scan3A_503 : i32 to index
        %swap3A_830 = arith.constant 512 : index
        %swap3A_831 = tpu.vector_load %arg14[%swap3A_829, %swap3A_830] {strides = array<i32>} : memref<32x768xf32, #tpu.memory_space<vmem>>, vector<1x16xf32>,
        %swap3A_832 = vector.shape_cast %swap3A_831 : vector<1x16xf32> to vector<16xf32>
        %swap3A_833 = vector.shape_cast %add3A_828 : vector<16xf32> to vector<1x16xf32>
        tpu.vector_store %arg14[%swap3A_829, %swap3A_830], %swap3A_833 {strides = array<i32>} : memref<32x768xf32, #tpu.memory_space<vmem>>, vector<1x16xf32>,
        %get3A_834 = arith.index_cast %scan3A_503 : i32 to index
        %get3A_835 = arith.constant 528 : index
        %get3A_836 = tpu.vector_load %arg11[%get3A_834, %get3A_835] {strides = array<i32>} : memref<32x768xf32, #tpu.memory_space<vmem>>, vector<1x16xf32>,
        %get3A_837 = vector.shape_cast %get3A_836 : vector<1x16xf32> to vector<16xf32>
        %add3A_838 = arith.addf %get3A_837, %get3A_232 : vector<16xf32>
        %swap3A_839 = arith.index_cast %scan3A_503 : i32 to index
        %swap3A_840 = arith.constant 528 : index
        %swap3A_841 = tpu.vector_load %arg14[%swap3A_839, %swap3A_840] {strides = array<i32>} : memref<32x768xf32, #tpu.memory_space<vmem>>, vector<1x16xf32>,
        %swap3A_842 = vector.shape_cast %swap3A_841 : vector<1x16xf32> to vector<16xf32>
        %swap3A_843 = vector.shape_cast %add3A_838 : vector<16xf32> to vector<1x16xf32>
        tpu.vector_store %arg14[%swap3A_839, %swap3A_840], %swap3A_843 {strides = array<i32>} : memref<32x768xf32, #tpu.memory_space<vmem>>, vector<1x16xf32>,
        %get3A_844 = arith.index_cast %scan3A_503 : i32 to index
        %get3A_845 = arith.constant 544 : index
        %get3A_846 = tpu.vector_load %arg11[%get3A_844, %get3A_845] {strides = array<i32>} : memref<32x768xf32, #tpu.memory_space<vmem>>, vector<1x16xf32>,
        %get3A_847 = vector.shape_cast %get3A_846 : vector<1x16xf32> to vector<16xf32>
        %add3A_848 = arith.addf %get3A_847, %get3A_236 : vector<16xf32>
        %swap3A_849 = arith.index_cast %scan3A_503 : i32 to index
        %swap3A_850 = arith.constant 544 : index
        %swap3A_851 = tpu.vector_load %arg14[%swap3A_849, %swap3A_850] {strides = array<i32>} : memref<32x768xf32, #tpu.memory_space<vmem>>, vector<1x16xf32>,
        %swap3A_852 = vector.shape_cast %swap3A_851 : vector<1x16xf32> to vector<16xf32>
        %swap3A_853 = vector.shape_cast %add3A_848 : vector<16xf32> to vector<1x16xf32>
        tpu.vector_store %arg14[%swap3A_849, %swap3A_850], %swap3A_853 {strides = array<i32>} : memref<32x768xf32, #tpu.memory_space<vmem>>, vector<1x16xf32>,
        %get3A_854 = arith.index_cast %scan3A_503 : i32 to index
        %get3A_855 = arith.constant 560 : index
        %get3A_856 = tpu.vector_load %arg11[%get3A_854, %get3A_855] {strides = array<i32>} : memref<32x768xf32, #tpu.memory_space<vmem>>, vector<1x16xf32>,
        %get3A_857 = vector.shape_cast %get3A_856 : vector<1x16xf32> to vector<16xf32>
        %add3A_858 = arith.addf %get3A_857, %get3A_240 : vector<16xf32>
        %swap3A_859 = arith.index_cast %scan3A_503 : i32 to index
        %swap3A_860 = arith.constant 560 : index
        %swap3A_861 = tpu.vector_load %arg14[%swap3A_859, %swap3A_860] {strides = array<i32>} : memref<32x768xf32, #tpu.memory_space<vmem>>, vector<1x16xf32>,
        %swap3A_862 = vector.shape_cast %swap3A_861 : vector<1x16xf32> to vector<16xf32>
        %swap3A_863 = vector.shape_cast %add3A_858 : vector<16xf32> to vector<1x16xf32>
        tpu.vector_store %arg14[%swap3A_859, %swap3A_860], %swap3A_863 {strides = array<i32>} : memref<32x768xf32, #tpu.memory_space<vmem>>, vector<1x16xf32>,
        %get3A_864 = arith.index_cast %scan3A_503 : i32 to index
        %get3A_865 = arith.constant 576 : index
        %get3A_866 = tpu.vector_load %arg11[%get3A_864, %get3A_865] {strides = array<i32>} : memref<32x768xf32, #tpu.memory_space<vmem>>, vector<1x16xf32>,
        %get3A_867 = vector.shape_cast %get3A_866 : vector<1x16xf32> to vector<16xf32>
        %add3A_868 = arith.addf %get3A_867, %get3A_244 : vector<16xf32>
        %swap3A_869 = arith.index_cast %scan3A_503 : i32 to index
        %swap3A_870 = arith.constant 576 : index
        %swap3A_871 = tpu.vector_load %arg14[%swap3A_869, %swap3A_870] {strides = array<i32>} : memref<32x768xf32, #tpu.memory_space<vmem>>, vector<1x16xf32>,
        %swap3A_872 = vector.shape_cast %swap3A_871 : vector<1x16xf32> to vector<16xf32>
        %swap3A_873 = vector.shape_cast %add3A_868 : vector<16xf32> to vector<1x16xf32>
        tpu.vector_store %arg14[%swap3A_869, %swap3A_870], %swap3A_873 {strides = array<i32>} : memref<32x768xf32, #tpu.memory_space<vmem>>, vector<1x16xf32>,
        %get3A_874 = arith.index_cast %scan3A_503 : i32 to index
        %get3A_875 = arith.constant 592 : index
        %get3A_876 = tpu.vector_load %arg11[%get3A_874, %get3A_875] {strides = array<i32>} : memref<32x768xf32, #tpu.memory_space<vmem>>, vector<1x16xf32>,
        %get3A_877 = vector.shape_cast %get3A_876 : vector<1x16xf32> to vector<16xf32>
        %add3A_878 = arith.addf %get3A_877, %get3A_248 : vector<16xf32>
        %swap3A_879 = arith.index_cast %scan3A_503 : i32 to index
        %swap3A_880 = arith.constant 592 : index
        %swap3A_881 = tpu.vector_load %arg14[%swap3A_879, %swap3A_880] {strides = array<i32>} : memref<32x768xf32, #tpu.memory_space<vmem>>, vector<1x16xf32>,
        %swap3A_882 = vector.shape_cast %swap3A_881 : vector<1x16xf32> to vector<16xf32>
        %swap3A_883 = vector.shape_cast %add3A_878 : vector<16xf32> to vector<1x16xf32>
        tpu.vector_store %arg14[%swap3A_879, %swap3A_880], %swap3A_883 {strides = array<i32>} : memref<32x768xf32, #tpu.memory_space<vmem>>, vector<1x16xf32>,
        %get3A_884 = arith.index_cast %scan3A_503 : i32 to index
        %get3A_885 = arith.constant 608 : index
        %get3A_886 = tpu.vector_load %arg11[%get3A_884, %get3A_885] {strides = array<i32>} : memref<32x768xf32, #tpu.memory_space<vmem>>, vector<1x16xf32>,
        %get3A_887 = vector.shape_cast %get3A_886 : vector<1x16xf32> to vector<16xf32>
        %add3A_888 = arith.addf %get3A_887, %get3A_252 : vector<16xf32>
        %swap3A_889 = arith.index_cast %scan3A_503 : i32 to index
        %swap3A_890 = arith.constant 608 : index
        %swap3A_891 = tpu.vector_load %arg14[%swap3A_889, %swap3A_890] {strides = array<i32>} : memref<32x768xf32, #tpu.memory_space<vmem>>, vector<1x16xf32>,
        %swap3A_892 = vector.shape_cast %swap3A_891 : vector<1x16xf32> to vector<16xf32>
        %swap3A_893 = vector.shape_cast %add3A_888 : vector<16xf32> to vector<1x16xf32>
        tpu.vector_store %arg14[%swap3A_889, %swap3A_890], %swap3A_893 {strides = array<i32>} : memref<32x768xf32, #tpu.memory_space<vmem>>, vector<1x16xf32>,
        %get3A_894 = arith.index_cast %scan3A_503 : i32 to index
        %get3A_895 = arith.constant 624 : index
        %get3A_896 = tpu.vector_load %arg11[%get3A_894, %get3A_895] {strides = array<i32>} : memref<32x768xf32, #tpu.memory_space<vmem>>, vector<1x16xf32>,
        %get3A_897 = vector.shape_cast %get3A_896 : vector<1x16xf32> to vector<16xf32>
        %add3A_898 = arith.addf %get3A_897, %get3A_256 : vector<16xf32>
        %swap3A_899 = arith.index_cast %scan3A_503 : i32 to index
        %swap3A_900 = arith.constant 624 : index
        %swap3A_901 = tpu.vector_load %arg14[%swap3A_899, %swap3A_900] {strides = array<i32>} : memref<32x768xf32, #tpu.memory_space<vmem>>, vector<1x16xf32>,
        %swap3A_902 = vector.shape_cast %swap3A_901 : vector<1x16xf32> to vector<16xf32>
        %swap3A_903 = vector.shape_cast %add3A_898 : vector<16xf32> to vector<1x16xf32>
        tpu.vector_store %arg14[%swap3A_899, %swap3A_900], %swap3A_903 {strides = array<i32>} : memref<32x768xf32, #tpu.memory_space<vmem>>, vector<1x16xf32>,
        %get3A_904 = arith.index_cast %scan3A_503 : i32 to index
        %get3A_905 = arith.constant 640 : index
        %get3A_906 = tpu.vector_load %arg11[%get3A_904, %get3A_905] {strides = array<i32>} : memref<32x768xf32, #tpu.memory_space<vmem>>, vector<1x16xf32>,
        %get3A_907 = vector.shape_cast %get3A_906 : vector<1x16xf32> to vector<16xf32>
        %add3A_908 = arith.addf %get3A_907, %get3A_260 : vector<16xf32>
        %swap3A_909 = arith.index_cast %scan3A_503 : i32 to index
        %swap3A_910 = arith.constant 640 : index
        %swap3A_911 = tpu.vector_load %arg14[%swap3A_909, %swap3A_910] {strides = array<i32>} : memref<32x768xf32, #tpu.memory_space<vmem>>, vector<1x16xf32>,
        %swap3A_912 = vector.shape_cast %swap3A_911 : vector<1x16xf32> to vector<16xf32>
        %swap3A_913 = vector.shape_cast %add3A_908 : vector<16xf32> to vector<1x16xf32>
        tpu.vector_store %arg14[%swap3A_909, %swap3A_910], %swap3A_913 {strides = array<i32>} : memref<32x768xf32, #tpu.memory_space<vmem>>, vector<1x16xf32>,
        %get3A_914 = arith.index_cast %scan3A_503 : i32 to index
        %get3A_915 = arith.constant 656 : index
        %get3A_916 = tpu.vector_load %arg11[%get3A_914, %get3A_915] {strides = array<i32>} : memref<32x768xf32, #tpu.memory_space<vmem>>, vector<1x16xf32>,
        %get3A_917 = vector.shape_cast %get3A_916 : vector<1x16xf32> to vector<16xf32>
        %add3A_918 = arith.addf %get3A_917, %get3A_264 : vector<16xf32>
        %swap3A_919 = arith.index_cast %scan3A_503 : i32 to index
        %swap3A_920 = arith.constant 656 : index
        %swap3A_921 = tpu.vector_load %arg14[%swap3A_919, %swap3A_920] {strides = array<i32>} : memref<32x768xf32, #tpu.memory_space<vmem>>, vector<1x16xf32>,
        %swap3A_922 = vector.shape_cast %swap3A_921 : vector<1x16xf32> to vector<16xf32>
        %swap3A_923 = vector.shape_cast %add3A_918 : vector<16xf32> to vector<1x16xf32>
        tpu.vector_store %arg14[%swap3A_919, %swap3A_920], %swap3A_923 {strides = array<i32>} : memref<32x768xf32, #tpu.memory_space<vmem>>, vector<1x16xf32>,
        %get3A_924 = arith.index_cast %scan3A_503 : i32 to index
        %get3A_925 = arith.constant 672 : index
        %get3A_926 = tpu.vector_load %arg11[%get3A_924, %get3A_925] {strides = array<i32>} : memref<32x768xf32, #tpu.memory_space<vmem>>, vector<1x16xf32>,
        %get3A_927 = vector.shape_cast %get3A_926 : vector<1x16xf32> to vector<16xf32>
        %add3A_928 = arith.addf %get3A_927, %get3A_268 : vector<16xf32>
        %swap3A_929 = arith.index_cast %scan3A_503 : i32 to index
        %swap3A_930 = arith.constant 672 : index
        %swap3A_931 = tpu.vector_load %arg14[%swap3A_929, %swap3A_930] {strides = array<i32>} : memref<32x768xf32, #tpu.memory_space<vmem>>, vector<1x16xf32>,
        %swap3A_932 = vector.shape_cast %swap3A_931 : vector<1x16xf32> to vector<16xf32>
        %swap3A_933 = vector.shape_cast %add3A_928 : vector<16xf32> to vector<1x16xf32>
        tpu.vector_store %arg14[%swap3A_929, %swap3A_930], %swap3A_933 {strides = array<i32>} : memref<32x768xf32, #tpu.memory_space<vmem>>, vector<1x16xf32>,
        %get3A_934 = arith.index_cast %scan3A_503 : i32 to index
        %get3A_935 = arith.constant 688 : index
        %get3A_936 = tpu.vector_load %arg11[%get3A_934, %get3A_935] {strides = array<i32>} : memref<32x768xf32, #tpu.memory_space<vmem>>, vector<1x16xf32>,
        %get3A_937 = vector.shape_cast %get3A_936 : vector<1x16xf32> to vector<16xf32>
        %add3A_938 = arith.addf %get3A_937, %get3A_272 : vector<16xf32>
        %swap3A_939 = arith.index_cast %scan3A_503 : i32 to index
        %swap3A_940 = arith.constant 688 : index
        %swap3A_941 = tpu.vector_load %arg14[%swap3A_939, %swap3A_940] {strides = array<i32>} : memref<32x768xf32, #tpu.memory_space<vmem>>, vector<1x16xf32>,
        %swap3A_942 = vector.shape_cast %swap3A_941 : vector<1x16xf32> to vector<16xf32>
        %swap3A_943 = vector.shape_cast %add3A_938 : vector<16xf32> to vector<1x16xf32>
        tpu.vector_store %arg14[%swap3A_939, %swap3A_940], %swap3A_943 {strides = array<i32>} : memref<32x768xf32, #tpu.memory_space<vmem>>, vector<1x16xf32>,
        %get3A_944 = arith.index_cast %scan3A_503 : i32 to index
        %get3A_945 = arith.constant 704 : index
        %get3A_946 = tpu.vector_load %arg11[%get3A_944, %get3A_945] {strides = array<i32>} : memref<32x768xf32, #tpu.memory_space<vmem>>, vector<1x16xf32>,
        %get3A_947 = vector.shape_cast %get3A_946 : vector<1x16xf32> to vector<16xf32>
        %add3A_948 = arith.addf %get3A_947, %get3A_276 : vector<16xf32>
        %swap3A_949 = arith.index_cast %scan3A_503 : i32 to index
        %swap3A_950 = arith.constant 704 : index
        %swap3A_951 = tpu.vector_load %arg14[%swap3A_949, %swap3A_950] {strides = array<i32>} : memref<32x768xf32, #tpu.memory_space<vmem>>, vector<1x16xf32>,
        %swap3A_952 = vector.shape_cast %swap3A_951 : vector<1x16xf32> to vector<16xf32>
        %swap3A_953 = vector.shape_cast %add3A_948 : vector<16xf32> to vector<1x16xf32>
        tpu.vector_store %arg14[%swap3A_949, %swap3A_950], %swap3A_953 {strides = array<i32>} : memref<32x768xf32, #tpu.memory_space<vmem>>, vector<1x16xf32>,
        %get3A_954 = arith.index_cast %scan3A_503 : i32 to index
        %get3A_955 = arith.constant 720 : index
        %get3A_956 = tpu.vector_load %arg11[%get3A_954, %get3A_955] {strides = array<i32>} : memref<32x768xf32, #tpu.memory_space<vmem>>, vector<1x16xf32>,
        %get3A_957 = vector.shape_cast %get3A_956 : vector<1x16xf32> to vector<16xf32>
        %add3A_958 = arith.addf %get3A_957, %get3A_280 : vector<16xf32>
        %swap3A_959 = arith.index_cast %scan3A_503 : i32 to index
        %swap3A_960 = arith.constant 720 : index
        %swap3A_961 = tpu.vector_load %arg14[%swap3A_959, %swap3A_960] {strides = array<i32>} : memref<32x768xf32, #tpu.memory_space<vmem>>, vector<1x16xf32>,
        %swap3A_962 = vector.shape_cast %swap3A_961 : vector<1x16xf32> to vector<16xf32>
        %swap3A_963 = vector.shape_cast %add3A_958 : vector<16xf32> to vector<1x16xf32>
        tpu.vector_store %arg14[%swap3A_959, %swap3A_960], %swap3A_963 {strides = array<i32>} : memref<32x768xf32, #tpu.memory_space<vmem>>, vector<1x16xf32>,
        %get3A_964 = arith.index_cast %scan3A_503 : i32 to index
        %get3A_965 = arith.constant 736 : index
        %get3A_966 = tpu.vector_load %arg11[%get3A_964, %get3A_965] {strides = array<i32>} : memref<32x768xf32, #tpu.memory_space<vmem>>, vector<1x16xf32>,
        %get3A_967 = vector.shape_cast %get3A_966 : vector<1x16xf32> to vector<16xf32>
        %add3A_968 = arith.addf %get3A_967, %get3A_284 : vector<16xf32>
        %swap3A_969 = arith.index_cast %scan3A_503 : i32 to index
        %swap3A_970 = arith.constant 736 : index
        %swap3A_971 = tpu.vector_load %arg14[%swap3A_969, %swap3A_970] {strides = array<i32>} : memref<32x768xf32, #tpu.memory_space<vmem>>, vector<1x16xf32>,
        %swap3A_972 = vector.shape_cast %swap3A_971 : vector<1x16xf32> to vector<16xf32>
        %swap3A_973 = vector.shape_cast %add3A_968 : vector<16xf32> to vector<1x16xf32>
        tpu.vector_store %arg14[%swap3A_969, %swap3A_970], %swap3A_973 {strides = array<i32>} : memref<32x768xf32, #tpu.memory_space<vmem>>, vector<1x16xf32>,
        %get3A_974 = arith.index_cast %scan3A_503 : i32 to index
        %get3A_975 = arith.constant 752 : index
        %get3A_976 = tpu.vector_load %arg11[%get3A_974, %get3A_975] {strides = array<i32>} : memref<32x768xf32, #tpu.memory_space<vmem>>, vector<1x16xf32>,
        %get3A_977 = vector.shape_cast %get3A_976 : vector<1x16xf32> to vector<16xf32>
        %add3A_978 = arith.addf %get3A_977, %get3A_288 : vector<16xf32>
        %swap3A_979 = arith.index_cast %scan3A_503 : i32 to index
        %swap3A_980 = arith.constant 752 : index
        %swap3A_981 = tpu.vector_load %arg14[%swap3A_979, %swap3A_980] {strides = array<i32>} : memref<32x768xf32, #tpu.memory_space<vmem>>, vector<1x16xf32>,
        %swap3A_982 = vector.shape_cast %swap3A_981 : vector<1x16xf32> to vector<16xf32>
        %swap3A_983 = vector.shape_cast %add3A_978 : vector<16xf32> to vector<1x16xf32>
        tpu.vector_store %arg14[%swap3A_979, %swap3A_980], %swap3A_983 {strides = array<i32>} : memref<32x768xf32, #tpu.memory_space<vmem>>, vector<1x16xf32>,
      }
      %scan3A_294 = arith.constant 32 : i32
      %mul3A_295 = arith.constant 32 : i32
      %mul3A_296 = arith.muli %mul3A_96, %mul3A_295 : i32
      %add3A_297 = arith.addi %mul3A_66, %mul3A_296 : i32
      "tpu.region"() ({
        %run_scoped3A = tpu.sem_alloc : memref<!tpu.dma_semaphore, #tpu.memory_space<semaphore_mem>>
        %dma_start3A_503 = arith.constant 0 : i32
        %dma_start3A_504 = tpu.memref_slice %arg6[%add3A_297, %dma_start3A_503] : memref<65536x768xf32, #tpu.memory_space<hbm>> -> memref<32x768xf32, #tpu.memory_space<hbm>>
        %dma_start3A_505 = arith.constant 0 : i32
        %dma_start3A_506 = tpu.memref_slice %arg6[%add3A_297, %dma_start3A_505] : memref<65536x768xf32, #tpu.memory_space<hbm>> -> memref<32x768xf32, #tpu.memory_space<hbm>>
        tpu.enqueue_dma source(%arg14 : memref<32x768xf32, #tpu.memory_space<vmem>>) target(%dma_start3A_506 : memref<32x768xf32, #tpu.memory_space<hbm>>) target_semaphore(%run_scoped3A : memref<!tpu.dma_semaphore, #tpu.memory_space<semaphore_mem>>)
        %dma_wait3A_507 = arith.constant 0 : i32
        %dma_wait3A_508 = tpu.memref_slice %arg6[%add3A_297, %dma_wait3A_507] : memref<65536x768xf32, #tpu.memory_space<hbm>> -> memref<32x768xf32, #tpu.memory_space<hbm>>
        %dma_wait3A_509 = arith.constant 0 : i32
        %dma_wait3A_510 = tpu.memref_slice %arg6[%add3A_297, %dma_wait3A_509] : memref<65536x768xf32, #tpu.memory_space<hbm>> -> memref<32x768xf32, #tpu.memory_space<hbm>>
        tpu.wait_dma2 semaphore(%run_scoped3A : memref<!tpu.dma_semaphore, #tpu.memory_space<semaphore_mem>>) src(%arg14 : memref<32x768xf32, #tpu.memory_space<vmem>>) dst(%dma_wait3A_510 : memref<32x768xf32, #tpu.memory_space<hbm>>)
        tpu.yield
      }) : () -> ()
      %add3A_298 = arith.constant 1 : i32
      %add3A_299 = arith.addi %mul3A_96, %add3A_298 : i32
      %get3A_300 = arith.index_cast %add3A_299 : i32 to index
      %get3A_301 = arith.constant 0 : index
      %get3A_302 = tpu.vector_load %arg13[%get3A_300, %get3A_301] {strides = array<i32>} : memref<32x768xf32, #tpu.memory_space<vmem>>, vector<1x16xf32>,
      %get3A_303 = vector.shape_cast %get3A_302 : vector<1x16xf32> to vector<16xf32>
      %get3A_304 = arith.index_cast %add3A_299 : i32 to index
      %get3A_305 = arith.constant 16 : index
      %get3A_306 = tpu.vector_load %arg13[%get3A_304, %get3A_305] {strides = array<i32>} : memref<32x768xf32, #tpu.memory_space<vmem>>, vector<1x16xf32>,
      %get3A_307 = vector.shape_cast %get3A_306 : vector<1x16xf32> to vector<16xf32>
      %get3A_308 = arith.index_cast %add3A_299 : i32 to index
      %get3A_309 = arith.constant 32 : index
      %get3A_310 = tpu.vector_load %arg13[%get3A_308, %get3A_309] {strides = array<i32>} : memref<32x768xf32, #tpu.memory_space<vmem>>, vector<1x16xf32>,
      %get3A_311 = vector.shape_cast %get3A_310 : vector<1x16xf32> to vector<16xf32>
      %get3A_312 = arith.index_cast %add3A_299 : i32 to index
      %get3A_313 = arith.constant 48 : index
      %get3A_314 = tpu.vector_load %arg13[%get3A_312, %get3A_313] {strides = array<i32>} : memref<32x768xf32, #tpu.memory_space<vmem>>, vector<1x16xf32>,
      %get3A_315 = vector.shape_cast %get3A_314 : vector<1x16xf32> to vector<16xf32>
      %get3A_316 = arith.index_cast %add3A_299 : i32 to index
      %get3A_317 = arith.constant 64 : index
      %get3A_318 = tpu.vector_load %arg13[%get3A_316, %get3A_317] {strides = array<i32>} : memref<32x768xf32, #tpu.memory_space<vmem>>, vector<1x16xf32>,
      %get3A_319 = vector.shape_cast %get3A_318 : vector<1x16xf32> to vector<16xf32>
      %get3A_320 = arith.index_cast %add3A_299 : i32 to index
      %get3A_321 = arith.constant 80 : index
      %get3A_322 = tpu.vector_load %arg13[%get3A_320, %get3A_321] {strides = array<i32>} : memref<32x768xf32, #tpu.memory_space<vmem>>, vector<1x16xf32>,
      %get3A_323 = vector.shape_cast %get3A_322 : vector<1x16xf32> to vector<16xf32>
      %get3A_324 = arith.index_cast %add3A_299 : i32 to index
      %get3A_325 = arith.constant 96 : index
      %get3A_326 = tpu.vector_load %arg13[%get3A_324, %get3A_325] {strides = array<i32>} : memref<32x768xf32, #tpu.memory_space<vmem>>, vector<1x16xf32>,
      %get3A_327 = vector.shape_cast %get3A_326 : vector<1x16xf32> to vector<16xf32>
      %get3A_328 = arith.index_cast %add3A_299 : i32 to index
      %get3A_329 = arith.constant 112 : index
      %get3A_330 = tpu.vector_load %arg13[%get3A_328, %get3A_329] {strides = array<i32>} : memref<32x768xf32, #tpu.memory_space<vmem>>, vector<1x16xf32>,
      %get3A_331 = vector.shape_cast %get3A_330 : vector<1x16xf32> to vector<16xf32>
      %get3A_332 = arith.index_cast %add3A_299 : i32 to index
      %get3A_333 = arith.constant 128 : index
      %get3A_334 = tpu.vector_load %arg13[%get3A_332, %get3A_333] {strides = array<i32>} : memref<32x768xf32, #tpu.memory_space<vmem>>, vector<1x16xf32>,
      %get3A_335 = vector.shape_cast %get3A_334 : vector<1x16xf32> to vector<16xf32>
      %get3A_336 = arith.index_cast %add3A_299 : i32 to index
      %get3A_337 = arith.constant 144 : index
      %get3A_338 = tpu.vector_load %arg13[%get3A_336, %get3A_337] {strides = array<i32>} : memref<32x768xf32, #tpu.memory_space<vmem>>, vector<1x16xf32>,
      %get3A_339 = vector.shape_cast %get3A_338 : vector<1x16xf32> to vector<16xf32>
      %get3A_340 = arith.index_cast %add3A_299 : i32 to index
      %get3A_341 = arith.constant 160 : index
      %get3A_342 = tpu.vector_load %arg13[%get3A_340, %get3A_341] {strides = array<i32>} : memref<32x768xf32, #tpu.memory_space<vmem>>, vector<1x16xf32>,
      %get3A_343 = vector.shape_cast %get3A_342 : vector<1x16xf32> to vector<16xf32>
      %get3A_344 = arith.index_cast %add3A_299 : i32 to index
      %get3A_345 = arith.constant 176 : index
      %get3A_346 = tpu.vector_load %arg13[%get3A_344, %get3A_345] {strides = array<i32>} : memref<32x768xf32, #tpu.memory_space<vmem>>, vector<1x16xf32>,
      %get3A_347 = vector.shape_cast %get3A_346 : vector<1x16xf32> to vector<16xf32>
      %get3A_348 = arith.index_cast %add3A_299 : i32 to index
      %get3A_349 = arith.constant 192 : index
      %get3A_350 = tpu.vector_load %arg13[%get3A_348, %get3A_349] {strides = array<i32>} : memref<32x768xf32, #tpu.memory_space<vmem>>, vector<1x16xf32>,
      %get3A_351 = vector.shape_cast %get3A_350 : vector<1x16xf32> to vector<16xf32>
      %get3A_352 = arith.index_cast %add3A_299 : i32 to index
      %get3A_353 = arith.constant 208 : index
      %get3A_354 = tpu.vector_load %arg13[%get3A_352, %get3A_353] {strides = array<i32>} : memref<32x768xf32, #tpu.memory_space<vmem>>, vector<1x16xf32>,
      %get3A_355 = vector.shape_cast %get3A_354 : vector<1x16xf32> to vector<16xf32>
      %get3A_356 = arith.index_cast %add3A_299 : i32 to index
      %get3A_357 = arith.constant 224 : index
      %get3A_358 = tpu.vector_load %arg13[%get3A_356, %get3A_357] {strides = array<i32>} : memref<32x768xf32, #tpu.memory_space<vmem>>, vector<1x16xf32>,
      %get3A_359 = vector.shape_cast %get3A_358 : vector<1x16xf32> to vector<16xf32>
      %get3A_360 = arith.index_cast %add3A_299 : i32 to index
      %get3A_361 = arith.constant 240 : index
      %get3A_362 = tpu.vector_load %arg13[%get3A_360, %get3A_361] {strides = array<i32>} : memref<32x768xf32, #tpu.memory_space<vmem>>, vector<1x16xf32>,
      %get3A_363 = vector.shape_cast %get3A_362 : vector<1x16xf32> to vector<16xf32>
      %get3A_364 = arith.index_cast %add3A_299 : i32 to index
      %get3A_365 = arith.constant 256 : index
      %get3A_366 = tpu.vector_load %arg13[%get3A_364, %get3A_365] {strides = array<i32>} : memref<32x768xf32, #tpu.memory_space<vmem>>, vector<1x16xf32>,
      %get3A_367 = vector.shape_cast %get3A_366 : vector<1x16xf32> to vector<16xf32>
      %get3A_368 = arith.index_cast %add3A_299 : i32 to index
      %get3A_369 = arith.constant 272 : index
      %get3A_370 = tpu.vector_load %arg13[%get3A_368, %get3A_369] {strides = array<i32>} : memref<32x768xf32, #tpu.memory_space<vmem>>, vector<1x16xf32>,
      %get3A_371 = vector.shape_cast %get3A_370 : vector<1x16xf32> to vector<16xf32>
      %get3A_372 = arith.index_cast %add3A_299 : i32 to index
      %get3A_373 = arith.constant 288 : index
      %get3A_374 = tpu.vector_load %arg13[%get3A_372, %get3A_373] {strides = array<i32>} : memref<32x768xf32, #tpu.memory_space<vmem>>, vector<1x16xf32>,
      %get3A_375 = vector.shape_cast %get3A_374 : vector<1x16xf32> to vector<16xf32>
      %get3A_376 = arith.index_cast %add3A_299 : i32 to index
      %get3A_377 = arith.constant 304 : index
      %get3A_378 = tpu.vector_load %arg13[%get3A_376, %get3A_377] {strides = array<i32>} : memref<32x768xf32, #tpu.memory_space<vmem>>, vector<1x16xf32>,
      %get3A_379 = vector.shape_cast %get3A_378 : vector<1x16xf32> to vector<16xf32>
      %get3A_380 = arith.index_cast %add3A_299 : i32 to index
      %get3A_381 = arith.constant 320 : index
      %get3A_382 = tpu.vector_load %arg13[%get3A_380, %get3A_381] {strides = array<i32>} : memref<32x768xf32, #tpu.memory_space<vmem>>, vector<1x16xf32>,
      %get3A_383 = vector.shape_cast %get3A_382 : vector<1x16xf32> to vector<16xf32>
      %get3A_384 = arith.index_cast %add3A_299 : i32 to index
      %get3A_385 = arith.constant 336 : index
      %get3A_386 = tpu.vector_load %arg13[%get3A_384, %get3A_385] {strides = array<i32>} : memref<32x768xf32, #tpu.memory_space<vmem>>, vector<1x16xf32>,
      %get3A_387 = vector.shape_cast %get3A_386 : vector<1x16xf32> to vector<16xf32>
      %get3A_388 = arith.index_cast %add3A_299 : i32 to index
      %get3A_389 = arith.constant 352 : index
      %get3A_390 = tpu.vector_load %arg13[%get3A_388, %get3A_389] {strides = array<i32>} : memref<32x768xf32, #tpu.memory_space<vmem>>, vector<1x16xf32>,
      %get3A_391 = vector.shape_cast %get3A_390 : vector<1x16xf32> to vector<16xf32>
      %get3A_392 = arith.index_cast %add3A_299 : i32 to index
      %get3A_393 = arith.constant 368 : index
      %get3A_394 = tpu.vector_load %arg13[%get3A_392, %get3A_393] {strides = array<i32>} : memref<32x768xf32, #tpu.memory_space<vmem>>, vector<1x16xf32>,
      %get3A_395 = vector.shape_cast %get3A_394 : vector<1x16xf32> to vector<16xf32>
      %get3A_396 = arith.index_cast %add3A_299 : i32 to index
      %get3A_397 = arith.constant 384 : index
      %get3A_398 = tpu.vector_load %arg13[%get3A_396, %get3A_397] {strides = array<i32>} : memref<32x768xf32, #tpu.memory_space<vmem>>, vector<1x16xf32>,
      %get3A_399 = vector.shape_cast %get3A_398 : vector<1x16xf32> to vector<16xf32>
      %get3A_400 = arith.index_cast %add3A_299 : i32 to index
      %get3A_401 = arith.constant 400 : index
      %get3A_402 = tpu.vector_load %arg13[%get3A_400, %get3A_401] {strides = array<i32>} : memref<32x768xf32, #tpu.memory_space<vmem>>, vector<1x16xf32>,
      %get3A_403 = vector.shape_cast %get3A_402 : vector<1x16xf32> to vector<16xf32>
      %get3A_404 = arith.index_cast %add3A_299 : i32 to index
      %get3A_405 = arith.constant 416 : index
      %get3A_406 = tpu.vector_load %arg13[%get3A_404, %get3A_405] {strides = array<i32>} : memref<32x768xf32, #tpu.memory_space<vmem>>, vector<1x16xf32>,
      %get3A_407 = vector.shape_cast %get3A_406 : vector<1x16xf32> to vector<16xf32>
      %get3A_408 = arith.index_cast %add3A_299 : i32 to index
      %get3A_409 = arith.constant 432 : index
      %get3A_410 = tpu.vector_load %arg13[%get3A_408, %get3A_409] {strides = array<i32>} : memref<32x768xf32, #tpu.memory_space<vmem>>, vector<1x16xf32>,
      %get3A_411 = vector.shape_cast %get3A_410 : vector<1x16xf32> to vector<16xf32>
      %get3A_412 = arith.index_cast %add3A_299 : i32 to index
      %get3A_413 = arith.constant 448 : index
      %get3A_414 = tpu.vector_load %arg13[%get3A_412, %get3A_413] {strides = array<i32>} : memref<32x768xf32, #tpu.memory_space<vmem>>, vector<1x16xf32>,
      %get3A_415 = vector.shape_cast %get3A_414 : vector<1x16xf32> to vector<16xf32>
      %get3A_416 = arith.index_cast %add3A_299 : i32 to index
      %get3A_417 = arith.constant 464 : index
      %get3A_418 = tpu.vector_load %arg13[%get3A_416, %get3A_417] {strides = array<i32>} : memref<32x768xf32, #tpu.memory_space<vmem>>, vector<1x16xf32>,
      %get3A_419 = vector.shape_cast %get3A_418 : vector<1x16xf32> to vector<16xf32>
      %get3A_420 = arith.index_cast %add3A_299 : i32 to index
      %get3A_421 = arith.constant 480 : index
      %get3A_422 = tpu.vector_load %arg13[%get3A_420, %get3A_421] {strides = array<i32>} : memref<32x768xf32, #tpu.memory_space<vmem>>, vector<1x16xf32>,
      %get3A_423 = vector.shape_cast %get3A_422 : vector<1x16xf32> to vector<16xf32>
      %get3A_424 = arith.index_cast %add3A_299 : i32 to index
      %get3A_425 = arith.constant 496 : index
      %get3A_426 = tpu.vector_load %arg13[%get3A_424, %get3A_425] {strides = array<i32>} : memref<32x768xf32, #tpu.memory_space<vmem>>, vector<1x16xf32>,
      %get3A_427 = vector.shape_cast %get3A_426 : vector<1x16xf32> to vector<16xf32>
      %get3A_428 = arith.index_cast %add3A_299 : i32 to index
      %get3A_429 = arith.constant 512 : index
      %get3A_430 = tpu.vector_load %arg13[%get3A_428, %get3A_429] {strides = array<i32>} : memref<32x768xf32, #tpu.memory_space<vmem>>, vector<1x16xf32>,
      %get3A_431 = vector.shape_cast %get3A_430 : vector<1x16xf32> to vector<16xf32>
      %get3A_432 = arith.index_cast %add3A_299 : i32 to index
      %get3A_433 = arith.constant 528 : index
      %get3A_434 = tpu.vector_load %arg13[%get3A_432, %get3A_433] {strides = array<i32>} : memref<32x768xf32, #tpu.memory_space<vmem>>, vector<1x16xf32>,
      %get3A_435 = vector.shape_cast %get3A_434 : vector<1x16xf32> to vector<16xf32>
      %get3A_436 = arith.index_cast %add3A_299 : i32 to index
      %get3A_437 = arith.constant 544 : index
      %get3A_438 = tpu.vector_load %arg13[%get3A_436, %get3A_437] {strides = array<i32>} : memref<32x768xf32, #tpu.memory_space<vmem>>, vector<1x16xf32>,
      %get3A_439 = vector.shape_cast %get3A_438 : vector<1x16xf32> to vector<16xf32>
      %get3A_440 = arith.index_cast %add3A_299 : i32 to index
      %get3A_441 = arith.constant 560 : index
      %get3A_442 = tpu.vector_load %arg13[%get3A_440, %get3A_441] {strides = array<i32>} : memref<32x768xf32, #tpu.memory_space<vmem>>, vector<1x16xf32>,
      %get3A_443 = vector.shape_cast %get3A_442 : vector<1x16xf32> to vector<16xf32>
      %get3A_444 = arith.index_cast %add3A_299 : i32 to index
      %get3A_445 = arith.constant 576 : index
      %get3A_446 = tpu.vector_load %arg13[%get3A_444, %get3A_445] {strides = array<i32>} : memref<32x768xf32, #tpu.memory_space<vmem>>, vector<1x16xf32>,
      %get3A_447 = vector.shape_cast %get3A_446 : vector<1x16xf32> to vector<16xf32>
      %get3A_448 = arith.index_cast %add3A_299 : i32 to index
      %get3A_449 = arith.constant 592 : index
      %get3A_450 = tpu.vector_load %arg13[%get3A_448, %get3A_449] {strides = array<i32>} : memref<32x768xf32, #tpu.memory_space<vmem>>, vector<1x16xf32>,
      %get3A_451 = vector.shape_cast %get3A_450 : vector<1x16xf32> to vector<16xf32>
      %get3A_452 = arith.index_cast %add3A_299 : i32 to index
      %get3A_453 = arith.constant 608 : index
      %get3A_454 = tpu.vector_load %arg13[%get3A_452, %get3A_453] {strides = array<i32>} : memref<32x768xf32, #tpu.memory_space<vmem>>, vector<1x16xf32>,
      %get3A_455 = vector.shape_cast %get3A_454 : vector<1x16xf32> to vector<16xf32>
      %get3A_456 = arith.index_cast %add3A_299 : i32 to index
      %get3A_457 = arith.constant 624 : index
      %get3A_458 = tpu.vector_load %arg13[%get3A_456, %get3A_457] {strides = array<i32>} : memref<32x768xf32, #tpu.memory_space<vmem>>, vector<1x16xf32>,
      %get3A_459 = vector.shape_cast %get3A_458 : vector<1x16xf32> to vector<16xf32>
      %get3A_460 = arith.index_cast %add3A_299 : i32 to index
      %get3A_461 = arith.constant 640 : index
      %get3A_462 = tpu.vector_load %arg13[%get3A_460, %get3A_461] {strides = array<i32>} : memref<32x768xf32, #tpu.memory_space<vmem>>, vector<1x16xf32>,
      %get3A_463 = vector.shape_cast %get3A_462 : vector<1x16xf32> to vector<16xf32>
      %get3A_464 = arith.index_cast %add3A_299 : i32 to index
      %get3A_465 = arith.constant 656 : index
      %get3A_466 = tpu.vector_load %arg13[%get3A_464, %get3A_465] {strides = array<i32>} : memref<32x768xf32, #tpu.memory_space<vmem>>, vector<1x16xf32>,
      %get3A_467 = vector.shape_cast %get3A_466 : vector<1x16xf32> to vector<16xf32>
      %get3A_468 = arith.index_cast %add3A_299 : i32 to index
      %get3A_469 = arith.constant 672 : index
      %get3A_470 = tpu.vector_load %arg13[%get3A_468, %get3A_469] {strides = array<i32>} : memref<32x768xf32, #tpu.memory_space<vmem>>, vector<1x16xf32>,
      %get3A_471 = vector.shape_cast %get3A_470 : vector<1x16xf32> to vector<16xf32>
      %get3A_472 = arith.index_cast %add3A_299 : i32 to index
      %get3A_473 = arith.constant 688 : index
      %get3A_474 = tpu.vector_load %arg13[%get3A_472, %get3A_473] {strides = array<i32>} : memref<32x768xf32, #tpu.memory_space<vmem>>, vector<1x16xf32>,
      %get3A_475 = vector.shape_cast %get3A_474 : vector<1x16xf32> to vector<16xf32>
      %get3A_476 = arith.index_cast %add3A_299 : i32 to index
      %get3A_477 = arith.constant 704 : index
      %get3A_478 = tpu.vector_load %arg13[%get3A_476, %get3A_477] {strides = array<i32>} : memref<32x768xf32, #tpu.memory_space<vmem>>, vector<1x16xf32>,
      %get3A_479 = vector.shape_cast %get3A_478 : vector<1x16xf32> to vector<16xf32>
      %get3A_480 = arith.index_cast %add3A_299 : i32 to index
      %get3A_481 = arith.constant 720 : index
      %get3A_482 = tpu.vector_load %arg13[%get3A_480, %get3A_481] {strides = array<i32>} : memref<32x768xf32, #tpu.memory_space<vmem>>, vector<1x16xf32>,
      %get3A_483 = vector.shape_cast %get3A_482 : vector<1x16xf32> to vector<16xf32>
      %get3A_484 = arith.index_cast %add3A_299 : i32 to index
      %get3A_485 = arith.constant 736 : index
      %get3A_486 = tpu.vector_load %arg13[%get3A_484, %get3A_485] {strides = array<i32>} : memref<32x768xf32, #tpu.memory_space<vmem>>, vector<1x16xf32>,
      %get3A_487 = vector.shape_cast %get3A_486 : vector<1x16xf32> to vector<16xf32>
      %get3A_488 = arith.index_cast %add3A_299 : i32 to index
      %get3A_489 = arith.constant 752 : index
      %get3A_490 = tpu.vector_load %arg13[%get3A_488, %get3A_489] {strides = array<i32>} : memref<32x768xf32, #tpu.memory_space<vmem>>, vector<1x16xf32>,
      %get3A_491 = vector.shape_cast %get3A_490 : vector<1x16xf32> to vector<16xf32>
      %scan3A_492 = arith.constant 0 : i32
      %scan3A_493 = arith.constant 0 : i32
      %scan3A_494 = arith.constant 32 : i32
      %scan3A_495 = arith.addi %scan3A_493, %scan3A_494 : i32
      %scan3A_496 = arith.constant 1 : i32
      scf.for %scan3A_503 = %scan3A_493 to %scan3A_495 step %scan3A_496  : i32 {
        %get3A_504 = arith.index_cast %scan3A_503 : i32 to index
        %get3A_505 = arith.constant 0 : index
        %get3A_506 = tpu.vector_load %arg11[%get3A_504, %get3A_505] {strides = array<i32>} : memref<32x768xf32, #tpu.memory_space<vmem>>, vector<1x16xf32>,
        %get3A_507 = vector.shape_cast %get3A_506 : vector<1x16xf32> to vector<16xf32>
        %add3A_508 = arith.addf %get3A_507, %get3A_303 : vector<16xf32>
        %swap3A_509 = arith.index_cast %scan3A_503 : i32 to index
        %swap3A_510 = arith.constant 0 : index
        %swap3A_511 = tpu.vector_load %arg15[%swap3A_509, %swap3A_510] {strides = array<i32>} : memref<32x768xf32, #tpu.memory_space<vmem>>, vector<1x16xf32>,
        %swap3A_512 = vector.shape_cast %swap3A_511 : vector<1x16xf32> to vector<16xf32>
        %swap3A_513 = vector.shape_cast %add3A_508 : vector<16xf32> to vector<1x16xf32>
        tpu.vector_store %arg15[%swap3A_509, %swap3A_510], %swap3A_513 {strides = array<i32>} : memref<32x768xf32, #tpu.memory_space<vmem>>, vector<1x16xf32>,
        %get3A_514 = arith.index_cast %scan3A_503 : i32 to index
        %get3A_515 = arith.constant 16 : index
        %get3A_516 = tpu.vector_load %arg11[%get3A_514, %get3A_515] {strides = array<i32>} : memref<32x768xf32, #tpu.memory_space<vmem>>, vector<1x16xf32>,
        %get3A_517 = vector.shape_cast %get3A_516 : vector<1x16xf32> to vector<16xf32>
        %add3A_518 = arith.addf %get3A_517, %get3A_307 : vector<16xf32>
        %swap3A_519 = arith.index_cast %scan3A_503 : i32 to index
        %swap3A_520 = arith.constant 16 : index
        %swap3A_521 = tpu.vector_load %arg15[%swap3A_519, %swap3A_520] {strides = array<i32>} : memref<32x768xf32, #tpu.memory_space<vmem>>, vector<1x16xf32>,
        %swap3A_522 = vector.shape_cast %swap3A_521 : vector<1x16xf32> to vector<16xf32>
        %swap3A_523 = vector.shape_cast %add3A_518 : vector<16xf32> to vector<1x16xf32>
        tpu.vector_store %arg15[%swap3A_519, %swap3A_520], %swap3A_523 {strides = array<i32>} : memref<32x768xf32, #tpu.memory_space<vmem>>, vector<1x16xf32>,
        %get3A_524 = arith.index_cast %scan3A_503 : i32 to index
        %get3A_525 = arith.constant 32 : index
        %get3A_526 = tpu.vector_load %arg11[%get3A_524, %get3A_525] {strides = array<i32>} : memref<32x768xf32, #tpu.memory_space<vmem>>, vector<1x16xf32>,
        %get3A_527 = vector.shape_cast %get3A_526 : vector<1x16xf32> to vector<16xf32>
        %add3A_528 = arith.addf %get3A_527, %get3A_311 : vector<16xf32>
        %swap3A_529 = arith.index_cast %scan3A_503 : i32 to index
        %swap3A_530 = arith.constant 32 : index
        %swap3A_531 = tpu.vector_load %arg15[%swap3A_529, %swap3A_530] {strides = array<i32>} : memref<32x768xf32, #tpu.memory_space<vmem>>, vector<1x16xf32>,
        %swap3A_532 = vector.shape_cast %swap3A_531 : vector<1x16xf32> to vector<16xf32>
        %swap3A_533 = vector.shape_cast %add3A_528 : vector<16xf32> to vector<1x16xf32>
        tpu.vector_store %arg15[%swap3A_529, %swap3A_530], %swap3A_533 {strides = array<i32>} : memref<32x768xf32, #tpu.memory_space<vmem>>, vector<1x16xf32>,
        %get3A_534 = arith.index_cast %scan3A_503 : i32 to index
        %get3A_535 = arith.constant 48 : index
        %get3A_536 = tpu.vector_load %arg11[%get3A_534, %get3A_535] {strides = array<i32>} : memref<32x768xf32, #tpu.memory_space<vmem>>, vector<1x16xf32>,
        %get3A_537 = vector.shape_cast %get3A_536 : vector<1x16xf32> to vector<16xf32>
        %add3A_538 = arith.addf %get3A_537, %get3A_315 : vector<16xf32>
        %swap3A_539 = arith.index_cast %scan3A_503 : i32 to index
        %swap3A_540 = arith.constant 48 : index
        %swap3A_541 = tpu.vector_load %arg15[%swap3A_539, %swap3A_540] {strides = array<i32>} : memref<32x768xf32, #tpu.memory_space<vmem>>, vector<1x16xf32>,
        %swap3A_542 = vector.shape_cast %swap3A_541 : vector<1x16xf32> to vector<16xf32>
        %swap3A_543 = vector.shape_cast %add3A_538 : vector<16xf32> to vector<1x16xf32>
        tpu.vector_store %arg15[%swap3A_539, %swap3A_540], %swap3A_543 {strides = array<i32>} : memref<32x768xf32, #tpu.memory_space<vmem>>, vector<1x16xf32>,
        %get3A_544 = arith.index_cast %scan3A_503 : i32 to index
        %get3A_545 = arith.constant 64 : index
        %get3A_546 = tpu.vector_load %arg11[%get3A_544, %get3A_545] {strides = array<i32>} : memref<32x768xf32, #tpu.memory_space<vmem>>, vector<1x16xf32>,
        %get3A_547 = vector.shape_cast %get3A_546 : vector<1x16xf32> to vector<16xf32>
        %add3A_548 = arith.addf %get3A_547, %get3A_319 : vector<16xf32>
        %swap3A_549 = arith.index_cast %scan3A_503 : i32 to index
        %swap3A_550 = arith.constant 64 : index
        %swap3A_551 = tpu.vector_load %arg15[%swap3A_549, %swap3A_550] {strides = array<i32>} : memref<32x768xf32, #tpu.memory_space<vmem>>, vector<1x16xf32>,
        %swap3A_552 = vector.shape_cast %swap3A_551 : vector<1x16xf32> to vector<16xf32>
        %swap3A_553 = vector.shape_cast %add3A_548 : vector<16xf32> to vector<1x16xf32>
        tpu.vector_store %arg15[%swap3A_549, %swap3A_550], %swap3A_553 {strides = array<i32>} : memref<32x768xf32, #tpu.memory_space<vmem>>, vector<1x16xf32>,
        %get3A_554 = arith.index_cast %scan3A_503 : i32 to index
        %get3A_555 = arith.constant 80 : index
        %get3A_556 = tpu.vector_load %arg11[%get3A_554, %get3A_555] {strides = array<i32>} : memref<32x768xf32, #tpu.memory_space<vmem>>, vector<1x16xf32>,
        %get3A_557 = vector.shape_cast %get3A_556 : vector<1x16xf32> to vector<16xf32>
        %add3A_558 = arith.addf %get3A_557, %get3A_323 : vector<16xf32>
        %swap3A_559 = arith.index_cast %scan3A_503 : i32 to index
        %swap3A_560 = arith.constant 80 : index
        %swap3A_561 = tpu.vector_load %arg15[%swap3A_559, %swap3A_560] {strides = array<i32>} : memref<32x768xf32, #tpu.memory_space<vmem>>, vector<1x16xf32>,
        %swap3A_562 = vector.shape_cast %swap3A_561 : vector<1x16xf32> to vector<16xf32>
        %swap3A_563 = vector.shape_cast %add3A_558 : vector<16xf32> to vector<1x16xf32>
        tpu.vector_store %arg15[%swap3A_559, %swap3A_560], %swap3A_563 {strides = array<i32>} : memref<32x768xf32, #tpu.memory_space<vmem>>, vector<1x16xf32>,
        %get3A_564 = arith.index_cast %scan3A_503 : i32 to index
        %get3A_565 = arith.constant 96 : index
        %get3A_566 = tpu.vector_load %arg11[%get3A_564, %get3A_565] {strides = array<i32>} : memref<32x768xf32, #tpu.memory_space<vmem>>, vector<1x16xf32>,
        %get3A_567 = vector.shape_cast %get3A_566 : vector<1x16xf32> to vector<16xf32>
        %add3A_568 = arith.addf %get3A_567, %get3A_327 : vector<16xf32>
        %swap3A_569 = arith.index_cast %scan3A_503 : i32 to index
        %swap3A_570 = arith.constant 96 : index
        %swap3A_571 = tpu.vector_load %arg15[%swap3A_569, %swap3A_570] {strides = array<i32>} : memref<32x768xf32, #tpu.memory_space<vmem>>, vector<1x16xf32>,
        %swap3A_572 = vector.shape_cast %swap3A_571 : vector<1x16xf32> to vector<16xf32>
        %swap3A_573 = vector.shape_cast %add3A_568 : vector<16xf32> to vector<1x16xf32>
        tpu.vector_store %arg15[%swap3A_569, %swap3A_570], %swap3A_573 {strides = array<i32>} : memref<32x768xf32, #tpu.memory_space<vmem>>, vector<1x16xf32>,
        %get3A_574 = arith.index_cast %scan3A_503 : i32 to index
        %get3A_575 = arith.constant 112 : index
        %get3A_576 = tpu.vector_load %arg11[%get3A_574, %get3A_575] {strides = array<i32>} : memref<32x768xf32, #tpu.memory_space<vmem>>, vector<1x16xf32>,
        %get3A_577 = vector.shape_cast %get3A_576 : vector<1x16xf32> to vector<16xf32>
        %add3A_578 = arith.addf %get3A_577, %get3A_331 : vector<16xf32>
        %swap3A_579 = arith.index_cast %scan3A_503 : i32 to index
        %swap3A_580 = arith.constant 112 : index
        %swap3A_581 = tpu.vector_load %arg15[%swap3A_579, %swap3A_580] {strides = array<i32>} : memref<32x768xf32, #tpu.memory_space<vmem>>, vector<1x16xf32>,
        %swap3A_582 = vector.shape_cast %swap3A_581 : vector<1x16xf32> to vector<16xf32>
        %swap3A_583 = vector.shape_cast %add3A_578 : vector<16xf32> to vector<1x16xf32>
        tpu.vector_store %arg15[%swap3A_579, %swap3A_580], %swap3A_583 {strides = array<i32>} : memref<32x768xf32, #tpu.memory_space<vmem>>, vector<1x16xf32>,
        %get3A_584 = arith.index_cast %scan3A_503 : i32 to index
        %get3A_585 = arith.constant 128 : index
        %get3A_586 = tpu.vector_load %arg11[%get3A_584, %get3A_585] {strides = array<i32>} : memref<32x768xf32, #tpu.memory_space<vmem>>, vector<1x16xf32>,
        %get3A_587 = vector.shape_cast %get3A_586 : vector<1x16xf32> to vector<16xf32>
        %add3A_588 = arith.addf %get3A_587, %get3A_335 : vector<16xf32>
        %swap3A_589 = arith.index_cast %scan3A_503 : i32 to index
        %swap3A_590 = arith.constant 128 : index
        %swap3A_591 = tpu.vector_load %arg15[%swap3A_589, %swap3A_590] {strides = array<i32>} : memref<32x768xf32, #tpu.memory_space<vmem>>, vector<1x16xf32>,
        %swap3A_592 = vector.shape_cast %swap3A_591 : vector<1x16xf32> to vector<16xf32>
        %swap3A_593 = vector.shape_cast %add3A_588 : vector<16xf32> to vector<1x16xf32>
        tpu.vector_store %arg15[%swap3A_589, %swap3A_590], %swap3A_593 {strides = array<i32>} : memref<32x768xf32, #tpu.memory_space<vmem>>, vector<1x16xf32>,
        %get3A_594 = arith.index_cast %scan3A_503 : i32 to index
        %get3A_595 = arith.constant 144 : index
        %get3A_596 = tpu.vector_load %arg11[%get3A_594, %get3A_595] {strides = array<i32>} : memref<32x768xf32, #tpu.memory_space<vmem>>, vector<1x16xf32>,
        %get3A_597 = vector.shape_cast %get3A_596 : vector<1x16xf32> to vector<16xf32>
        %add3A_598 = arith.addf %get3A_597, %get3A_339 : vector<16xf32>
        %swap3A_599 = arith.index_cast %scan3A_503 : i32 to index
        %swap3A_600 = arith.constant 144 : index
        %swap3A_601 = tpu.vector_load %arg15[%swap3A_599, %swap3A_600] {strides = array<i32>} : memref<32x768xf32, #tpu.memory_space<vmem>>, vector<1x16xf32>,
        %swap3A_602 = vector.shape_cast %swap3A_601 : vector<1x16xf32> to vector<16xf32>
        %swap3A_603 = vector.shape_cast %add3A_598 : vector<16xf32> to vector<1x16xf32>
        tpu.vector_store %arg15[%swap3A_599, %swap3A_600], %swap3A_603 {strides = array<i32>} : memref<32x768xf32, #tpu.memory_space<vmem>>, vector<1x16xf32>,
        %get3A_604 = arith.index_cast %scan3A_503 : i32 to index
        %get3A_605 = arith.constant 160 : index
        %get3A_606 = tpu.vector_load %arg11[%get3A_604, %get3A_605] {strides = array<i32>} : memref<32x768xf32, #tpu.memory_space<vmem>>, vector<1x16xf32>,
        %get3A_607 = vector.shape_cast %get3A_606 : vector<1x16xf32> to vector<16xf32>
        %add3A_608 = arith.addf %get3A_607, %get3A_343 : vector<16xf32>
        %swap3A_609 = arith.index_cast %scan3A_503 : i32 to index
        %swap3A_610 = arith.constant 160 : index
        %swap3A_611 = tpu.vector_load %arg15[%swap3A_609, %swap3A_610] {strides = array<i32>} : memref<32x768xf32, #tpu.memory_space<vmem>>, vector<1x16xf32>,
        %swap3A_612 = vector.shape_cast %swap3A_611 : vector<1x16xf32> to vector<16xf32>
        %swap3A_613 = vector.shape_cast %add3A_608 : vector<16xf32> to vector<1x16xf32>
        tpu.vector_store %arg15[%swap3A_609, %swap3A_610], %swap3A_613 {strides = array<i32>} : memref<32x768xf32, #tpu.memory_space<vmem>>, vector<1x16xf32>,
        %get3A_614 = arith.index_cast %scan3A_503 : i32 to index
        %get3A_615 = arith.constant 176 : index
        %get3A_616 = tpu.vector_load %arg11[%get3A_614, %get3A_615] {strides = array<i32>} : memref<32x768xf32, #tpu.memory_space<vmem>>, vector<1x16xf32>,
        %get3A_617 = vector.shape_cast %get3A_616 : vector<1x16xf32> to vector<16xf32>
        %add3A_618 = arith.addf %get3A_617, %get3A_347 : vector<16xf32>
        %swap3A_619 = arith.index_cast %scan3A_503 : i32 to index
        %swap3A_620 = arith.constant 176 : index
        %swap3A_621 = tpu.vector_load %arg15[%swap3A_619, %swap3A_620] {strides = array<i32>} : memref<32x768xf32, #tpu.memory_space<vmem>>, vector<1x16xf32>,
        %swap3A_622 = vector.shape_cast %swap3A_621 : vector<1x16xf32> to vector<16xf32>
        %swap3A_623 = vector.shape_cast %add3A_618 : vector<16xf32> to vector<1x16xf32>
        tpu.vector_store %arg15[%swap3A_619, %swap3A_620], %swap3A_623 {strides = array<i32>} : memref<32x768xf32, #tpu.memory_space<vmem>>, vector<1x16xf32>,
        %get3A_624 = arith.index_cast %scan3A_503 : i32 to index
        %get3A_625 = arith.constant 192 : index
        %get3A_626 = tpu.vector_load %arg11[%get3A_624, %get3A_625] {strides = array<i32>} : memref<32x768xf32, #tpu.memory_space<vmem>>, vector<1x16xf32>,
        %get3A_627 = vector.shape_cast %get3A_626 : vector<1x16xf32> to vector<16xf32>
        %add3A_628 = arith.addf %get3A_627, %get3A_351 : vector<16xf32>
        %swap3A_629 = arith.index_cast %scan3A_503 : i32 to index
        %swap3A_630 = arith.constant 192 : index
        %swap3A_631 = tpu.vector_load %arg15[%swap3A_629, %swap3A_630] {strides = array<i32>} : memref<32x768xf32, #tpu.memory_space<vmem>>, vector<1x16xf32>,
        %swap3A_632 = vector.shape_cast %swap3A_631 : vector<1x16xf32> to vector<16xf32>
        %swap3A_633 = vector.shape_cast %add3A_628 : vector<16xf32> to vector<1x16xf32>
        tpu.vector_store %arg15[%swap3A_629, %swap3A_630], %swap3A_633 {strides = array<i32>} : memref<32x768xf32, #tpu.memory_space<vmem>>, vector<1x16xf32>,
        %get3A_634 = arith.index_cast %scan3A_503 : i32 to index
        %get3A_635 = arith.constant 208 : index
        %get3A_636 = tpu.vector_load %arg11[%get3A_634, %get3A_635] {strides = array<i32>} : memref<32x768xf32, #tpu.memory_space<vmem>>, vector<1x16xf32>,
        %get3A_637 = vector.shape_cast %get3A_636 : vector<1x16xf32> to vector<16xf32>
        %add3A_638 = arith.addf %get3A_637, %get3A_355 : vector<16xf32>
        %swap3A_639 = arith.index_cast %scan3A_503 : i32 to index
        %swap3A_640 = arith.constant 208 : index
        %swap3A_641 = tpu.vector_load %arg15[%swap3A_639, %swap3A_640] {strides = array<i32>} : memref<32x768xf32, #tpu.memory_space<vmem>>, vector<1x16xf32>,
        %swap3A_642 = vector.shape_cast %swap3A_641 : vector<1x16xf32> to vector<16xf32>
        %swap3A_643 = vector.shape_cast %add3A_638 : vector<16xf32> to vector<1x16xf32>
        tpu.vector_store %arg15[%swap3A_639, %swap3A_640], %swap3A_643 {strides = array<i32>} : memref<32x768xf32, #tpu.memory_space<vmem>>, vector<1x16xf32>,
        %get3A_644 = arith.index_cast %scan3A_503 : i32 to index
        %get3A_645 = arith.constant 224 : index
        %get3A_646 = tpu.vector_load %arg11[%get3A_644, %get3A_645] {strides = array<i32>} : memref<32x768xf32, #tpu.memory_space<vmem>>, vector<1x16xf32>,
        %get3A_647 = vector.shape_cast %get3A_646 : vector<1x16xf32> to vector<16xf32>
        %add3A_648 = arith.addf %get3A_647, %get3A_359 : vector<16xf32>
        %swap3A_649 = arith.index_cast %scan3A_503 : i32 to index
        %swap3A_650 = arith.constant 224 : index
        %swap3A_651 = tpu.vector_load %arg15[%swap3A_649, %swap3A_650] {strides = array<i32>} : memref<32x768xf32, #tpu.memory_space<vmem>>, vector<1x16xf32>,
        %swap3A_652 = vector.shape_cast %swap3A_651 : vector<1x16xf32> to vector<16xf32>
        %swap3A_653 = vector.shape_cast %add3A_648 : vector<16xf32> to vector<1x16xf32>
        tpu.vector_store %arg15[%swap3A_649, %swap3A_650], %swap3A_653 {strides = array<i32>} : memref<32x768xf32, #tpu.memory_space<vmem>>, vector<1x16xf32>,
        %get3A_654 = arith.index_cast %scan3A_503 : i32 to index
        %get3A_655 = arith.constant 240 : index
        %get3A_656 = tpu.vector_load %arg11[%get3A_654, %get3A_655] {strides = array<i32>} : memref<32x768xf32, #tpu.memory_space<vmem>>, vector<1x16xf32>,
        %get3A_657 = vector.shape_cast %get3A_656 : vector<1x16xf32> to vector<16xf32>
        %add3A_658 = arith.addf %get3A_657, %get3A_363 : vector<16xf32>
        %swap3A_659 = arith.index_cast %scan3A_503 : i32 to index
        %swap3A_660 = arith.constant 240 : index
        %swap3A_661 = tpu.vector_load %arg15[%swap3A_659, %swap3A_660] {strides = array<i32>} : memref<32x768xf32, #tpu.memory_space<vmem>>, vector<1x16xf32>,
        %swap3A_662 = vector.shape_cast %swap3A_661 : vector<1x16xf32> to vector<16xf32>
        %swap3A_663 = vector.shape_cast %add3A_658 : vector<16xf32> to vector<1x16xf32>
        tpu.vector_store %arg15[%swap3A_659, %swap3A_660], %swap3A_663 {strides = array<i32>} : memref<32x768xf32, #tpu.memory_space<vmem>>, vector<1x16xf32>,
        %get3A_664 = arith.index_cast %scan3A_503 : i32 to index
        %get3A_665 = arith.constant 256 : index
        %get3A_666 = tpu.vector_load %arg11[%get3A_664, %get3A_665] {strides = array<i32>} : memref<32x768xf32, #tpu.memory_space<vmem>>, vector<1x16xf32>,
        %get3A_667 = vector.shape_cast %get3A_666 : vector<1x16xf32> to vector<16xf32>
        %add3A_668 = arith.addf %get3A_667, %get3A_367 : vector<16xf32>
        %swap3A_669 = arith.index_cast %scan3A_503 : i32 to index
        %swap3A_670 = arith.constant 256 : index
        %swap3A_671 = tpu.vector_load %arg15[%swap3A_669, %swap3A_670] {strides = array<i32>} : memref<32x768xf32, #tpu.memory_space<vmem>>, vector<1x16xf32>,
        %swap3A_672 = vector.shape_cast %swap3A_671 : vector<1x16xf32> to vector<16xf32>
        %swap3A_673 = vector.shape_cast %add3A_668 : vector<16xf32> to vector<1x16xf32>
        tpu.vector_store %arg15[%swap3A_669, %swap3A_670], %swap3A_673 {strides = array<i32>} : memref<32x768xf32, #tpu.memory_space<vmem>>, vector<1x16xf32>,
        %get3A_674 = arith.index_cast %scan3A_503 : i32 to index
        %get3A_675 = arith.constant 272 : index
        %get3A_676 = tpu.vector_load %arg11[%get3A_674, %get3A_675] {strides = array<i32>} : memref<32x768xf32, #tpu.memory_space<vmem>>, vector<1x16xf32>,
        %get3A_677 = vector.shape_cast %get3A_676 : vector<1x16xf32> to vector<16xf32>
        %add3A_678 = arith.addf %get3A_677, %get3A_371 : vector<16xf32>
        %swap3A_679 = arith.index_cast %scan3A_503 : i32 to index
        %swap3A_680 = arith.constant 272 : index
        %swap3A_681 = tpu.vector_load %arg15[%swap3A_679, %swap3A_680] {strides = array<i32>} : memref<32x768xf32, #tpu.memory_space<vmem>>, vector<1x16xf32>,
        %swap3A_682 = vector.shape_cast %swap3A_681 : vector<1x16xf32> to vector<16xf32>
        %swap3A_683 = vector.shape_cast %add3A_678 : vector<16xf32> to vector<1x16xf32>
        tpu.vector_store %arg15[%swap3A_679, %swap3A_680], %swap3A_683 {strides = array<i32>} : memref<32x768xf32, #tpu.memory_space<vmem>>, vector<1x16xf32>,
        %get3A_684 = arith.index_cast %scan3A_503 : i32 to index
        %get3A_685 = arith.constant 288 : index
        %get3A_686 = tpu.vector_load %arg11[%get3A_684, %get3A_685] {strides = array<i32>} : memref<32x768xf32, #tpu.memory_space<vmem>>, vector<1x16xf32>,
        %get3A_687 = vector.shape_cast %get3A_686 : vector<1x16xf32> to vector<16xf32>
        %add3A_688 = arith.addf %get3A_687, %get3A_375 : vector<16xf32>
        %swap3A_689 = arith.index_cast %scan3A_503 : i32 to index
        %swap3A_690 = arith.constant 288 : index
        %swap3A_691 = tpu.vector_load %arg15[%swap3A_689, %swap3A_690] {strides = array<i32>} : memref<32x768xf32, #tpu.memory_space<vmem>>, vector<1x16xf32>,
        %swap3A_692 = vector.shape_cast %swap3A_691 : vector<1x16xf32> to vector<16xf32>
        %swap3A_693 = vector.shape_cast %add3A_688 : vector<16xf32> to vector<1x16xf32>
        tpu.vector_store %arg15[%swap3A_689, %swap3A_690], %swap3A_693 {strides = array<i32>} : memref<32x768xf32, #tpu.memory_space<vmem>>, vector<1x16xf32>,
        %get3A_694 = arith.index_cast %scan3A_503 : i32 to index
        %get3A_695 = arith.constant 304 : index
        %get3A_696 = tpu.vector_load %arg11[%get3A_694, %get3A_695] {strides = array<i32>} : memref<32x768xf32, #tpu.memory_space<vmem>>, vector<1x16xf32>,
        %get3A_697 = vector.shape_cast %get3A_696 : vector<1x16xf32> to vector<16xf32>
        %add3A_698 = arith.addf %get3A_697, %get3A_379 : vector<16xf32>
        %swap3A_699 = arith.index_cast %scan3A_503 : i32 to index
        %swap3A_700 = arith.constant 304 : index
        %swap3A_701 = tpu.vector_load %arg15[%swap3A_699, %swap3A_700] {strides = array<i32>} : memref<32x768xf32, #tpu.memory_space<vmem>>, vector<1x16xf32>,
        %swap3A_702 = vector.shape_cast %swap3A_701 : vector<1x16xf32> to vector<16xf32>
        %swap3A_703 = vector.shape_cast %add3A_698 : vector<16xf32> to vector<1x16xf32>
        tpu.vector_store %arg15[%swap3A_699, %swap3A_700], %swap3A_703 {strides = array<i32>} : memref<32x768xf32, #tpu.memory_space<vmem>>, vector<1x16xf32>,
        %get3A_704 = arith.index_cast %scan3A_503 : i32 to index
        %get3A_705 = arith.constant 320 : index
        %get3A_706 = tpu.vector_load %arg11[%get3A_704, %get3A_705] {strides = array<i32>} : memref<32x768xf32, #tpu.memory_space<vmem>>, vector<1x16xf32>,
        %get3A_707 = vector.shape_cast %get3A_706 : vector<1x16xf32> to vector<16xf32>
        %add3A_708 = arith.addf %get3A_707, %get3A_383 : vector<16xf32>
        %swap3A_709 = arith.index_cast %scan3A_503 : i32 to index
        %swap3A_710 = arith.constant 320 : index
        %swap3A_711 = tpu.vector_load %arg15[%swap3A_709, %swap3A_710] {strides = array<i32>} : memref<32x768xf32, #tpu.memory_space<vmem>>, vector<1x16xf32>,
        %swap3A_712 = vector.shape_cast %swap3A_711 : vector<1x16xf32> to vector<16xf32>
        %swap3A_713 = vector.shape_cast %add3A_708 : vector<16xf32> to vector<1x16xf32>
        tpu.vector_store %arg15[%swap3A_709, %swap3A_710], %swap3A_713 {strides = array<i32>} : memref<32x768xf32, #tpu.memory_space<vmem>>, vector<1x16xf32>,
        %get3A_714 = arith.index_cast %scan3A_503 : i32 to index
        %get3A_715 = arith.constant 336 : index
        %get3A_716 = tpu.vector_load %arg11[%get3A_714, %get3A_715] {strides = array<i32>} : memref<32x768xf32, #tpu.memory_space<vmem>>, vector<1x16xf32>,
        %get3A_717 = vector.shape_cast %get3A_716 : vector<1x16xf32> to vector<16xf32>
        %add3A_718 = arith.addf %get3A_717, %get3A_387 : vector<16xf32>
        %swap3A_719 = arith.index_cast %scan3A_503 : i32 to index
        %swap3A_720 = arith.constant 336 : index
        %swap3A_721 = tpu.vector_load %arg15[%swap3A_719, %swap3A_720] {strides = array<i32>} : memref<32x768xf32, #tpu.memory_space<vmem>>, vector<1x16xf32>,
        %swap3A_722 = vector.shape_cast %swap3A_721 : vector<1x16xf32> to vector<16xf32>
        %swap3A_723 = vector.shape_cast %add3A_718 : vector<16xf32> to vector<1x16xf32>
        tpu.vector_store %arg15[%swap3A_719, %swap3A_720], %swap3A_723 {strides = array<i32>} : memref<32x768xf32, #tpu.memory_space<vmem>>, vector<1x16xf32>,
        %get3A_724 = arith.index_cast %scan3A_503 : i32 to index
        %get3A_725 = arith.constant 352 : index
        %get3A_726 = tpu.vector_load %arg11[%get3A_724, %get3A_725] {strides = array<i32>} : memref<32x768xf32, #tpu.memory_space<vmem>>, vector<1x16xf32>,
        %get3A_727 = vector.shape_cast %get3A_726 : vector<1x16xf32> to vector<16xf32>
        %add3A_728 = arith.addf %get3A_727, %get3A_391 : vector<16xf32>
        %swap3A_729 = arith.index_cast %scan3A_503 : i32 to index
        %swap3A_730 = arith.constant 352 : index
        %swap3A_731 = tpu.vector_load %arg15[%swap3A_729, %swap3A_730] {strides = array<i32>} : memref<32x768xf32, #tpu.memory_space<vmem>>, vector<1x16xf32>,
        %swap3A_732 = vector.shape_cast %swap3A_731 : vector<1x16xf32> to vector<16xf32>
        %swap3A_733 = vector.shape_cast %add3A_728 : vector<16xf32> to vector<1x16xf32>
        tpu.vector_store %arg15[%swap3A_729, %swap3A_730], %swap3A_733 {strides = array<i32>} : memref<32x768xf32, #tpu.memory_space<vmem>>, vector<1x16xf32>,
        %get3A_734 = arith.index_cast %scan3A_503 : i32 to index
        %get3A_735 = arith.constant 368 : index
        %get3A_736 = tpu.vector_load %arg11[%get3A_734, %get3A_735] {strides = array<i32>} : memref<32x768xf32, #tpu.memory_space<vmem>>, vector<1x16xf32>,
        %get3A_737 = vector.shape_cast %get3A_736 : vector<1x16xf32> to vector<16xf32>
        %add3A_738 = arith.addf %get3A_737, %get3A_395 : vector<16xf32>
        %swap3A_739 = arith.index_cast %scan3A_503 : i32 to index
        %swap3A_740 = arith.constant 368 : index
        %swap3A_741 = tpu.vector_load %arg15[%swap3A_739, %swap3A_740] {strides = array<i32>} : memref<32x768xf32, #tpu.memory_space<vmem>>, vector<1x16xf32>,
        %swap3A_742 = vector.shape_cast %swap3A_741 : vector<1x16xf32> to vector<16xf32>
        %swap3A_743 = vector.shape_cast %add3A_738 : vector<16xf32> to vector<1x16xf32>
        tpu.vector_store %arg15[%swap3A_739, %swap3A_740], %swap3A_743 {strides = array<i32>} : memref<32x768xf32, #tpu.memory_space<vmem>>, vector<1x16xf32>,
        %get3A_744 = arith.index_cast %scan3A_503 : i32 to index
        %get3A_745 = arith.constant 384 : index
        %get3A_746 = tpu.vector_load %arg11[%get3A_744, %get3A_745] {strides = array<i32>} : memref<32x768xf32, #tpu.memory_space<vmem>>, vector<1x16xf32>,
        %get3A_747 = vector.shape_cast %get3A_746 : vector<1x16xf32> to vector<16xf32>
        %add3A_748 = arith.addf %get3A_747, %get3A_399 : vector<16xf32>
        %swap3A_749 = arith.index_cast %scan3A_503 : i32 to index
        %swap3A_750 = arith.constant 384 : index
        %swap3A_751 = tpu.vector_load %arg15[%swap3A_749, %swap3A_750] {strides = array<i32>} : memref<32x768xf32, #tpu.memory_space<vmem>>, vector<1x16xf32>,
        %swap3A_752 = vector.shape_cast %swap3A_751 : vector<1x16xf32> to vector<16xf32>
        %swap3A_753 = vector.shape_cast %add3A_748 : vector<16xf32> to vector<1x16xf32>
        tpu.vector_store %arg15[%swap3A_749, %swap3A_750], %swap3A_753 {strides = array<i32>} : memref<32x768xf32, #tpu.memory_space<vmem>>, vector<1x16xf32>,
        %get3A_754 = arith.index_cast %scan3A_503 : i32 to index
        %get3A_755 = arith.constant 400 : index
        %get3A_756 = tpu.vector_load %arg11[%get3A_754, %get3A_755] {strides = array<i32>} : memref<32x768xf32, #tpu.memory_space<vmem>>, vector<1x16xf32>,
        %get3A_757 = vector.shape_cast %get3A_756 : vector<1x16xf32> to vector<16xf32>
        %add3A_758 = arith.addf %get3A_757, %get3A_403 : vector<16xf32>
        %swap3A_759 = arith.index_cast %scan3A_503 : i32 to index
        %swap3A_760 = arith.constant 400 : index
        %swap3A_761 = tpu.vector_load %arg15[%swap3A_759, %swap3A_760] {strides = array<i32>} : memref<32x768xf32, #tpu.memory_space<vmem>>, vector<1x16xf32>,
        %swap3A_762 = vector.shape_cast %swap3A_761 : vector<1x16xf32> to vector<16xf32>
        %swap3A_763 = vector.shape_cast %add3A_758 : vector<16xf32> to vector<1x16xf32>
        tpu.vector_store %arg15[%swap3A_759, %swap3A_760], %swap3A_763 {strides = array<i32>} : memref<32x768xf32, #tpu.memory_space<vmem>>, vector<1x16xf32>,
        %get3A_764 = arith.index_cast %scan3A_503 : i32 to index
        %get3A_765 = arith.constant 416 : index
        %get3A_766 = tpu.vector_load %arg11[%get3A_764, %get3A_765] {strides = array<i32>} : memref<32x768xf32, #tpu.memory_space<vmem>>, vector<1x16xf32>,
        %get3A_767 = vector.shape_cast %get3A_766 : vector<1x16xf32> to vector<16xf32>
        %add3A_768 = arith.addf %get3A_767, %get3A_407 : vector<16xf32>
        %swap3A_769 = arith.index_cast %scan3A_503 : i32 to index
        %swap3A_770 = arith.constant 416 : index
        %swap3A_771 = tpu.vector_load %arg15[%swap3A_769, %swap3A_770] {strides = array<i32>} : memref<32x768xf32, #tpu.memory_space<vmem>>, vector<1x16xf32>,
        %swap3A_772 = vector.shape_cast %swap3A_771 : vector<1x16xf32> to vector<16xf32>
        %swap3A_773 = vector.shape_cast %add3A_768 : vector<16xf32> to vector<1x16xf32>
        tpu.vector_store %arg15[%swap3A_769, %swap3A_770], %swap3A_773 {strides = array<i32>} : memref<32x768xf32, #tpu.memory_space<vmem>>, vector<1x16xf32>,
        %get3A_774 = arith.index_cast %scan3A_503 : i32 to index
        %get3A_775 = arith.constant 432 : index
        %get3A_776 = tpu.vector_load %arg11[%get3A_774, %get3A_775] {strides = array<i32>} : memref<32x768xf32, #tpu.memory_space<vmem>>, vector<1x16xf32>,
        %get3A_777 = vector.shape_cast %get3A_776 : vector<1x16xf32> to vector<16xf32>
        %add3A_778 = arith.addf %get3A_777, %get3A_411 : vector<16xf32>
        %swap3A_779 = arith.index_cast %scan3A_503 : i32 to index
        %swap3A_780 = arith.constant 432 : index
        %swap3A_781 = tpu.vector_load %arg15[%swap3A_779, %swap3A_780] {strides = array<i32>} : memref<32x768xf32, #tpu.memory_space<vmem>>, vector<1x16xf32>,
        %swap3A_782 = vector.shape_cast %swap3A_781 : vector<1x16xf32> to vector<16xf32>
        %swap3A_783 = vector.shape_cast %add3A_778 : vector<16xf32> to vector<1x16xf32>
        tpu.vector_store %arg15[%swap3A_779, %swap3A_780], %swap3A_783 {strides = array<i32>} : memref<32x768xf32, #tpu.memory_space<vmem>>, vector<1x16xf32>,
        %get3A_784 = arith.index_cast %scan3A_503 : i32 to index
        %get3A_785 = arith.constant 448 : index
        %get3A_786 = tpu.vector_load %arg11[%get3A_784, %get3A_785] {strides = array<i32>} : memref<32x768xf32, #tpu.memory_space<vmem>>, vector<1x16xf32>,
        %get3A_787 = vector.shape_cast %get3A_786 : vector<1x16xf32> to vector<16xf32>
        %add3A_788 = arith.addf %get3A_787, %get3A_415 : vector<16xf32>
        %swap3A_789 = arith.index_cast %scan3A_503 : i32 to index
        %swap3A_790 = arith.constant 448 : index
        %swap3A_791 = tpu.vector_load %arg15[%swap3A_789, %swap3A_790] {strides = array<i32>} : memref<32x768xf32, #tpu.memory_space<vmem>>, vector<1x16xf32>,
        %swap3A_792 = vector.shape_cast %swap3A_791 : vector<1x16xf32> to vector<16xf32>
        %swap3A_793 = vector.shape_cast %add3A_788 : vector<16xf32> to vector<1x16xf32>
        tpu.vector_store %arg15[%swap3A_789, %swap3A_790], %swap3A_793 {strides = array<i32>} : memref<32x768xf32, #tpu.memory_space<vmem>>, vector<1x16xf32>,
        %get3A_794 = arith.index_cast %scan3A_503 : i32 to index
        %get3A_795 = arith.constant 464 : index
        %get3A_796 = tpu.vector_load %arg11[%get3A_794, %get3A_795] {strides = array<i32>} : memref<32x768xf32, #tpu.memory_space<vmem>>, vector<1x16xf32>,
        %get3A_797 = vector.shape_cast %get3A_796 : vector<1x16xf32> to vector<16xf32>
        %add3A_798 = arith.addf %get3A_797, %get3A_419 : vector<16xf32>
        %swap3A_799 = arith.index_cast %scan3A_503 : i32 to index
        %swap3A_800 = arith.constant 464 : index
        %swap3A_801 = tpu.vector_load %arg15[%swap3A_799, %swap3A_800] {strides = array<i32>} : memref<32x768xf32, #tpu.memory_space<vmem>>, vector<1x16xf32>,
        %swap3A_802 = vector.shape_cast %swap3A_801 : vector<1x16xf32> to vector<16xf32>
        %swap3A_803 = vector.shape_cast %add3A_798 : vector<16xf32> to vector<1x16xf32>
        tpu.vector_store %arg15[%swap3A_799, %swap3A_800], %swap3A_803 {strides = array<i32>} : memref<32x768xf32, #tpu.memory_space<vmem>>, vector<1x16xf32>,
        %get3A_804 = arith.index_cast %scan3A_503 : i32 to index
        %get3A_805 = arith.constant 480 : index
        %get3A_806 = tpu.vector_load %arg11[%get3A_804, %get3A_805] {strides = array<i32>} : memref<32x768xf32, #tpu.memory_space<vmem>>, vector<1x16xf32>,
        %get3A_807 = vector.shape_cast %get3A_806 : vector<1x16xf32> to vector<16xf32>
        %add3A_808 = arith.addf %get3A_807, %get3A_423 : vector<16xf32>
        %swap3A_809 = arith.index_cast %scan3A_503 : i32 to index
        %swap3A_810 = arith.constant 480 : index
        %swap3A_811 = tpu.vector_load %arg15[%swap3A_809, %swap3A_810] {strides = array<i32>} : memref<32x768xf32, #tpu.memory_space<vmem>>, vector<1x16xf32>,
        %swap3A_812 = vector.shape_cast %swap3A_811 : vector<1x16xf32> to vector<16xf32>
        %swap3A_813 = vector.shape_cast %add3A_808 : vector<16xf32> to vector<1x16xf32>
        tpu.vector_store %arg15[%swap3A_809, %swap3A_810], %swap3A_813 {strides = array<i32>} : memref<32x768xf32, #tpu.memory_space<vmem>>, vector<1x16xf32>,
        %get3A_814 = arith.index_cast %scan3A_503 : i32 to index
        %get3A_815 = arith.constant 496 : index
        %get3A_816 = tpu.vector_load %arg11[%get3A_814, %get3A_815] {strides = array<i32>} : memref<32x768xf32, #tpu.memory_space<vmem>>, vector<1x16xf32>,
        %get3A_817 = vector.shape_cast %get3A_816 : vector<1x16xf32> to vector<16xf32>
        %add3A_818 = arith.addf %get3A_817, %get3A_427 : vector<16xf32>
        %swap3A_819 = arith.index_cast %scan3A_503 : i32 to index
        %swap3A_820 = arith.constant 496 : index
        %swap3A_821 = tpu.vector_load %arg15[%swap3A_819, %swap3A_820] {strides = array<i32>} : memref<32x768xf32, #tpu.memory_space<vmem>>, vector<1x16xf32>,
        %swap3A_822 = vector.shape_cast %swap3A_821 : vector<1x16xf32> to vector<16xf32>
        %swap3A_823 = vector.shape_cast %add3A_818 : vector<16xf32> to vector<1x16xf32>
        tpu.vector_store %arg15[%swap3A_819, %swap3A_820], %swap3A_823 {strides = array<i32>} : memref<32x768xf32, #tpu.memory_space<vmem>>, vector<1x16xf32>,
        %get3A_824 = arith.index_cast %scan3A_503 : i32 to index
        %get3A_825 = arith.constant 512 : index
        %get3A_826 = tpu.vector_load %arg11[%get3A_824, %get3A_825] {strides = array<i32>} : memref<32x768xf32, #tpu.memory_space<vmem>>, vector<1x16xf32>,
        %get3A_827 = vector.shape_cast %get3A_826 : vector<1x16xf32> to vector<16xf32>
        %add3A_828 = arith.addf %get3A_827, %get3A_431 : vector<16xf32>
        %swap3A_829 = arith.index_cast %scan3A_503 : i32 to index
        %swap3A_830 = arith.constant 512 : index
        %swap3A_831 = tpu.vector_load %arg15[%swap3A_829, %swap3A_830] {strides = array<i32>} : memref<32x768xf32, #tpu.memory_space<vmem>>, vector<1x16xf32>,
        %swap3A_832 = vector.shape_cast %swap3A_831 : vector<1x16xf32> to vector<16xf32>
        %swap3A_833 = vector.shape_cast %add3A_828 : vector<16xf32> to vector<1x16xf32>
        tpu.vector_store %arg15[%swap3A_829, %swap3A_830], %swap3A_833 {strides = array<i32>} : memref<32x768xf32, #tpu.memory_space<vmem>>, vector<1x16xf32>,
        %get3A_834 = arith.index_cast %scan3A_503 : i32 to index
        %get3A_835 = arith.constant 528 : index
        %get3A_836 = tpu.vector_load %arg11[%get3A_834, %get3A_835] {strides = array<i32>} : memref<32x768xf32, #tpu.memory_space<vmem>>, vector<1x16xf32>,
        %get3A_837 = vector.shape_cast %get3A_836 : vector<1x16xf32> to vector<16xf32>
        %add3A_838 = arith.addf %get3A_837, %get3A_435 : vector<16xf32>
        %swap3A_839 = arith.index_cast %scan3A_503 : i32 to index
        %swap3A_840 = arith.constant 528 : index
        %swap3A_841 = tpu.vector_load %arg15[%swap3A_839, %swap3A_840] {strides = array<i32>} : memref<32x768xf32, #tpu.memory_space<vmem>>, vector<1x16xf32>,
        %swap3A_842 = vector.shape_cast %swap3A_841 : vector<1x16xf32> to vector<16xf32>
        %swap3A_843 = vector.shape_cast %add3A_838 : vector<16xf32> to vector<1x16xf32>
        tpu.vector_store %arg15[%swap3A_839, %swap3A_840], %swap3A_843 {strides = array<i32>} : memref<32x768xf32, #tpu.memory_space<vmem>>, vector<1x16xf32>,
        %get3A_844 = arith.index_cast %scan3A_503 : i32 to index
        %get3A_845 = arith.constant 544 : index
        %get3A_846 = tpu.vector_load %arg11[%get3A_844, %get3A_845] {strides = array<i32>} : memref<32x768xf32, #tpu.memory_space<vmem>>, vector<1x16xf32>,
        %get3A_847 = vector.shape_cast %get3A_846 : vector<1x16xf32> to vector<16xf32>
        %add3A_848 = arith.addf %get3A_847, %get3A_439 : vector<16xf32>
        %swap3A_849 = arith.index_cast %scan3A_503 : i32 to index
        %swap3A_850 = arith.constant 544 : index
        %swap3A_851 = tpu.vector_load %arg15[%swap3A_849, %swap3A_850] {strides = array<i32>} : memref<32x768xf32, #tpu.memory_space<vmem>>, vector<1x16xf32>,
        %swap3A_852 = vector.shape_cast %swap3A_851 : vector<1x16xf32> to vector<16xf32>
        %swap3A_853 = vector.shape_cast %add3A_848 : vector<16xf32> to vector<1x16xf32>
        tpu.vector_store %arg15[%swap3A_849, %swap3A_850], %swap3A_853 {strides = array<i32>} : memref<32x768xf32, #tpu.memory_space<vmem>>, vector<1x16xf32>,
        %get3A_854 = arith.index_cast %scan3A_503 : i32 to index
        %get3A_855 = arith.constant 560 : index
        %get3A_856 = tpu.vector_load %arg11[%get3A_854, %get3A_855] {strides = array<i32>} : memref<32x768xf32, #tpu.memory_space<vmem>>, vector<1x16xf32>,
        %get3A_857 = vector.shape_cast %get3A_856 : vector<1x16xf32> to vector<16xf32>
        %add3A_858 = arith.addf %get3A_857, %get3A_443 : vector<16xf32>
        %swap3A_859 = arith.index_cast %scan3A_503 : i32 to index
        %swap3A_860 = arith.constant 560 : index
        %swap3A_861 = tpu.vector_load %arg15[%swap3A_859, %swap3A_860] {strides = array<i32>} : memref<32x768xf32, #tpu.memory_space<vmem>>, vector<1x16xf32>,
        %swap3A_862 = vector.shape_cast %swap3A_861 : vector<1x16xf32> to vector<16xf32>
        %swap3A_863 = vector.shape_cast %add3A_858 : vector<16xf32> to vector<1x16xf32>
        tpu.vector_store %arg15[%swap3A_859, %swap3A_860], %swap3A_863 {strides = array<i32>} : memref<32x768xf32, #tpu.memory_space<vmem>>, vector<1x16xf32>,
        %get3A_864 = arith.index_cast %scan3A_503 : i32 to index
        %get3A_865 = arith.constant 576 : index
        %get3A_866 = tpu.vector_load %arg11[%get3A_864, %get3A_865] {strides = array<i32>} : memref<32x768xf32, #tpu.memory_space<vmem>>, vector<1x16xf32>,
        %get3A_867 = vector.shape_cast %get3A_866 : vector<1x16xf32> to vector<16xf32>
        %add3A_868 = arith.addf %get3A_867, %get3A_447 : vector<16xf32>
        %swap3A_869 = arith.index_cast %scan3A_503 : i32 to index
        %swap3A_870 = arith.constant 576 : index
        %swap3A_871 = tpu.vector_load %arg15[%swap3A_869, %swap3A_870] {strides = array<i32>} : memref<32x768xf32, #tpu.memory_space<vmem>>, vector<1x16xf32>,
        %swap3A_872 = vector.shape_cast %swap3A_871 : vector<1x16xf32> to vector<16xf32>
        %swap3A_873 = vector.shape_cast %add3A_868 : vector<16xf32> to vector<1x16xf32>
        tpu.vector_store %arg15[%swap3A_869, %swap3A_870], %swap3A_873 {strides = array<i32>} : memref<32x768xf32, #tpu.memory_space<vmem>>, vector<1x16xf32>,
        %get3A_874 = arith.index_cast %scan3A_503 : i32 to index
        %get3A_875 = arith.constant 592 : index
        %get3A_876 = tpu.vector_load %arg11[%get3A_874, %get3A_875] {strides = array<i32>} : memref<32x768xf32, #tpu.memory_space<vmem>>, vector<1x16xf32>,
        %get3A_877 = vector.shape_cast %get3A_876 : vector<1x16xf32> to vector<16xf32>
        %add3A_878 = arith.addf %get3A_877, %get3A_451 : vector<16xf32>
        %swap3A_879 = arith.index_cast %scan3A_503 : i32 to index
        %swap3A_880 = arith.constant 592 : index
        %swap3A_881 = tpu.vector_load %arg15[%swap3A_879, %swap3A_880] {strides = array<i32>} : memref<32x768xf32, #tpu.memory_space<vmem>>, vector<1x16xf32>,
        %swap3A_882 = vector.shape_cast %swap3A_881 : vector<1x16xf32> to vector<16xf32>
        %swap3A_883 = vector.shape_cast %add3A_878 : vector<16xf32> to vector<1x16xf32>
        tpu.vector_store %arg15[%swap3A_879, %swap3A_880], %swap3A_883 {strides = array<i32>} : memref<32x768xf32, #tpu.memory_space<vmem>>, vector<1x16xf32>,
        %get3A_884 = arith.index_cast %scan3A_503 : i32 to index
        %get3A_885 = arith.constant 608 : index
        %get3A_886 = tpu.vector_load %arg11[%get3A_884, %get3A_885] {strides = array<i32>} : memref<32x768xf32, #tpu.memory_space<vmem>>, vector<1x16xf32>,
        %get3A_887 = vector.shape_cast %get3A_886 : vector<1x16xf32> to vector<16xf32>
        %add3A_888 = arith.addf %get3A_887, %get3A_455 : vector<16xf32>
        %swap3A_889 = arith.index_cast %scan3A_503 : i32 to index
        %swap3A_890 = arith.constant 608 : index
        %swap3A_891 = tpu.vector_load %arg15[%swap3A_889, %swap3A_890] {strides = array<i32>} : memref<32x768xf32, #tpu.memory_space<vmem>>, vector<1x16xf32>,
        %swap3A_892 = vector.shape_cast %swap3A_891 : vector<1x16xf32> to vector<16xf32>
        %swap3A_893 = vector.shape_cast %add3A_888 : vector<16xf32> to vector<1x16xf32>
        tpu.vector_store %arg15[%swap3A_889, %swap3A_890], %swap3A_893 {strides = array<i32>} : memref<32x768xf32, #tpu.memory_space<vmem>>, vector<1x16xf32>,
        %get3A_894 = arith.index_cast %scan3A_503 : i32 to index
        %get3A_895 = arith.constant 624 : index
        %get3A_896 = tpu.vector_load %arg11[%get3A_894, %get3A_895] {strides = array<i32>} : memref<32x768xf32, #tpu.memory_space<vmem>>, vector<1x16xf32>,
        %get3A_897 = vector.shape_cast %get3A_896 : vector<1x16xf32> to vector<16xf32>
        %add3A_898 = arith.addf %get3A_897, %get3A_459 : vector<16xf32>
        %swap3A_899 = arith.index_cast %scan3A_503 : i32 to index
        %swap3A_900 = arith.constant 624 : index
        %swap3A_901 = tpu.vector_load %arg15[%swap3A_899, %swap3A_900] {strides = array<i32>} : memref<32x768xf32, #tpu.memory_space<vmem>>, vector<1x16xf32>,
        %swap3A_902 = vector.shape_cast %swap3A_901 : vector<1x16xf32> to vector<16xf32>
        %swap3A_903 = vector.shape_cast %add3A_898 : vector<16xf32> to vector<1x16xf32>
        tpu.vector_store %arg15[%swap3A_899, %swap3A_900], %swap3A_903 {strides = array<i32>} : memref<32x768xf32, #tpu.memory_space<vmem>>, vector<1x16xf32>,
        %get3A_904 = arith.index_cast %scan3A_503 : i32 to index
        %get3A_905 = arith.constant 640 : index
        %get3A_906 = tpu.vector_load %arg11[%get3A_904, %get3A_905] {strides = array<i32>} : memref<32x768xf32, #tpu.memory_space<vmem>>, vector<1x16xf32>,
        %get3A_907 = vector.shape_cast %get3A_906 : vector<1x16xf32> to vector<16xf32>
        %add3A_908 = arith.addf %get3A_907, %get3A_463 : vector<16xf32>
        %swap3A_909 = arith.index_cast %scan3A_503 : i32 to index
        %swap3A_910 = arith.constant 640 : index
        %swap3A_911 = tpu.vector_load %arg15[%swap3A_909, %swap3A_910] {strides = array<i32>} : memref<32x768xf32, #tpu.memory_space<vmem>>, vector<1x16xf32>,
        %swap3A_912 = vector.shape_cast %swap3A_911 : vector<1x16xf32> to vector<16xf32>
        %swap3A_913 = vector.shape_cast %add3A_908 : vector<16xf32> to vector<1x16xf32>
        tpu.vector_store %arg15[%swap3A_909, %swap3A_910], %swap3A_913 {strides = array<i32>} : memref<32x768xf32, #tpu.memory_space<vmem>>, vector<1x16xf32>,
        %get3A_914 = arith.index_cast %scan3A_503 : i32 to index
        %get3A_915 = arith.constant 656 : index
        %get3A_916 = tpu.vector_load %arg11[%get3A_914, %get3A_915] {strides = array<i32>} : memref<32x768xf32, #tpu.memory_space<vmem>>, vector<1x16xf32>,
        %get3A_917 = vector.shape_cast %get3A_916 : vector<1x16xf32> to vector<16xf32>
        %add3A_918 = arith.addf %get3A_917, %get3A_467 : vector<16xf32>
        %swap3A_919 = arith.index_cast %scan3A_503 : i32 to index
        %swap3A_920 = arith.constant 656 : index
        %swap3A_921 = tpu.vector_load %arg15[%swap3A_919, %swap3A_920] {strides = array<i32>} : memref<32x768xf32, #tpu.memory_space<vmem>>, vector<1x16xf32>,
        %swap3A_922 = vector.shape_cast %swap3A_921 : vector<1x16xf32> to vector<16xf32>
        %swap3A_923 = vector.shape_cast %add3A_918 : vector<16xf32> to vector<1x16xf32>
        tpu.vector_store %arg15[%swap3A_919, %swap3A_920], %swap3A_923 {strides = array<i32>} : memref<32x768xf32, #tpu.memory_space<vmem>>, vector<1x16xf32>,
        %get3A_924 = arith.index_cast %scan3A_503 : i32 to index
        %get3A_925 = arith.constant 672 : index
        %get3A_926 = tpu.vector_load %arg11[%get3A_924, %get3A_925] {strides = array<i32>} : memref<32x768xf32, #tpu.memory_space<vmem>>, vector<1x16xf32>,
        %get3A_927 = vector.shape_cast %get3A_926 : vector<1x16xf32> to vector<16xf32>
        %add3A_928 = arith.addf %get3A_927, %get3A_471 : vector<16xf32>
        %swap3A_929 = arith.index_cast %scan3A_503 : i32 to index
        %swap3A_930 = arith.constant 672 : index
        %swap3A_931 = tpu.vector_load %arg15[%swap3A_929, %swap3A_930] {strides = array<i32>} : memref<32x768xf32, #tpu.memory_space<vmem>>, vector<1x16xf32>,
        %swap3A_932 = vector.shape_cast %swap3A_931 : vector<1x16xf32> to vector<16xf32>
        %swap3A_933 = vector.shape_cast %add3A_928 : vector<16xf32> to vector<1x16xf32>
        tpu.vector_store %arg15[%swap3A_929, %swap3A_930], %swap3A_933 {strides = array<i32>} : memref<32x768xf32, #tpu.memory_space<vmem>>, vector<1x16xf32>,
        %get3A_934 = arith.index_cast %scan3A_503 : i32 to index
        %get3A_935 = arith.constant 688 : index
        %get3A_936 = tpu.vector_load %arg11[%get3A_934, %get3A_935] {strides = array<i32>} : memref<32x768xf32, #tpu.memory_space<vmem>>, vector<1x16xf32>,
        %get3A_937 = vector.shape_cast %get3A_936 : vector<1x16xf32> to vector<16xf32>
        %add3A_938 = arith.addf %get3A_937, %get3A_475 : vector<16xf32>
        %swap3A_939 = arith.index_cast %scan3A_503 : i32 to index
        %swap3A_940 = arith.constant 688 : index
        %swap3A_941 = tpu.vector_load %arg15[%swap3A_939, %swap3A_940] {strides = array<i32>} : memref<32x768xf32, #tpu.memory_space<vmem>>, vector<1x16xf32>,
        %swap3A_942 = vector.shape_cast %swap3A_941 : vector<1x16xf32> to vector<16xf32>
        %swap3A_943 = vector.shape_cast %add3A_938 : vector<16xf32> to vector<1x16xf32>
        tpu.vector_store %arg15[%swap3A_939, %swap3A_940], %swap3A_943 {strides = array<i32>} : memref<32x768xf32, #tpu.memory_space<vmem>>, vector<1x16xf32>,
        %get3A_944 = arith.index_cast %scan3A_503 : i32 to index
        %get3A_945 = arith.constant 704 : index
        %get3A_946 = tpu.vector_load %arg11[%get3A_944, %get3A_945] {strides = array<i32>} : memref<32x768xf32, #tpu.memory_space<vmem>>, vector<1x16xf32>,
        %get3A_947 = vector.shape_cast %get3A_946 : vector<1x16xf32> to vector<16xf32>
        %add3A_948 = arith.addf %get3A_947, %get3A_479 : vector<16xf32>
        %swap3A_949 = arith.index_cast %scan3A_503 : i32 to index
        %swap3A_950 = arith.constant 704 : index
        %swap3A_951 = tpu.vector_load %arg15[%swap3A_949, %swap3A_950] {strides = array<i32>} : memref<32x768xf32, #tpu.memory_space<vmem>>, vector<1x16xf32>,
        %swap3A_952 = vector.shape_cast %swap3A_951 : vector<1x16xf32> to vector<16xf32>
        %swap3A_953 = vector.shape_cast %add3A_948 : vector<16xf32> to vector<1x16xf32>
        tpu.vector_store %arg15[%swap3A_949, %swap3A_950], %swap3A_953 {strides = array<i32>} : memref<32x768xf32, #tpu.memory_space<vmem>>, vector<1x16xf32>,
        %get3A_954 = arith.index_cast %scan3A_503 : i32 to index
        %get3A_955 = arith.constant 720 : index
        %get3A_956 = tpu.vector_load %arg11[%get3A_954, %get3A_955] {strides = array<i32>} : memref<32x768xf32, #tpu.memory_space<vmem>>, vector<1x16xf32>,
        %get3A_957 = vector.shape_cast %get3A_956 : vector<1x16xf32> to vector<16xf32>
        %add3A_958 = arith.addf %get3A_957, %get3A_483 : vector<16xf32>
        %swap3A_959 = arith.index_cast %scan3A_503 : i32 to index
        %swap3A_960 = arith.constant 720 : index
        %swap3A_961 = tpu.vector_load %arg15[%swap3A_959, %swap3A_960] {strides = array<i32>} : memref<32x768xf32, #tpu.memory_space<vmem>>, vector<1x16xf32>,
        %swap3A_962 = vector.shape_cast %swap3A_961 : vector<1x16xf32> to vector<16xf32>
        %swap3A_963 = vector.shape_cast %add3A_958 : vector<16xf32> to vector<1x16xf32>
        tpu.vector_store %arg15[%swap3A_959, %swap3A_960], %swap3A_963 {strides = array<i32>} : memref<32x768xf32, #tpu.memory_space<vmem>>, vector<1x16xf32>,
        %get3A_964 = arith.index_cast %scan3A_503 : i32 to index
        %get3A_965 = arith.constant 736 : index
        %get3A_966 = tpu.vector_load %arg11[%get3A_964, %get3A_965] {strides = array<i32>} : memref<32x768xf32, #tpu.memory_space<vmem>>, vector<1x16xf32>,
        %get3A_967 = vector.shape_cast %get3A_966 : vector<1x16xf32> to vector<16xf32>
        %add3A_968 = arith.addf %get3A_967, %get3A_487 : vector<16xf32>
        %swap3A_969 = arith.index_cast %scan3A_503 : i32 to index
        %swap3A_970 = arith.constant 736 : index
        %swap3A_971 = tpu.vector_load %arg15[%swap3A_969, %swap3A_970] {strides = array<i32>} : memref<32x768xf32, #tpu.memory_space<vmem>>, vector<1x16xf32>,
        %swap3A_972 = vector.shape_cast %swap3A_971 : vector<1x16xf32> to vector<16xf32>
        %swap3A_973 = vector.shape_cast %add3A_968 : vector<16xf32> to vector<1x16xf32>
        tpu.vector_store %arg15[%swap3A_969, %swap3A_970], %swap3A_973 {strides = array<i32>} : memref<32x768xf32, #tpu.memory_space<vmem>>, vector<1x16xf32>,
        %get3A_974 = arith.index_cast %scan3A_503 : i32 to index
        %get3A_975 = arith.constant 752 : index
        %get3A_976 = tpu.vector_load %arg11[%get3A_974, %get3A_975] {strides = array<i32>} : memref<32x768xf32, #tpu.memory_space<vmem>>, vector<1x16xf32>,
        %get3A_977 = vector.shape_cast %get3A_976 : vector<1x16xf32> to vector<16xf32>
        %add3A_978 = arith.addf %get3A_977, %get3A_491 : vector<16xf32>
        %swap3A_979 = arith.index_cast %scan3A_503 : i32 to index
        %swap3A_980 = arith.constant 752 : index
        %swap3A_981 = tpu.vector_load %arg15[%swap3A_979, %swap3A_980] {strides = array<i32>} : memref<32x768xf32, #tpu.memory_space<vmem>>, vector<1x16xf32>,
        %swap3A_982 = vector.shape_cast %swap3A_981 : vector<1x16xf32> to vector<16xf32>
        %swap3A_983 = vector.shape_cast %add3A_978 : vector<16xf32> to vector<1x16xf32>
        tpu.vector_store %arg15[%swap3A_979, %swap3A_980], %swap3A_983 {strides = array<i32>} : memref<32x768xf32, #tpu.memory_space<vmem>>, vector<1x16xf32>,
      }
      %scan3A_497 = arith.constant 32 : i32
      %add3A_498 = arith.constant 1 : i32
      %add3A_499 = arith.addi %mul3A_96, %add3A_498 : i32
      %mul3A_500 = arith.constant 32 : i32
      %mul3A_501 = arith.muli %add3A_499, %mul3A_500 : i32
      %add3A_502 = arith.addi %mul3A_66, %mul3A_501 : i32
      "tpu.region"() ({
        %run_scoped3A = tpu.sem_alloc : memref<!tpu.dma_semaphore, #tpu.memory_space<semaphore_mem>>
        %dma_start3A_503 = arith.constant 0 : i32
        %dma_start3A_504 = tpu.memref_slice %arg6[%add3A_502, %dma_start3A_503] : memref<65536x768xf32, #tpu.memory_space<hbm>> -> memref<32x768xf32, #tpu.memory_space<hbm>>
        %dma_start3A_505 = arith.constant 0 : i32
        %dma_start3A_506 = tpu.memref_slice %arg6[%add3A_502, %dma_start3A_505] : memref<65536x768xf32, #tpu.memory_space<hbm>> -> memref<32x768xf32, #tpu.memory_space<hbm>>
        tpu.enqueue_dma source(%arg15 : memref<32x768xf32, #tpu.memory_space<vmem>>) target(%dma_start3A_506 : memref<32x768xf32, #tpu.memory_space<hbm>>) target_semaphore(%run_scoped3A : memref<!tpu.dma_semaphore, #tpu.memory_space<semaphore_mem>>)
        %dma_wait3A_507 = arith.constant 0 : i32
        %dma_wait3A_508 = tpu.memref_slice %arg6[%add3A_502, %dma_wait3A_507] : memref<65536x768xf32, #tpu.memory_space<hbm>> -> memref<32x768xf32, #tpu.memory_space<hbm>>
        %dma_wait3A_509 = arith.constant 0 : i32
        %dma_wait3A_510 = tpu.memref_slice %arg6[%add3A_502, %dma_wait3A_509] : memref<65536x768xf32, #tpu.memory_space<hbm>> -> memref<32x768xf32, #tpu.memory_space<hbm>>
        tpu.wait_dma2 semaphore(%run_scoped3A : memref<!tpu.dma_semaphore, #tpu.memory_space<semaphore_mem>>) src(%arg15 : memref<32x768xf32, #tpu.memory_space<vmem>>) dst(%dma_wait3A_510 : memref<32x768xf32, #tpu.memory_space<hbm>>)
        tpu.yield
      }) : () -> ()
    }
    %scan3A_72 = arith.constant 16 : i32
    %mul3A_73 = arith.constant 2 : i32
    %mul3A_74 = arith.muli %add3A, %mul3A_73 : i32
    %add3A_75 = arith.constant 1 : i32
    %add3A_76 = arith.addi %mul3A_74, %add3A_75 : i32
    %sub3A_77 = arith.constant 1 : i32
    %sub3A_78 = arith.subi %squeeze3A, %sub3A_77 : i32
    %min3A_79 = arith.minsi %add3A_76, %sub3A_78 : i32
    "tpu.region"() ({
      %run_scoped3A = tpu.sem_alloc : memref<!tpu.dma_semaphore, #tpu.memory_space<semaphore_mem>>
      %dma_start3A_94 = arith.constant 0 : i32
      %dma_start3A_95 = tpu.memref_slice %arg3[%min3A_79, %dma_start3A_94] : memref<64x768xf32, #tpu.memory_space<hbm>> -> memref<1x768xf32, #tpu.memory_space<hbm>>
      %dma_start3A_96 = arith.constant 0 : i32
      %dma_start3A_97 = tpu.memref_slice %arg3[%min3A_79, %dma_start3A_96] : memref<64x768xf32, #tpu.memory_space<hbm>> -> memref<1x768xf32, #tpu.memory_space<hbm>>
      tpu.enqueue_dma source(%dma_start3A_97 : memref<1x768xf32, #tpu.memory_space<hbm>>) target(%arg12 : memref<1x768xf32, #tpu.memory_space<vmem>>) target_semaphore(%run_scoped3A : memref<!tpu.dma_semaphore, #tpu.memory_space<semaphore_mem>>)
      %dma_wait3A_98 = arith.constant 0 : i32
      %dma_wait3A_99 = tpu.memref_slice %arg3[%min3A_79, %dma_wait3A_98] : memref<64x768xf32, #tpu.memory_space<hbm>> -> memref<1x768xf32, #tpu.memory_space<hbm>>
      %dma_wait3A_100 = arith.constant 0 : i32
      %dma_wait3A_101 = tpu.memref_slice %arg3[%min3A_79, %dma_wait3A_100] : memref<64x768xf32, #tpu.memory_space<hbm>> -> memref<1x768xf32, #tpu.memory_space<hbm>>
      tpu.wait_dma2 semaphore(%run_scoped3A : memref<!tpu.dma_semaphore, #tpu.memory_space<semaphore_mem>>) src(%dma_wait3A_101 : memref<1x768xf32, #tpu.memory_space<hbm>>) dst(%arg12 : memref<1x768xf32, #tpu.memory_space<vmem>>)
      tpu.yield
    }) : () -> ()
    %scan3A_80 = arith.constant 0 : i32
    %scan3A_81 = arith.constant 0 : i32
    %scan3A_82 = arith.constant 48 : i32
    %scan3A_83 = arith.addi %scan3A_81, %scan3A_82 : i32
    %scan3A_84 = arith.constant 1 : i32
    scf.for %scan3A_94 = %scan3A_81 to %scan3A_83 step %scan3A_84  : i32 {
      %mul3A_95 = arith.constant 16 : i32
      %mul3A_96 = arith.muli %scan3A_94, %mul3A_95 : i32
      %get3A_97 = arith.constant 0 : i32
      %get3A_98 = arith.index_cast %get3A_97 : i32 to index
      %get3A_99 = arith.index_cast %mul3A_96 : i32 to index
      %get3A_100 = tpu.vector_load %arg12[%get3A_98, %get3A_99] {strides = array<i32>} : memref<1x768xf32, #tpu.memory_space<vmem>>, vector<1x16xf32>,
      %get3A_101 = vector.shape_cast %get3A_100 : vector<1x16xf32> to vector<16xf32>
      %scan3A_102 = arith.constant 0 : i32
      %scan3A_103 = arith.constant 32 : i32
      %scan3A_104 = arith.addi %scan3A_102, %scan3A_103 : i32
      %scan3A_105 = arith.constant 1 : i32
      scf.for %scan3A_107 = %scan3A_102 to %scan3A_104 step %scan3A_105  : i32 {
        %mul3A_108 = arith.constant 16 : i32
        %mul3A_109 = arith.muli %scan3A_94, %mul3A_108 : i32
        %get3A_110 = arith.index_cast %scan3A_107 : i32 to index
        %get3A_111 = arith.index_cast %mul3A_109 : i32 to index
        %get3A_112 = tpu.vector_load %arg10[%get3A_110, %get3A_111] {strides = array<i32>} : memref<32x768xf32, #tpu.memory_space<vmem>>, vector<1x16xf32>,
        %get3A_113 = vector.shape_cast %get3A_112 : vector<1x16xf32> to vector<16xf32>
        %add3A_114 = arith.addf %get3A_113, %get3A_101 : vector<16xf32>
        %mul3A_115 = arith.constant 16 : i32
        %mul3A_116 = arith.muli %scan3A_94, %mul3A_115 : i32
        %swap3A_117 = arith.index_cast %scan3A_107 : i32 to index
        %swap3A_118 = arith.index_cast %mul3A_116 : i32 to index
        %swap3A_119 = tpu.vector_load %arg13[%swap3A_117, %swap3A_118] {strides = array<i32>} : memref<32x768xf32, #tpu.memory_space<vmem>>, vector<1x16xf32>,
        %swap3A_120 = vector.shape_cast %swap3A_119 : vector<1x16xf32> to vector<16xf32>
        %swap3A_121 = vector.shape_cast %add3A_114 : vector<16xf32> to vector<1x16xf32>
        tpu.vector_store %arg13[%swap3A_117, %swap3A_118], %swap3A_121 {strides = array<i32>} : memref<32x768xf32, #tpu.memory_space<vmem>>, vector<1x16xf32>,
      }
      %scan3A_106 = arith.constant 32 : i32
    }
    %scan3A_85 = arith.constant 48 : i32
    %mul3A_86 = arith.constant 1024 : i32
    %mul3A_87 = arith.muli %add3A_76, %mul3A_86 : i32
    %scan3A_88 = arith.constant 0 : i32
    %scan3A_89 = arith.constant 0 : i32
    %scan3A_90 = arith.constant 16 : i32
    %scan3A_91 = arith.addi %scan3A_89, %scan3A_90 : i32
    %scan3A_92 = arith.constant 1 : i32
    scf.for %scan3A_94 = %scan3A_89 to %scan3A_91 step %scan3A_92  : i32 {
      %mul3A_95 = arith.constant 2 : i32
      %mul3A_96 = arith.muli %scan3A_94, %mul3A_95 : i32
      %get3A_97 = arith.index_cast %mul3A_96 : i32 to index
      %get3A_98 = arith.constant 0 : index
      %get3A_99 = tpu.vector_load %arg13[%get3A_97, %get3A_98] {strides = array<i32>} : memref<32x768xf32, #tpu.memory_space<vmem>>, vector<1x16xf32>,
      %get3A_100 = vector.shape_cast %get3A_99 : vector<1x16xf32> to vector<16xf32>
      %get3A_101 = arith.index_cast %mul3A_96 : i32 to index
      %get3A_102 = arith.constant 16 : index
      %get3A_103 = tpu.vector_load %arg13[%get3A_101, %get3A_102] {strides = array<i32>} : memref<32x768xf32, #tpu.memory_space<vmem>>, vector<1x16xf32>,
      %get3A_104 = vector.shape_cast %get3A_103 : vector<1x16xf32> to vector<16xf32>
      %get3A_105 = arith.index_cast %mul3A_96 : i32 to index
      %get3A_106 = arith.constant 32 : index
      %get3A_107 = tpu.vector_load %arg13[%get3A_105, %get3A_106] {strides = array<i32>} : memref<32x768xf32, #tpu.memory_space<vmem>>, vector<1x16xf32>,
      %get3A_108 = vector.shape_cast %get3A_107 : vector<1x16xf32> to vector<16xf32>
      %get3A_109 = arith.index_cast %mul3A_96 : i32 to index
      %get3A_110 = arith.constant 48 : index
      %get3A_111 = tpu.vector_load %arg13[%get3A_109, %get3A_110] {strides = array<i32>} : memref<32x768xf32, #tpu.memory_space<vmem>>, vector<1x16xf32>,
      %get3A_112 = vector.shape_cast %get3A_111 : vector<1x16xf32> to vector<16xf32>
      %get3A_113 = arith.index_cast %mul3A_96 : i32 to index
      %get3A_114 = arith.constant 64 : index
      %get3A_115 = tpu.vector_load %arg13[%get3A_113, %get3A_114] {strides = array<i32>} : memref<32x768xf32, #tpu.memory_space<vmem>>, vector<1x16xf32>,
      %get3A_116 = vector.shape_cast %get3A_115 : vector<1x16xf32> to vector<16xf32>
      %get3A_117 = arith.index_cast %mul3A_96 : i32 to index
      %get3A_118 = arith.constant 80 : index
      %get3A_119 = tpu.vector_load %arg13[%get3A_117, %get3A_118] {strides = array<i32>} : memref<32x768xf32, #tpu.memory_space<vmem>>, vector<1x16xf32>,
      %get3A_120 = vector.shape_cast %get3A_119 : vector<1x16xf32> to vector<16xf32>
      %get3A_121 = arith.index_cast %mul3A_96 : i32 to index
      %get3A_122 = arith.constant 96 : index
      %get3A_123 = tpu.vector_load %arg13[%get3A_121, %get3A_122] {strides = array<i32>} : memref<32x768xf32, #tpu.memory_space<vmem>>, vector<1x16xf32>,
      %get3A_124 = vector.shape_cast %get3A_123 : vector<1x16xf32> to vector<16xf32>
      %get3A_125 = arith.index_cast %mul3A_96 : i32 to index
      %get3A_126 = arith.constant 112 : index
      %get3A_127 = tpu.vector_load %arg13[%get3A_125, %get3A_126] {strides = array<i32>} : memref<32x768xf32, #tpu.memory_space<vmem>>, vector<1x16xf32>,
      %get3A_128 = vector.shape_cast %get3A_127 : vector<1x16xf32> to vector<16xf32>
      %get3A_129 = arith.index_cast %mul3A_96 : i32 to index
      %get3A_130 = arith.constant 128 : index
      %get3A_131 = tpu.vector_load %arg13[%get3A_129, %get3A_130] {strides = array<i32>} : memref<32x768xf32, #tpu.memory_space<vmem>>, vector<1x16xf32>,
      %get3A_132 = vector.shape_cast %get3A_131 : vector<1x16xf32> to vector<16xf32>
      %get3A_133 = arith.index_cast %mul3A_96 : i32 to index
      %get3A_134 = arith.constant 144 : index
      %get3A_135 = tpu.vector_load %arg13[%get3A_133, %get3A_134] {strides = array<i32>} : memref<32x768xf32, #tpu.memory_space<vmem>>, vector<1x16xf32>,
      %get3A_136 = vector.shape_cast %get3A_135 : vector<1x16xf32> to vector<16xf32>
      %get3A_137 = arith.index_cast %mul3A_96 : i32 to index
      %get3A_138 = arith.constant 160 : index
      %get3A_139 = tpu.vector_load %arg13[%get3A_137, %get3A_138] {strides = array<i32>} : memref<32x768xf32, #tpu.memory_space<vmem>>, vector<1x16xf32>,
      %get3A_140 = vector.shape_cast %get3A_139 : vector<1x16xf32> to vector<16xf32>
      %get3A_141 = arith.index_cast %mul3A_96 : i32 to index
      %get3A_142 = arith.constant 176 : index
      %get3A_143 = tpu.vector_load %arg13[%get3A_141, %get3A_142] {strides = array<i32>} : memref<32x768xf32, #tpu.memory_space<vmem>>, vector<1x16xf32>,
      %get3A_144 = vector.shape_cast %get3A_143 : vector<1x16xf32> to vector<16xf32>
      %get3A_145 = arith.index_cast %mul3A_96 : i32 to index
      %get3A_146 = arith.constant 192 : index
      %get3A_147 = tpu.vector_load %arg13[%get3A_145, %get3A_146] {strides = array<i32>} : memref<32x768xf32, #tpu.memory_space<vmem>>, vector<1x16xf32>,
      %get3A_148 = vector.shape_cast %get3A_147 : vector<1x16xf32> to vector<16xf32>
      %get3A_149 = arith.index_cast %mul3A_96 : i32 to index
      %get3A_150 = arith.constant 208 : index
      %get3A_151 = tpu.vector_load %arg13[%get3A_149, %get3A_150] {strides = array<i32>} : memref<32x768xf32, #tpu.memory_space<vmem>>, vector<1x16xf32>,
      %get3A_152 = vector.shape_cast %get3A_151 : vector<1x16xf32> to vector<16xf32>
      %get3A_153 = arith.index_cast %mul3A_96 : i32 to index
      %get3A_154 = arith.constant 224 : index
      %get3A_155 = tpu.vector_load %arg13[%get3A_153, %get3A_154] {strides = array<i32>} : memref<32x768xf32, #tpu.memory_space<vmem>>, vector<1x16xf32>,
      %get3A_156 = vector.shape_cast %get3A_155 : vector<1x16xf32> to vector<16xf32>
      %get3A_157 = arith.index_cast %mul3A_96 : i32 to index
      %get3A_158 = arith.constant 240 : index
      %get3A_159 = tpu.vector_load %arg13[%get3A_157, %get3A_158] {strides = array<i32>} : memref<32x768xf32, #tpu.memory_space<vmem>>, vector<1x16xf32>,
      %get3A_160 = vector.shape_cast %get3A_159 : vector<1x16xf32> to vector<16xf32>
      %get3A_161 = arith.index_cast %mul3A_96 : i32 to index
      %get3A_162 = arith.constant 256 : index
      %get3A_163 = tpu.vector_load %arg13[%get3A_161, %get3A_162] {strides = array<i32>} : memref<32x768xf32, #tpu.memory_space<vmem>>, vector<1x16xf32>,
      %get3A_164 = vector.shape_cast %get3A_163 : vector<1x16xf32> to vector<16xf32>
      %get3A_165 = arith.index_cast %mul3A_96 : i32 to index
      %get3A_166 = arith.constant 272 : index
      %get3A_167 = tpu.vector_load %arg13[%get3A_165, %get3A_166] {strides = array<i32>} : memref<32x768xf32, #tpu.memory_space<vmem>>, vector<1x16xf32>,
      %get3A_168 = vector.shape_cast %get3A_167 : vector<1x16xf32> to vector<16xf32>
      %get3A_169 = arith.index_cast %mul3A_96 : i32 to index
      %get3A_170 = arith.constant 288 : index
      %get3A_171 = tpu.vector_load %arg13[%get3A_169, %get3A_170] {strides = array<i32>} : memref<32x768xf32, #tpu.memory_space<vmem>>, vector<1x16xf32>,
      %get3A_172 = vector.shape_cast %get3A_171 : vector<1x16xf32> to vector<16xf32>
      %get3A_173 = arith.index_cast %mul3A_96 : i32 to index
      %get3A_174 = arith.constant 304 : index
      %get3A_175 = tpu.vector_load %arg13[%get3A_173, %get3A_174] {strides = array<i32>} : memref<32x768xf32, #tpu.memory_space<vmem>>, vector<1x16xf32>,
      %get3A_176 = vector.shape_cast %get3A_175 : vector<1x16xf32> to vector<16xf32>
      %get3A_177 = arith.index_cast %mul3A_96 : i32 to index
      %get3A_178 = arith.constant 320 : index
      %get3A_179 = tpu.vector_load %arg13[%get3A_177, %get3A_178] {strides = array<i32>} : memref<32x768xf32, #tpu.memory_space<vmem>>, vector<1x16xf32>,
      %get3A_180 = vector.shape_cast %get3A_179 : vector<1x16xf32> to vector<16xf32>
      %get3A_181 = arith.index_cast %mul3A_96 : i32 to index
      %get3A_182 = arith.constant 336 : index
      %get3A_183 = tpu.vector_load %arg13[%get3A_181, %get3A_182] {strides = array<i32>} : memref<32x768xf32, #tpu.memory_space<vmem>>, vector<1x16xf32>,
      %get3A_184 = vector.shape_cast %get3A_183 : vector<1x16xf32> to vector<16xf32>
      %get3A_185 = arith.index_cast %mul3A_96 : i32 to index
      %get3A_186 = arith.constant 352 : index
      %get3A_187 = tpu.vector_load %arg13[%get3A_185, %get3A_186] {strides = array<i32>} : memref<32x768xf32, #tpu.memory_space<vmem>>, vector<1x16xf32>,
      %get3A_188 = vector.shape_cast %get3A_187 : vector<1x16xf32> to vector<16xf32>
      %get3A_189 = arith.index_cast %mul3A_96 : i32 to index
      %get3A_190 = arith.constant 368 : index
      %get3A_191 = tpu.vector_load %arg13[%get3A_189, %get3A_190] {strides = array<i32>} : memref<32x768xf32, #tpu.memory_space<vmem>>, vector<1x16xf32>,
      %get3A_192 = vector.shape_cast %get3A_191 : vector<1x16xf32> to vector<16xf32>
      %get3A_193 = arith.index_cast %mul3A_96 : i32 to index
      %get3A_194 = arith.constant 384 : index
      %get3A_195 = tpu.vector_load %arg13[%get3A_193, %get3A_194] {strides = array<i32>} : memref<32x768xf32, #tpu.memory_space<vmem>>, vector<1x16xf32>,
      %get3A_196 = vector.shape_cast %get3A_195 : vector<1x16xf32> to vector<16xf32>
      %get3A_197 = arith.index_cast %mul3A_96 : i32 to index
      %get3A_198 = arith.constant 400 : index
      %get3A_199 = tpu.vector_load %arg13[%get3A_197, %get3A_198] {strides = array<i32>} : memref<32x768xf32, #tpu.memory_space<vmem>>, vector<1x16xf32>,
      %get3A_200 = vector.shape_cast %get3A_199 : vector<1x16xf32> to vector<16xf32>
      %get3A_201 = arith.index_cast %mul3A_96 : i32 to index
      %get3A_202 = arith.constant 416 : index
      %get3A_203 = tpu.vector_load %arg13[%get3A_201, %get3A_202] {strides = array<i32>} : memref<32x768xf32, #tpu.memory_space<vmem>>, vector<1x16xf32>,
      %get3A_204 = vector.shape_cast %get3A_203 : vector<1x16xf32> to vector<16xf32>
      %get3A_205 = arith.index_cast %mul3A_96 : i32 to index
      %get3A_206 = arith.constant 432 : index
      %get3A_207 = tpu.vector_load %arg13[%get3A_205, %get3A_206] {strides = array<i32>} : memref<32x768xf32, #tpu.memory_space<vmem>>, vector<1x16xf32>,
      %get3A_208 = vector.shape_cast %get3A_207 : vector<1x16xf32> to vector<16xf32>
      %get3A_209 = arith.index_cast %mul3A_96 : i32 to index
      %get3A_210 = arith.constant 448 : index
      %get3A_211 = tpu.vector_load %arg13[%get3A_209, %get3A_210] {strides = array<i32>} : memref<32x768xf32, #tpu.memory_space<vmem>>, vector<1x16xf32>,
      %get3A_212 = vector.shape_cast %get3A_211 : vector<1x16xf32> to vector<16xf32>
      %get3A_213 = arith.index_cast %mul3A_96 : i32 to index
      %get3A_214 = arith.constant 464 : index
      %get3A_215 = tpu.vector_load %arg13[%get3A_213, %get3A_214] {strides = array<i32>} : memref<32x768xf32, #tpu.memory_space<vmem>>, vector<1x16xf32>,
      %get3A_216 = vector.shape_cast %get3A_215 : vector<1x16xf32> to vector<16xf32>
      %get3A_217 = arith.index_cast %mul3A_96 : i32 to index
      %get3A_218 = arith.constant 480 : index
      %get3A_219 = tpu.vector_load %arg13[%get3A_217, %get3A_218] {strides = array<i32>} : memref<32x768xf32, #tpu.memory_space<vmem>>, vector<1x16xf32>,
      %get3A_220 = vector.shape_cast %get3A_219 : vector<1x16xf32> to vector<16xf32>
      %get3A_221 = arith.index_cast %mul3A_96 : i32 to index
      %get3A_222 = arith.constant 496 : index
      %get3A_223 = tpu.vector_load %arg13[%get3A_221, %get3A_222] {strides = array<i32>} : memref<32x768xf32, #tpu.memory_space<vmem>>, vector<1x16xf32>,
      %get3A_224 = vector.shape_cast %get3A_223 : vector<1x16xf32> to vector<16xf32>
      %get3A_225 = arith.index_cast %mul3A_96 : i32 to index
      %get3A_226 = arith.constant 512 : index
      %get3A_227 = tpu.vector_load %arg13[%get3A_225, %get3A_226] {strides = array<i32>} : memref<32x768xf32, #tpu.memory_space<vmem>>, vector<1x16xf32>,
      %get3A_228 = vector.shape_cast %get3A_227 : vector<1x16xf32> to vector<16xf32>
      %get3A_229 = arith.index_cast %mul3A_96 : i32 to index
      %get3A_230 = arith.constant 528 : index
      %get3A_231 = tpu.vector_load %arg13[%get3A_229, %get3A_230] {strides = array<i32>} : memref<32x768xf32, #tpu.memory_space<vmem>>, vector<1x16xf32>,
      %get3A_232 = vector.shape_cast %get3A_231 : vector<1x16xf32> to vector<16xf32>
      %get3A_233 = arith.index_cast %mul3A_96 : i32 to index
      %get3A_234 = arith.constant 544 : index
      %get3A_235 = tpu.vector_load %arg13[%get3A_233, %get3A_234] {strides = array<i32>} : memref<32x768xf32, #tpu.memory_space<vmem>>, vector<1x16xf32>,
      %get3A_236 = vector.shape_cast %get3A_235 : vector<1x16xf32> to vector<16xf32>
      %get3A_237 = arith.index_cast %mul3A_96 : i32 to index
      %get3A_238 = arith.constant 560 : index
      %get3A_239 = tpu.vector_load %arg13[%get3A_237, %get3A_238] {strides = array<i32>} : memref<32x768xf32, #tpu.memory_space<vmem>>, vector<1x16xf32>,
      %get3A_240 = vector.shape_cast %get3A_239 : vector<1x16xf32> to vector<16xf32>
      %get3A_241 = arith.index_cast %mul3A_96 : i32 to index
      %get3A_242 = arith.constant 576 : index
      %get3A_243 = tpu.vector_load %arg13[%get3A_241, %get3A_242] {strides = array<i32>} : memref<32x768xf32, #tpu.memory_space<vmem>>, vector<1x16xf32>,
      %get3A_244 = vector.shape_cast %get3A_243 : vector<1x16xf32> to vector<16xf32>
      %get3A_245 = arith.index_cast %mul3A_96 : i32 to index
      %get3A_246 = arith.constant 592 : index
      %get3A_247 = tpu.vector_load %arg13[%get3A_245, %get3A_246] {strides = array<i32>} : memref<32x768xf32, #tpu.memory_space<vmem>>, vector<1x16xf32>,
      %get3A_248 = vector.shape_cast %get3A_247 : vector<1x16xf32> to vector<16xf32>
      %get3A_249 = arith.index_cast %mul3A_96 : i32 to index
      %get3A_250 = arith.constant 608 : index
      %get3A_251 = tpu.vector_load %arg13[%get3A_249, %get3A_250] {strides = array<i32>} : memref<32x768xf32, #tpu.memory_space<vmem>>, vector<1x16xf32>,
      %get3A_252 = vector.shape_cast %get3A_251 : vector<1x16xf32> to vector<16xf32>
      %get3A_253 = arith.index_cast %mul3A_96 : i32 to index
      %get3A_254 = arith.constant 624 : index
      %get3A_255 = tpu.vector_load %arg13[%get3A_253, %get3A_254] {strides = array<i32>} : memref<32x768xf32, #tpu.memory_space<vmem>>, vector<1x16xf32>,
      %get3A_256 = vector.shape_cast %get3A_255 : vector<1x16xf32> to vector<16xf32>
      %get3A_257 = arith.index_cast %mul3A_96 : i32 to index
      %get3A_258 = arith.constant 640 : index
      %get3A_259 = tpu.vector_load %arg13[%get3A_257, %get3A_258] {strides = array<i32>} : memref<32x768xf32, #tpu.memory_space<vmem>>, vector<1x16xf32>,
      %get3A_260 = vector.shape_cast %get3A_259 : vector<1x16xf32> to vector<16xf32>
      %get3A_261 = arith.index_cast %mul3A_96 : i32 to index
      %get3A_262 = arith.constant 656 : index
      %get3A_263 = tpu.vector_load %arg13[%get3A_261, %get3A_262] {strides = array<i32>} : memref<32x768xf32, #tpu.memory_space<vmem>>, vector<1x16xf32>,
      %get3A_264 = vector.shape_cast %get3A_263 : vector<1x16xf32> to vector<16xf32>
      %get3A_265 = arith.index_cast %mul3A_96 : i32 to index
      %get3A_266 = arith.constant 672 : index
      %get3A_267 = tpu.vector_load %arg13[%get3A_265, %get3A_266] {strides = array<i32>} : memref<32x768xf32, #tpu.memory_space<vmem>>, vector<1x16xf32>,
      %get3A_268 = vector.shape_cast %get3A_267 : vector<1x16xf32> to vector<16xf32>
      %get3A_269 = arith.index_cast %mul3A_96 : i32 to index
      %get3A_270 = arith.constant 688 : index
      %get3A_271 = tpu.vector_load %arg13[%get3A_269, %get3A_270] {strides = array<i32>} : memref<32x768xf32, #tpu.memory_space<vmem>>, vector<1x16xf32>,
      %get3A_272 = vector.shape_cast %get3A_271 : vector<1x16xf32> to vector<16xf32>
      %get3A_273 = arith.index_cast %mul3A_96 : i32 to index
      %get3A_274 = arith.constant 704 : index
      %get3A_275 = tpu.vector_load %arg13[%get3A_273, %get3A_274] {strides = array<i32>} : memref<32x768xf32, #tpu.memory_space<vmem>>, vector<1x16xf32>,
      %get3A_276 = vector.shape_cast %get3A_275 : vector<1x16xf32> to vector<16xf32>
      %get3A_277 = arith.index_cast %mul3A_96 : i32 to index
      %get3A_278 = arith.constant 720 : index
      %get3A_279 = tpu.vector_load %arg13[%get3A_277, %get3A_278] {strides = array<i32>} : memref<32x768xf32, #tpu.memory_space<vmem>>, vector<1x16xf32>,
      %get3A_280 = vector.shape_cast %get3A_279 : vector<1x16xf32> to vector<16xf32>
      %get3A_281 = arith.index_cast %mul3A_96 : i32 to index
      %get3A_282 = arith.constant 736 : index
      %get3A_283 = tpu.vector_load %arg13[%get3A_281, %get3A_282] {strides = array<i32>} : memref<32x768xf32, #tpu.memory_space<vmem>>, vector<1x16xf32>,
      %get3A_284 = vector.shape_cast %get3A_283 : vector<1x16xf32> to vector<16xf32>
      %get3A_285 = arith.index_cast %mul3A_96 : i32 to index
      %get3A_286 = arith.constant 752 : index
      %get3A_287 = tpu.vector_load %arg13[%get3A_285, %get3A_286] {strides = array<i32>} : memref<32x768xf32, #tpu.memory_space<vmem>>, vector<1x16xf32>,
      %get3A_288 = vector.shape_cast %get3A_287 : vector<1x16xf32> to vector<16xf32>
      %scan3A_289 = arith.constant 0 : i32
      %scan3A_290 = arith.constant 0 : i32
      %scan3A_291 = arith.constant 32 : i32
      %scan3A_292 = arith.addi %scan3A_290, %scan3A_291 : i32
      %scan3A_293 = arith.constant 1 : i32
      scf.for %scan3A_503 = %scan3A_290 to %scan3A_292 step %scan3A_293  : i32 {
        %get3A_504 = arith.index_cast %scan3A_503 : i32 to index
        %get3A_505 = arith.constant 0 : index
        %get3A_506 = tpu.vector_load %arg11[%get3A_504, %get3A_505] {strides = array<i32>} : memref<32x768xf32, #tpu.memory_space<vmem>>, vector<1x16xf32>,
        %get3A_507 = vector.shape_cast %get3A_506 : vector<1x16xf32> to vector<16xf32>
        %add3A_508 = arith.addf %get3A_507, %get3A_100 : vector<16xf32>
        %swap3A_509 = arith.index_cast %scan3A_503 : i32 to index
        %swap3A_510 = arith.constant 0 : index
        %swap3A_511 = tpu.vector_load %arg14[%swap3A_509, %swap3A_510] {strides = array<i32>} : memref<32x768xf32, #tpu.memory_space<vmem>>, vector<1x16xf32>,
        %swap3A_512 = vector.shape_cast %swap3A_511 : vector<1x16xf32> to vector<16xf32>
        %swap3A_513 = vector.shape_cast %add3A_508 : vector<16xf32> to vector<1x16xf32>
        tpu.vector_store %arg14[%swap3A_509, %swap3A_510], %swap3A_513 {strides = array<i32>} : memref<32x768xf32, #tpu.memory_space<vmem>>, vector<1x16xf32>,
        %get3A_514 = arith.index_cast %scan3A_503 : i32 to index
        %get3A_515 = arith.constant 16 : index
        %get3A_516 = tpu.vector_load %arg11[%get3A_514, %get3A_515] {strides = array<i32>} : memref<32x768xf32, #tpu.memory_space<vmem>>, vector<1x16xf32>,
        %get3A_517 = vector.shape_cast %get3A_516 : vector<1x16xf32> to vector<16xf32>
        %add3A_518 = arith.addf %get3A_517, %get3A_104 : vector<16xf32>
        %swap3A_519 = arith.index_cast %scan3A_503 : i32 to index
        %swap3A_520 = arith.constant 16 : index
        %swap3A_521 = tpu.vector_load %arg14[%swap3A_519, %swap3A_520] {strides = array<i32>} : memref<32x768xf32, #tpu.memory_space<vmem>>, vector<1x16xf32>,
        %swap3A_522 = vector.shape_cast %swap3A_521 : vector<1x16xf32> to vector<16xf32>
        %swap3A_523 = vector.shape_cast %add3A_518 : vector<16xf32> to vector<1x16xf32>
        tpu.vector_store %arg14[%swap3A_519, %swap3A_520], %swap3A_523 {strides = array<i32>} : memref<32x768xf32, #tpu.memory_space<vmem>>, vector<1x16xf32>,
        %get3A_524 = arith.index_cast %scan3A_503 : i32 to index
        %get3A_525 = arith.constant 32 : index
        %get3A_526 = tpu.vector_load %arg11[%get3A_524, %get3A_525] {strides = array<i32>} : memref<32x768xf32, #tpu.memory_space<vmem>>, vector<1x16xf32>,
        %get3A_527 = vector.shape_cast %get3A_526 : vector<1x16xf32> to vector<16xf32>
        %add3A_528 = arith.addf %get3A_527, %get3A_108 : vector<16xf32>
        %swap3A_529 = arith.index_cast %scan3A_503 : i32 to index
        %swap3A_530 = arith.constant 32 : index
        %swap3A_531 = tpu.vector_load %arg14[%swap3A_529, %swap3A_530] {strides = array<i32>} : memref<32x768xf32, #tpu.memory_space<vmem>>, vector<1x16xf32>,
        %swap3A_532 = vector.shape_cast %swap3A_531 : vector<1x16xf32> to vector<16xf32>
        %swap3A_533 = vector.shape_cast %add3A_528 : vector<16xf32> to vector<1x16xf32>
        tpu.vector_store %arg14[%swap3A_529, %swap3A_530], %swap3A_533 {strides = array<i32>} : memref<32x768xf32, #tpu.memory_space<vmem>>, vector<1x16xf32>,
        %get3A_534 = arith.index_cast %scan3A_503 : i32 to index
        %get3A_535 = arith.constant 48 : index
        %get3A_536 = tpu.vector_load %arg11[%get3A_534, %get3A_535] {strides = array<i32>} : memref<32x768xf32, #tpu.memory_space<vmem>>, vector<1x16xf32>,
        %get3A_537 = vector.shape_cast %get3A_536 : vector<1x16xf32> to vector<16xf32>
        %add3A_538 = arith.addf %get3A_537, %get3A_112 : vector<16xf32>
        %swap3A_539 = arith.index_cast %scan3A_503 : i32 to index
        %swap3A_540 = arith.constant 48 : index
        %swap3A_541 = tpu.vector_load %arg14[%swap3A_539, %swap3A_540] {strides = array<i32>} : memref<32x768xf32, #tpu.memory_space<vmem>>, vector<1x16xf32>,
        %swap3A_542 = vector.shape_cast %swap3A_541 : vector<1x16xf32> to vector<16xf32>
        %swap3A_543 = vector.shape_cast %add3A_538 : vector<16xf32> to vector<1x16xf32>
        tpu.vector_store %arg14[%swap3A_539, %swap3A_540], %swap3A_543 {strides = array<i32>} : memref<32x768xf32, #tpu.memory_space<vmem>>, vector<1x16xf32>,
        %get3A_544 = arith.index_cast %scan3A_503 : i32 to index
        %get3A_545 = arith.constant 64 : index
        %get3A_546 = tpu.vector_load %arg11[%get3A_544, %get3A_545] {strides = array<i32>} : memref<32x768xf32, #tpu.memory_space<vmem>>, vector<1x16xf32>,
        %get3A_547 = vector.shape_cast %get3A_546 : vector<1x16xf32> to vector<16xf32>
        %add3A_548 = arith.addf %get3A_547, %get3A_116 : vector<16xf32>
        %swap3A_549 = arith.index_cast %scan3A_503 : i32 to index
        %swap3A_550 = arith.constant 64 : index
        %swap3A_551 = tpu.vector_load %arg14[%swap3A_549, %swap3A_550] {strides = array<i32>} : memref<32x768xf32, #tpu.memory_space<vmem>>, vector<1x16xf32>,
        %swap3A_552 = vector.shape_cast %swap3A_551 : vector<1x16xf32> to vector<16xf32>
        %swap3A_553 = vector.shape_cast %add3A_548 : vector<16xf32> to vector<1x16xf32>
        tpu.vector_store %arg14[%swap3A_549, %swap3A_550], %swap3A_553 {strides = array<i32>} : memref<32x768xf32, #tpu.memory_space<vmem>>, vector<1x16xf32>,
        %get3A_554 = arith.index_cast %scan3A_503 : i32 to index
        %get3A_555 = arith.constant 80 : index
        %get3A_556 = tpu.vector_load %arg11[%get3A_554, %get3A_555] {strides = array<i32>} : memref<32x768xf32, #tpu.memory_space<vmem>>, vector<1x16xf32>,
        %get3A_557 = vector.shape_cast %get3A_556 : vector<1x16xf32> to vector<16xf32>
        %add3A_558 = arith.addf %get3A_557, %get3A_120 : vector<16xf32>
        %swap3A_559 = arith.index_cast %scan3A_503 : i32 to index
        %swap3A_560 = arith.constant 80 : index
        %swap3A_561 = tpu.vector_load %arg14[%swap3A_559, %swap3A_560] {strides = array<i32>} : memref<32x768xf32, #tpu.memory_space<vmem>>, vector<1x16xf32>,
        %swap3A_562 = vector.shape_cast %swap3A_561 : vector<1x16xf32> to vector<16xf32>
        %swap3A_563 = vector.shape_cast %add3A_558 : vector<16xf32> to vector<1x16xf32>
        tpu.vector_store %arg14[%swap3A_559, %swap3A_560], %swap3A_563 {strides = array<i32>} : memref<32x768xf32, #tpu.memory_space<vmem>>, vector<1x16xf32>,
        %get3A_564 = arith.index_cast %scan3A_503 : i32 to index
        %get3A_565 = arith.constant 96 : index
        %get3A_566 = tpu.vector_load %arg11[%get3A_564, %get3A_565] {strides = array<i32>} : memref<32x768xf32, #tpu.memory_space<vmem>>, vector<1x16xf32>,
        %get3A_567 = vector.shape_cast %get3A_566 : vector<1x16xf32> to vector<16xf32>
        %add3A_568 = arith.addf %get3A_567, %get3A_124 : vector<16xf32>
        %swap3A_569 = arith.index_cast %scan3A_503 : i32 to index
        %swap3A_570 = arith.constant 96 : index
        %swap3A_571 = tpu.vector_load %arg14[%swap3A_569, %swap3A_570] {strides = array<i32>} : memref<32x768xf32, #tpu.memory_space<vmem>>, vector<1x16xf32>,
        %swap3A_572 = vector.shape_cast %swap3A_571 : vector<1x16xf32> to vector<16xf32>
        %swap3A_573 = vector.shape_cast %add3A_568 : vector<16xf32> to vector<1x16xf32>
        tpu.vector_store %arg14[%swap3A_569, %swap3A_570], %swap3A_573 {strides = array<i32>} : memref<32x768xf32, #tpu.memory_space<vmem>>, vector<1x16xf32>,
        %get3A_574 = arith.index_cast %scan3A_503 : i32 to index
        %get3A_575 = arith.constant 112 : index
        %get3A_576 = tpu.vector_load %arg11[%get3A_574, %get3A_575] {strides = array<i32>} : memref<32x768xf32, #tpu.memory_space<vmem>>, vector<1x16xf32>,
        %get3A_577 = vector.shape_cast %get3A_576 : vector<1x16xf32> to vector<16xf32>
        %add3A_578 = arith.addf %get3A_577, %get3A_128 : vector<16xf32>
        %swap3A_579 = arith.index_cast %scan3A_503 : i32 to index
        %swap3A_580 = arith.constant 112 : index
        %swap3A_581 = tpu.vector_load %arg14[%swap3A_579, %swap3A_580] {strides = array<i32>} : memref<32x768xf32, #tpu.memory_space<vmem>>, vector<1x16xf32>,
        %swap3A_582 = vector.shape_cast %swap3A_581 : vector<1x16xf32> to vector<16xf32>
        %swap3A_583 = vector.shape_cast %add3A_578 : vector<16xf32> to vector<1x16xf32>
        tpu.vector_store %arg14[%swap3A_579, %swap3A_580], %swap3A_583 {strides = array<i32>} : memref<32x768xf32, #tpu.memory_space<vmem>>, vector<1x16xf32>,
        %get3A_584 = arith.index_cast %scan3A_503 : i32 to index
        %get3A_585 = arith.constant 128 : index
        %get3A_586 = tpu.vector_load %arg11[%get3A_584, %get3A_585] {strides = array<i32>} : memref<32x768xf32, #tpu.memory_space<vmem>>, vector<1x16xf32>,
        %get3A_587 = vector.shape_cast %get3A_586 : vector<1x16xf32> to vector<16xf32>
        %add3A_588 = arith.addf %get3A_587, %get3A_132 : vector<16xf32>
        %swap3A_589 = arith.index_cast %scan3A_503 : i32 to index
        %swap3A_590 = arith.constant 128 : index
        %swap3A_591 = tpu.vector_load %arg14[%swap3A_589, %swap3A_590] {strides = array<i32>} : memref<32x768xf32, #tpu.memory_space<vmem>>, vector<1x16xf32>,
        %swap3A_592 = vector.shape_cast %swap3A_591 : vector<1x16xf32> to vector<16xf32>
        %swap3A_593 = vector.shape_cast %add3A_588 : vector<16xf32> to vector<1x16xf32>
        tpu.vector_store %arg14[%swap3A_589, %swap3A_590], %swap3A_593 {strides = array<i32>} : memref<32x768xf32, #tpu.memory_space<vmem>>, vector<1x16xf32>,
        %get3A_594 = arith.index_cast %scan3A_503 : i32 to index
        %get3A_595 = arith.constant 144 : index
        %get3A_596 = tpu.vector_load %arg11[%get3A_594, %get3A_595] {strides = array<i32>} : memref<32x768xf32, #tpu.memory_space<vmem>>, vector<1x16xf32>,
        %get3A_597 = vector.shape_cast %get3A_596 : vector<1x16xf32> to vector<16xf32>
        %add3A_598 = arith.addf %get3A_597, %get3A_136 : vector<16xf32>
        %swap3A_599 = arith.index_cast %scan3A_503 : i32 to index
        %swap3A_600 = arith.constant 144 : index
        %swap3A_601 = tpu.vector_load %arg14[%swap3A_599, %swap3A_600] {strides = array<i32>} : memref<32x768xf32, #tpu.memory_space<vmem>>, vector<1x16xf32>,
        %swap3A_602 = vector.shape_cast %swap3A_601 : vector<1x16xf32> to vector<16xf32>
        %swap3A_603 = vector.shape_cast %add3A_598 : vector<16xf32> to vector<1x16xf32>
        tpu.vector_store %arg14[%swap3A_599, %swap3A_600], %swap3A_603 {strides = array<i32>} : memref<32x768xf32, #tpu.memory_space<vmem>>, vector<1x16xf32>,
        %get3A_604 = arith.index_cast %scan3A_503 : i32 to index
        %get3A_605 = arith.constant 160 : index
        %get3A_606 = tpu.vector_load %arg11[%get3A_604, %get3A_605] {strides = array<i32>} : memref<32x768xf32, #tpu.memory_space<vmem>>, vector<1x16xf32>,
        %get3A_607 = vector.shape_cast %get3A_606 : vector<1x16xf32> to vector<16xf32>
        %add3A_608 = arith.addf %get3A_607, %get3A_140 : vector<16xf32>
        %swap3A_609 = arith.index_cast %scan3A_503 : i32 to index
        %swap3A_610 = arith.constant 160 : index
        %swap3A_611 = tpu.vector_load %arg14[%swap3A_609, %swap3A_610] {strides = array<i32>} : memref<32x768xf32, #tpu.memory_space<vmem>>, vector<1x16xf32>,
        %swap3A_612 = vector.shape_cast %swap3A_611 : vector<1x16xf32> to vector<16xf32>
        %swap3A_613 = vector.shape_cast %add3A_608 : vector<16xf32> to vector<1x16xf32>
        tpu.vector_store %arg14[%swap3A_609, %swap3A_610], %swap3A_613 {strides = array<i32>} : memref<32x768xf32, #tpu.memory_space<vmem>>, vector<1x16xf32>,
        %get3A_614 = arith.index_cast %scan3A_503 : i32 to index
        %get3A_615 = arith.constant 176 : index
        %get3A_616 = tpu.vector_load %arg11[%get3A_614, %get3A_615] {strides = array<i32>} : memref<32x768xf32, #tpu.memory_space<vmem>>, vector<1x16xf32>,
        %get3A_617 = vector.shape_cast %get3A_616 : vector<1x16xf32> to vector<16xf32>
        %add3A_618 = arith.addf %get3A_617, %get3A_144 : vector<16xf32>
        %swap3A_619 = arith.index_cast %scan3A_503 : i32 to index
        %swap3A_620 = arith.constant 176 : index
        %swap3A_621 = tpu.vector_load %arg14[%swap3A_619, %swap3A_620] {strides = array<i32>} : memref<32x768xf32, #tpu.memory_space<vmem>>, vector<1x16xf32>,
        %swap3A_622 = vector.shape_cast %swap3A_621 : vector<1x16xf32> to vector<16xf32>
        %swap3A_623 = vector.shape_cast %add3A_618 : vector<16xf32> to vector<1x16xf32>
        tpu.vector_store %arg14[%swap3A_619, %swap3A_620], %swap3A_623 {strides = array<i32>} : memref<32x768xf32, #tpu.memory_space<vmem>>, vector<1x16xf32>,
        %get3A_624 = arith.index_cast %scan3A_503 : i32 to index
        %get3A_625 = arith.constant 192 : index
        %get3A_626 = tpu.vector_load %arg11[%get3A_624, %get3A_625] {strides = array<i32>} : memref<32x768xf32, #tpu.memory_space<vmem>>, vector<1x16xf32>,
        %get3A_627 = vector.shape_cast %get3A_626 : vector<1x16xf32> to vector<16xf32>
        %add3A_628 = arith.addf %get3A_627, %get3A_148 : vector<16xf32>
        %swap3A_629 = arith.index_cast %scan3A_503 : i32 to index
        %swap3A_630 = arith.constant 192 : index
        %swap3A_631 = tpu.vector_load %arg14[%swap3A_629, %swap3A_630] {strides = array<i32>} : memref<32x768xf32, #tpu.memory_space<vmem>>, vector<1x16xf32>,
        %swap3A_632 = vector.shape_cast %swap3A_631 : vector<1x16xf32> to vector<16xf32>
        %swap3A_633 = vector.shape_cast %add3A_628 : vector<16xf32> to vector<1x16xf32>
        tpu.vector_store %arg14[%swap3A_629, %swap3A_630], %swap3A_633 {strides = array<i32>} : memref<32x768xf32, #tpu.memory_space<vmem>>, vector<1x16xf32>,
        %get3A_634 = arith.index_cast %scan3A_503 : i32 to index
        %get3A_635 = arith.constant 208 : index
        %get3A_636 = tpu.vector_load %arg11[%get3A_634, %get3A_635] {strides = array<i32>} : memref<32x768xf32, #tpu.memory_space<vmem>>, vector<1x16xf32>,
        %get3A_637 = vector.shape_cast %get3A_636 : vector<1x16xf32> to vector<16xf32>
        %add3A_638 = arith.addf %get3A_637, %get3A_152 : vector<16xf32>
        %swap3A_639 = arith.index_cast %scan3A_503 : i32 to index
        %swap3A_640 = arith.constant 208 : index
        %swap3A_641 = tpu.vector_load %arg14[%swap3A_639, %swap3A_640] {strides = array<i32>} : memref<32x768xf32, #tpu.memory_space<vmem>>, vector<1x16xf32>,
        %swap3A_642 = vector.shape_cast %swap3A_641 : vector<1x16xf32> to vector<16xf32>
        %swap3A_643 = vector.shape_cast %add3A_638 : vector<16xf32> to vector<1x16xf32>
        tpu.vector_store %arg14[%swap3A_639, %swap3A_640], %swap3A_643 {strides = array<i32>} : memref<32x768xf32, #tpu.memory_space<vmem>>, vector<1x16xf32>,
        %get3A_644 = arith.index_cast %scan3A_503 : i32 to index
        %get3A_645 = arith.constant 224 : index
        %get3A_646 = tpu.vector_load %arg11[%get3A_644, %get3A_645] {strides = array<i32>} : memref<32x768xf32, #tpu.memory_space<vmem>>, vector<1x16xf32>,
        %get3A_647 = vector.shape_cast %get3A_646 : vector<1x16xf32> to vector<16xf32>
        %add3A_648 = arith.addf %get3A_647, %get3A_156 : vector<16xf32>
        %swap3A_649 = arith.index_cast %scan3A_503 : i32 to index
        %swap3A_650 = arith.constant 224 : index
        %swap3A_651 = tpu.vector_load %arg14[%swap3A_649, %swap3A_650] {strides = array<i32>} : memref<32x768xf32, #tpu.memory_space<vmem>>, vector<1x16xf32>,
        %swap3A_652 = vector.shape_cast %swap3A_651 : vector<1x16xf32> to vector<16xf32>
        %swap3A_653 = vector.shape_cast %add3A_648 : vector<16xf32> to vector<1x16xf32>
        tpu.vector_store %arg14[%swap3A_649, %swap3A_650], %swap3A_653 {strides = array<i32>} : memref<32x768xf32, #tpu.memory_space<vmem>>, vector<1x16xf32>,
        %get3A_654 = arith.index_cast %scan3A_503 : i32 to index
        %get3A_655 = arith.constant 240 : index
        %get3A_656 = tpu.vector_load %arg11[%get3A_654, %get3A_655] {strides = array<i32>} : memref<32x768xf32, #tpu.memory_space<vmem>>, vector<1x16xf32>,
        %get3A_657 = vector.shape_cast %get3A_656 : vector<1x16xf32> to vector<16xf32>
        %add3A_658 = arith.addf %get3A_657, %get3A_160 : vector<16xf32>
        %swap3A_659 = arith.index_cast %scan3A_503 : i32 to index
        %swap3A_660 = arith.constant 240 : index
        %swap3A_661 = tpu.vector_load %arg14[%swap3A_659, %swap3A_660] {strides = array<i32>} : memref<32x768xf32, #tpu.memory_space<vmem>>, vector<1x16xf32>,
        %swap3A_662 = vector.shape_cast %swap3A_661 : vector<1x16xf32> to vector<16xf32>
        %swap3A_663 = vector.shape_cast %add3A_658 : vector<16xf32> to vector<1x16xf32>
        tpu.vector_store %arg14[%swap3A_659, %swap3A_660], %swap3A_663 {strides = array<i32>} : memref<32x768xf32, #tpu.memory_space<vmem>>, vector<1x16xf32>,
        %get3A_664 = arith.index_cast %scan3A_503 : i32 to index
        %get3A_665 = arith.constant 256 : index
        %get3A_666 = tpu.vector_load %arg11[%get3A_664, %get3A_665] {strides = array<i32>} : memref<32x768xf32, #tpu.memory_space<vmem>>, vector<1x16xf32>,
        %get3A_667 = vector.shape_cast %get3A_666 : vector<1x16xf32> to vector<16xf32>
        %add3A_668 = arith.addf %get3A_667, %get3A_164 : vector<16xf32>
        %swap3A_669 = arith.index_cast %scan3A_503 : i32 to index
        %swap3A_670 = arith.constant 256 : index
        %swap3A_671 = tpu.vector_load %arg14[%swap3A_669, %swap3A_670] {strides = array<i32>} : memref<32x768xf32, #tpu.memory_space<vmem>>, vector<1x16xf32>,
        %swap3A_672 = vector.shape_cast %swap3A_671 : vector<1x16xf32> to vector<16xf32>
        %swap3A_673 = vector.shape_cast %add3A_668 : vector<16xf32> to vector<1x16xf32>
        tpu.vector_store %arg14[%swap3A_669, %swap3A_670], %swap3A_673 {strides = array<i32>} : memref<32x768xf32, #tpu.memory_space<vmem>>, vector<1x16xf32>,
        %get3A_674 = arith.index_cast %scan3A_503 : i32 to index
        %get3A_675 = arith.constant 272 : index
        %get3A_676 = tpu.vector_load %arg11[%get3A_674, %get3A_675] {strides = array<i32>} : memref<32x768xf32, #tpu.memory_space<vmem>>, vector<1x16xf32>,
        %get3A_677 = vector.shape_cast %get3A_676 : vector<1x16xf32> to vector<16xf32>
        %add3A_678 = arith.addf %get3A_677, %get3A_168 : vector<16xf32>
        %swap3A_679 = arith.index_cast %scan3A_503 : i32 to index
        %swap3A_680 = arith.constant 272 : index
        %swap3A_681 = tpu.vector_load %arg14[%swap3A_679, %swap3A_680] {strides = array<i32>} : memref<32x768xf32, #tpu.memory_space<vmem>>, vector<1x16xf32>,
        %swap3A_682 = vector.shape_cast %swap3A_681 : vector<1x16xf32> to vector<16xf32>
        %swap3A_683 = vector.shape_cast %add3A_678 : vector<16xf32> to vector<1x16xf32>
        tpu.vector_store %arg14[%swap3A_679, %swap3A_680], %swap3A_683 {strides = array<i32>} : memref<32x768xf32, #tpu.memory_space<vmem>>, vector<1x16xf32>,
        %get3A_684 = arith.index_cast %scan3A_503 : i32 to index
        %get3A_685 = arith.constant 288 : index
        %get3A_686 = tpu.vector_load %arg11[%get3A_684, %get3A_685] {strides = array<i32>} : memref<32x768xf32, #tpu.memory_space<vmem>>, vector<1x16xf32>,
        %get3A_687 = vector.shape_cast %get3A_686 : vector<1x16xf32> to vector<16xf32>
        %add3A_688 = arith.addf %get3A_687, %get3A_172 : vector<16xf32>
        %swap3A_689 = arith.index_cast %scan3A_503 : i32 to index
        %swap3A_690 = arith.constant 288 : index
        %swap3A_691 = tpu.vector_load %arg14[%swap3A_689, %swap3A_690] {strides = array<i32>} : memref<32x768xf32, #tpu.memory_space<vmem>>, vector<1x16xf32>,
        %swap3A_692 = vector.shape_cast %swap3A_691 : vector<1x16xf32> to vector<16xf32>
        %swap3A_693 = vector.shape_cast %add3A_688 : vector<16xf32> to vector<1x16xf32>
        tpu.vector_store %arg14[%swap3A_689, %swap3A_690], %swap3A_693 {strides = array<i32>} : memref<32x768xf32, #tpu.memory_space<vmem>>, vector<1x16xf32>,
        %get3A_694 = arith.index_cast %scan3A_503 : i32 to index
        %get3A_695 = arith.constant 304 : index
        %get3A_696 = tpu.vector_load %arg11[%get3A_694, %get3A_695] {strides = array<i32>} : memref<32x768xf32, #tpu.memory_space<vmem>>, vector<1x16xf32>,
        %get3A_697 = vector.shape_cast %get3A_696 : vector<1x16xf32> to vector<16xf32>
        %add3A_698 = arith.addf %get3A_697, %get3A_176 : vector<16xf32>
        %swap3A_699 = arith.index_cast %scan3A_503 : i32 to index
        %swap3A_700 = arith.constant 304 : index
        %swap3A_701 = tpu.vector_load %arg14[%swap3A_699, %swap3A_700] {strides = array<i32>} : memref<32x768xf32, #tpu.memory_space<vmem>>, vector<1x16xf32>,
        %swap3A_702 = vector.shape_cast %swap3A_701 : vector<1x16xf32> to vector<16xf32>
        %swap3A_703 = vector.shape_cast %add3A_698 : vector<16xf32> to vector<1x16xf32>
        tpu.vector_store %arg14[%swap3A_699, %swap3A_700], %swap3A_703 {strides = array<i32>} : memref<32x768xf32, #tpu.memory_space<vmem>>, vector<1x16xf32>,
        %get3A_704 = arith.index_cast %scan3A_503 : i32 to index
        %get3A_705 = arith.constant 320 : index
        %get3A_706 = tpu.vector_load %arg11[%get3A_704, %get3A_705] {strides = array<i32>} : memref<32x768xf32, #tpu.memory_space<vmem>>, vector<1x16xf32>,
        %get3A_707 = vector.shape_cast %get3A_706 : vector<1x16xf32> to vector<16xf32>
        %add3A_708 = arith.addf %get3A_707, %get3A_180 : vector<16xf32>
        %swap3A_709 = arith.index_cast %scan3A_503 : i32 to index
        %swap3A_710 = arith.constant 320 : index
        %swap3A_711 = tpu.vector_load %arg14[%swap3A_709, %swap3A_710] {strides = array<i32>} : memref<32x768xf32, #tpu.memory_space<vmem>>, vector<1x16xf32>,
        %swap3A_712 = vector.shape_cast %swap3A_711 : vector<1x16xf32> to vector<16xf32>
        %swap3A_713 = vector.shape_cast %add3A_708 : vector<16xf32> to vector<1x16xf32>
        tpu.vector_store %arg14[%swap3A_709, %swap3A_710], %swap3A_713 {strides = array<i32>} : memref<32x768xf32, #tpu.memory_space<vmem>>, vector<1x16xf32>,
        %get3A_714 = arith.index_cast %scan3A_503 : i32 to index
        %get3A_715 = arith.constant 336 : index
        %get3A_716 = tpu.vector_load %arg11[%get3A_714, %get3A_715] {strides = array<i32>} : memref<32x768xf32, #tpu.memory_space<vmem>>, vector<1x16xf32>,
        %get3A_717 = vector.shape_cast %get3A_716 : vector<1x16xf32> to vector<16xf32>
        %add3A_718 = arith.addf %get3A_717, %get3A_184 : vector<16xf32>
        %swap3A_719 = arith.index_cast %scan3A_503 : i32 to index
        %swap3A_720 = arith.constant 336 : index
        %swap3A_721 = tpu.vector_load %arg14[%swap3A_719, %swap3A_720] {strides = array<i32>} : memref<32x768xf32, #tpu.memory_space<vmem>>, vector<1x16xf32>,
        %swap3A_722 = vector.shape_cast %swap3A_721 : vector<1x16xf32> to vector<16xf32>
        %swap3A_723 = vector.shape_cast %add3A_718 : vector<16xf32> to vector<1x16xf32>
        tpu.vector_store %arg14[%swap3A_719, %swap3A_720], %swap3A_723 {strides = array<i32>} : memref<32x768xf32, #tpu.memory_space<vmem>>, vector<1x16xf32>,
        %get3A_724 = arith.index_cast %scan3A_503 : i32 to index
        %get3A_725 = arith.constant 352 : index
        %get3A_726 = tpu.vector_load %arg11[%get3A_724, %get3A_725] {strides = array<i32>} : memref<32x768xf32, #tpu.memory_space<vmem>>, vector<1x16xf32>,
        %get3A_727 = vector.shape_cast %get3A_726 : vector<1x16xf32> to vector<16xf32>
        %add3A_728 = arith.addf %get3A_727, %get3A_188 : vector<16xf32>
        %swap3A_729 = arith.index_cast %scan3A_503 : i32 to index
        %swap3A_730 = arith.constant 352 : index
        %swap3A_731 = tpu.vector_load %arg14[%swap3A_729, %swap3A_730] {strides = array<i32>} : memref<32x768xf32, #tpu.memory_space<vmem>>, vector<1x16xf32>,
        %swap3A_732 = vector.shape_cast %swap3A_731 : vector<1x16xf32> to vector<16xf32>
        %swap3A_733 = vector.shape_cast %add3A_728 : vector<16xf32> to vector<1x16xf32>
        tpu.vector_store %arg14[%swap3A_729, %swap3A_730], %swap3A_733 {strides = array<i32>} : memref<32x768xf32, #tpu.memory_space<vmem>>, vector<1x16xf32>,
        %get3A_734 = arith.index_cast %scan3A_503 : i32 to index
        %get3A_735 = arith.constant 368 : index
        %get3A_736 = tpu.vector_load %arg11[%get3A_734, %get3A_735] {strides = array<i32>} : memref<32x768xf32, #tpu.memory_space<vmem>>, vector<1x16xf32>,
        %get3A_737 = vector.shape_cast %get3A_736 : vector<1x16xf32> to vector<16xf32>
        %add3A_738 = arith.addf %get3A_737, %get3A_192 : vector<16xf32>
        %swap3A_739 = arith.index_cast %scan3A_503 : i32 to index
        %swap3A_740 = arith.constant 368 : index
        %swap3A_741 = tpu.vector_load %arg14[%swap3A_739, %swap3A_740] {strides = array<i32>} : memref<32x768xf32, #tpu.memory_space<vmem>>, vector<1x16xf32>,
        %swap3A_742 = vector.shape_cast %swap3A_741 : vector<1x16xf32> to vector<16xf32>
        %swap3A_743 = vector.shape_cast %add3A_738 : vector<16xf32> to vector<1x16xf32>
        tpu.vector_store %arg14[%swap3A_739, %swap3A_740], %swap3A_743 {strides = array<i32>} : memref<32x768xf32, #tpu.memory_space<vmem>>, vector<1x16xf32>,
        %get3A_744 = arith.index_cast %scan3A_503 : i32 to index
        %get3A_745 = arith.constant 384 : index
        %get3A_746 = tpu.vector_load %arg11[%get3A_744, %get3A_745] {strides = array<i32>} : memref<32x768xf32, #tpu.memory_space<vmem>>, vector<1x16xf32>,
        %get3A_747 = vector.shape_cast %get3A_746 : vector<1x16xf32> to vector<16xf32>
        %add3A_748 = arith.addf %get3A_747, %get3A_196 : vector<16xf32>
        %swap3A_749 = arith.index_cast %scan3A_503 : i32 to index
        %swap3A_750 = arith.constant 384 : index
        %swap3A_751 = tpu.vector_load %arg14[%swap3A_749, %swap3A_750] {strides = array<i32>} : memref<32x768xf32, #tpu.memory_space<vmem>>, vector<1x16xf32>,
        %swap3A_752 = vector.shape_cast %swap3A_751 : vector<1x16xf32> to vector<16xf32>
        %swap3A_753 = vector.shape_cast %add3A_748 : vector<16xf32> to vector<1x16xf32>
        tpu.vector_store %arg14[%swap3A_749, %swap3A_750], %swap3A_753 {strides = array<i32>} : memref<32x768xf32, #tpu.memory_space<vmem>>, vector<1x16xf32>,
        %get3A_754 = arith.index_cast %scan3A_503 : i32 to index
        %get3A_755 = arith.constant 400 : index
        %get3A_756 = tpu.vector_load %arg11[%get3A_754, %get3A_755] {strides = array<i32>} : memref<32x768xf32, #tpu.memory_space<vmem>>, vector<1x16xf32>,
        %get3A_757 = vector.shape_cast %get3A_756 : vector<1x16xf32> to vector<16xf32>
        %add3A_758 = arith.addf %get3A_757, %get3A_200 : vector<16xf32>
        %swap3A_759 = arith.index_cast %scan3A_503 : i32 to index
        %swap3A_760 = arith.constant 400 : index
        %swap3A_761 = tpu.vector_load %arg14[%swap3A_759, %swap3A_760] {strides = array<i32>} : memref<32x768xf32, #tpu.memory_space<vmem>>, vector<1x16xf32>,
        %swap3A_762 = vector.shape_cast %swap3A_761 : vector<1x16xf32> to vector<16xf32>
        %swap3A_763 = vector.shape_cast %add3A_758 : vector<16xf32> to vector<1x16xf32>
        tpu.vector_store %arg14[%swap3A_759, %swap3A_760], %swap3A_763 {strides = array<i32>} : memref<32x768xf32, #tpu.memory_space<vmem>>, vector<1x16xf32>,
        %get3A_764 = arith.index_cast %scan3A_503 : i32 to index
        %get3A_765 = arith.constant 416 : index
        %get3A_766 = tpu.vector_load %arg11[%get3A_764, %get3A_765] {strides = array<i32>} : memref<32x768xf32, #tpu.memory_space<vmem>>, vector<1x16xf32>,
        %get3A_767 = vector.shape_cast %get3A_766 : vector<1x16xf32> to vector<16xf32>
        %add3A_768 = arith.addf %get3A_767, %get3A_204 : vector<16xf32>
        %swap3A_769 = arith.index_cast %scan3A_503 : i32 to index
        %swap3A_770 = arith.constant 416 : index
        %swap3A_771 = tpu.vector_load %arg14[%swap3A_769, %swap3A_770] {strides = array<i32>} : memref<32x768xf32, #tpu.memory_space<vmem>>, vector<1x16xf32>,
        %swap3A_772 = vector.shape_cast %swap3A_771 : vector<1x16xf32> to vector<16xf32>
        %swap3A_773 = vector.shape_cast %add3A_768 : vector<16xf32> to vector<1x16xf32>
        tpu.vector_store %arg14[%swap3A_769, %swap3A_770], %swap3A_773 {strides = array<i32>} : memref<32x768xf32, #tpu.memory_space<vmem>>, vector<1x16xf32>,
        %get3A_774 = arith.index_cast %scan3A_503 : i32 to index
        %get3A_775 = arith.constant 432 : index
        %get3A_776 = tpu.vector_load %arg11[%get3A_774, %get3A_775] {strides = array<i32>} : memref<32x768xf32, #tpu.memory_space<vmem>>, vector<1x16xf32>,
        %get3A_777 = vector.shape_cast %get3A_776 : vector<1x16xf32> to vector<16xf32>
        %add3A_778 = arith.addf %get3A_777, %get3A_208 : vector<16xf32>
        %swap3A_779 = arith.index_cast %scan3A_503 : i32 to index
        %swap3A_780 = arith.constant 432 : index
        %swap3A_781 = tpu.vector_load %arg14[%swap3A_779, %swap3A_780] {strides = array<i32>} : memref<32x768xf32, #tpu.memory_space<vmem>>, vector<1x16xf32>,
        %swap3A_782 = vector.shape_cast %swap3A_781 : vector<1x16xf32> to vector<16xf32>
        %swap3A_783 = vector.shape_cast %add3A_778 : vector<16xf32> to vector<1x16xf32>
        tpu.vector_store %arg14[%swap3A_779, %swap3A_780], %swap3A_783 {strides = array<i32>} : memref<32x768xf32, #tpu.memory_space<vmem>>, vector<1x16xf32>,
        %get3A_784 = arith.index_cast %scan3A_503 : i32 to index
        %get3A_785 = arith.constant 448 : index
        %get3A_786 = tpu.vector_load %arg11[%get3A_784, %get3A_785] {strides = array<i32>} : memref<32x768xf32, #tpu.memory_space<vmem>>, vector<1x16xf32>,
        %get3A_787 = vector.shape_cast %get3A_786 : vector<1x16xf32> to vector<16xf32>
        %add3A_788 = arith.addf %get3A_787, %get3A_212 : vector<16xf32>
        %swap3A_789 = arith.index_cast %scan3A_503 : i32 to index
        %swap3A_790 = arith.constant 448 : index
        %swap3A_791 = tpu.vector_load %arg14[%swap3A_789, %swap3A_790] {strides = array<i32>} : memref<32x768xf32, #tpu.memory_space<vmem>>, vector<1x16xf32>,
        %swap3A_792 = vector.shape_cast %swap3A_791 : vector<1x16xf32> to vector<16xf32>
        %swap3A_793 = vector.shape_cast %add3A_788 : vector<16xf32> to vector<1x16xf32>
        tpu.vector_store %arg14[%swap3A_789, %swap3A_790], %swap3A_793 {strides = array<i32>} : memref<32x768xf32, #tpu.memory_space<vmem>>, vector<1x16xf32>,
        %get3A_794 = arith.index_cast %scan3A_503 : i32 to index
        %get3A_795 = arith.constant 464 : index
        %get3A_796 = tpu.vector_load %arg11[%get3A_794, %get3A_795] {strides = array<i32>} : memref<32x768xf32, #tpu.memory_space<vmem>>, vector<1x16xf32>,
        %get3A_797 = vector.shape_cast %get3A_796 : vector<1x16xf32> to vector<16xf32>
        %add3A_798 = arith.addf %get3A_797, %get3A_216 : vector<16xf32>
        %swap3A_799 = arith.index_cast %scan3A_503 : i32 to index
        %swap3A_800 = arith.constant 464 : index
        %swap3A_801 = tpu.vector_load %arg14[%swap3A_799, %swap3A_800] {strides = array<i32>} : memref<32x768xf32, #tpu.memory_space<vmem>>, vector<1x16xf32>,
        %swap3A_802 = vector.shape_cast %swap3A_801 : vector<1x16xf32> to vector<16xf32>
        %swap3A_803 = vector.shape_cast %add3A_798 : vector<16xf32> to vector<1x16xf32>
        tpu.vector_store %arg14[%swap3A_799, %swap3A_800], %swap3A_803 {strides = array<i32>} : memref<32x768xf32, #tpu.memory_space<vmem>>, vector<1x16xf32>,
        %get3A_804 = arith.index_cast %scan3A_503 : i32 to index
        %get3A_805 = arith.constant 480 : index
        %get3A_806 = tpu.vector_load %arg11[%get3A_804, %get3A_805] {strides = array<i32>} : memref<32x768xf32, #tpu.memory_space<vmem>>, vector<1x16xf32>,
        %get3A_807 = vector.shape_cast %get3A_806 : vector<1x16xf32> to vector<16xf32>
        %add3A_808 = arith.addf %get3A_807, %get3A_220 : vector<16xf32>
        %swap3A_809 = arith.index_cast %scan3A_503 : i32 to index
        %swap3A_810 = arith.constant 480 : index
        %swap3A_811 = tpu.vector_load %arg14[%swap3A_809, %swap3A_810] {strides = array<i32>} : memref<32x768xf32, #tpu.memory_space<vmem>>, vector<1x16xf32>,
        %swap3A_812 = vector.shape_cast %swap3A_811 : vector<1x16xf32> to vector<16xf32>
        %swap3A_813 = vector.shape_cast %add3A_808 : vector<16xf32> to vector<1x16xf32>
        tpu.vector_store %arg14[%swap3A_809, %swap3A_810], %swap3A_813 {strides = array<i32>} : memref<32x768xf32, #tpu.memory_space<vmem>>, vector<1x16xf32>,
        %get3A_814 = arith.index_cast %scan3A_503 : i32 to index
        %get3A_815 = arith.constant 496 : index
        %get3A_816 = tpu.vector_load %arg11[%get3A_814, %get3A_815] {strides = array<i32>} : memref<32x768xf32, #tpu.memory_space<vmem>>, vector<1x16xf32>,
        %get3A_817 = vector.shape_cast %get3A_816 : vector<1x16xf32> to vector<16xf32>
        %add3A_818 = arith.addf %get3A_817, %get3A_224 : vector<16xf32>
        %swap3A_819 = arith.index_cast %scan3A_503 : i32 to index
        %swap3A_820 = arith.constant 496 : index
        %swap3A_821 = tpu.vector_load %arg14[%swap3A_819, %swap3A_820] {strides = array<i32>} : memref<32x768xf32, #tpu.memory_space<vmem>>, vector<1x16xf32>,
        %swap3A_822 = vector.shape_cast %swap3A_821 : vector<1x16xf32> to vector<16xf32>
        %swap3A_823 = vector.shape_cast %add3A_818 : vector<16xf32> to vector<1x16xf32>
        tpu.vector_store %arg14[%swap3A_819, %swap3A_820], %swap3A_823 {strides = array<i32>} : memref<32x768xf32, #tpu.memory_space<vmem>>, vector<1x16xf32>,
        %get3A_824 = arith.index_cast %scan3A_503 : i32 to index
        %get3A_825 = arith.constant 512 : index
        %get3A_826 = tpu.vector_load %arg11[%get3A_824, %get3A_825] {strides = array<i32>} : memref<32x768xf32, #tpu.memory_space<vmem>>, vector<1x16xf32>,
        %get3A_827 = vector.shape_cast %get3A_826 : vector<1x16xf32> to vector<16xf32>
        %add3A_828 = arith.addf %get3A_827, %get3A_228 : vector<16xf32>
        %swap3A_829 = arith.index_cast %scan3A_503 : i32 to index
        %swap3A_830 = arith.constant 512 : index
        %swap3A_831 = tpu.vector_load %arg14[%swap3A_829, %swap3A_830] {strides = array<i32>} : memref<32x768xf32, #tpu.memory_space<vmem>>, vector<1x16xf32>,
        %swap3A_832 = vector.shape_cast %swap3A_831 : vector<1x16xf32> to vector<16xf32>
        %swap3A_833 = vector.shape_cast %add3A_828 : vector<16xf32> to vector<1x16xf32>
        tpu.vector_store %arg14[%swap3A_829, %swap3A_830], %swap3A_833 {strides = array<i32>} : memref<32x768xf32, #tpu.memory_space<vmem>>, vector<1x16xf32>,
        %get3A_834 = arith.index_cast %scan3A_503 : i32 to index
        %get3A_835 = arith.constant 528 : index
        %get3A_836 = tpu.vector_load %arg11[%get3A_834, %get3A_835] {strides = array<i32>} : memref<32x768xf32, #tpu.memory_space<vmem>>, vector<1x16xf32>,
        %get3A_837 = vector.shape_cast %get3A_836 : vector<1x16xf32> to vector<16xf32>
        %add3A_838 = arith.addf %get3A_837, %get3A_232 : vector<16xf32>
        %swap3A_839 = arith.index_cast %scan3A_503 : i32 to index
        %swap3A_840 = arith.constant 528 : index
        %swap3A_841 = tpu.vector_load %arg14[%swap3A_839, %swap3A_840] {strides = array<i32>} : memref<32x768xf32, #tpu.memory_space<vmem>>, vector<1x16xf32>,
        %swap3A_842 = vector.shape_cast %swap3A_841 : vector<1x16xf32> to vector<16xf32>
        %swap3A_843 = vector.shape_cast %add3A_838 : vector<16xf32> to vector<1x16xf32>
        tpu.vector_store %arg14[%swap3A_839, %swap3A_840], %swap3A_843 {strides = array<i32>} : memref<32x768xf32, #tpu.memory_space<vmem>>, vector<1x16xf32>,
        %get3A_844 = arith.index_cast %scan3A_503 : i32 to index
        %get3A_845 = arith.constant 544 : index
        %get3A_846 = tpu.vector_load %arg11[%get3A_844, %get3A_845] {strides = array<i32>} : memref<32x768xf32, #tpu.memory_space<vmem>>, vector<1x16xf32>,
        %get3A_847 = vector.shape_cast %get3A_846 : vector<1x16xf32> to vector<16xf32>
        %add3A_848 = arith.addf %get3A_847, %get3A_236 : vector<16xf32>
        %swap3A_849 = arith.index_cast %scan3A_503 : i32 to index
        %swap3A_850 = arith.constant 544 : index
        %swap3A_851 = tpu.vector_load %arg14[%swap3A_849, %swap3A_850] {strides = array<i32>} : memref<32x768xf32, #tpu.memory_space<vmem>>, vector<1x16xf32>,
        %swap3A_852 = vector.shape_cast %swap3A_851 : vector<1x16xf32> to vector<16xf32>
        %swap3A_853 = vector.shape_cast %add3A_848 : vector<16xf32> to vector<1x16xf32>
        tpu.vector_store %arg14[%swap3A_849, %swap3A_850], %swap3A_853 {strides = array<i32>} : memref<32x768xf32, #tpu.memory_space<vmem>>, vector<1x16xf32>,
        %get3A_854 = arith.index_cast %scan3A_503 : i32 to index
        %get3A_855 = arith.constant 560 : index
        %get3A_856 = tpu.vector_load %arg11[%get3A_854, %get3A_855] {strides = array<i32>} : memref<32x768xf32, #tpu.memory_space<vmem>>, vector<1x16xf32>,
        %get3A_857 = vector.shape_cast %get3A_856 : vector<1x16xf32> to vector<16xf32>
        %add3A_858 = arith.addf %get3A_857, %get3A_240 : vector<16xf32>
        %swap3A_859 = arith.index_cast %scan3A_503 : i32 to index
        %swap3A_860 = arith.constant 560 : index
        %swap3A_861 = tpu.vector_load %arg14[%swap3A_859, %swap3A_860] {strides = array<i32>} : memref<32x768xf32, #tpu.memory_space<vmem>>, vector<1x16xf32>,
        %swap3A_862 = vector.shape_cast %swap3A_861 : vector<1x16xf32> to vector<16xf32>
        %swap3A_863 = vector.shape_cast %add3A_858 : vector<16xf32> to vector<1x16xf32>
        tpu.vector_store %arg14[%swap3A_859, %swap3A_860], %swap3A_863 {strides = array<i32>} : memref<32x768xf32, #tpu.memory_space<vmem>>, vector<1x16xf32>,
        %get3A_864 = arith.index_cast %scan3A_503 : i32 to index
        %get3A_865 = arith.constant 576 : index
        %get3A_866 = tpu.vector_load %arg11[%get3A_864, %get3A_865] {strides = array<i32>} : memref<32x768xf32, #tpu.memory_space<vmem>>, vector<1x16xf32>,
        %get3A_867 = vector.shape_cast %get3A_866 : vector<1x16xf32> to vector<16xf32>
        %add3A_868 = arith.addf %get3A_867, %get3A_244 : vector<16xf32>
        %swap3A_869 = arith.index_cast %scan3A_503 : i32 to index
        %swap3A_870 = arith.constant 576 : index
        %swap3A_871 = tpu.vector_load %arg14[%swap3A_869, %swap3A_870] {strides = array<i32>} : memref<32x768xf32, #tpu.memory_space<vmem>>, vector<1x16xf32>,
        %swap3A_872 = vector.shape_cast %swap3A_871 : vector<1x16xf32> to vector<16xf32>
        %swap3A_873 = vector.shape_cast %add3A_868 : vector<16xf32> to vector<1x16xf32>
        tpu.vector_store %arg14[%swap3A_869, %swap3A_870], %swap3A_873 {strides = array<i32>} : memref<32x768xf32, #tpu.memory_space<vmem>>, vector<1x16xf32>,
        %get3A_874 = arith.index_cast %scan3A_503 : i32 to index
        %get3A_875 = arith.constant 592 : index
        %get3A_876 = tpu.vector_load %arg11[%get3A_874, %get3A_875] {strides = array<i32>} : memref<32x768xf32, #tpu.memory_space<vmem>>, vector<1x16xf32>,
        %get3A_877 = vector.shape_cast %get3A_876 : vector<1x16xf32> to vector<16xf32>
        %add3A_878 = arith.addf %get3A_877, %get3A_248 : vector<16xf32>
        %swap3A_879 = arith.index_cast %scan3A_503 : i32 to index
        %swap3A_880 = arith.constant 592 : index
        %swap3A_881 = tpu.vector_load %arg14[%swap3A_879, %swap3A_880] {strides = array<i32>} : memref<32x768xf32, #tpu.memory_space<vmem>>, vector<1x16xf32>,
        %swap3A_882 = vector.shape_cast %swap3A_881 : vector<1x16xf32> to vector<16xf32>
        %swap3A_883 = vector.shape_cast %add3A_878 : vector<16xf32> to vector<1x16xf32>
        tpu.vector_store %arg14[%swap3A_879, %swap3A_880], %swap3A_883 {strides = array<i32>} : memref<32x768xf32, #tpu.memory_space<vmem>>, vector<1x16xf32>,
        %get3A_884 = arith.index_cast %scan3A_503 : i32 to index
        %get3A_885 = arith.constant 608 : index
        %get3A_886 = tpu.vector_load %arg11[%get3A_884, %get3A_885] {strides = array<i32>} : memref<32x768xf32, #tpu.memory_space<vmem>>, vector<1x16xf32>,
        %get3A_887 = vector.shape_cast %get3A_886 : vector<1x16xf32> to vector<16xf32>
        %add3A_888 = arith.addf %get3A_887, %get3A_252 : vector<16xf32>
        %swap3A_889 = arith.index_cast %scan3A_503 : i32 to index
        %swap3A_890 = arith.constant 608 : index
        %swap3A_891 = tpu.vector_load %arg14[%swap3A_889, %swap3A_890] {strides = array<i32>} : memref<32x768xf32, #tpu.memory_space<vmem>>, vector<1x16xf32>,
        %swap3A_892 = vector.shape_cast %swap3A_891 : vector<1x16xf32> to vector<16xf32>
        %swap3A_893 = vector.shape_cast %add3A_888 : vector<16xf32> to vector<1x16xf32>
        tpu.vector_store %arg14[%swap3A_889, %swap3A_890], %swap3A_893 {strides = array<i32>} : memref<32x768xf32, #tpu.memory_space<vmem>>, vector<1x16xf32>,
        %get3A_894 = arith.index_cast %scan3A_503 : i32 to index
        %get3A_895 = arith.constant 624 : index
        %get3A_896 = tpu.vector_load %arg11[%get3A_894, %get3A_895] {strides = array<i32>} : memref<32x768xf32, #tpu.memory_space<vmem>>, vector<1x16xf32>,
        %get3A_897 = vector.shape_cast %get3A_896 : vector<1x16xf32> to vector<16xf32>
        %add3A_898 = arith.addf %get3A_897, %get3A_256 : vector<16xf32>
        %swap3A_899 = arith.index_cast %scan3A_503 : i32 to index
        %swap3A_900 = arith.constant 624 : index
        %swap3A_901 = tpu.vector_load %arg14[%swap3A_899, %swap3A_900] {strides = array<i32>} : memref<32x768xf32, #tpu.memory_space<vmem>>, vector<1x16xf32>,
        %swap3A_902 = vector.shape_cast %swap3A_901 : vector<1x16xf32> to vector<16xf32>
        %swap3A_903 = vector.shape_cast %add3A_898 : vector<16xf32> to vector<1x16xf32>
        tpu.vector_store %arg14[%swap3A_899, %swap3A_900], %swap3A_903 {strides = array<i32>} : memref<32x768xf32, #tpu.memory_space<vmem>>, vector<1x16xf32>,
        %get3A_904 = arith.index_cast %scan3A_503 : i32 to index
        %get3A_905 = arith.constant 640 : index
        %get3A_906 = tpu.vector_load %arg11[%get3A_904, %get3A_905] {strides = array<i32>} : memref<32x768xf32, #tpu.memory_space<vmem>>, vector<1x16xf32>,
        %get3A_907 = vector.shape_cast %get3A_906 : vector<1x16xf32> to vector<16xf32>
        %add3A_908 = arith.addf %get3A_907, %get3A_260 : vector<16xf32>
        %swap3A_909 = arith.index_cast %scan3A_503 : i32 to index
        %swap3A_910 = arith.constant 640 : index
        %swap3A_911 = tpu.vector_load %arg14[%swap3A_909, %swap3A_910] {strides = array<i32>} : memref<32x768xf32, #tpu.memory_space<vmem>>, vector<1x16xf32>,
        %swap3A_912 = vector.shape_cast %swap3A_911 : vector<1x16xf32> to vector<16xf32>
        %swap3A_913 = vector.shape_cast %add3A_908 : vector<16xf32> to vector<1x16xf32>
        tpu.vector_store %arg14[%swap3A_909, %swap3A_910], %swap3A_913 {strides = array<i32>} : memref<32x768xf32, #tpu.memory_space<vmem>>, vector<1x16xf32>,
        %get3A_914 = arith.index_cast %scan3A_503 : i32 to index
        %get3A_915 = arith.constant 656 : index
        %get3A_916 = tpu.vector_load %arg11[%get3A_914, %get3A_915] {strides = array<i32>} : memref<32x768xf32, #tpu.memory_space<vmem>>, vector<1x16xf32>,
        %get3A_917 = vector.shape_cast %get3A_916 : vector<1x16xf32> to vector<16xf32>
        %add3A_918 = arith.addf %get3A_917, %get3A_264 : vector<16xf32>
        %swap3A_919 = arith.index_cast %scan3A_503 : i32 to index
        %swap3A_920 = arith.constant 656 : index
        %swap3A_921 = tpu.vector_load %arg14[%swap3A_919, %swap3A_920] {strides = array<i32>} : memref<32x768xf32, #tpu.memory_space<vmem>>, vector<1x16xf32>,
        %swap3A_922 = vector.shape_cast %swap3A_921 : vector<1x16xf32> to vector<16xf32>
        %swap3A_923 = vector.shape_cast %add3A_918 : vector<16xf32> to vector<1x16xf32>
        tpu.vector_store %arg14[%swap3A_919, %swap3A_920], %swap3A_923 {strides = array<i32>} : memref<32x768xf32, #tpu.memory_space<vmem>>, vector<1x16xf32>,
        %get3A_924 = arith.index_cast %scan3A_503 : i32 to index
        %get3A_925 = arith.constant 672 : index
        %get3A_926 = tpu.vector_load %arg11[%get3A_924, %get3A_925] {strides = array<i32>} : memref<32x768xf32, #tpu.memory_space<vmem>>, vector<1x16xf32>,
        %get3A_927 = vector.shape_cast %get3A_926 : vector<1x16xf32> to vector<16xf32>
        %add3A_928 = arith.addf %get3A_927, %get3A_268 : vector<16xf32>
        %swap3A_929 = arith.index_cast %scan3A_503 : i32 to index
        %swap3A_930 = arith.constant 672 : index
        %swap3A_931 = tpu.vector_load %arg14[%swap3A_929, %swap3A_930] {strides = array<i32>} : memref<32x768xf32, #tpu.memory_space<vmem>>, vector<1x16xf32>,
        %swap3A_932 = vector.shape_cast %swap3A_931 : vector<1x16xf32> to vector<16xf32>
        %swap3A_933 = vector.shape_cast %add3A_928 : vector<16xf32> to vector<1x16xf32>
        tpu.vector_store %arg14[%swap3A_929, %swap3A_930], %swap3A_933 {strides = array<i32>} : memref<32x768xf32, #tpu.memory_space<vmem>>, vector<1x16xf32>,
        %get3A_934 = arith.index_cast %scan3A_503 : i32 to index
        %get3A_935 = arith.constant 688 : index
        %get3A_936 = tpu.vector_load %arg11[%get3A_934, %get3A_935] {strides = array<i32>} : memref<32x768xf32, #tpu.memory_space<vmem>>, vector<1x16xf32>,
        %get3A_937 = vector.shape_cast %get3A_936 : vector<1x16xf32> to vector<16xf32>
        %add3A_938 = arith.addf %get3A_937, %get3A_272 : vector<16xf32>
        %swap3A_939 = arith.index_cast %scan3A_503 : i32 to index
        %swap3A_940 = arith.constant 688 : index
        %swap3A_941 = tpu.vector_load %arg14[%swap3A_939, %swap3A_940] {strides = array<i32>} : memref<32x768xf32, #tpu.memory_space<vmem>>, vector<1x16xf32>,
        %swap3A_942 = vector.shape_cast %swap3A_941 : vector<1x16xf32> to vector<16xf32>
        %swap3A_943 = vector.shape_cast %add3A_938 : vector<16xf32> to vector<1x16xf32>
        tpu.vector_store %arg14[%swap3A_939, %swap3A_940], %swap3A_943 {strides = array<i32>} : memref<32x768xf32, #tpu.memory_space<vmem>>, vector<1x16xf32>,
        %get3A_944 = arith.index_cast %scan3A_503 : i32 to index
        %get3A_945 = arith.constant 704 : index
        %get3A_946 = tpu.vector_load %arg11[%get3A_944, %get3A_945] {strides = array<i32>} : memref<32x768xf32, #tpu.memory_space<vmem>>, vector<1x16xf32>,
        %get3A_947 = vector.shape_cast %get3A_946 : vector<1x16xf32> to vector<16xf32>
        %add3A_948 = arith.addf %get3A_947, %get3A_276 : vector<16xf32>
        %swap3A_949 = arith.index_cast %scan3A_503 : i32 to index
        %swap3A_950 = arith.constant 704 : index
        %swap3A_951 = tpu.vector_load %arg14[%swap3A_949, %swap3A_950] {strides = array<i32>} : memref<32x768xf32, #tpu.memory_space<vmem>>, vector<1x16xf32>,
        %swap3A_952 = vector.shape_cast %swap3A_951 : vector<1x16xf32> to vector<16xf32>
        %swap3A_953 = vector.shape_cast %add3A_948 : vector<16xf32> to vector<1x16xf32>
        tpu.vector_store %arg14[%swap3A_949, %swap3A_950], %swap3A_953 {strides = array<i32>} : memref<32x768xf32, #tpu.memory_space<vmem>>, vector<1x16xf32>,
        %get3A_954 = arith.index_cast %scan3A_503 : i32 to index
        %get3A_955 = arith.constant 720 : index
        %get3A_956 = tpu.vector_load %arg11[%get3A_954, %get3A_955] {strides = array<i32>} : memref<32x768xf32, #tpu.memory_space<vmem>>, vector<1x16xf32>,
        %get3A_957 = vector.shape_cast %get3A_956 : vector<1x16xf32> to vector<16xf32>
        %add3A_958 = arith.addf %get3A_957, %get3A_280 : vector<16xf32>
        %swap3A_959 = arith.index_cast %scan3A_503 : i32 to index
        %swap3A_960 = arith.constant 720 : index
        %swap3A_961 = tpu.vector_load %arg14[%swap3A_959, %swap3A_960] {strides = array<i32>} : memref<32x768xf32, #tpu.memory_space<vmem>>, vector<1x16xf32>,
        %swap3A_962 = vector.shape_cast %swap3A_961 : vector<1x16xf32> to vector<16xf32>
        %swap3A_963 = vector.shape_cast %add3A_958 : vector<16xf32> to vector<1x16xf32>
        tpu.vector_store %arg14[%swap3A_959, %swap3A_960], %swap3A_963 {strides = array<i32>} : memref<32x768xf32, #tpu.memory_space<vmem>>, vector<1x16xf32>,
        %get3A_964 = arith.index_cast %scan3A_503 : i32 to index
        %get3A_965 = arith.constant 736 : index
        %get3A_966 = tpu.vector_load %arg11[%get3A_964, %get3A_965] {strides = array<i32>} : memref<32x768xf32, #tpu.memory_space<vmem>>, vector<1x16xf32>,
        %get3A_967 = vector.shape_cast %get3A_966 : vector<1x16xf32> to vector<16xf32>
        %add3A_968 = arith.addf %get3A_967, %get3A_284 : vector<16xf32>
        %swap3A_969 = arith.index_cast %scan3A_503 : i32 to index
        %swap3A_970 = arith.constant 736 : index
        %swap3A_971 = tpu.vector_load %arg14[%swap3A_969, %swap3A_970] {strides = array<i32>} : memref<32x768xf32, #tpu.memory_space<vmem>>, vector<1x16xf32>,
        %swap3A_972 = vector.shape_cast %swap3A_971 : vector<1x16xf32> to vector<16xf32>
        %swap3A_973 = vector.shape_cast %add3A_968 : vector<16xf32> to vector<1x16xf32>
        tpu.vector_store %arg14[%swap3A_969, %swap3A_970], %swap3A_973 {strides = array<i32>} : memref<32x768xf32, #tpu.memory_space<vmem>>, vector<1x16xf32>,
        %get3A_974 = arith.index_cast %scan3A_503 : i32 to index
        %get3A_975 = arith.constant 752 : index
        %get3A_976 = tpu.vector_load %arg11[%get3A_974, %get3A_975] {strides = array<i32>} : memref<32x768xf32, #tpu.memory_space<vmem>>, vector<1x16xf32>,
        %get3A_977 = vector.shape_cast %get3A_976 : vector<1x16xf32> to vector<16xf32>
        %add3A_978 = arith.addf %get3A_977, %get3A_288 : vector<16xf32>
        %swap3A_979 = arith.index_cast %scan3A_503 : i32 to index
        %swap3A_980 = arith.constant 752 : index
        %swap3A_981 = tpu.vector_load %arg14[%swap3A_979, %swap3A_980] {strides = array<i32>} : memref<32x768xf32, #tpu.memory_space<vmem>>, vector<1x16xf32>,
        %swap3A_982 = vector.shape_cast %swap3A_981 : vector<1x16xf32> to vector<16xf32>
        %swap3A_983 = vector.shape_cast %add3A_978 : vector<16xf32> to vector<1x16xf32>
        tpu.vector_store %arg14[%swap3A_979, %swap3A_980], %swap3A_983 {strides = array<i32>} : memref<32x768xf32, #tpu.memory_space<vmem>>, vector<1x16xf32>,
      }
      %scan3A_294 = arith.constant 32 : i32
      %mul3A_295 = arith.constant 32 : i32
      %mul3A_296 = arith.muli %mul3A_96, %mul3A_295 : i32
      %add3A_297 = arith.addi %mul3A_87, %mul3A_296 : i32
      "tpu.region"() ({
        %run_scoped3A = tpu.sem_alloc : memref<!tpu.dma_semaphore, #tpu.memory_space<semaphore_mem>>
        %dma_start3A_503 = arith.constant 0 : i32
        %dma_start3A_504 = tpu.memref_slice %arg6[%add3A_297, %dma_start3A_503] : memref<65536x768xf32, #tpu.memory_space<hbm>> -> memref<32x768xf32, #tpu.memory_space<hbm>>
        %dma_start3A_505 = arith.constant 0 : i32
        %dma_start3A_506 = tpu.memref_slice %arg6[%add3A_297, %dma_start3A_505] : memref<65536x768xf32, #tpu.memory_space<hbm>> -> memref<32x768xf32, #tpu.memory_space<hbm>>
        tpu.enqueue_dma source(%arg14 : memref<32x768xf32, #tpu.memory_space<vmem>>) target(%dma_start3A_506 : memref<32x768xf32, #tpu.memory_space<hbm>>) target_semaphore(%run_scoped3A : memref<!tpu.dma_semaphore, #tpu.memory_space<semaphore_mem>>)
        %dma_wait3A_507 = arith.constant 0 : i32
        %dma_wait3A_508 = tpu.memref_slice %arg6[%add3A_297, %dma_wait3A_507] : memref<65536x768xf32, #tpu.memory_space<hbm>> -> memref<32x768xf32, #tpu.memory_space<hbm>>
        %dma_wait3A_509 = arith.constant 0 : i32
        %dma_wait3A_510 = tpu.memref_slice %arg6[%add3A_297, %dma_wait3A_509] : memref<65536x768xf32, #tpu.memory_space<hbm>> -> memref<32x768xf32, #tpu.memory_space<hbm>>
        tpu.wait_dma2 semaphore(%run_scoped3A : memref<!tpu.dma_semaphore, #tpu.memory_space<semaphore_mem>>) src(%arg14 : memref<32x768xf32, #tpu.memory_space<vmem>>) dst(%dma_wait3A_510 : memref<32x768xf32, #tpu.memory_space<hbm>>)
        tpu.yield
      }) : () -> ()
      %add3A_298 = arith.constant 1 : i32
      %add3A_299 = arith.addi %mul3A_96, %add3A_298 : i32
      %get3A_300 = arith.index_cast %add3A_299 : i32 to index
      %get3A_301 = arith.constant 0 : index
      %get3A_302 = tpu.vector_load %arg13[%get3A_300, %get3A_301] {strides = array<i32>} : memref<32x768xf32, #tpu.memory_space<vmem>>, vector<1x16xf32>,
      %get3A_303 = vector.shape_cast %get3A_302 : vector<1x16xf32> to vector<16xf32>
      %get3A_304 = arith.index_cast %add3A_299 : i32 to index
      %get3A_305 = arith.constant 16 : index
      %get3A_306 = tpu.vector_load %arg13[%get3A_304, %get3A_305] {strides = array<i32>} : memref<32x768xf32, #tpu.memory_space<vmem>>, vector<1x16xf32>,
      %get3A_307 = vector.shape_cast %get3A_306 : vector<1x16xf32> to vector<16xf32>
      %get3A_308 = arith.index_cast %add3A_299 : i32 to index
      %get3A_309 = arith.constant 32 : index
      %get3A_310 = tpu.vector_load %arg13[%get3A_308, %get3A_309] {strides = array<i32>} : memref<32x768xf32, #tpu.memory_space<vmem>>, vector<1x16xf32>,
      %get3A_311 = vector.shape_cast %get3A_310 : vector<1x16xf32> to vector<16xf32>
      %get3A_312 = arith.index_cast %add3A_299 : i32 to index
      %get3A_313 = arith.constant 48 : index
      %get3A_314 = tpu.vector_load %arg13[%get3A_312, %get3A_313] {strides = array<i32>} : memref<32x768xf32, #tpu.memory_space<vmem>>, vector<1x16xf32>,
      %get3A_315 = vector.shape_cast %get3A_314 : vector<1x16xf32> to vector<16xf32>
      %get3A_316 = arith.index_cast %add3A_299 : i32 to index
      %get3A_317 = arith.constant 64 : index
      %get3A_318 = tpu.vector_load %arg13[%get3A_316, %get3A_317] {strides = array<i32>} : memref<32x768xf32, #tpu.memory_space<vmem>>, vector<1x16xf32>,
      %get3A_319 = vector.shape_cast %get3A_318 : vector<1x16xf32> to vector<16xf32>
      %get3A_320 = arith.index_cast %add3A_299 : i32 to index
      %get3A_321 = arith.constant 80 : index
      %get3A_322 = tpu.vector_load %arg13[%get3A_320, %get3A_321] {strides = array<i32>} : memref<32x768xf32, #tpu.memory_space<vmem>>, vector<1x16xf32>,
      %get3A_323 = vector.shape_cast %get3A_322 : vector<1x16xf32> to vector<16xf32>
      %get3A_324 = arith.index_cast %add3A_299 : i32 to index
      %get3A_325 = arith.constant 96 : index
      %get3A_326 = tpu.vector_load %arg13[%get3A_324, %get3A_325] {strides = array<i32>} : memref<32x768xf32, #tpu.memory_space<vmem>>, vector<1x16xf32>,
      %get3A_327 = vector.shape_cast %get3A_326 : vector<1x16xf32> to vector<16xf32>
      %get3A_328 = arith.index_cast %add3A_299 : i32 to index
      %get3A_329 = arith.constant 112 : index
      %get3A_330 = tpu.vector_load %arg13[%get3A_328, %get3A_329] {strides = array<i32>} : memref<32x768xf32, #tpu.memory_space<vmem>>, vector<1x16xf32>,
      %get3A_331 = vector.shape_cast %get3A_330 : vector<1x16xf32> to vector<16xf32>
      %get3A_332 = arith.index_cast %add3A_299 : i32 to index
      %get3A_333 = arith.constant 128 : index
      %get3A_334 = tpu.vector_load %arg13[%get3A_332, %get3A_333] {strides = array<i32>} : memref<32x768xf32, #tpu.memory_space<vmem>>, vector<1x16xf32>,
      %get3A_335 = vector.shape_cast %get3A_334 : vector<1x16xf32> to vector<16xf32>
      %get3A_336 = arith.index_cast %add3A_299 : i32 to index
      %get3A_337 = arith.constant 144 : index
      %get3A_338 = tpu.vector_load %arg13[%get3A_336, %get3A_337] {strides = array<i32>} : memref<32x768xf32, #tpu.memory_space<vmem>>, vector<1x16xf32>,
      %get3A_339 = vector.shape_cast %get3A_338 : vector<1x16xf32> to vector<16xf32>
      %get3A_340 = arith.index_cast %add3A_299 : i32 to index
      %get3A_341 = arith.constant 160 : index
      %get3A_342 = tpu.vector_load %arg13[%get3A_340, %get3A_341] {strides = array<i32>} : memref<32x768xf32, #tpu.memory_space<vmem>>, vector<1x16xf32>,
      %get3A_343 = vector.shape_cast %get3A_342 : vector<1x16xf32> to vector<16xf32>
      %get3A_344 = arith.index_cast %add3A_299 : i32 to index
      %get3A_345 = arith.constant 176 : index
      %get3A_346 = tpu.vector_load %arg13[%get3A_344, %get3A_345] {strides = array<i32>} : memref<32x768xf32, #tpu.memory_space<vmem>>, vector<1x16xf32>,
      %get3A_347 = vector.shape_cast %get3A_346 : vector<1x16xf32> to vector<16xf32>
      %get3A_348 = arith.index_cast %add3A_299 : i32 to index
      %get3A_349 = arith.constant 192 : index
      %get3A_350 = tpu.vector_load %arg13[%get3A_348, %get3A_349] {strides = array<i32>} : memref<32x768xf32, #tpu.memory_space<vmem>>, vector<1x16xf32>,
      %get3A_351 = vector.shape_cast %get3A_350 : vector<1x16xf32> to vector<16xf32>
      %get3A_352 = arith.index_cast %add3A_299 : i32 to index
      %get3A_353 = arith.constant 208 : index
      %get3A_354 = tpu.vector_load %arg13[%get3A_352, %get3A_353] {strides = array<i32>} : memref<32x768xf32, #tpu.memory_space<vmem>>, vector<1x16xf32>,
      %get3A_355 = vector.shape_cast %get3A_354 : vector<1x16xf32> to vector<16xf32>
      %get3A_356 = arith.index_cast %add3A_299 : i32 to index
      %get3A_357 = arith.constant 224 : index
      %get3A_358 = tpu.vector_load %arg13[%get3A_356, %get3A_357] {strides = array<i32>} : memref<32x768xf32, #tpu.memory_space<vmem>>, vector<1x16xf32>,
      %get3A_359 = vector.shape_cast %get3A_358 : vector<1x16xf32> to vector<16xf32>
      %get3A_360 = arith.index_cast %add3A_299 : i32 to index
      %get3A_361 = arith.constant 240 : index
      %get3A_362 = tpu.vector_load %arg13[%get3A_360, %get3A_361] {strides = array<i32>} : memref<32x768xf32, #tpu.memory_space<vmem>>, vector<1x16xf32>,
      %get3A_363 = vector.shape_cast %get3A_362 : vector<1x16xf32> to vector<16xf32>
      %get3A_364 = arith.index_cast %add3A_299 : i32 to index
      %get3A_365 = arith.constant 256 : index
      %get3A_366 = tpu.vector_load %arg13[%get3A_364, %get3A_365] {strides = array<i32>} : memref<32x768xf32, #tpu.memory_space<vmem>>, vector<1x16xf32>,
      %get3A_367 = vector.shape_cast %get3A_366 : vector<1x16xf32> to vector<16xf32>
      %get3A_368 = arith.index_cast %add3A_299 : i32 to index
      %get3A_369 = arith.constant 272 : index
      %get3A_370 = tpu.vector_load %arg13[%get3A_368, %get3A_369] {strides = array<i32>} : memref<32x768xf32, #tpu.memory_space<vmem>>, vector<1x16xf32>,
      %get3A_371 = vector.shape_cast %get3A_370 : vector<1x16xf32> to vector<16xf32>
      %get3A_372 = arith.index_cast %add3A_299 : i32 to index
      %get3A_373 = arith.constant 288 : index
      %get3A_374 = tpu.vector_load %arg13[%get3A_372, %get3A_373] {strides = array<i32>} : memref<32x768xf32, #tpu.memory_space<vmem>>, vector<1x16xf32>,
      %get3A_375 = vector.shape_cast %get3A_374 : vector<1x16xf32> to vector<16xf32>
      %get3A_376 = arith.index_cast %add3A_299 : i32 to index
      %get3A_377 = arith.constant 304 : index
      %get3A_378 = tpu.vector_load %arg13[%get3A_376, %get3A_377] {strides = array<i32>} : memref<32x768xf32, #tpu.memory_space<vmem>>, vector<1x16xf32>,
      %get3A_379 = vector.shape_cast %get3A_378 : vector<1x16xf32> to vector<16xf32>
      %get3A_380 = arith.index_cast %add3A_299 : i32 to index
      %get3A_381 = arith.constant 320 : index
      %get3A_382 = tpu.vector_load %arg13[%get3A_380, %get3A_381] {strides = array<i32>} : memref<32x768xf32, #tpu.memory_space<vmem>>, vector<1x16xf32>,
      %get3A_383 = vector.shape_cast %get3A_382 : vector<1x16xf32> to vector<16xf32>
      %get3A_384 = arith.index_cast %add3A_299 : i32 to index
      %get3A_385 = arith.constant 336 : index
      %get3A_386 = tpu.vector_load %arg13[%get3A_384, %get3A_385] {strides = array<i32>} : memref<32x768xf32, #tpu.memory_space<vmem>>, vector<1x16xf32>,
      %get3A_387 = vector.shape_cast %get3A_386 : vector<1x16xf32> to vector<16xf32>
      %get3A_388 = arith.index_cast %add3A_299 : i32 to index
      %get3A_389 = arith.constant 352 : index
      %get3A_390 = tpu.vector_load %arg13[%get3A_388, %get3A_389] {strides = array<i32>} : memref<32x768xf32, #tpu.memory_space<vmem>>, vector<1x16xf32>,
      %get3A_391 = vector.shape_cast %get3A_390 : vector<1x16xf32> to vector<16xf32>
      %get3A_392 = arith.index_cast %add3A_299 : i32 to index
      %get3A_393 = arith.constant 368 : index
      %get3A_394 = tpu.vector_load %arg13[%get3A_392, %get3A_393] {strides = array<i32>} : memref<32x768xf32, #tpu.memory_space<vmem>>, vector<1x16xf32>,
      %get3A_395 = vector.shape_cast %get3A_394 : vector<1x16xf32> to vector<16xf32>
      %get3A_396 = arith.index_cast %add3A_299 : i32 to index
      %get3A_397 = arith.constant 384 : index
      %get3A_398 = tpu.vector_load %arg13[%get3A_396, %get3A_397] {strides = array<i32>} : memref<32x768xf32, #tpu.memory_space<vmem>>, vector<1x16xf32>,
      %get3A_399 = vector.shape_cast %get3A_398 : vector<1x16xf32> to vector<16xf32>
      %get3A_400 = arith.index_cast %add3A_299 : i32 to index
      %get3A_401 = arith.constant 400 : index
      %get3A_402 = tpu.vector_load %arg13[%get3A_400, %get3A_401] {strides = array<i32>} : memref<32x768xf32, #tpu.memory_space<vmem>>, vector<1x16xf32>,
      %get3A_403 = vector.shape_cast %get3A_402 : vector<1x16xf32> to vector<16xf32>
      %get3A_404 = arith.index_cast %add3A_299 : i32 to index
      %get3A_405 = arith.constant 416 : index
      %get3A_406 = tpu.vector_load %arg13[%get3A_404, %get3A_405] {strides = array<i32>} : memref<32x768xf32, #tpu.memory_space<vmem>>, vector<1x16xf32>,
      %get3A_407 = vector.shape_cast %get3A_406 : vector<1x16xf32> to vector<16xf32>
      %get3A_408 = arith.index_cast %add3A_299 : i32 to index
      %get3A_409 = arith.constant 432 : index
      %get3A_410 = tpu.vector_load %arg13[%get3A_408, %get3A_409] {strides = array<i32>} : memref<32x768xf32, #tpu.memory_space<vmem>>, vector<1x16xf32>,
      %get3A_411 = vector.shape_cast %get3A_410 : vector<1x16xf32> to vector<16xf32>
      %get3A_412 = arith.index_cast %add3A_299 : i32 to index
      %get3A_413 = arith.constant 448 : index
      %get3A_414 = tpu.vector_load %arg13[%get3A_412, %get3A_413] {strides = array<i32>} : memref<32x768xf32, #tpu.memory_space<vmem>>, vector<1x16xf32>,
      %get3A_415 = vector.shape_cast %get3A_414 : vector<1x16xf32> to vector<16xf32>
      %get3A_416 = arith.index_cast %add3A_299 : i32 to index
      %get3A_417 = arith.constant 464 : index
      %get3A_418 = tpu.vector_load %arg13[%get3A_416, %get3A_417] {strides = array<i32>} : memref<32x768xf32, #tpu.memory_space<vmem>>, vector<1x16xf32>,
      %get3A_419 = vector.shape_cast %get3A_418 : vector<1x16xf32> to vector<16xf32>
      %get3A_420 = arith.index_cast %add3A_299 : i32 to index
      %get3A_421 = arith.constant 480 : index
      %get3A_422 = tpu.vector_load %arg13[%get3A_420, %get3A_421] {strides = array<i32>} : memref<32x768xf32, #tpu.memory_space<vmem>>, vector<1x16xf32>,
      %get3A_423 = vector.shape_cast %get3A_422 : vector<1x16xf32> to vector<16xf32>
      %get3A_424 = arith.index_cast %add3A_299 : i32 to index
      %get3A_425 = arith.constant 496 : index
      %get3A_426 = tpu.vector_load %arg13[%get3A_424, %get3A_425] {strides = array<i32>} : memref<32x768xf32, #tpu.memory_space<vmem>>, vector<1x16xf32>,
      %get3A_427 = vector.shape_cast %get3A_426 : vector<1x16xf32> to vector<16xf32>
      %get3A_428 = arith.index_cast %add3A_299 : i32 to index
      %get3A_429 = arith.constant 512 : index
      %get3A_430 = tpu.vector_load %arg13[%get3A_428, %get3A_429] {strides = array<i32>} : memref<32x768xf32, #tpu.memory_space<vmem>>, vector<1x16xf32>,
      %get3A_431 = vector.shape_cast %get3A_430 : vector<1x16xf32> to vector<16xf32>
      %get3A_432 = arith.index_cast %add3A_299 : i32 to index
      %get3A_433 = arith.constant 528 : index
      %get3A_434 = tpu.vector_load %arg13[%get3A_432, %get3A_433] {strides = array<i32>} : memref<32x768xf32, #tpu.memory_space<vmem>>, vector<1x16xf32>,
      %get3A_435 = vector.shape_cast %get3A_434 : vector<1x16xf32> to vector<16xf32>
      %get3A_436 = arith.index_cast %add3A_299 : i32 to index
      %get3A_437 = arith.constant 544 : index
      %get3A_438 = tpu.vector_load %arg13[%get3A_436, %get3A_437] {strides = array<i32>} : memref<32x768xf32, #tpu.memory_space<vmem>>, vector<1x16xf32>,
      %get3A_439 = vector.shape_cast %get3A_438 : vector<1x16xf32> to vector<16xf32>
      %get3A_440 = arith.index_cast %add3A_299 : i32 to index
      %get3A_441 = arith.constant 560 : index
      %get3A_442 = tpu.vector_load %arg13[%get3A_440, %get3A_441] {strides = array<i32>} : memref<32x768xf32, #tpu.memory_space<vmem>>, vector<1x16xf32>,
      %get3A_443 = vector.shape_cast %get3A_442 : vector<1x16xf32> to vector<16xf32>
      %get3A_444 = arith.index_cast %add3A_299 : i32 to index
      %get3A_445 = arith.constant 576 : index
      %get3A_446 = tpu.vector_load %arg13[%get3A_444, %get3A_445] {strides = array<i32>} : memref<32x768xf32, #tpu.memory_space<vmem>>, vector<1x16xf32>,
      %get3A_447 = vector.shape_cast %get3A_446 : vector<1x16xf32> to vector<16xf32>
      %get3A_448 = arith.index_cast %add3A_299 : i32 to index
      %get3A_449 = arith.constant 592 : index
      %get3A_450 = tpu.vector_load %arg13[%get3A_448, %get3A_449] {strides = array<i32>} : memref<32x768xf32, #tpu.memory_space<vmem>>, vector<1x16xf32>,
      %get3A_451 = vector.shape_cast %get3A_450 : vector<1x16xf32> to vector<16xf32>
      %get3A_452 = arith.index_cast %add3A_299 : i32 to index
      %get3A_453 = arith.constant 608 : index
      %get3A_454 = tpu.vector_load %arg13[%get3A_452, %get3A_453] {strides = array<i32>} : memref<32x768xf32, #tpu.memory_space<vmem>>, vector<1x16xf32>,
      %get3A_455 = vector.shape_cast %get3A_454 : vector<1x16xf32> to vector<16xf32>
      %get3A_456 = arith.index_cast %add3A_299 : i32 to index
      %get3A_457 = arith.constant 624 : index
      %get3A_458 = tpu.vector_load %arg13[%get3A_456, %get3A_457] {strides = array<i32>} : memref<32x768xf32, #tpu.memory_space<vmem>>, vector<1x16xf32>,
      %get3A_459 = vector.shape_cast %get3A_458 : vector<1x16xf32> to vector<16xf32>
      %get3A_460 = arith.index_cast %add3A_299 : i32 to index
      %get3A_461 = arith.constant 640 : index
      %get3A_462 = tpu.vector_load %arg13[%get3A_460, %get3A_461] {strides = array<i32>} : memref<32x768xf32, #tpu.memory_space<vmem>>, vector<1x16xf32>,
      %get3A_463 = vector.shape_cast %get3A_462 : vector<1x16xf32> to vector<16xf32>
      %get3A_464 = arith.index_cast %add3A_299 : i32 to index
      %get3A_465 = arith.constant 656 : index
      %get3A_466 = tpu.vector_load %arg13[%get3A_464, %get3A_465] {strides = array<i32>} : memref<32x768xf32, #tpu.memory_space<vmem>>, vector<1x16xf32>,
      %get3A_467 = vector.shape_cast %get3A_466 : vector<1x16xf32> to vector<16xf32>
      %get3A_468 = arith.index_cast %add3A_299 : i32 to index
      %get3A_469 = arith.constant 672 : index
      %get3A_470 = tpu.vector_load %arg13[%get3A_468, %get3A_469] {strides = array<i32>} : memref<32x768xf32, #tpu.memory_space<vmem>>, vector<1x16xf32>,
      %get3A_471 = vector.shape_cast %get3A_470 : vector<1x16xf32> to vector<16xf32>
      %get3A_472 = arith.index_cast %add3A_299 : i32 to index
      %get3A_473 = arith.constant 688 : index
      %get3A_474 = tpu.vector_load %arg13[%get3A_472, %get3A_473] {strides = array<i32>} : memref<32x768xf32, #tpu.memory_space<vmem>>, vector<1x16xf32>,
      %get3A_475 = vector.shape_cast %get3A_474 : vector<1x16xf32> to vector<16xf32>
      %get3A_476 = arith.index_cast %add3A_299 : i32 to index
      %get3A_477 = arith.constant 704 : index
      %get3A_478 = tpu.vector_load %arg13[%get3A_476, %get3A_477] {strides = array<i32>} : memref<32x768xf32, #tpu.memory_space<vmem>>, vector<1x16xf32>,
      %get3A_479 = vector.shape_cast %get3A_478 : vector<1x16xf32> to vector<16xf32>
      %get3A_480 = arith.index_cast %add3A_299 : i32 to index
      %get3A_481 = arith.constant 720 : index
      %get3A_482 = tpu.vector_load %arg13[%get3A_480, %get3A_481] {strides = array<i32>} : memref<32x768xf32, #tpu.memory_space<vmem>>, vector<1x16xf32>,
      %get3A_483 = vector.shape_cast %get3A_482 : vector<1x16xf32> to vector<16xf32>
      %get3A_484 = arith.index_cast %add3A_299 : i32 to index
      %get3A_485 = arith.constant 736 : index
      %get3A_486 = tpu.vector_load %arg13[%get3A_484, %get3A_485] {strides = array<i32>} : memref<32x768xf32, #tpu.memory_space<vmem>>, vector<1x16xf32>,
      %get3A_487 = vector.shape_cast %get3A_486 : vector<1x16xf32> to vector<16xf32>
      %get3A_488 = arith.index_cast %add3A_299 : i32 to index
      %get3A_489 = arith.constant 752 : index
      %get3A_490 = tpu.vector_load %arg13[%get3A_488, %get3A_489] {strides = array<i32>} : memref<32x768xf32, #tpu.memory_space<vmem>>, vector<1x16xf32>,
      %get3A_491 = vector.shape_cast %get3A_490 : vector<1x16xf32> to vector<16xf32>
      %scan3A_492 = arith.constant 0 : i32
      %scan3A_493 = arith.constant 0 : i32
      %scan3A_494 = arith.constant 32 : i32
      %scan3A_495 = arith.addi %scan3A_493, %scan3A_494 : i32
      %scan3A_496 = arith.constant 1 : i32
      scf.for %scan3A_503 = %scan3A_493 to %scan3A_495 step %scan3A_496  : i32 {
        %get3A_504 = arith.index_cast %scan3A_503 : i32 to index
        %get3A_505 = arith.constant 0 : index
        %get3A_506 = tpu.vector_load %arg11[%get3A_504, %get3A_505] {strides = array<i32>} : memref<32x768xf32, #tpu.memory_space<vmem>>, vector<1x16xf32>,
        %get3A_507 = vector.shape_cast %get3A_506 : vector<1x16xf32> to vector<16xf32>
        %add3A_508 = arith.addf %get3A_507, %get3A_303 : vector<16xf32>
        %swap3A_509 = arith.index_cast %scan3A_503 : i32 to index
        %swap3A_510 = arith.constant 0 : index
        %swap3A_511 = tpu.vector_load %arg15[%swap3A_509, %swap3A_510] {strides = array<i32>} : memref<32x768xf32, #tpu.memory_space<vmem>>, vector<1x16xf32>,
        %swap3A_512 = vector.shape_cast %swap3A_511 : vector<1x16xf32> to vector<16xf32>
        %swap3A_513 = vector.shape_cast %add3A_508 : vector<16xf32> to vector<1x16xf32>
        tpu.vector_store %arg15[%swap3A_509, %swap3A_510], %swap3A_513 {strides = array<i32>} : memref<32x768xf32, #tpu.memory_space<vmem>>, vector<1x16xf32>,
        %get3A_514 = arith.index_cast %scan3A_503 : i32 to index
        %get3A_515 = arith.constant 16 : index
        %get3A_516 = tpu.vector_load %arg11[%get3A_514, %get3A_515] {strides = array<i32>} : memref<32x768xf32, #tpu.memory_space<vmem>>, vector<1x16xf32>,
        %get3A_517 = vector.shape_cast %get3A_516 : vector<1x16xf32> to vector<16xf32>
        %add3A_518 = arith.addf %get3A_517, %get3A_307 : vector<16xf32>
        %swap3A_519 = arith.index_cast %scan3A_503 : i32 to index
        %swap3A_520 = arith.constant 16 : index
        %swap3A_521 = tpu.vector_load %arg15[%swap3A_519, %swap3A_520] {strides = array<i32>} : memref<32x768xf32, #tpu.memory_space<vmem>>, vector<1x16xf32>,
        %swap3A_522 = vector.shape_cast %swap3A_521 : vector<1x16xf32> to vector<16xf32>
        %swap3A_523 = vector.shape_cast %add3A_518 : vector<16xf32> to vector<1x16xf32>
        tpu.vector_store %arg15[%swap3A_519, %swap3A_520], %swap3A_523 {strides = array<i32>} : memref<32x768xf32, #tpu.memory_space<vmem>>, vector<1x16xf32>,
        %get3A_524 = arith.index_cast %scan3A_503 : i32 to index
        %get3A_525 = arith.constant 32 : index
        %get3A_526 = tpu.vector_load %arg11[%get3A_524, %get3A_525] {strides = array<i32>} : memref<32x768xf32, #tpu.memory_space<vmem>>, vector<1x16xf32>,
        %get3A_527 = vector.shape_cast %get3A_526 : vector<1x16xf32> to vector<16xf32>
        %add3A_528 = arith.addf %get3A_527, %get3A_311 : vector<16xf32>
        %swap3A_529 = arith.index_cast %scan3A_503 : i32 to index
        %swap3A_530 = arith.constant 32 : index
        %swap3A_531 = tpu.vector_load %arg15[%swap3A_529, %swap3A_530] {strides = array<i32>} : memref<32x768xf32, #tpu.memory_space<vmem>>, vector<1x16xf32>,
        %swap3A_532 = vector.shape_cast %swap3A_531 : vector<1x16xf32> to vector<16xf32>
        %swap3A_533 = vector.shape_cast %add3A_528 : vector<16xf32> to vector<1x16xf32>
        tpu.vector_store %arg15[%swap3A_529, %swap3A_530], %swap3A_533 {strides = array<i32>} : memref<32x768xf32, #tpu.memory_space<vmem>>, vector<1x16xf32>,
        %get3A_534 = arith.index_cast %scan3A_503 : i32 to index
        %get3A_535 = arith.constant 48 : index
        %get3A_536 = tpu.vector_load %arg11[%get3A_534, %get3A_535] {strides = array<i32>} : memref<32x768xf32, #tpu.memory_space<vmem>>, vector<1x16xf32>,
        %get3A_537 = vector.shape_cast %get3A_536 : vector<1x16xf32> to vector<16xf32>
        %add3A_538 = arith.addf %get3A_537, %get3A_315 : vector<16xf32>
        %swap3A_539 = arith.index_cast %scan3A_503 : i32 to index
        %swap3A_540 = arith.constant 48 : index
        %swap3A_541 = tpu.vector_load %arg15[%swap3A_539, %swap3A_540] {strides = array<i32>} : memref<32x768xf32, #tpu.memory_space<vmem>>, vector<1x16xf32>,
        %swap3A_542 = vector.shape_cast %swap3A_541 : vector<1x16xf32> to vector<16xf32>
        %swap3A_543 = vector.shape_cast %add3A_538 : vector<16xf32> to vector<1x16xf32>
        tpu.vector_store %arg15[%swap3A_539, %swap3A_540], %swap3A_543 {strides = array<i32>} : memref<32x768xf32, #tpu.memory_space<vmem>>, vector<1x16xf32>,
        %get3A_544 = arith.index_cast %scan3A_503 : i32 to index
        %get3A_545 = arith.constant 64 : index
        %get3A_546 = tpu.vector_load %arg11[%get3A_544, %get3A_545] {strides = array<i32>} : memref<32x768xf32, #tpu.memory_space<vmem>>, vector<1x16xf32>,
        %get3A_547 = vector.shape_cast %get3A_546 : vector<1x16xf32> to vector<16xf32>
        %add3A_548 = arith.addf %get3A_547, %get3A_319 : vector<16xf32>
        %swap3A_549 = arith.index_cast %scan3A_503 : i32 to index
        %swap3A_550 = arith.constant 64 : index
        %swap3A_551 = tpu.vector_load %arg15[%swap3A_549, %swap3A_550] {strides = array<i32>} : memref<32x768xf32, #tpu.memory_space<vmem>>, vector<1x16xf32>,
        %swap3A_552 = vector.shape_cast %swap3A_551 : vector<1x16xf32> to vector<16xf32>
        %swap3A_553 = vector.shape_cast %add3A_548 : vector<16xf32> to vector<1x16xf32>
        tpu.vector_store %arg15[%swap3A_549, %swap3A_550], %swap3A_553 {strides = array<i32>} : memref<32x768xf32, #tpu.memory_space<vmem>>, vector<1x16xf32>,
        %get3A_554 = arith.index_cast %scan3A_503 : i32 to index
        %get3A_555 = arith.constant 80 : index
        %get3A_556 = tpu.vector_load %arg11[%get3A_554, %get3A_555] {strides = array<i32>} : memref<32x768xf32, #tpu.memory_space<vmem>>, vector<1x16xf32>,
        %get3A_557 = vector.shape_cast %get3A_556 : vector<1x16xf32> to vector<16xf32>
        %add3A_558 = arith.addf %get3A_557, %get3A_323 : vector<16xf32>
        %swap3A_559 = arith.index_cast %scan3A_503 : i32 to index
        %swap3A_560 = arith.constant 80 : index
        %swap3A_561 = tpu.vector_load %arg15[%swap3A_559, %swap3A_560] {strides = array<i32>} : memref<32x768xf32, #tpu.memory_space<vmem>>, vector<1x16xf32>,
        %swap3A_562 = vector.shape_cast %swap3A_561 : vector<1x16xf32> to vector<16xf32>
        %swap3A_563 = vector.shape_cast %add3A_558 : vector<16xf32> to vector<1x16xf32>
        tpu.vector_store %arg15[%swap3A_559, %swap3A_560], %swap3A_563 {strides = array<i32>} : memref<32x768xf32, #tpu.memory_space<vmem>>, vector<1x16xf32>,
        %get3A_564 = arith.index_cast %scan3A_503 : i32 to index
        %get3A_565 = arith.constant 96 : index
        %get3A_566 = tpu.vector_load %arg11[%get3A_564, %get3A_565] {strides = array<i32>} : memref<32x768xf32, #tpu.memory_space<vmem>>, vector<1x16xf32>,
        %get3A_567 = vector.shape_cast %get3A_566 : vector<1x16xf32> to vector<16xf32>
        %add3A_568 = arith.addf %get3A_567, %get3A_327 : vector<16xf32>
        %swap3A_569 = arith.index_cast %scan3A_503 : i32 to index
        %swap3A_570 = arith.constant 96 : index
        %swap3A_571 = tpu.vector_load %arg15[%swap3A_569, %swap3A_570] {strides = array<i32>} : memref<32x768xf32, #tpu.memory_space<vmem>>, vector<1x16xf32>,
        %swap3A_572 = vector.shape_cast %swap3A_571 : vector<1x16xf32> to vector<16xf32>
        %swap3A_573 = vector.shape_cast %add3A_568 : vector<16xf32> to vector<1x16xf32>
        tpu.vector_store %arg15[%swap3A_569, %swap3A_570], %swap3A_573 {strides = array<i32>} : memref<32x768xf32, #tpu.memory_space<vmem>>, vector<1x16xf32>,
        %get3A_574 = arith.index_cast %scan3A_503 : i32 to index
        %get3A_575 = arith.constant 112 : index
        %get3A_576 = tpu.vector_load %arg11[%get3A_574, %get3A_575] {strides = array<i32>} : memref<32x768xf32, #tpu.memory_space<vmem>>, vector<1x16xf32>,
        %get3A_577 = vector.shape_cast %get3A_576 : vector<1x16xf32> to vector<16xf32>
        %add3A_578 = arith.addf %get3A_577, %get3A_331 : vector<16xf32>
        %swap3A_579 = arith.index_cast %scan3A_503 : i32 to index
        %swap3A_580 = arith.constant 112 : index
        %swap3A_581 = tpu.vector_load %arg15[%swap3A_579, %swap3A_580] {strides = array<i32>} : memref<32x768xf32, #tpu.memory_space<vmem>>, vector<1x16xf32>,
        %swap3A_582 = vector.shape_cast %swap3A_581 : vector<1x16xf32> to vector<16xf32>
        %swap3A_583 = vector.shape_cast %add3A_578 : vector<16xf32> to vector<1x16xf32>
        tpu.vector_store %arg15[%swap3A_579, %swap3A_580], %swap3A_583 {strides = array<i32>} : memref<32x768xf32, #tpu.memory_space<vmem>>, vector<1x16xf32>,
        %get3A_584 = arith.index_cast %scan3A_503 : i32 to index
        %get3A_585 = arith.constant 128 : index
        %get3A_586 = tpu.vector_load %arg11[%get3A_584, %get3A_585] {strides = array<i32>} : memref<32x768xf32, #tpu.memory_space<vmem>>, vector<1x16xf32>,
        %get3A_587 = vector.shape_cast %get3A_586 : vector<1x16xf32> to vector<16xf32>
        %add3A_588 = arith.addf %get3A_587, %get3A_335 : vector<16xf32>
        %swap3A_589 = arith.index_cast %scan3A_503 : i32 to index
        %swap3A_590 = arith.constant 128 : index
        %swap3A_591 = tpu.vector_load %arg15[%swap3A_589, %swap3A_590] {strides = array<i32>} : memref<32x768xf32, #tpu.memory_space<vmem>>, vector<1x16xf32>,
        %swap3A_592 = vector.shape_cast %swap3A_591 : vector<1x16xf32> to vector<16xf32>
        %swap3A_593 = vector.shape_cast %add3A_588 : vector<16xf32> to vector<1x16xf32>
        tpu.vector_store %arg15[%swap3A_589, %swap3A_590], %swap3A_593 {strides = array<i32>} : memref<32x768xf32, #tpu.memory_space<vmem>>, vector<1x16xf32>,
        %get3A_594 = arith.index_cast %scan3A_503 : i32 to index
        %get3A_595 = arith.constant 144 : index
        %get3A_596 = tpu.vector_load %arg11[%get3A_594, %get3A_595] {strides = array<i32>} : memref<32x768xf32, #tpu.memory_space<vmem>>, vector<1x16xf32>,
        %get3A_597 = vector.shape_cast %get3A_596 : vector<1x16xf32> to vector<16xf32>
        %add3A_598 = arith.addf %get3A_597, %get3A_339 : vector<16xf32>
        %swap3A_599 = arith.index_cast %scan3A_503 : i32 to index
        %swap3A_600 = arith.constant 144 : index
        %swap3A_601 = tpu.vector_load %arg15[%swap3A_599, %swap3A_600] {strides = array<i32>} : memref<32x768xf32, #tpu.memory_space<vmem>>, vector<1x16xf32>,
        %swap3A_602 = vector.shape_cast %swap3A_601 : vector<1x16xf32> to vector<16xf32>
        %swap3A_603 = vector.shape_cast %add3A_598 : vector<16xf32> to vector<1x16xf32>
        tpu.vector_store %arg15[%swap3A_599, %swap3A_600], %swap3A_603 {strides = array<i32>} : memref<32x768xf32, #tpu.memory_space<vmem>>, vector<1x16xf32>,
        %get3A_604 = arith.index_cast %scan3A_503 : i32 to index
        %get3A_605 = arith.constant 160 : index
        %get3A_606 = tpu.vector_load %arg11[%get3A_604, %get3A_605] {strides = array<i32>} : memref<32x768xf32, #tpu.memory_space<vmem>>, vector<1x16xf32>,
        %get3A_607 = vector.shape_cast %get3A_606 : vector<1x16xf32> to vector<16xf32>
        %add3A_608 = arith.addf %get3A_607, %get3A_343 : vector<16xf32>
        %swap3A_609 = arith.index_cast %scan3A_503 : i32 to index
        %swap3A_610 = arith.constant 160 : index
        %swap3A_611 = tpu.vector_load %arg15[%swap3A_609, %swap3A_610] {strides = array<i32>} : memref<32x768xf32, #tpu.memory_space<vmem>>, vector<1x16xf32>,
        %swap3A_612 = vector.shape_cast %swap3A_611 : vector<1x16xf32> to vector<16xf32>
        %swap3A_613 = vector.shape_cast %add3A_608 : vector<16xf32> to vector<1x16xf32>
        tpu.vector_store %arg15[%swap3A_609, %swap3A_610], %swap3A_613 {strides = array<i32>} : memref<32x768xf32, #tpu.memory_space<vmem>>, vector<1x16xf32>,
        %get3A_614 = arith.index_cast %scan3A_503 : i32 to index
        %get3A_615 = arith.constant 176 : index
        %get3A_616 = tpu.vector_load %arg11[%get3A_614, %get3A_615] {strides = array<i32>} : memref<32x768xf32, #tpu.memory_space<vmem>>, vector<1x16xf32>,
        %get3A_617 = vector.shape_cast %get3A_616 : vector<1x16xf32> to vector<16xf32>
        %add3A_618 = arith.addf %get3A_617, %get3A_347 : vector<16xf32>
        %swap3A_619 = arith.index_cast %scan3A_503 : i32 to index
        %swap3A_620 = arith.constant 176 : index
        %swap3A_621 = tpu.vector_load %arg15[%swap3A_619, %swap3A_620] {strides = array<i32>} : memref<32x768xf32, #tpu.memory_space<vmem>>, vector<1x16xf32>,
        %swap3A_622 = vector.shape_cast %swap3A_621 : vector<1x16xf32> to vector<16xf32>
        %swap3A_623 = vector.shape_cast %add3A_618 : vector<16xf32> to vector<1x16xf32>
        tpu.vector_store %arg15[%swap3A_619, %swap3A_620], %swap3A_623 {strides = array<i32>} : memref<32x768xf32, #tpu.memory_space<vmem>>, vector<1x16xf32>,
        %get3A_624 = arith.index_cast %scan3A_503 : i32 to index
        %get3A_625 = arith.constant 192 : index
        %get3A_626 = tpu.vector_load %arg11[%get3A_624, %get3A_625] {strides = array<i32>} : memref<32x768xf32, #tpu.memory_space<vmem>>, vector<1x16xf32>,
        %get3A_627 = vector.shape_cast %get3A_626 : vector<1x16xf32> to vector<16xf32>
        %add3A_628 = arith.addf %get3A_627, %get3A_351 : vector<16xf32>
        %swap3A_629 = arith.index_cast %scan3A_503 : i32 to index
        %swap3A_630 = arith.constant 192 : index
        %swap3A_631 = tpu.vector_load %arg15[%swap3A_629, %swap3A_630] {strides = array<i32>} : memref<32x768xf32, #tpu.memory_space<vmem>>, vector<1x16xf32>,
        %swap3A_632 = vector.shape_cast %swap3A_631 : vector<1x16xf32> to vector<16xf32>
        %swap3A_633 = vector.shape_cast %add3A_628 : vector<16xf32> to vector<1x16xf32>
        tpu.vector_store %arg15[%swap3A_629, %swap3A_630], %swap3A_633 {strides = array<i32>} : memref<32x768xf32, #tpu.memory_space<vmem>>, vector<1x16xf32>,
        %get3A_634 = arith.index_cast %scan3A_503 : i32 to index
        %get3A_635 = arith.constant 208 : index
        %get3A_636 = tpu.vector_load %arg11[%get3A_634, %get3A_635] {strides = array<i32>} : memref<32x768xf32, #tpu.memory_space<vmem>>, vector<1x16xf32>,
        %get3A_637 = vector.shape_cast %get3A_636 : vector<1x16xf32> to vector<16xf32>
        %add3A_638 = arith.addf %get3A_637, %get3A_355 : vector<16xf32>
        %swap3A_639 = arith.index_cast %scan3A_503 : i32 to index
        %swap3A_640 = arith.constant 208 : index
        %swap3A_641 = tpu.vector_load %arg15[%swap3A_639, %swap3A_640] {strides = array<i32>} : memref<32x768xf32, #tpu.memory_space<vmem>>, vector<1x16xf32>,
        %swap3A_642 = vector.shape_cast %swap3A_641 : vector<1x16xf32> to vector<16xf32>
        %swap3A_643 = vector.shape_cast %add3A_638 : vector<16xf32> to vector<1x16xf32>
        tpu.vector_store %arg15[%swap3A_639, %swap3A_640], %swap3A_643 {strides = array<i32>} : memref<32x768xf32, #tpu.memory_space<vmem>>, vector<1x16xf32>,
        %get3A_644 = arith.index_cast %scan3A_503 : i32 to index
        %get3A_645 = arith.constant 224 : index
        %get3A_646 = tpu.vector_load %arg11[%get3A_644, %get3A_645] {strides = array<i32>} : memref<32x768xf32, #tpu.memory_space<vmem>>, vector<1x16xf32>,
        %get3A_647 = vector.shape_cast %get3A_646 : vector<1x16xf32> to vector<16xf32>
        %add3A_648 = arith.addf %get3A_647, %get3A_359 : vector<16xf32>
        %swap3A_649 = arith.index_cast %scan3A_503 : i32 to index
        %swap3A_650 = arith.constant 224 : index
        %swap3A_651 = tpu.vector_load %arg15[%swap3A_649, %swap3A_650] {strides = array<i32>} : memref<32x768xf32, #tpu.memory_space<vmem>>, vector<1x16xf32>,
        %swap3A_652 = vector.shape_cast %swap3A_651 : vector<1x16xf32> to vector<16xf32>
        %swap3A_653 = vector.shape_cast %add3A_648 : vector<16xf32> to vector<1x16xf32>
        tpu.vector_store %arg15[%swap3A_649, %swap3A_650], %swap3A_653 {strides = array<i32>} : memref<32x768xf32, #tpu.memory_space<vmem>>, vector<1x16xf32>,
        %get3A_654 = arith.index_cast %scan3A_503 : i32 to index
        %get3A_655 = arith.constant 240 : index
        %get3A_656 = tpu.vector_load %arg11[%get3A_654, %get3A_655] {strides = array<i32>} : memref<32x768xf32, #tpu.memory_space<vmem>>, vector<1x16xf32>,
        %get3A_657 = vector.shape_cast %get3A_656 : vector<1x16xf32> to vector<16xf32>
        %add3A_658 = arith.addf %get3A_657, %get3A_363 : vector<16xf32>
        %swap3A_659 = arith.index_cast %scan3A_503 : i32 to index
        %swap3A_660 = arith.constant 240 : index
        %swap3A_661 = tpu.vector_load %arg15[%swap3A_659, %swap3A_660] {strides = array<i32>} : memref<32x768xf32, #tpu.memory_space<vmem>>, vector<1x16xf32>,
        %swap3A_662 = vector.shape_cast %swap3A_661 : vector<1x16xf32> to vector<16xf32>
        %swap3A_663 = vector.shape_cast %add3A_658 : vector<16xf32> to vector<1x16xf32>
        tpu.vector_store %arg15[%swap3A_659, %swap3A_660], %swap3A_663 {strides = array<i32>} : memref<32x768xf32, #tpu.memory_space<vmem>>, vector<1x16xf32>,
        %get3A_664 = arith.index_cast %scan3A_503 : i32 to index
        %get3A_665 = arith.constant 256 : index
        %get3A_666 = tpu.vector_load %arg11[%get3A_664, %get3A_665] {strides = array<i32>} : memref<32x768xf32, #tpu.memory_space<vmem>>, vector<1x16xf32>,
        %get3A_667 = vector.shape_cast %get3A_666 : vector<1x16xf32> to vector<16xf32>
        %add3A_668 = arith.addf %get3A_667, %get3A_367 : vector<16xf32>
        %swap3A_669 = arith.index_cast %scan3A_503 : i32 to index
        %swap3A_670 = arith.constant 256 : index
        %swap3A_671 = tpu.vector_load %arg15[%swap3A_669, %swap3A_670] {strides = array<i32>} : memref<32x768xf32, #tpu.memory_space<vmem>>, vector<1x16xf32>,
        %swap3A_672 = vector.shape_cast %swap3A_671 : vector<1x16xf32> to vector<16xf32>
        %swap3A_673 = vector.shape_cast %add3A_668 : vector<16xf32> to vector<1x16xf32>
        tpu.vector_store %arg15[%swap3A_669, %swap3A_670], %swap3A_673 {strides = array<i32>} : memref<32x768xf32, #tpu.memory_space<vmem>>, vector<1x16xf32>,
        %get3A_674 = arith.index_cast %scan3A_503 : i32 to index
        %get3A_675 = arith.constant 272 : index
        %get3A_676 = tpu.vector_load %arg11[%get3A_674, %get3A_675] {strides = array<i32>} : memref<32x768xf32, #tpu.memory_space<vmem>>, vector<1x16xf32>,
        %get3A_677 = vector.shape_cast %get3A_676 : vector<1x16xf32> to vector<16xf32>
        %add3A_678 = arith.addf %get3A_677, %get3A_371 : vector<16xf32>
        %swap3A_679 = arith.index_cast %scan3A_503 : i32 to index
        %swap3A_680 = arith.constant 272 : index
        %swap3A_681 = tpu.vector_load %arg15[%swap3A_679, %swap3A_680] {strides = array<i32>} : memref<32x768xf32, #tpu.memory_space<vmem>>, vector<1x16xf32>,
        %swap3A_682 = vector.shape_cast %swap3A_681 : vector<1x16xf32> to vector<16xf32>
        %swap3A_683 = vector.shape_cast %add3A_678 : vector<16xf32> to vector<1x16xf32>
        tpu.vector_store %arg15[%swap3A_679, %swap3A_680], %swap3A_683 {strides = array<i32>} : memref<32x768xf32, #tpu.memory_space<vmem>>, vector<1x16xf32>,
        %get3A_684 = arith.index_cast %scan3A_503 : i32 to index
        %get3A_685 = arith.constant 288 : index
        %get3A_686 = tpu.vector_load %arg11[%get3A_684, %get3A_685] {strides = array<i32>} : memref<32x768xf32, #tpu.memory_space<vmem>>, vector<1x16xf32>,
        %get3A_687 = vector.shape_cast %get3A_686 : vector<1x16xf32> to vector<16xf32>
        %add3A_688 = arith.addf %get3A_687, %get3A_375 : vector<16xf32>
        %swap3A_689 = arith.index_cast %scan3A_503 : i32 to index
        %swap3A_690 = arith.constant 288 : index
        %swap3A_691 = tpu.vector_load %arg15[%swap3A_689, %swap3A_690] {strides = array<i32>} : memref<32x768xf32, #tpu.memory_space<vmem>>, vector<1x16xf32>,
        %swap3A_692 = vector.shape_cast %swap3A_691 : vector<1x16xf32> to vector<16xf32>
        %swap3A_693 = vector.shape_cast %add3A_688 : vector<16xf32> to vector<1x16xf32>
        tpu.vector_store %arg15[%swap3A_689, %swap3A_690], %swap3A_693 {strides = array<i32>} : memref<32x768xf32, #tpu.memory_space<vmem>>, vector<1x16xf32>,
        %get3A_694 = arith.index_cast %scan3A_503 : i32 to index
        %get3A_695 = arith.constant 304 : index
        %get3A_696 = tpu.vector_load %arg11[%get3A_694, %get3A_695] {strides = array<i32>} : memref<32x768xf32, #tpu.memory_space<vmem>>, vector<1x16xf32>,
        %get3A_697 = vector.shape_cast %get3A_696 : vector<1x16xf32> to vector<16xf32>
        %add3A_698 = arith.addf %get3A_697, %get3A_379 : vector<16xf32>
        %swap3A_699 = arith.index_cast %scan3A_503 : i32 to index
        %swap3A_700 = arith.constant 304 : index
        %swap3A_701 = tpu.vector_load %arg15[%swap3A_699, %swap3A_700] {strides = array<i32>} : memref<32x768xf32, #tpu.memory_space<vmem>>, vector<1x16xf32>,
        %swap3A_702 = vector.shape_cast %swap3A_701 : vector<1x16xf32> to vector<16xf32>
        %swap3A_703 = vector.shape_cast %add3A_698 : vector<16xf32> to vector<1x16xf32>
        tpu.vector_store %arg15[%swap3A_699, %swap3A_700], %swap3A_703 {strides = array<i32>} : memref<32x768xf32, #tpu.memory_space<vmem>>, vector<1x16xf32>,
        %get3A_704 = arith.index_cast %scan3A_503 : i32 to index
        %get3A_705 = arith.constant 320 : index
        %get3A_706 = tpu.vector_load %arg11[%get3A_704, %get3A_705] {strides = array<i32>} : memref<32x768xf32, #tpu.memory_space<vmem>>, vector<1x16xf32>,
        %get3A_707 = vector.shape_cast %get3A_706 : vector<1x16xf32> to vector<16xf32>
        %add3A_708 = arith.addf %get3A_707, %get3A_383 : vector<16xf32>
        %swap3A_709 = arith.index_cast %scan3A_503 : i32 to index
        %swap3A_710 = arith.constant 320 : index
        %swap3A_711 = tpu.vector_load %arg15[%swap3A_709, %swap3A_710] {strides = array<i32>} : memref<32x768xf32, #tpu.memory_space<vmem>>, vector<1x16xf32>,
        %swap3A_712 = vector.shape_cast %swap3A_711 : vector<1x16xf32> to vector<16xf32>
        %swap3A_713 = vector.shape_cast %add3A_708 : vector<16xf32> to vector<1x16xf32>
        tpu.vector_store %arg15[%swap3A_709, %swap3A_710], %swap3A_713 {strides = array<i32>} : memref<32x768xf32, #tpu.memory_space<vmem>>, vector<1x16xf32>,
        %get3A_714 = arith.index_cast %scan3A_503 : i32 to index
        %get3A_715 = arith.constant 336 : index
        %get3A_716 = tpu.vector_load %arg11[%get3A_714, %get3A_715] {strides = array<i32>} : memref<32x768xf32, #tpu.memory_space<vmem>>, vector<1x16xf32>,
        %get3A_717 = vector.shape_cast %get3A_716 : vector<1x16xf32> to vector<16xf32>
        %add3A_718 = arith.addf %get3A_717, %get3A_387 : vector<16xf32>
        %swap3A_719 = arith.index_cast %scan3A_503 : i32 to index
        %swap3A_720 = arith.constant 336 : index
        %swap3A_721 = tpu.vector_load %arg15[%swap3A_719, %swap3A_720] {strides = array<i32>} : memref<32x768xf32, #tpu.memory_space<vmem>>, vector<1x16xf32>,
        %swap3A_722 = vector.shape_cast %swap3A_721 : vector<1x16xf32> to vector<16xf32>
        %swap3A_723 = vector.shape_cast %add3A_718 : vector<16xf32> to vector<1x16xf32>
        tpu.vector_store %arg15[%swap3A_719, %swap3A_720], %swap3A_723 {strides = array<i32>} : memref<32x768xf32, #tpu.memory_space<vmem>>, vector<1x16xf32>,
        %get3A_724 = arith.index_cast %scan3A_503 : i32 to index
        %get3A_725 = arith.constant 352 : index
        %get3A_726 = tpu.vector_load %arg11[%get3A_724, %get3A_725] {strides = array<i32>} : memref<32x768xf32, #tpu.memory_space<vmem>>, vector<1x16xf32>,
        %get3A_727 = vector.shape_cast %get3A_726 : vector<1x16xf32> to vector<16xf32>
        %add3A_728 = arith.addf %get3A_727, %get3A_391 : vector<16xf32>
        %swap3A_729 = arith.index_cast %scan3A_503 : i32 to index
        %swap3A_730 = arith.constant 352 : index
        %swap3A_731 = tpu.vector_load %arg15[%swap3A_729, %swap3A_730] {strides = array<i32>} : memref<32x768xf32, #tpu.memory_space<vmem>>, vector<1x16xf32>,
        %swap3A_732 = vector.shape_cast %swap3A_731 : vector<1x16xf32> to vector<16xf32>
        %swap3A_733 = vector.shape_cast %add3A_728 : vector<16xf32> to vector<1x16xf32>
        tpu.vector_store %arg15[%swap3A_729, %swap3A_730], %swap3A_733 {strides = array<i32>} : memref<32x768xf32, #tpu.memory_space<vmem>>, vector<1x16xf32>,
        %get3A_734 = arith.index_cast %scan3A_503 : i32 to index
        %get3A_735 = arith.constant 368 : index
        %get3A_736 = tpu.vector_load %arg11[%get3A_734, %get3A_735] {strides = array<i32>} : memref<32x768xf32, #tpu.memory_space<vmem>>, vector<1x16xf32>,
        %get3A_737 = vector.shape_cast %get3A_736 : vector<1x16xf32> to vector<16xf32>
        %add3A_738 = arith.addf %get3A_737, %get3A_395 : vector<16xf32>
        %swap3A_739 = arith.index_cast %scan3A_503 : i32 to index
        %swap3A_740 = arith.constant 368 : index
        %swap3A_741 = tpu.vector_load %arg15[%swap3A_739, %swap3A_740] {strides = array<i32>} : memref<32x768xf32, #tpu.memory_space<vmem>>, vector<1x16xf32>,
        %swap3A_742 = vector.shape_cast %swap3A_741 : vector<1x16xf32> to vector<16xf32>
        %swap3A_743 = vector.shape_cast %add3A_738 : vector<16xf32> to vector<1x16xf32>
        tpu.vector_store %arg15[%swap3A_739, %swap3A_740], %swap3A_743 {strides = array<i32>} : memref<32x768xf32, #tpu.memory_space<vmem>>, vector<1x16xf32>,
        %get3A_744 = arith.index_cast %scan3A_503 : i32 to index
        %get3A_745 = arith.constant 384 : index
        %get3A_746 = tpu.vector_load %arg11[%get3A_744, %get3A_745] {strides = array<i32>} : memref<32x768xf32, #tpu.memory_space<vmem>>, vector<1x16xf32>,
        %get3A_747 = vector.shape_cast %get3A_746 : vector<1x16xf32> to vector<16xf32>
        %add3A_748 = arith.addf %get3A_747, %get3A_399 : vector<16xf32>
        %swap3A_749 = arith.index_cast %scan3A_503 : i32 to index
        %swap3A_750 = arith.constant 384 : index
        %swap3A_751 = tpu.vector_load %arg15[%swap3A_749, %swap3A_750] {strides = array<i32>} : memref<32x768xf32, #tpu.memory_space<vmem>>, vector<1x16xf32>,
        %swap3A_752 = vector.shape_cast %swap3A_751 : vector<1x16xf32> to vector<16xf32>
        %swap3A_753 = vector.shape_cast %add3A_748 : vector<16xf32> to vector<1x16xf32>
        tpu.vector_store %arg15[%swap3A_749, %swap3A_750], %swap3A_753 {strides = array<i32>} : memref<32x768xf32, #tpu.memory_space<vmem>>, vector<1x16xf32>,
        %get3A_754 = arith.index_cast %scan3A_503 : i32 to index
        %get3A_755 = arith.constant 400 : index
        %get3A_756 = tpu.vector_load %arg11[%get3A_754, %get3A_755] {strides = array<i32>} : memref<32x768xf32, #tpu.memory_space<vmem>>, vector<1x16xf32>,
        %get3A_757 = vector.shape_cast %get3A_756 : vector<1x16xf32> to vector<16xf32>
        %add3A_758 = arith.addf %get3A_757, %get3A_403 : vector<16xf32>
        %swap3A_759 = arith.index_cast %scan3A_503 : i32 to index
        %swap3A_760 = arith.constant 400 : index
        %swap3A_761 = tpu.vector_load %arg15[%swap3A_759, %swap3A_760] {strides = array<i32>} : memref<32x768xf32, #tpu.memory_space<vmem>>, vector<1x16xf32>,
        %swap3A_762 = vector.shape_cast %swap3A_761 : vector<1x16xf32> to vector<16xf32>
        %swap3A_763 = vector.shape_cast %add3A_758 : vector<16xf32> to vector<1x16xf32>
        tpu.vector_store %arg15[%swap3A_759, %swap3A_760], %swap3A_763 {strides = array<i32>} : memref<32x768xf32, #tpu.memory_space<vmem>>, vector<1x16xf32>,
        %get3A_764 = arith.index_cast %scan3A_503 : i32 to index
        %get3A_765 = arith.constant 416 : index
        %get3A_766 = tpu.vector_load %arg11[%get3A_764, %get3A_765] {strides = array<i32>} : memref<32x768xf32, #tpu.memory_space<vmem>>, vector<1x16xf32>,
        %get3A_767 = vector.shape_cast %get3A_766 : vector<1x16xf32> to vector<16xf32>
        %add3A_768 = arith.addf %get3A_767, %get3A_407 : vector<16xf32>
        %swap3A_769 = arith.index_cast %scan3A_503 : i32 to index
        %swap3A_770 = arith.constant 416 : index
        %swap3A_771 = tpu.vector_load %arg15[%swap3A_769, %swap3A_770] {strides = array<i32>} : memref<32x768xf32, #tpu.memory_space<vmem>>, vector<1x16xf32>,
        %swap3A_772 = vector.shape_cast %swap3A_771 : vector<1x16xf32> to vector<16xf32>
        %swap3A_773 = vector.shape_cast %add3A_768 : vector<16xf32> to vector<1x16xf32>
        tpu.vector_store %arg15[%swap3A_769, %swap3A_770], %swap3A_773 {strides = array<i32>} : memref<32x768xf32, #tpu.memory_space<vmem>>, vector<1x16xf32>,
        %get3A_774 = arith.index_cast %scan3A_503 : i32 to index
        %get3A_775 = arith.constant 432 : index
        %get3A_776 = tpu.vector_load %arg11[%get3A_774, %get3A_775] {strides = array<i32>} : memref<32x768xf32, #tpu.memory_space<vmem>>, vector<1x16xf32>,
        %get3A_777 = vector.shape_cast %get3A_776 : vector<1x16xf32> to vector<16xf32>
        %add3A_778 = arith.addf %get3A_777, %get3A_411 : vector<16xf32>
        %swap3A_779 = arith.index_cast %scan3A_503 : i32 to index
        %swap3A_780 = arith.constant 432 : index
        %swap3A_781 = tpu.vector_load %arg15[%swap3A_779, %swap3A_780] {strides = array<i32>} : memref<32x768xf32, #tpu.memory_space<vmem>>, vector<1x16xf32>,
        %swap3A_782 = vector.shape_cast %swap3A_781 : vector<1x16xf32> to vector<16xf32>
        %swap3A_783 = vector.shape_cast %add3A_778 : vector<16xf32> to vector<1x16xf32>
        tpu.vector_store %arg15[%swap3A_779, %swap3A_780], %swap3A_783 {strides = array<i32>} : memref<32x768xf32, #tpu.memory_space<vmem>>, vector<1x16xf32>,
        %get3A_784 = arith.index_cast %scan3A_503 : i32 to index
        %get3A_785 = arith.constant 448 : index
        %get3A_786 = tpu.vector_load %arg11[%get3A_784, %get3A_785] {strides = array<i32>} : memref<32x768xf32, #tpu.memory_space<vmem>>, vector<1x16xf32>,
        %get3A_787 = vector.shape_cast %get3A_786 : vector<1x16xf32> to vector<16xf32>
        %add3A_788 = arith.addf %get3A_787, %get3A_415 : vector<16xf32>
        %swap3A_789 = arith.index_cast %scan3A_503 : i32 to index
        %swap3A_790 = arith.constant 448 : index
        %swap3A_791 = tpu.vector_load %arg15[%swap3A_789, %swap3A_790] {strides = array<i32>} : memref<32x768xf32, #tpu.memory_space<vmem>>, vector<1x16xf32>,
        %swap3A_792 = vector.shape_cast %swap3A_791 : vector<1x16xf32> to vector<16xf32>
        %swap3A_793 = vector.shape_cast %add3A_788 : vector<16xf32> to vector<1x16xf32>
        tpu.vector_store %arg15[%swap3A_789, %swap3A_790], %swap3A_793 {strides = array<i32>} : memref<32x768xf32, #tpu.memory_space<vmem>>, vector<1x16xf32>,
        %get3A_794 = arith.index_cast %scan3A_503 : i32 to index
        %get3A_795 = arith.constant 464 : index
        %get3A_796 = tpu.vector_load %arg11[%get3A_794, %get3A_795] {strides = array<i32>} : memref<32x768xf32, #tpu.memory_space<vmem>>, vector<1x16xf32>,
        %get3A_797 = vector.shape_cast %get3A_796 : vector<1x16xf32> to vector<16xf32>
        %add3A_798 = arith.addf %get3A_797, %get3A_419 : vector<16xf32>
        %swap3A_799 = arith.index_cast %scan3A_503 : i32 to index
        %swap3A_800 = arith.constant 464 : index
        %swap3A_801 = tpu.vector_load %arg15[%swap3A_799, %swap3A_800] {strides = array<i32>} : memref<32x768xf32, #tpu.memory_space<vmem>>, vector<1x16xf32>,
        %swap3A_802 = vector.shape_cast %swap3A_801 : vector<1x16xf32> to vector<16xf32>
        %swap3A_803 = vector.shape_cast %add3A_798 : vector<16xf32> to vector<1x16xf32>
        tpu.vector_store %arg15[%swap3A_799, %swap3A_800], %swap3A_803 {strides = array<i32>} : memref<32x768xf32, #tpu.memory_space<vmem>>, vector<1x16xf32>,
        %get3A_804 = arith.index_cast %scan3A_503 : i32 to index
        %get3A_805 = arith.constant 480 : index
        %get3A_806 = tpu.vector_load %arg11[%get3A_804, %get3A_805] {strides = array<i32>} : memref<32x768xf32, #tpu.memory_space<vmem>>, vector<1x16xf32>,
        %get3A_807 = vector.shape_cast %get3A_806 : vector<1x16xf32> to vector<16xf32>
        %add3A_808 = arith.addf %get3A_807, %get3A_423 : vector<16xf32>
        %swap3A_809 = arith.index_cast %scan3A_503 : i32 to index
        %swap3A_810 = arith.constant 480 : index
        %swap3A_811 = tpu.vector_load %arg15[%swap3A_809, %swap3A_810] {strides = array<i32>} : memref<32x768xf32, #tpu.memory_space<vmem>>, vector<1x16xf32>,
        %swap3A_812 = vector.shape_cast %swap3A_811 : vector<1x16xf32> to vector<16xf32>
        %swap3A_813 = vector.shape_cast %add3A_808 : vector<16xf32> to vector<1x16xf32>
        tpu.vector_store %arg15[%swap3A_809, %swap3A_810], %swap3A_813 {strides = array<i32>} : memref<32x768xf32, #tpu.memory_space<vmem>>, vector<1x16xf32>,
        %get3A_814 = arith.index_cast %scan3A_503 : i32 to index
        %get3A_815 = arith.constant 496 : index
        %get3A_816 = tpu.vector_load %arg11[%get3A_814, %get3A_815] {strides = array<i32>} : memref<32x768xf32, #tpu.memory_space<vmem>>, vector<1x16xf32>,
        %get3A_817 = vector.shape_cast %get3A_816 : vector<1x16xf32> to vector<16xf32>
        %add3A_818 = arith.addf %get3A_817, %get3A_427 : vector<16xf32>
        %swap3A_819 = arith.index_cast %scan3A_503 : i32 to index
        %swap3A_820 = arith.constant 496 : index
        %swap3A_821 = tpu.vector_load %arg15[%swap3A_819, %swap3A_820] {strides = array<i32>} : memref<32x768xf32, #tpu.memory_space<vmem>>, vector<1x16xf32>,
        %swap3A_822 = vector.shape_cast %swap3A_821 : vector<1x16xf32> to vector<16xf32>
        %swap3A_823 = vector.shape_cast %add3A_818 : vector<16xf32> to vector<1x16xf32>
        tpu.vector_store %arg15[%swap3A_819, %swap3A_820], %swap3A_823 {strides = array<i32>} : memref<32x768xf32, #tpu.memory_space<vmem>>, vector<1x16xf32>,
        %get3A_824 = arith.index_cast %scan3A_503 : i32 to index
        %get3A_825 = arith.constant 512 : index
        %get3A_826 = tpu.vector_load %arg11[%get3A_824, %get3A_825] {strides = array<i32>} : memref<32x768xf32, #tpu.memory_space<vmem>>, vector<1x16xf32>,
        %get3A_827 = vector.shape_cast %get3A_826 : vector<1x16xf32> to vector<16xf32>
        %add3A_828 = arith.addf %get3A_827, %get3A_431 : vector<16xf32>
        %swap3A_829 = arith.index_cast %scan3A_503 : i32 to index
        %swap3A_830 = arith.constant 512 : index
        %swap3A_831 = tpu.vector_load %arg15[%swap3A_829, %swap3A_830] {strides = array<i32>} : memref<32x768xf32, #tpu.memory_space<vmem>>, vector<1x16xf32>,
        %swap3A_832 = vector.shape_cast %swap3A_831 : vector<1x16xf32> to vector<16xf32>
        %swap3A_833 = vector.shape_cast %add3A_828 : vector<16xf32> to vector<1x16xf32>
        tpu.vector_store %arg15[%swap3A_829, %swap3A_830], %swap3A_833 {strides = array<i32>} : memref<32x768xf32, #tpu.memory_space<vmem>>, vector<1x16xf32>,
        %get3A_834 = arith.index_cast %scan3A_503 : i32 to index
        %get3A_835 = arith.constant 528 : index
        %get3A_836 = tpu.vector_load %arg11[%get3A_834, %get3A_835] {strides = array<i32>} : memref<32x768xf32, #tpu.memory_space<vmem>>, vector<1x16xf32>,
        %get3A_837 = vector.shape_cast %get3A_836 : vector<1x16xf32> to vector<16xf32>
        %add3A_838 = arith.addf %get3A_837, %get3A_435 : vector<16xf32>
        %swap3A_839 = arith.index_cast %scan3A_503 : i32 to index
        %swap3A_840 = arith.constant 528 : index
        %swap3A_841 = tpu.vector_load %arg15[%swap3A_839, %swap3A_840] {strides = array<i32>} : memref<32x768xf32, #tpu.memory_space<vmem>>, vector<1x16xf32>,
        %swap3A_842 = vector.shape_cast %swap3A_841 : vector<1x16xf32> to vector<16xf32>
        %swap3A_843 = vector.shape_cast %add3A_838 : vector<16xf32> to vector<1x16xf32>
        tpu.vector_store %arg15[%swap3A_839, %swap3A_840], %swap3A_843 {strides = array<i32>} : memref<32x768xf32, #tpu.memory_space<vmem>>, vector<1x16xf32>,
        %get3A_844 = arith.index_cast %scan3A_503 : i32 to index
        %get3A_845 = arith.constant 544 : index
        %get3A_846 = tpu.vector_load %arg11[%get3A_844, %get3A_845] {strides = array<i32>} : memref<32x768xf32, #tpu.memory_space<vmem>>, vector<1x16xf32>,
        %get3A_847 = vector.shape_cast %get3A_846 : vector<1x16xf32> to vector<16xf32>
        %add3A_848 = arith.addf %get3A_847, %get3A_439 : vector<16xf32>
        %swap3A_849 = arith.index_cast %scan3A_503 : i32 to index
        %swap3A_850 = arith.constant 544 : index
        %swap3A_851 = tpu.vector_load %arg15[%swap3A_849, %swap3A_850] {strides = array<i32>} : memref<32x768xf32, #tpu.memory_space<vmem>>, vector<1x16xf32>,
        %swap3A_852 = vector.shape_cast %swap3A_851 : vector<1x16xf32> to vector<16xf32>
        %swap3A_853 = vector.shape_cast %add3A_848 : vector<16xf32> to vector<1x16xf32>
        tpu.vector_store %arg15[%swap3A_849, %swap3A_850], %swap3A_853 {strides = array<i32>} : memref<32x768xf32, #tpu.memory_space<vmem>>, vector<1x16xf32>,
        %get3A_854 = arith.index_cast %scan3A_503 : i32 to index
        %get3A_855 = arith.constant 560 : index
        %get3A_856 = tpu.vector_load %arg11[%get3A_854, %get3A_855] {strides = array<i32>} : memref<32x768xf32, #tpu.memory_space<vmem>>, vector<1x16xf32>,
        %get3A_857 = vector.shape_cast %get3A_856 : vector<1x16xf32> to vector<16xf32>
        %add3A_858 = arith.addf %get3A_857, %get3A_443 : vector<16xf32>
        %swap3A_859 = arith.index_cast %scan3A_503 : i32 to index
        %swap3A_860 = arith.constant 560 : index
        %swap3A_861 = tpu.vector_load %arg15[%swap3A_859, %swap3A_860] {strides = array<i32>} : memref<32x768xf32, #tpu.memory_space<vmem>>, vector<1x16xf32>,
        %swap3A_862 = vector.shape_cast %swap3A_861 : vector<1x16xf32> to vector<16xf32>
        %swap3A_863 = vector.shape_cast %add3A_858 : vector<16xf32> to vector<1x16xf32>
        tpu.vector_store %arg15[%swap3A_859, %swap3A_860], %swap3A_863 {strides = array<i32>} : memref<32x768xf32, #tpu.memory_space<vmem>>, vector<1x16xf32>,
        %get3A_864 = arith.index_cast %scan3A_503 : i32 to index
        %get3A_865 = arith.constant 576 : index
        %get3A_866 = tpu.vector_load %arg11[%get3A_864, %get3A_865] {strides = array<i32>} : memref<32x768xf32, #tpu.memory_space<vmem>>, vector<1x16xf32>,
        %get3A_867 = vector.shape_cast %get3A_866 : vector<1x16xf32> to vector<16xf32>
        %add3A_868 = arith.addf %get3A_867, %get3A_447 : vector<16xf32>
        %swap3A_869 = arith.index_cast %scan3A_503 : i32 to index
        %swap3A_870 = arith.constant 576 : index
        %swap3A_871 = tpu.vector_load %arg15[%swap3A_869, %swap3A_870] {strides = array<i32>} : memref<32x768xf32, #tpu.memory_space<vmem>>, vector<1x16xf32>,
        %swap3A_872 = vector.shape_cast %swap3A_871 : vector<1x16xf32> to vector<16xf32>
        %swap3A_873 = vector.shape_cast %add3A_868 : vector<16xf32> to vector<1x16xf32>
        tpu.vector_store %arg15[%swap3A_869, %swap3A_870], %swap3A_873 {strides = array<i32>} : memref<32x768xf32, #tpu.memory_space<vmem>>, vector<1x16xf32>,
        %get3A_874 = arith.index_cast %scan3A_503 : i32 to index
        %get3A_875 = arith.constant 592 : index
        %get3A_876 = tpu.vector_load %arg11[%get3A_874, %get3A_875] {strides = array<i32>} : memref<32x768xf32, #tpu.memory_space<vmem>>, vector<1x16xf32>,
        %get3A_877 = vector.shape_cast %get3A_876 : vector<1x16xf32> to vector<16xf32>
        %add3A_878 = arith.addf %get3A_877, %get3A_451 : vector<16xf32>
        %swap3A_879 = arith.index_cast %scan3A_503 : i32 to index
        %swap3A_880 = arith.constant 592 : index
        %swap3A_881 = tpu.vector_load %arg15[%swap3A_879, %swap3A_880] {strides = array<i32>} : memref<32x768xf32, #tpu.memory_space<vmem>>, vector<1x16xf32>,
        %swap3A_882 = vector.shape_cast %swap3A_881 : vector<1x16xf32> to vector<16xf32>
        %swap3A_883 = vector.shape_cast %add3A_878 : vector<16xf32> to vector<1x16xf32>
        tpu.vector_store %arg15[%swap3A_879, %swap3A_880], %swap3A_883 {strides = array<i32>} : memref<32x768xf32, #tpu.memory_space<vmem>>, vector<1x16xf32>,
        %get3A_884 = arith.index_cast %scan3A_503 : i32 to index
        %get3A_885 = arith.constant 608 : index
        %get3A_886 = tpu.vector_load %arg11[%get3A_884, %get3A_885] {strides = array<i32>} : memref<32x768xf32, #tpu.memory_space<vmem>>, vector<1x16xf32>,
        %get3A_887 = vector.shape_cast %get3A_886 : vector<1x16xf32> to vector<16xf32>
        %add3A_888 = arith.addf %get3A_887, %get3A_455 : vector<16xf32>
        %swap3A_889 = arith.index_cast %scan3A_503 : i32 to index
        %swap3A_890 = arith.constant 608 : index
        %swap3A_891 = tpu.vector_load %arg15[%swap3A_889, %swap3A_890] {strides = array<i32>} : memref<32x768xf32, #tpu.memory_space<vmem>>, vector<1x16xf32>,
        %swap3A_892 = vector.shape_cast %swap3A_891 : vector<1x16xf32> to vector<16xf32>
        %swap3A_893 = vector.shape_cast %add3A_888 : vector<16xf32> to vector<1x16xf32>
        tpu.vector_store %arg15[%swap3A_889, %swap3A_890], %swap3A_893 {strides = array<i32>} : memref<32x768xf32, #tpu.memory_space<vmem>>, vector<1x16xf32>,
        %get3A_894 = arith.index_cast %scan3A_503 : i32 to index
        %get3A_895 = arith.constant 624 : index
        %get3A_896 = tpu.vector_load %arg11[%get3A_894, %get3A_895] {strides = array<i32>} : memref<32x768xf32, #tpu.memory_space<vmem>>, vector<1x16xf32>,
        %get3A_897 = vector.shape_cast %get3A_896 : vector<1x16xf32> to vector<16xf32>
        %add3A_898 = arith.addf %get3A_897, %get3A_459 : vector<16xf32>
        %swap3A_899 = arith.index_cast %scan3A_503 : i32 to index
        %swap3A_900 = arith.constant 624 : index
        %swap3A_901 = tpu.vector_load %arg15[%swap3A_899, %swap3A_900] {strides = array<i32>} : memref<32x768xf32, #tpu.memory_space<vmem>>, vector<1x16xf32>,
        %swap3A_902 = vector.shape_cast %swap3A_901 : vector<1x16xf32> to vector<16xf32>
        %swap3A_903 = vector.shape_cast %add3A_898 : vector<16xf32> to vector<1x16xf32>
        tpu.vector_store %arg15[%swap3A_899, %swap3A_900], %swap3A_903 {strides = array<i32>} : memref<32x768xf32, #tpu.memory_space<vmem>>, vector<1x16xf32>,
        %get3A_904 = arith.index_cast %scan3A_503 : i32 to index
        %get3A_905 = arith.constant 640 : index
        %get3A_906 = tpu.vector_load %arg11[%get3A_904, %get3A_905] {strides = array<i32>} : memref<32x768xf32, #tpu.memory_space<vmem>>, vector<1x16xf32>,
        %get3A_907 = vector.shape_cast %get3A_906 : vector<1x16xf32> to vector<16xf32>
        %add3A_908 = arith.addf %get3A_907, %get3A_463 : vector<16xf32>
        %swap3A_909 = arith.index_cast %scan3A_503 : i32 to index
        %swap3A_910 = arith.constant 640 : index
        %swap3A_911 = tpu.vector_load %arg15[%swap3A_909, %swap3A_910] {strides = array<i32>} : memref<32x768xf32, #tpu.memory_space<vmem>>, vector<1x16xf32>,
        %swap3A_912 = vector.shape_cast %swap3A_911 : vector<1x16xf32> to vector<16xf32>
        %swap3A_913 = vector.shape_cast %add3A_908 : vector<16xf32> to vector<1x16xf32>
        tpu.vector_store %arg15[%swap3A_909, %swap3A_910], %swap3A_913 {strides = array<i32>} : memref<32x768xf32, #tpu.memory_space<vmem>>, vector<1x16xf32>,
        %get3A_914 = arith.index_cast %scan3A_503 : i32 to index
        %get3A_915 = arith.constant 656 : index
        %get3A_916 = tpu.vector_load %arg11[%get3A_914, %get3A_915] {strides = array<i32>} : memref<32x768xf32, #tpu.memory_space<vmem>>, vector<1x16xf32>,
        %get3A_917 = vector.shape_cast %get3A_916 : vector<1x16xf32> to vector<16xf32>
        %add3A_918 = arith.addf %get3A_917, %get3A_467 : vector<16xf32>
        %swap3A_919 = arith.index_cast %scan3A_503 : i32 to index
        %swap3A_920 = arith.constant 656 : index
        %swap3A_921 = tpu.vector_load %arg15[%swap3A_919, %swap3A_920] {strides = array<i32>} : memref<32x768xf32, #tpu.memory_space<vmem>>, vector<1x16xf32>,
        %swap3A_922 = vector.shape_cast %swap3A_921 : vector<1x16xf32> to vector<16xf32>
        %swap3A_923 = vector.shape_cast %add3A_918 : vector<16xf32> to vector<1x16xf32>
        tpu.vector_store %arg15[%swap3A_919, %swap3A_920], %swap3A_923 {strides = array<i32>} : memref<32x768xf32, #tpu.memory_space<vmem>>, vector<1x16xf32>,
        %get3A_924 = arith.index_cast %scan3A_503 : i32 to index
        %get3A_925 = arith.constant 672 : index
        %get3A_926 = tpu.vector_load %arg11[%get3A_924, %get3A_925] {strides = array<i32>} : memref<32x768xf32, #tpu.memory_space<vmem>>, vector<1x16xf32>,
        %get3A_927 = vector.shape_cast %get3A_926 : vector<1x16xf32> to vector<16xf32>
        %add3A_928 = arith.addf %get3A_927, %get3A_471 : vector<16xf32>
        %swap3A_929 = arith.index_cast %scan3A_503 : i32 to index
        %swap3A_930 = arith.constant 672 : index
        %swap3A_931 = tpu.vector_load %arg15[%swap3A_929, %swap3A_930] {strides = array<i32>} : memref<32x768xf32, #tpu.memory_space<vmem>>, vector<1x16xf32>,
        %swap3A_932 = vector.shape_cast %swap3A_931 : vector<1x16xf32> to vector<16xf32>
        %swap3A_933 = vector.shape_cast %add3A_928 : vector<16xf32> to vector<1x16xf32>
        tpu.vector_store %arg15[%swap3A_929, %swap3A_930], %swap3A_933 {strides = array<i32>} : memref<32x768xf32, #tpu.memory_space<vmem>>, vector<1x16xf32>,
        %get3A_934 = arith.index_cast %scan3A_503 : i32 to index
        %get3A_935 = arith.constant 688 : index
        %get3A_936 = tpu.vector_load %arg11[%get3A_934, %get3A_935] {strides = array<i32>} : memref<32x768xf32, #tpu.memory_space<vmem>>, vector<1x16xf32>,
        %get3A_937 = vector.shape_cast %get3A_936 : vector<1x16xf32> to vector<16xf32>
        %add3A_938 = arith.addf %get3A_937, %get3A_475 : vector<16xf32>
        %swap3A_939 = arith.index_cast %scan3A_503 : i32 to index
        %swap3A_940 = arith.constant 688 : index
        %swap3A_941 = tpu.vector_load %arg15[%swap3A_939, %swap3A_940] {strides = array<i32>} : memref<32x768xf32, #tpu.memory_space<vmem>>, vector<1x16xf32>,
        %swap3A_942 = vector.shape_cast %swap3A_941 : vector<1x16xf32> to vector<16xf32>
        %swap3A_943 = vector.shape_cast %add3A_938 : vector<16xf32> to vector<1x16xf32>
        tpu.vector_store %arg15[%swap3A_939, %swap3A_940], %swap3A_943 {strides = array<i32>} : memref<32x768xf32, #tpu.memory_space<vmem>>, vector<1x16xf32>,
        %get3A_944 = arith.index_cast %scan3A_503 : i32 to index
        %get3A_945 = arith.constant 704 : index
        %get3A_946 = tpu.vector_load %arg11[%get3A_944, %get3A_945] {strides = array<i32>} : memref<32x768xf32, #tpu.memory_space<vmem>>, vector<1x16xf32>,
        %get3A_947 = vector.shape_cast %get3A_946 : vector<1x16xf32> to vector<16xf32>
        %add3A_948 = arith.addf %get3A_947, %get3A_479 : vector<16xf32>
        %swap3A_949 = arith.index_cast %scan3A_503 : i32 to index
        %swap3A_950 = arith.constant 704 : index
        %swap3A_951 = tpu.vector_load %arg15[%swap3A_949, %swap3A_950] {strides = array<i32>} : memref<32x768xf32, #tpu.memory_space<vmem>>, vector<1x16xf32>,
        %swap3A_952 = vector.shape_cast %swap3A_951 : vector<1x16xf32> to vector<16xf32>
        %swap3A_953 = vector.shape_cast %add3A_948 : vector<16xf32> to vector<1x16xf32>
        tpu.vector_store %arg15[%swap3A_949, %swap3A_950], %swap3A_953 {strides = array<i32>} : memref<32x768xf32, #tpu.memory_space<vmem>>, vector<1x16xf32>,
        %get3A_954 = arith.index_cast %scan3A_503 : i32 to index
        %get3A_955 = arith.constant 720 : index
        %get3A_956 = tpu.vector_load %arg11[%get3A_954, %get3A_955] {strides = array<i32>} : memref<32x768xf32, #tpu.memory_space<vmem>>, vector<1x16xf32>,
        %get3A_957 = vector.shape_cast %get3A_956 : vector<1x16xf32> to vector<16xf32>
        %add3A_958 = arith.addf %get3A_957, %get3A_483 : vector<16xf32>
        %swap3A_959 = arith.index_cast %scan3A_503 : i32 to index
        %swap3A_960 = arith.constant 720 : index
        %swap3A_961 = tpu.vector_load %arg15[%swap3A_959, %swap3A_960] {strides = array<i32>} : memref<32x768xf32, #tpu.memory_space<vmem>>, vector<1x16xf32>,
        %swap3A_962 = vector.shape_cast %swap3A_961 : vector<1x16xf32> to vector<16xf32>
        %swap3A_963 = vector.shape_cast %add3A_958 : vector<16xf32> to vector<1x16xf32>
        tpu.vector_store %arg15[%swap3A_959, %swap3A_960], %swap3A_963 {strides = array<i32>} : memref<32x768xf32, #tpu.memory_space<vmem>>, vector<1x16xf32>,
        %get3A_964 = arith.index_cast %scan3A_503 : i32 to index
        %get3A_965 = arith.constant 736 : index
        %get3A_966 = tpu.vector_load %arg11[%get3A_964, %get3A_965] {strides = array<i32>} : memref<32x768xf32, #tpu.memory_space<vmem>>, vector<1x16xf32>,
        %get3A_967 = vector.shape_cast %get3A_966 : vector<1x16xf32> to vector<16xf32>
        %add3A_968 = arith.addf %get3A_967, %get3A_487 : vector<16xf32>
        %swap3A_969 = arith.index_cast %scan3A_503 : i32 to index
        %swap3A_970 = arith.constant 736 : index
        %swap3A_971 = tpu.vector_load %arg15[%swap3A_969, %swap3A_970] {strides = array<i32>} : memref<32x768xf32, #tpu.memory_space<vmem>>, vector<1x16xf32>,
        %swap3A_972 = vector.shape_cast %swap3A_971 : vector<1x16xf32> to vector<16xf32>
        %swap3A_973 = vector.shape_cast %add3A_968 : vector<16xf32> to vector<1x16xf32>
        tpu.vector_store %arg15[%swap3A_969, %swap3A_970], %swap3A_973 {strides = array<i32>} : memref<32x768xf32, #tpu.memory_space<vmem>>, vector<1x16xf32>,
        %get3A_974 = arith.index_cast %scan3A_503 : i32 to index
        %get3A_975 = arith.constant 752 : index
        %get3A_976 = tpu.vector_load %arg11[%get3A_974, %get3A_975] {strides = array<i32>} : memref<32x768xf32, #tpu.memory_space<vmem>>, vector<1x16xf32>,
        %get3A_977 = vector.shape_cast %get3A_976 : vector<1x16xf32> to vector<16xf32>
        %add3A_978 = arith.addf %get3A_977, %get3A_491 : vector<16xf32>
        %swap3A_979 = arith.index_cast %scan3A_503 : i32 to index
        %swap3A_980 = arith.constant 752 : index
        %swap3A_981 = tpu.vector_load %arg15[%swap3A_979, %swap3A_980] {strides = array<i32>} : memref<32x768xf32, #tpu.memory_space<vmem>>, vector<1x16xf32>,
        %swap3A_982 = vector.shape_cast %swap3A_981 : vector<1x16xf32> to vector<16xf32>
        %swap3A_983 = vector.shape_cast %add3A_978 : vector<16xf32> to vector<1x16xf32>
        tpu.vector_store %arg15[%swap3A_979, %swap3A_980], %swap3A_983 {strides = array<i32>} : memref<32x768xf32, #tpu.memory_space<vmem>>, vector<1x16xf32>,
      }
      %scan3A_497 = arith.constant 32 : i32
      %add3A_498 = arith.constant 1 : i32
      %add3A_499 = arith.addi %mul3A_96, %add3A_498 : i32
      %mul3A_500 = arith.constant 32 : i32
      %mul3A_501 = arith.muli %add3A_499, %mul3A_500 : i32
      %add3A_502 = arith.addi %mul3A_87, %mul3A_501 : i32
      "tpu.region"() ({
        %run_scoped3A = tpu.sem_alloc : memref<!tpu.dma_semaphore, #tpu.memory_space<semaphore_mem>>
        %dma_start3A_503 = arith.constant 0 : i32
        %dma_start3A_504 = tpu.memref_slice %arg6[%add3A_502, %dma_start3A_503] : memref<65536x768xf32, #tpu.memory_space<hbm>> -> memref<32x768xf32, #tpu.memory_space<hbm>>
        %dma_start3A_505 = arith.constant 0 : i32
        %dma_start3A_506 = tpu.memref_slice %arg6[%add3A_502, %dma_start3A_505] : memref<65536x768xf32, #tpu.memory_space<hbm>> -> memref<32x768xf32, #tpu.memory_space<hbm>>
        tpu.enqueue_dma source(%arg15 : memref<32x768xf32, #tpu.memory_space<vmem>>) target(%dma_start3A_506 : memref<32x768xf32, #tpu.memory_space<hbm>>) target_semaphore(%run_scoped3A : memref<!tpu.dma_semaphore, #tpu.memory_space<semaphore_mem>>)
        %dma_wait3A_507 = arith.constant 0 : i32
        %dma_wait3A_508 = tpu.memref_slice %arg6[%add3A_502, %dma_wait3A_507] : memref<65536x768xf32, #tpu.memory_space<hbm>> -> memref<32x768xf32, #tpu.memory_space<hbm>>
        %dma_wait3A_509 = arith.constant 0 : i32
        %dma_wait3A_510 = tpu.memref_slice %arg6[%add3A_502, %dma_wait3A_509] : memref<65536x768xf32, #tpu.memory_space<hbm>> -> memref<32x768xf32, #tpu.memory_space<hbm>>
        tpu.wait_dma2 semaphore(%run_scoped3A : memref<!tpu.dma_semaphore, #tpu.memory_space<semaphore_mem>>) src(%arg15 : memref<32x768xf32, #tpu.memory_space<vmem>>) dst(%dma_wait3A_510 : memref<32x768xf32, #tpu.memory_space<hbm>>)
        tpu.yield
      }) : () -> ()
    }
    %scan3A_93 = arith.constant 16 : i32
    return
  }
}

</mosaic_0001>

<sc_bundles>
// kernel: kernel.3.cloned.1.call-start
scs
__scs_entry_jumppad:
0x0: {  	(pc) =	sbr.rel $0x88, $3  }
0x1: {  	(tag) =	ssettag $0x0;
	lr =	simm.s32 $0x1  }
0x2: {  	[smem:$0x3F9B] =	sst lr;
	_ =	strace $0xD0000000  }
0x3: {  	_ = 	snop  }
0x4: {  	_ = 	snop  }
0x5: {  	_ = 	snop  }
0x6: {  	_ = 	snop  }
0x7: {  	_ = 	snop  }
__scs_overlays_trampoline_lowered:
0x8: {  	[smem:$0x3FAA] =	sst s0  }
0x9: {  	[smem:$0x3FAB] =	sst s1  }
0xa: {  	[smem:$0x3FAC] =	sst s2  }
0xb: {  	[smem:$0x3FAD] =	sst s3  }
0xc: {  	[smem:$0x3FAE] =	sst s4  }
0xd: {  	[smem:$0x3FAF] =	sst s5  }
0xe: {  	[smem:$0x3FB0] =	sst s6  }
0xf: {  	[smem:$0x3FB1] =	sst s7  }
0x10: {  	[smem:$0x3FB2] =	sst s8  }
0x11: {  	[smem:$0x3FB3] =	sst s9;
	s0 =	simm.s32 @!p0 $0x0  }
0x12: {  	s1 =	sld [smem:$0x3F99];
	s0 =	simm.s32 @p0 $0x1  }
0x13: {  	[smem:$0x3FB4] =	sst s0;
	s0 =	simm.s32 @!p1 $0x0  }
0x14: {  	s2 =	sld [smem:$0x3F98];
	s0 =	simm.s32 @p1 $0x1  }
0x15: {  	[smem:$0x3FB5] =	sst s0;
	s0 =	simm.s32 @!p2 $0x0  }
0x16: {  	s3 =	sld [smem:$0x3FDB];
	s0 =	simm.s32 @p2 $0x1  }
0x17: {  	s4 =	simm.s32 $0x1BF5;
	[smem:$0x3FB7] =	sst s0  }
0x18: {  	s0 =	sld [smem:$0x3F9A];
	_ =	swait.ge [sflag:s4], $0x0  }
0x19: {  	s7 =	sld [smem:$0x3F9B]  }
0x1a: {  	s8 =	sadd.s32 $0xFFFFE003, lr  }
0x1b: {  	s9 =	sadd.s32 $0xFFFFFEF7, lr;
	s5 =	simm.s32 $0xFFFFFFFF;
	p2 =	slt.u32 s8, $0xFFFFF086  }
0x1c: {  	p1 =	slt.u32 s9, $0xF7A;
	s5 =	simm.s32 @!p2 $0x0  }
0x1d: {  	s5 =	simm.s32 @p1 $0x1;
	p0 =	seq.s32 s7, s2  }
0x1e: {  	s7 =	smul.u32 @!p0 $0xF7A, s2;
	p2 =	seq.s32 @!p0 s5, $0x0  }
0x1f: {  	s9 =	smul.u32 $0xF7A, s1;
	s8 =	simm.s32 @!p0 $0x1BF5;
	p2 =	por !p2, p0  }
0x20: {  	[sflag:s8] =	ssyncset.s32 @!p0 $0xFFFFF086;
	s6 =	sadd.s32 @!p0 s3, s7;
	s7 =	simm.s32 @!p0 $0x108  }
0x21: {  	s3 =	sadd.s32 s3, s9;
	s6 =	sadd.s32 @!p0 $0x88, s6;
	s7 =	simm.s32 @p2 $0x1082  }
0x22: {  	[simem:s7], [sflag:s8] =	dma.local @!p0 [hbm:s6], $0xF7A  }
0x23: {  	s9 =	sor.u32 $0xD0000000, s2;
	s6 =	simm.s32 $0x108;
	_ =	swait.ge @!p0 [sflag:s8], $0x0  }
0x24: {  	s3 =	sadd.s32 $0x88, s3;
	s6 =	simm.s32 @!p1 $0x1082;
	[sflag:s4] =	ssyncset.s32 $0xFFFFF086  }
0x25: {  	[simem:s6], [sflag:s4] =	dma.local [hbm:s3], $0xF7A  }
0x26: {  	[smem:$0x3F9B] =	sst s1;
	(tag) =	ssettag s2;
	_ =	strace s9  }
0x27: {  	s1 =	sld [smem:$0x3FAB]  }
0x28: {  	s2 =	sld [smem:$0x3FAC]  }
0x29: {  	s4 =	sld [smem:$0x3FAE]  }
0x2a: {  	p0 =	seq.s32 s5, $0x0;
	s5 =	sld [smem:$0x3FAF]  }
0x2b: {  	s6 =	sld [smem:$0x3FB0]  }
0x2c: {  	s7 =	sld [smem:$0x3FB1]  }
0x2d: {  	s3 =	simm.s32 $0x108;
	s8 =	sld [smem:$0x3FB2]  }
0x2e: {  	s3 =	simm.s32 @!p0 $0x1082;
	s9 =	sld [smem:$0x3FB3]  }
0x2f: {  	lr =	sadd.s32 s0, s3;
	s0 =	sld [smem:$0x3FAA]  }
0x30: {  	s3 =	sld [smem:$0x3FAD]  }
0x31: {  	[smem:$0x3FB6] =	sst s10  }
0x32: {  	s10 =	sld [smem:$0x3FB4];
	_ =	sdelay $0x3  }
0x33: {  	p0 =	seq.s32 s10, $0x1;
	s10 =	sld [smem:$0x3FB6];
	_ =	sdelay $0x3  }
0x34: {  	[smem:$0x3FB6] =	sst s10  }
0x35: {  	s10 =	sld [smem:$0x3FB5];
	_ =	sdelay $0x3  }
0x36: {  	p1 =	seq.s32 s10, $0x1;
	s10 =	sld [smem:$0x3FB6];
	_ =	sdelay $0x3  }
0x37: {  	[smem:$0x3FB6] =	sst s10  }
0x38: {  	s10 =	sld [smem:$0x3FB7]  }
0x39: {  	_ = 	snop;
	(pc) =	sbr.ind lr, $3  }
0x3a: {  	_ = 	snop  }
0x3b: {  	_ = 	snop  }
0x3c: {  	p2 =	seq.s32 s10, $0x1;
	s10 =	sld [smem:$0x3FB6]  }
0x3d: {  	_ =	shalt  }
0x3e: {  	_ =	shalt  }
0x3f: {  	_ =	shalt  }
0x40: {  	_ =	shalt  }
0x41: {  	_ =	shalt  }
0x42: {  	_ =	shalt  }
0x43: {  	_ =	shalt  }
0x44: {  	_ =	shalt  }
0x45: {  	_ =	shalt  }
0x46: {  	_ =	shalt  }
0x47: {  	_ =	shalt  }
0x48: {  	_ =	shalt  }
0x49: {  	_ =	shalt  }
0x4a: {  	_ =	shalt  }
0x4b: {  	_ =	shalt  }
0x4c: {  	_ =	shalt  }
0x4d: {  	_ =	shalt  }
0x4e: {  	_ =	shalt  }
0x4f: {  	_ =	shalt  }
0x50: {  	_ =	shalt  }
0x51: {  	_ =	shalt  }
0x52: {  	_ =	shalt  }
0x53: {  	_ =	shalt  }
0x54: {  	_ =	shalt  }
0x55: {  	_ =	shalt  }
0x56: {  	_ =	shalt  }
0x57: {  	_ =	shalt  }
0x58: {  	_ =	shalt  }
0x59: {  	_ =	shalt  }
0x5a: {  	_ =	shalt  }
0x5b: {  	_ =	shalt  }
0x5c: {  	_ =	shalt  }
0x5d: {  	_ =	shalt  }
0x5e: {  	_ =	shalt  }
0x5f: {  	_ =	shalt  }
0x60: {  	_ =	shalt  }
0x61: {  	_ =	shalt  }
0x62: {  	_ =	shalt  }
0x63: {  	_ =	shalt  }
0x64: {  	_ =	shalt  }
0x65: {  	_ =	shalt  }
0x66: {  	_ =	shalt  }
0x67: {  	_ =	shalt  }
0x68: {  	_ =	shalt  }
0x69: {  	_ =	shalt  }
0x6a: {  	_ =	shalt  }
0x6b: {  	_ =	shalt  }
0x6c: {  	_ =	shalt  }
0x6d: {  	_ =	shalt  }
0x6e: {  	_ =	shalt  }
0x6f: {  	_ =	shalt  }
0x70: {  	_ =	shalt  }
0x71: {  	_ =	shalt  }
0x72: {  	_ =	shalt  }
0x73: {  	_ =	shalt  }
0x74: {  	_ =	shalt  }
0x75: {  	_ =	shalt  }
0x76: {  	_ =	shalt  }
0x77: {  	_ =	shalt  }
0x78: {  	_ =	shalt  }
0x79: {  	_ =	shalt  }
0x7a: {  	_ =	shalt  }
0x7b: {  	_ =	shalt  }
0x7c: {  	_ =	shalt  }
0x7d: {  	_ =	shalt  }
0x7e: {  	_ =	shalt  }
0x7f: {  	_ =	shalt  }
0x80: {  	_ =	shalt  }
0x81: {  	_ =	shalt  }
0x82: {  	_ =	shalt  }
0x83: {  	_ =	shalt  }
0x84: {  	_ =	shalt  }
0x85: {  	_ =	shalt  }
0x86: {  	_ =	shalt  }
0x87: {  	_ =	shalt  }
.Lfunc_end0:
.L_simem_size_0:
called_computation_lowered:
.L_overlay_start_0:
0x88: {  	s2 =	sld [smem:$0x3FD9]  }
0x89: {  	s3 =	sld [smem:$0x3FFE];
	_ =	sdelay $0x1  }
0x8a: {  	s1 =	srdreg.scid  }
0x8b: {  	s0 =	sand.u32 $0x1, s1  }
0x8c: {  	s17 =	sshll.u32 s0, $0xA;
	s2 =	sadd.s32 s3, s2  }
0x8d: {  	s2 =	sadd.s32 s2, s17  }
0x8e: {  	[smem:$0x3FC2] =	sst s2  }
0x8f: {  	_ = 	snop  }
0x90: {  	s2 =	sld [smem:$0x3FC6]  }
0x91: {  	s18 =	sld [smem:$0x3FC5]  }
0x92: {  	s4 =	sld [smem:$0x3FC4]  }
0x93: {  	s5 =	sld [smem:$0x3FD0];
	(tm) =	ssettm $0x1  }
0x94: {  	s6 =	sld [smem:$0x3FFB];
	_ =	sdelay $0x3  }
0x95: {  	_ =	strace s6  }
0x96: {  	s6 =	sld [smem:$0x3FFC];
	_ =	sdelay $0x3  }
0x97: {  	_ =	strace s6  }
0x98: {  	s6 =	sld [smem:$0x3FFD];
	_ =	sdelay $0x3  }
0x99: {  	_ =	strace s6  }
0x9a: {  	_ =	strace $0x8FFFFFFF  }
0x9b: {  	s19 =	sld [smem:$0x3FDB];
	_ =	sdelay $0x1  }
0x9c: {  	s7 =	simm.s32 $_scs_section_size  }
0x9d: {  	s8 =	simm.s32 $_size__tile_overlayer_lowered;
	s9 =	simm.s32 $_tile_overlayer_lowered  }
0x9e: {  	s22 =	simm.s32 $0x1BFF;
	s21 =	sshll.u32 s9, $0x1;
	s6 =	sadd.s32 s7, s19  }
0x9f: {  	s10 =	simm.s32 $0x0;
	s20 =	sshll.u32 s8, $0x1;
	s8 =	sadd.s32 s21, s6  }
0xa0: {  	[timem:s10], [sflag:s22] =	dma.local [hbm:s8], s20  }
0xa1: {  	_ =	swait.ge [sflag:s22], s20  }
0xa2: {  	s7 =	ssub.s32 $0x0, s20;
	[sflag:s22] =	ssyncset.done $0x0  }
0xa3: {  	[sflag:s22] =	ssyncadd.s32 s7;
	_ =	sdelay $0x1  }
0xa4: {  	s23 =	simm.s32 $0x1B8B  }
0xa5: {  	_ =	swait.ge [sflag:s23], $0x1  }
0xa6: {  	[sflag:s23] =	ssyncset.done $0x0  }
0xa7: {  	s25 =	simm.s32 $0x1B8E;
	s24 =	sld [smem:$0x3FFE];
	[sflag:s23] =	ssyncadd.s32 $0xFFFFFFFF  }
0xa8: {  	s26 =	simm.s32 $execute0_lowered;
	[smem:$0x3FD2] =	sst s25  }
0xa9: {  	s8 =	sshll.u32 s26, $0x1;
	_ =	strace $0x80000046;
	[dreg:$0x1] =	wrdreg $0xFFFFFFFF  }
0xaa: {  	s28 =	simm.s32 $_size_execute0_lowered;
	s6 =	sadd.s32 s6, s8;
	[dreg:$0x0] =	wrdreg $0x0  }
0xab: {  	s8 =	sshll.u32 s28, $0x1;
	[dreg:$0x2] =	wrdreg s6  }
0xac: {  	[dreg:$0x3] =	wrdreg s8  }
0xad: {  	[dreg:$0x4] =	wrdreg $0xC0  }
0xae: {  	_ =	task [dreg:s10], $0x5FFFF  }
0xaf: {  	[dreg:$0x1] =	wrdreg $0xFFFFFFFF  }
0xb0: {  	[dreg:$0x0] =	wrdreg $0x60  }
0xb1: {  	[dreg:$0x2] =	wrdreg s24  }
0xb2: {  	[dreg:$0x3] =	wrdreg s2  }
0xb3: {  	[dreg:$0x4] =	wrdreg s18  }
0xb4: {  	[dreg:$0x5] =	wrdreg s4  }
0xb5: {  	[dreg:$0x6] =	wrdreg s5  }
0xb6: {  	[dreg:$0x7] =	wrdreg $0x9  }
0xb7: {  	_ =	task.clear_ibuf [dreg:s10], $0x8FFFF;
	_ =	strace $0x90000046  }
0xb8: {  	s29 =	simm.s32 $0x9;
	_ =	strace $0x80000048  }
0xb9: {  	_ =	swait.ge [sflag:s29], $0x1  }
0xba: {  	[sflag:s29] =	ssyncadd.s32 $0xFFFFFFFF  }
0xbb: {  	_ =	strace $0x90000048  }
0xbc: {  	_ =	sfence  }
0xbd: {  	s30 =	sld [smem:$0x0];
	_ =	sdelay $0x2  }
0xbe: {  	s31 =	sshll.u32 s1, $0xD;
	s1 =	sshrl.u32 s1, $0x2  }
0xbf: {  	s3 =	sand.u32 $0x4000, s31;
	s1 =	sadd.s32 s1, s30  }
0xc0: {  	s0 =	sor.u32 s3, s0;
	s1 =	sshll.u32 s1, $0x11  }
0xc1: {  	s0 =	sor.u32 s1, s0  }
0xc2: {  	s0 =	sadd.s32 $0x8F2B, s0  }
0xc3: {  	[sflag:s0] =	ssyncadd.remote.s32 $0x1  }
0xc4: {  	_ =	sfence.sel $0xFFFF  }
0xc5: {  	[dreg:$0x0] =	wrdreg $0xFFFFFFFF;
	(pc) =	sbr.abs _section_cstart, $3  }
0xc6: {  	[dreg:$0x1] =	wrdreg $0xFFFFFFFF  }
0xc7: {  	_ =	task.clear_ibuf [dreg:s10], $0x2FFFF;
	_ =	strace $0x9FFFFFFF  }
0xc8: {  	(tm) =	ssettm $0x7FFFFFFF  }
0xc9: {  	_ =	shalt  }
tec
execute0_lowered:
.L_overlay_start_1:
0x0: {  	(tag) =	ssettag $0x1  }
0x1: {  	s0 =	rddreg [dreg:$0x0]  }
0x2: {  	s30 =	rddreg [dreg:$0x1]  }
0x3: {  	s2 =	rddreg [dreg:$0x2]  }
0x4: {  	s3 =	rddreg [dreg:$0x3]  }
0x5: {  	s4 =	rddreg [dreg:$0x4];
	s1 =	srdreg.scid;
	s5 =	simm.s32 $0x0  }
0x6: {  	s8 =	stileid.u32;
	s17 =	simm.s32 $0x2;
	s31 =	simm.s32 $0x1  }
0x7: {  	s16 =	simm.s32 $0x80;
	s18 =	simm.s32 $0x18480;
	s19 =	simm.s32 $0x0  }
0x8: {  	s1 =	sand.u32 $0x1, s1;
	[smem:$0x7FF] =	sst s5;
	s0 =	sadd.s32 $0x600, s0  }
0x9: {  	s29 =	sshll.u32 s8, $0x1;
	s8 =	sadd.s32 $0x100, s2;
	s9 =	sadd.s32 $0x200, s2  }
0xa: {  	s10 =	sadd.s32 $0x100, s3;
	s11 =	sadd.s32 $0x200, s3;
	s6 =	ssub.s32 $0x2, s1  }
0xb: {  	_ =	strace $0x80000047;
	s1 =	sor.u32 s1, s29;
	s7 =	sshrl.u32 s6, $0x1  }
0xc: {  	v0 =	vlaneseq.u32;
	[dreg:$0x6] =	wrdreg s0;
	s12 =	sshllo.u32 s1, $0x1;
	s28 =	ssub.s32 s6, s7  }
0xd: {  	vm0 =	vmmov $0xffff;
	v1 =	vor.u32 $0x10, v0;
	v3 =	vshrl.u32 v0, $0x3;
	s13 =	sshll.u32 s1, $0x1;
	s14 =	sshll.u32 s1, $0xB;
	s0 =	smax.u32 s28, $0x1  }
0xe: {  	v2 =	vand.u32 $0x7, v0;
	v4 =	vor.u32 $0x8, v0;
	v3 =	vmul.u32 $0x8, v3;
	s15 =	sshll.u32 s12, $0xA;
	s6 =	simm.s32 $0x12480;
	[dreg:$0x7] =	wrdreg s0  }
.LBB2_1:
0xf: {  	s0 =	rddreg [dreg:$0x6]  }
0x10: {  	[tilespmem:s5], [sflag:$0x2] =	stream.linear.gather [hbm4b:s0+s5], $0x80, $0x38;
	[tilespmem:$0x1E480] =	vst v63  }
0x11: {  	_ =	swait.ge [sflag:s17], $0x80  }
0x12: {  	[sflag:s17] =	ssyncset.done $0x0  }
0x13: {  	[sflag:s17] =	ssyncadd.s32 $0xFFFFFF80  }
0x14: {  	v5 =	vld [tilespmem:$0x0];
	_ =	sdelay $0x4  }
0x15: {  	v5 =	vadd.s32 $0xFFFFFFFF, v5  }
0x16: {  	v6 =	vbroadcast v5, $0x1;
	_ =	sdelay $0x1  }
0x17: {  	vm1 =	vlt.s32 v6, v0  }
0x18: {  	v7 =	vsel vm1, v6, v0  }
0x19: {  	[tilespmem:$0x80] =	vst v7  }
0x1a: {  	v7 =	vld [tilespmem:$0x80];
	_ =	sdelay $0x4  }
0x1b: {  	v8 =	vshrl.u32 v7, $0x3  }
0x1c: {  	v8 =	vmul.u32 $0x30, v8  }
0x1d: {  	v7 =	vand.u32 $0x7, v7  }
0x1e: {  	v7 =	vor.u32 v7, v8  }
0x1f: {  	v63 =	vbroadcast v5, $0x2;
	v9 =	vperm.xlane v7, v2;
	_ =	sdelay $0x1  }
0x20: {  	vm1 =	vlt.s32 v63, v0;
	v9 =	vadd.s32 v3, v9  }
0x21: {  	v10 =	vsel vm1, v63, v0;
	vm1 =	vlt.s32 v6, v1  }
0x22: {  	[tilespmem:$0x100] =	vst v10;
	v6 =	vsel vm1, v6, v1;
	vm1 =	vlt.s32 v63, v1  }
0x23: {  	[tilespmem:$0x90] =	vst v6;
	v6 =	vsel vm1, v63, v1  }
0x24: {  	s25 =	simm.s32 $0x180;
	[tilespmem:$0x110] =	vst v6;
	v6 =	vperm.xlane v7, v4  }
0x25: {  	[tilespmem:s25], [sflag:$0x1] =	stream.indirect_vreg.gather [hbm4b:s2+s5], $0x80, v9, vm0, $0xb8;
	[tilespmem:$0x1E480] =	vst v63  }
0x26: {  	s26 =	simm.s32 $0x980;
	v6 =	vadd.s32 v3, v6  }
0x27: {  	[tilespmem:s26], [sflag:$0x1] =	stream.indirect_vreg.gather [hbm4b:s8+s5], $0x80, v9, vm0, $0xb8;
	[tilespmem:$0x1E480] =	vst v63  }
0x28: {  	s28 =	simm.s32 $0x1180  }
0x29: {  	[tilespmem:s28], [sflag:$0x1] =	stream.indirect_vreg.gather [hbm4b:s9+s5], $0x80, v9, vm0, $0xb8;
	[tilespmem:$0x1E480] =	vst v63  }
0x2a: {  	s29 =	simm.s32 $0x1980  }
0x2b: {  	[tilespmem:s29], [sflag:$0x1] =	stream.indirect_vreg.gather [hbm4b:s2+s5], $0x80, v6, vm0, $0xb8;
	[tilespmem:$0x1E480] =	vst v63  }
0x2c: {  	s1 =	simm.s32 $0x2180  }
0x2d: {  	[tilespmem:s1], [sflag:$0x1] =	stream.indirect_vreg.gather [hbm4b:s8+s5], $0x80, v6, vm0, $0xb8;
	[tilespmem:$0x1E480] =	vst v63  }
0x2e: {  	s7 =	simm.s32 $0x2980  }
0x2f: {  	[tilespmem:s7], [sflag:$0x1] =	stream.indirect_vreg.gather [hbm4b:s9+s5], $0x80, v6, vm0, $0xb8;
	[tilespmem:$0x1E480] =	vst v63  }
0x30: {  	v6 =	vld [tilespmem:$0x90];
	_ =	sdelay $0x4  }
0x31: {  	v7 =	vshrl.u32 v6, $0x3  }
0x32: {  	v7 =	vmul.u32 $0x30, v7  }
0x33: {  	v6 =	vand.u32 $0x7, v6  }
0x34: {  	v6 =	vor.u32 v6, v7  }
0x35: {  	v7 =	vperm.xlane v6, v2;
	_ =	sdelay $0x1  }
0x36: {  	v7 =	vadd.s32 v3, v7;
	_ =	sdelay $0x3  }
0x37: {  	s20 =	simm.s32 $0x3180;
	v6 =	vperm.xlane v6, v4  }
0x38: {  	[tilespmem:s20], [sflag:$0x1] =	stream.indirect_vreg.gather [hbm4b:s2+s5], $0x80, v7, vm0, $0xb8;
	[tilespmem:$0x1E480] =	vst v63  }
0x39: {  	s21 =	simm.s32 $0x3980;
	v6 =	vadd.s32 v3, v6  }
0x3a: {  	[tilespmem:s21], [sflag:$0x1] =	stream.indirect_vreg.gather [hbm4b:s8+s5], $0x80, v7, vm0, $0xb8;
	[tilespmem:$0x1E480] =	vst v63  }
0x3b: {  	s22 =	simm.s32 $0x4180  }
0x3c: {  	[tilespmem:s22], [sflag:$0x1] =	stream.indirect_vreg.gather [hbm4b:s9+s5], $0x80, v7, vm0, $0xb8;
	[tilespmem:$0x1E480] =	vst v63  }
0x3d: {  	s23 =	simm.s32 $0x4980  }
0x3e: {  	[tilespmem:s23], [sflag:$0x1] =	stream.indirect_vreg.gather [hbm4b:s2+s5], $0x80, v6, vm0, $0xb8;
	[tilespmem:$0x1E480] =	vst v63  }
0x3f: {  	s24 =	simm.s32 $0x5180  }
0x40: {  	[tilespmem:s24], [sflag:$0x1] =	stream.indirect_vreg.gather [hbm4b:s8+s5], $0x80, v6, vm0, $0xb8;
	[tilespmem:$0x1E480] =	vst v63  }
0x41: {  	s25 =	simm.s32 $0x5980  }
0x42: {  	[tilespmem:s25], [sflag:$0x1] =	stream.indirect_vreg.gather [hbm4b:s9+s5], $0x80, v6, vm0, $0xb8;
	[tilespmem:$0x1E480] =	vst v63  }
0x43: {  	_ =	swait.ge [sflag:s31], $0x6000  }
0x44: {  	[sflag:s31] =	ssyncset.done $0x0  }
0x45: {  	[sflag:s31] =	ssyncadd.s32 $0xFFFFA000  }
0x46: {  	v6 =	vld [tilespmem:$0x100];
	_ =	sdelay $0x4  }
0x47: {  	v7 =	vshrl.u32 v6, $0x3  }
0x48: {  	v7 =	vmul.u32 $0x30, v7  }
0x49: {  	v6 =	vand.u32 $0x7, v6  }
0x4a: {  	v6 =	vor.u32 v6, v7  }
0x4b: {  	v7 =	vperm.xlane v6, v2;
	_ =	sdelay $0x1  }
0x4c: {  	v7 =	vadd.s32 v3, v7;
	_ =	sdelay $0x3  }
0x4d: {  	s26 =	simm.s32 $0x6180;
	v6 =	vperm.xlane v6, v4  }
0x4e: {  	[tilespmem:s26], [sflag:$0x1] =	stream.indirect_vreg.gather [hbm4b:s3+s5], $0x80, v7, vm0, $0xb8;
	[tilespmem:$0x1E480] =	vst v63  }
0x4f: {  	s28 =	simm.s32 $0x6980;
	v6 =	vadd.s32 v3, v6  }
0x50: {  	[tilespmem:s28], [sflag:$0x1] =	stream.indirect_vreg.gather [hbm4b:s10+s5], $0x80, v7, vm0, $0xb8;
	[tilespmem:$0x1E480] =	vst v63  }
0x51: {  	s29 =	simm.s32 $0x7180  }
0x52: {  	[tilespmem:s29], [sflag:$0x1] =	stream.indirect_vreg.gather [hbm4b:s11+s5], $0x80, v7, vm0, $0xb8;
	[tilespmem:$0x1E480] =	vst v63  }
0x53: {  	s1 =	simm.s32 $0x7980  }
0x54: {  	[tilespmem:s1], [sflag:$0x1] =	stream.indirect_vreg.gather [hbm4b:s3+s5], $0x80, v6, vm0, $0xb8;
	[tilespmem:$0x1E480] =	vst v63  }
0x55: {  	s7 =	simm.s32 $0x8180  }
0x56: {  	[tilespmem:s7], [sflag:$0x1] =	stream.indirect_vreg.gather [hbm4b:s10+s5], $0x80, v6, vm0, $0xb8;
	[tilespmem:$0x1E480] =	vst v63  }
0x57: {  	s20 =	simm.s32 $0x8980  }
0x58: {  	[tilespmem:s20], [sflag:$0x1] =	stream.indirect_vreg.gather [hbm4b:s11+s5], $0x80, v6, vm0, $0xb8;
	[tilespmem:$0x1E480] =	vst v63  }
0x59: {  	v6 =	vld [tilespmem:$0x110];
	_ =	sdelay $0x4  }
0x5a: {  	v7 =	vshrl.u32 v6, $0x3  }
0x5b: {  	v7 =	vmul.u32 $0x30, v7  }
0x5c: {  	v6 =	vand.u32 $0x7, v6  }
0x5d: {  	v6 =	vor.u32 v6, v7  }
0x5e: {  	v7 =	vperm.xlane v6, v2;
	_ =	sdelay $0x1  }
0x5f: {  	v7 =	vadd.s32 v3, v7;
	_ =	sdelay $0x3  }
0x60: {  	s21 =	simm.s32 $0x9180;
	v6 =	vperm.xlane v6, v4  }
0x61: {  	[tilespmem:s21], [sflag:$0x1] =	stream.indirect_vreg.gather [hbm4b:s3+s5], $0x80, v7, vm0, $0xb8;
	[tilespmem:$0x1E480] =	vst v63  }
0x62: {  	s22 =	simm.s32 $0x9980;
	v6 =	vadd.s32 v3, v6  }
0x63: {  	[tilespmem:s22], [sflag:$0x1] =	stream.indirect_vreg.gather [hbm4b:s10+s5], $0x80, v7, vm0, $0xb8;
	[tilespmem:$0x1E480] =	vst v63  }
0x64: {  	s23 =	simm.s32 $0xA180  }
0x65: {  	[tilespmem:s23], [sflag:$0x1] =	stream.indirect_vreg.gather [hbm4b:s11+s5], $0x80, v7, vm0, $0xb8;
	[tilespmem:$0x1E480] =	vst v63  }
0x66: {  	s24 =	simm.s32 $0xA980  }
0x67: {  	[tilespmem:s24], [sflag:$0x1] =	stream.indirect_vreg.gather [hbm4b:s3+s5], $0x80, v6, vm0, $0xb8;
	[tilespmem:$0x1E480] =	vst v63  }
0x68: {  	s25 =	simm.s32 $0xB180  }
0x69: {  	[tilespmem:s25], [sflag:$0x1] =	stream.indirect_vreg.gather [hbm4b:s10+s5], $0x80, v6, vm0, $0xb8;
	[tilespmem:$0x1E480] =	vst v63  }
0x6a: {  	s26 =	simm.s32 $0xB980  }
0x6b: {  	[tilespmem:s26], [sflag:$0x1] =	stream.indirect_vreg.gather [hbm4b:s11+s5], $0x80, v6, vm0, $0xb8;
	[tilespmem:$0x1E480] =	vst v63  }
0x6c: {  	_ =	swait.ge [sflag:s31], $0x6000  }
0x6d: {  	(v2sf) =	vpush v5, $0x0;
	_ =	sdelay $0xe  }
0x6e: {  	s20 =	spop (v2sf)  }
0x6f: {  	p0 =	slt.s32 s13, s20;
	s1 =	smov.u32 s20  }
0x70: {  	s1 =	smov.u32 @p0 s13  }
0x71: {  	s7 =	sshrl.u32 s1, $0x3  }
0x72: {  	s1 =	sshll.u32 s1, $0x7;
	s7 =	smul.u32 $0x1800, s7  }
0x73: {  	s1 =	sand.u32 $0x380, s1  }
0x74: {  	s1 =	sor.u32 s1, s7  }
0x75: {  	s28 =	simm.s32 $0x400;
	[sflag:s31] =	ssyncset.done $0x0;
	s1 =	sshrl.u32 s1, $0x3  }
0x76: {  	s29 =	simm.s32 $0xC180;
	[sflag:s31] =	ssyncadd.s32 $0xFFFFA000;
	s1 =	sadd.s32 s30, s1  }
0x77: {  	[tilespmem:s29], [sflag:$0x2] =	stream.strided.gather [hbm4b:s1+s16], $0x300, s28, s16, $0x38;
	[tilespmem:$0x1E480] =	vst v63  }
0x78: {  	_ =	swait.ge [sflag:s17], $0x300  }
0x79: {  	[sflag:s17] =	ssyncset.done $0x0  }
0x7a: {  	s1 =	simm.s32 $0x0;
	[sflag:s17] =	ssyncadd.s32 $0xFFFFFD00  }
.LBB2_2:
0x7b: {  	s7 =	simm.s32 $0x0  }
0x7c: {  	s21 =	sshll.u32 s1, $0x7;
	s22 =	smul.u32 $0x1800, s7  }
0x7d: {  	s26 =	simm.s32 $0x0;
	s7 =	sand.u32 $0x1C00, s21  }
0x7e: {  	s23 =	sshll.u32 s1, $0x4;
	s24 =	sand.u32 $0x380, s26;
	s22 =	sadd.s32 s7, s22  }
0x7f: {  	s21 =	sand.u32 $0x70, s23;
	s22 =	sor.u32 s24, s22  }
0x80: {  	v5 =	vld [tilespmem:s23+$0xC180];
	s22 =	sor.u32 s21, s22  }
0x81: {  	s28 =	simm.s32 $0x0;
	v6 =	vld [tilespmem:s22+$0x180]  }
0x82: {  	s29 =	smul.u32 $0x1800, s28  }
0x83: {  	s23 =	simm.s32 $0x80  }
0x84: {  	s25 =	sand.u32 $0x380, s23;
	s24 =	sadd.s32 s7, s29  }
0x85: {  	s25 =	sor.u32 s25, s24  }
0x86: {  	s24 =	simm.s32 $0x2;
	s25 =	sor.u32 s21, s25;
	v6 =	vadd.f32 v6, v5  }
.LBB2_3:
0x87: {  	s26 =	sshrl.u32 s24, $0x3  }
0x88: {  	p0 =	sne.s32 s24, $0x1F;
	s24 =	sadd.s32 $0x1, s24;
	v7 =	vld [tilespmem:s25+$0x180];
	s26 =	smul.u32 $0x1800, s26  }
.Ltmp0:
0x89: {  	[tilespmem:s22+$0xC480] =	vst v6;
	(pc) =	sbr.rel @p0 .LBB2_3-.Ltmp0, $4  }
0x8a: {  	s23 =	sadd.s32 $0x80, s23;
	s22 =	smov.u32 s25  }
0x8b: {  	s25 =	sadd.s32 s7, s26;
	s26 =	sand.u32 $0x380, s23  }
0x8c: {  	s25 =	sor.u32 s26, s25  }
0x8d: {  	s25 =	sor.u32 s21, s25;
	v6 =	vadd.f32 v7, v5  }
0x8e: {  	v7 =	vld [tilespmem:s25+$0x180]  }
0x8f: {  	s1 =	sadd.s32 $0x1, s1  }
0x90: {  	p0 =	sne.s32 s1, $0x30  }
.Ltmp1:
0x91: {  	_ = 	snop;
	(pc) =	sbr.rel @p0 .LBB2_2-.Ltmp1, $4  }
0x92: {  	_ = 	snop  }
0x93: {  	v5 =	vadd.f32 v7, v5  }
0x94: {  	[tilespmem:s22+$0xC480] =	vst v6  }
0x95: {  	s21 =	simm.s32 $0x0;
	[tilespmem:s25+$0xC480] =	vst v5  }
0x96: {  	s16 =	smov.u32 s30;
	s22 =	simm.s32 $0x0  }
.LBB2_6:
0x97: {  	s1 =	sshrl.u32 s22, $0x2  }
0x98: {  	s1 =	smul.u32 $0x6000, s1;
	_ =	sdelay $0x1  }
0x99: {  	s7 =	sshll.u32 s22, $0x8;
	s1 =	sshra.s32 s1, $0x2  }
0x9a: {  	s7 =	sand.u32 $0x300, s7;
	s23 =	sadd.s32 $0xC480, s1  }
0x9b: {  	s25 =	sor.u32 s7, s23  }
0x9c: {  	v51 =	vld [tilespmem:s25+$0x0]  }
0x9d: {  	v50 =	vld [tilespmem:s25+$0x10]  }
0x9e: {  	v49 =	vld [tilespmem:s25+$0x20]  }
0x9f: {  	v48 =	vld [tilespmem:s25+$0x30]  }
0xa0: {  	v47 =	vld [tilespmem:s25+$0x40]  }
0xa1: {  	v46 =	vld [tilespmem:s25+$0x50]  }
0xa2: {  	v45 =	vld [tilespmem:s25+$0x60]  }
0xa3: {  	v44 =	vld [tilespmem:s25+$0x70]  }
0xa4: {  	v43 =	vld [tilespmem:s25+$0x400]  }
0xa5: {  	v42 =	vld [tilespmem:s25+$0x410]  }
0xa6: {  	v41 =	vld [tilespmem:s25+$0x420]  }
0xa7: {  	v40 =	vld [tilespmem:s25+$0x430]  }
0xa8: {  	v39 =	vld [tilespmem:s25+$0x440]  }
0xa9: {  	v38 =	vld [tilespmem:s25+$0x450]  }
0xaa: {  	s24 =	sadd.s32 $0xCC80, s1;
	v37 =	vld [tilespmem:s25+$0x460]  }
0xab: {  	s26 =	sor.u32 s7, s24;
	v36 =	vld [tilespmem:s25+$0x470]  }
0xac: {  	v35 =	vld [tilespmem:s26+$0x0]  }
0xad: {  	v34 =	vld [tilespmem:s26+$0x10]  }
0xae: {  	v33 =	vld [tilespmem:s26+$0x20]  }
0xaf: {  	v32 =	vld [tilespmem:s26+$0x30]  }
0xb0: {  	v31 =	vld [tilespmem:s26+$0x40]  }
0xb1: {  	v30 =	vld [tilespmem:s26+$0x50]  }
0xb2: {  	v29 =	vld [tilespmem:s26+$0x60];
	s25 =	sadd.s32 $0xD080, s1  }
0xb3: {  	v28 =	vld [tilespmem:s26+$0x70];
	s28 =	sor.u32 s7, s25  }
0xb4: {  	v27 =	vld [tilespmem:s28+$0x0]  }
0xb5: {  	v26 =	vld [tilespmem:s28+$0x10]  }
0xb6: {  	v25 =	vld [tilespmem:s28+$0x20]  }
0xb7: {  	v24 =	vld [tilespmem:s28+$0x30]  }
0xb8: {  	v23 =	vld [tilespmem:s28+$0x40]  }
0xb9: {  	v22 =	vld [tilespmem:s28+$0x50]  }
0xba: {  	s26 =	sadd.s32 $0xD480, s1;
	v21 =	vld [tilespmem:s28+$0x60]  }
0xbb: {  	s29 =	sor.u32 s7, s26;
	v20 =	vld [tilespmem:s28+$0x70]  }
0xbc: {  	v19 =	vld [tilespmem:s29+$0x0]  }
0xbd: {  	v18 =	vld [tilespmem:s29+$0x10]  }
0xbe: {  	v17 =	vld [tilespmem:s29+$0x20]  }
0xbf: {  	v16 =	vld [tilespmem:s29+$0x30]  }
0xc0: {  	v15 =	vld [tilespmem:s29+$0x40]  }
0xc1: {  	v14 =	vld [tilespmem:s29+$0x50]  }
0xc2: {  	v13 =	vld [tilespmem:s29+$0x60];
	s28 =	sadd.s32 $0xD880, s1  }
0xc3: {  	v12 =	vld [tilespmem:s29+$0x70];
	s1 =	sor.u32 s7, s28  }
0xc4: {  	v11 =	vld [tilespmem:s1+$0x0]  }
0xc5: {  	v10 =	vld [tilespmem:s1+$0x10]  }
0xc6: {  	v9 =	vld [tilespmem:s1+$0x20]  }
0xc7: {  	v8 =	vld [tilespmem:s1+$0x30]  }
0xc8: {  	s0 =	simm.s32 $0x0;
	v7 =	vld [tilespmem:s1+$0x40]  }
0xc9: {  	s7 =	smul.u32 $0x1800, s0;
	v6 =	vld [tilespmem:s1+$0x50]  }
0xca: {  	s29 =	sand.u32 $0x380, s21;
	v5 =	vld [tilespmem:s1+$0x60]  }
0xcb: {  	v52 =	vld [tilespmem:s1+$0x70];
	s1 =	sor.u32 s29, s7  }
0xcc: {  	v53 =	vld [tilespmem:s1+$0x75F0]  }
0xcd: {  	v54 =	vld [tilespmem:s1+$0x6180]  }
0xce: {  	v55 =	vld [tilespmem:s1+$0x6190]  }
0xcf: {  	v56 =	vld [tilespmem:s1+$0x61A0]  }
0xd0: {  	v57 =	vld [tilespmem:s1+$0x61B0]  }
0xd1: {  	v58 =	vld [tilespmem:s1+$0x61C0]  }
0xd2: {  	v60 =	vld [tilespmem:s1+$0x61E0];
	v53 =	vadd.f32 v53, v52  }
0xd3: {  	v59 =	vld [tilespmem:s1+$0x61D0];
	v54 =	vadd.f32 v54, v51  }
0xd4: {  	v62 =	vadd.f32 v55, v50;
	v55 =	vld [tilespmem:s1+$0x6590];
	[tilespmem:s1+$0x138F0] =	vst v53  }
0xd5: {  	v63 =	vadd.f32 v56, v49;
	v56 =	vld [tilespmem:s1+$0x65A0];
	[tilespmem:s1+$0x12480] =	vst v54  }
0xd6: {  	v61 =	vadd.f32 v57, v48;
	v57 =	vld [tilespmem:s1+$0x65B0];
	[tilespmem:s1+$0x12490] =	vst v62  }
0xd7: {  	v60 =	vadd.f32 v60, v45;
	v54 =	vld [tilespmem:s1+$0x61F0];
	[tilespmem:s1+$0x124A0] =	vst v63  }
0xd8: {  	v53 =	vld [tilespmem:s1+$0x6580];
	v62 =	vadd.f32 v58, v47;
	[tilespmem:s1+$0x124B0] =	vst v61  }
0xd9: {  	v63 =	vadd.f32 v59, v46;
	v61 =	vld [tilespmem:s1+$0x65C0];
	[tilespmem:s1+$0x124E0] =	vst v60  }
0xda: {  	v60 =	vld [tilespmem:s1+$0x6990];
	[tilespmem:s1+$0x124C0] =	vst v62;
	v55 =	vadd.f32 v55, v42  }
0xdb: {  	[tilespmem:s1+$0x124D0] =	vst v63;
	v56 =	vadd.f32 v56, v41  }
0xdc: {  	v62 =	vld [tilespmem:s1+$0x65D0];
	v57 =	vadd.f32 v57, v40;
	[tilespmem:s1+$0x12890] =	vst v55  }
0xdd: {  	v63 =	vld [tilespmem:s1+$0x6980];
	v54 =	vadd.f32 v54, v44;
	[tilespmem:s1+$0x128A0] =	vst v56  }
0xde: {  	v53 =	vadd.f32 v53, v43;
	v58 =	vadd.f32 v61, v39;
	[tilespmem:s1+$0x128B0] =	vst v57;
	v61 =	vld [tilespmem:s1+$0x69A0]  }
0xdf: {  	v56 =	vadd.f32 v60, v34;
	v60 =	vld [tilespmem:s1+$0x69F0];
	[tilespmem:s1+$0x124F0] =	vst v54  }
0xe0: {  	v54 =	vld [tilespmem:s1+$0x65E0];
	[tilespmem:s1+$0x12880] =	vst v53  }
0xe1: {  	v59 =	vadd.f32 v62, v38;
	[tilespmem:s1+$0x128C0] =	vst v58;
	v62 =	vld [tilespmem:s1+$0x69B0]  }
0xe2: {  	v53 =	vld [tilespmem:s1+$0x65F0];
	v55 =	vadd.f32 v63, v35;
	[tilespmem:s1+$0x12C90] =	vst v56  }
0xe3: {  	[tilespmem:s1+$0x128D0] =	vst v59;
	v59 =	vld [tilespmem:s1+$0x69C0];
	v57 =	vadd.f32 v61, v33  }
0xe4: {  	v63 =	vld [tilespmem:s1+$0x69E0];
	[tilespmem:s1+$0x12C80] =	vst v55;
	v55 =	vadd.f32 v60, v28  }
0xe5: {  	v61 =	vld [tilespmem:s1+$0x6D80];
	v54 =	vadd.f32 v54, v37;
	[tilespmem:s1+$0x12CA0] =	vst v57  }
0xe6: {  	v60 =	vld [tilespmem:s1+$0x6DD0];
	v58 =	vadd.f32 v62, v32;
	[tilespmem:s1+$0x12CF0] =	vst v55  }
0xe7: {  	v53 =	vadd.f32 v53, v36;
	v62 =	vld [tilespmem:s1+$0x6D90];
	[tilespmem:s1+$0x128E0] =	vst v54  }
0xe8: {  	v59 =	vadd.f32 v59, v31;
	[tilespmem:s1+$0x12CB0] =	vst v58;
	v58 =	vld [tilespmem:s1+$0x6DA0]  }
0xe9: {  	v54 =	vld [tilespmem:s1+$0x69D0];
	[tilespmem:s1+$0x128F0] =	vst v53;
	v53 =	vadd.f32 v63, v29  }
0xea: {  	v56 =	vadd.f32 v61, v27;
	[tilespmem:s1+$0x12CC0] =	vst v59;
	v59 =	vld [tilespmem:s1+$0x6DB0]  }
0xeb: {  	v63 =	vld [tilespmem:s1+$0x6DC0];
	[tilespmem:s1+$0x12CE0] =	vst v53;
	v53 =	vadd.f32 v60, v22  }
0xec: {  	v61 =	vld [tilespmem:s1+$0x6DE0];
	v57 =	vadd.f32 v62, v26;
	[tilespmem:s1+$0x13080] =	vst v56  }
0xed: {  	v62 =	vld [tilespmem:s1+$0x6DF0];
	[tilespmem:s1+$0x130D0] =	vst v53;
	v58 =	vadd.f32 v58, v25  }
0xee: {  	v54 =	vadd.f32 v54, v30;
	[tilespmem:s1+$0x13090] =	vst v57;
	v57 =	vld [tilespmem:s1+$0x7180]  }
0xef: {  	v59 =	vadd.f32 v59, v24;
	[tilespmem:s1+$0x130A0] =	vst v58;
	v58 =	vld [tilespmem:s1+$0x7190]  }
0xf0: {  	v53 =	vld [tilespmem:s1+$0x71C0];
	[tilespmem:s1+$0x12CD0] =	vst v54;
	v54 =	vadd.f32 v63, v23  }
0xf1: {  	v55 =	vadd.f32 v61, v21;
	[tilespmem:s1+$0x130B0] =	vst v59;
	v59 =	vld [tilespmem:s1+$0x71A0]  }
0xf2: {  	v56 =	vadd.f32 v62, v20;
	[tilespmem:s1+$0x130C0] =	vst v54;
	v54 =	vld [tilespmem:s1+$0x71B0]  }
0xf3: {  	v60 =	vld [tilespmem:s1+$0x71D0];
	[tilespmem:s1+$0x130E0] =	vst v55;
	v63 =	vadd.f32 v57, v19  }
0xf4: {  	v61 =	vld [tilespmem:s1+$0x71E0];
	[tilespmem:s1+$0x130F0] =	vst v56;
	v58 =	vadd.f32 v58, v18  }
0xf5: {  	v57 =	vld [tilespmem:s1+$0x71F0];
	[tilespmem:s1+$0x13480] =	vst v63;
	v63 =	vadd.f32 v53, v15  }
0xf6: {  	v55 =	vld [tilespmem:s1+$0x7580];
	v59 =	vadd.f32 v59, v17;
	[tilespmem:s1+$0x13490] =	vst v58  }
0xf7: {  	v62 =	vadd.f32 v54, v16;
	v54 =	vld [tilespmem:s1+$0x7590];
	[tilespmem:s1+$0x134C0] =	vst v63  }
0xf8: {  	v53 =	vld [tilespmem:s1+$0x75A0];
	v58 =	vadd.f32 v60, v14;
	[tilespmem:s1+$0x134A0] =	vst v59  }
0xf9: {  	s30 =	simm.s32 $0x0;
	s29 =	simm.s32 $0x2;
	s7 =	simm.s32 $0x0;
	v56 =	vld [tilespmem:s1+$0x75B0];
	[tilespmem:s1+$0x134B0] =	vst v62;
	v59 =	vadd.f32 v61, v13  }
.LBB2_7:
0xfa: {  	p0 =	sne.s32 s29, $0x1F;
	s30 =	smul.u32 $0x1800, s30;
	[tilespmem:s1+$0x134D0] =	vst v58;
	v57 =	vadd.f32 v57, v12;
	v58 =	vld [tilespmem:s1+$0x75C0];
	s7 =	sadd.s32 $0x80, s7  }
0xfb: {  	s0 =	sand.u32 $0x380, s7;
	[tilespmem:s1+$0x134E0] =	vst v59;
	v55 =	vadd.f32 v55, v11;
	v59 =	vld [tilespmem:s1+$0x75D0]  }
0xfc: {  	s0 =	sor.u32 s0, s30;
	[tilespmem:s1+$0x134F0] =	vst v57;
	v54 =	vadd.f32 v54, v10;
	v57 =	vld [tilespmem:s1+$0x75E0]  }
0xfd: {  	v60 =	vld [tilespmem:s0+$0x75F0];
	[tilespmem:s1+$0x13880] =	vst v55;
	v53 =	vadd.f32 v53, v9  }
0xfe: {  	v55 =	vld [tilespmem:s0+$0x6180];
	[tilespmem:s1+$0x13890] =	vst v54;
	v54 =	vadd.f32 v56, v8  }
0xff: {  	v56 =	vld [tilespmem:s0+$0x6190];
	[tilespmem:s1+$0x138A0] =	vst v53;
	v53 =	vadd.f32 v58, v7  }
0x100: {  	v58 =	vld [tilespmem:s0+$0x61A0];
	[tilespmem:s1+$0x138B0] =	vst v54;
	v54 =	vadd.f32 v59, v6  }
0x101: {  	v59 =	vld [tilespmem:s0+$0x61B0];
	[tilespmem:s1+$0x138C0] =	vst v53;
	v53 =	vadd.f32 v57, v5  }
0x102: {  	v57 =	vld [tilespmem:s0+$0x61C0];
	v60 =	vadd.f32 v60, v52;
	[tilespmem:s1+$0x138D0] =	vst v54  }
0x103: {  	v54 =	vadd.f32 v55, v51;
	v55 =	vld [tilespmem:s0+$0x61D0];
	[tilespmem:s1+$0x138E0] =	vst v53;
	s1 =	smov.u32 s0  }
0x104: {  	v53 =	vadd.f32 v56, v50;
	v56 =	vld [tilespmem:s1+$0x61E0];
	[tilespmem:s1+$0x138F0] =	vst v60  }
0x105: {  	[tilespmem:s1+$0x12480] =	vst v54;
	v54 =	vadd.f32 v58, v49;
	v58 =	vld [tilespmem:s1+$0x61F0]  }
0x106: {  	[tilespmem:s1+$0x12490] =	vst v53;
	v53 =	vadd.f32 v59, v48;
	v59 =	vld [tilespmem:s1+$0x6580]  }
0x107: {  	[tilespmem:s1+$0x124A0] =	vst v54;
	v54 =	vadd.f32 v57, v47;
	v57 =	vld [tilespmem:s1+$0x6590]  }
0x108: {  	[tilespmem:s1+$0x124B0] =	vst v53;
	v53 =	vadd.f32 v55, v46;
	v55 =	vld [tilespmem:s1+$0x65A0]  }
0x109: {  	[tilespmem:s1+$0x124C0] =	vst v54;
	v54 =	vadd.f32 v56, v45;
	v56 =	vld [tilespmem:s1+$0x65B0]  }
0x10a: {  	[tilespmem:s1+$0x124D0] =	vst v53;
	v53 =	vadd.f32 v58, v44;
	v58 =	vld [tilespmem:s1+$0x65C0]  }
0x10b: {  	[tilespmem:s1+$0x124E0] =	vst v54;
	v54 =	vadd.f32 v59, v43;
	v59 =	vld [tilespmem:s1+$0x65D0]  }
0x10c: {  	[tilespmem:s1+$0x124F0] =	vst v53;
	v53 =	vadd.f32 v57, v42;
	v57 =	vld [tilespmem:s1+$0x65E0]  }
0x10d: {  	[tilespmem:s1+$0x12880] =	vst v54;
	v54 =	vadd.f32 v55, v41;
	v55 =	vld [tilespmem:s1+$0x65F0]  }
0x10e: {  	[tilespmem:s1+$0x12890] =	vst v53;
	v53 =	vadd.f32 v56, v40;
	v56 =	vld [tilespmem:s1+$0x6980]  }
0x10f: {  	[tilespmem:s1+$0x128A0] =	vst v54;
	v54 =	vadd.f32 v58, v39;
	v58 =	vld [tilespmem:s1+$0x6990]  }
0x110: {  	[tilespmem:s1+$0x128B0] =	vst v53;
	v53 =	vadd.f32 v59, v38;
	v59 =	vld [tilespmem:s1+$0x69A0]  }
0x111: {  	[tilespmem:s1+$0x128C0] =	vst v54;
	v54 =	vadd.f32 v57, v37;
	v57 =	vld [tilespmem:s1+$0x69B0]  }
0x112: {  	[tilespmem:s1+$0x128D0] =	vst v53;
	v53 =	vadd.f32 v55, v36;
	v55 =	vld [tilespmem:s1+$0x69C0]  }
0x113: {  	[tilespmem:s1+$0x128E0] =	vst v54;
	v54 =	vadd.f32 v56, v35;
	v56 =	vld [tilespmem:s1+$0x69D0]  }
0x114: {  	[tilespmem:s1+$0x128F0] =	vst v53;
	v53 =	vadd.f32 v58, v34;
	v58 =	vld [tilespmem:s1+$0x69E0]  }
0x115: {  	[tilespmem:s1+$0x12C80] =	vst v54;
	v54 =	vadd.f32 v59, v33;
	v59 =	vld [tilespmem:s1+$0x69F0]  }
0x116: {  	[tilespmem:s1+$0x12C90] =	vst v53;
	v53 =	vadd.f32 v57, v32;
	v57 =	vld [tilespmem:s1+$0x6D80]  }
0x117: {  	[tilespmem:s1+$0x12CA0] =	vst v54;
	v54 =	vadd.f32 v55, v31;
	v55 =	vld [tilespmem:s1+$0x6D90]  }
0x118: {  	[tilespmem:s1+$0x12CB0] =	vst v53;
	v53 =	vadd.f32 v56, v30;
	v56 =	vld [tilespmem:s1+$0x6DA0]  }
0x119: {  	[tilespmem:s1+$0x12CC0] =	vst v54;
	v54 =	vadd.f32 v58, v29;
	v58 =	vld [tilespmem:s1+$0x6DB0]  }
0x11a: {  	[tilespmem:s1+$0x12CD0] =	vst v53;
	v53 =	vadd.f32 v59, v28;
	v59 =	vld [tilespmem:s1+$0x6DC0]  }
0x11b: {  	[tilespmem:s1+$0x12CE0] =	vst v54;
	v54 =	vadd.f32 v57, v27;
	v57 =	vld [tilespmem:s1+$0x6DD0]  }
0x11c: {  	[tilespmem:s1+$0x12CF0] =	vst v53;
	v53 =	vadd.f32 v55, v26;
	v55 =	vld [tilespmem:s1+$0x6DE0]  }
0x11d: {  	[tilespmem:s1+$0x13080] =	vst v54;
	v54 =	vadd.f32 v56, v25;
	v56 =	vld [tilespmem:s1+$0x6DF0]  }
0x11e: {  	[tilespmem:s1+$0x13090] =	vst v53;
	v53 =	vadd.f32 v58, v24;
	v58 =	vld [tilespmem:s1+$0x7180]  }
0x11f: {  	[tilespmem:s1+$0x130A0] =	vst v54;
	v54 =	vadd.f32 v59, v23;
	v59 =	vld [tilespmem:s1+$0x7190]  }
0x120: {  	[tilespmem:s1+$0x130B0] =	vst v53;
	v53 =	vadd.f32 v57, v22;
	v57 =	vld [tilespmem:s1+$0x71A0]  }
0x121: {  	[tilespmem:s1+$0x130C0] =	vst v54;
	v54 =	vadd.f32 v55, v21;
	v55 =	vld [tilespmem:s1+$0x71B0]  }
0x122: {  	[tilespmem:s1+$0x130D0] =	vst v53;
	v53 =	vadd.f32 v56, v20;
	v56 =	vld [tilespmem:s1+$0x71C0]  }
0x123: {  	[tilespmem:s1+$0x130E0] =	vst v54;
	v54 =	vadd.f32 v58, v19;
	v58 =	vld [tilespmem:s1+$0x71D0]  }
0x124: {  	[tilespmem:s1+$0x130F0] =	vst v53;
	v53 =	vadd.f32 v59, v18;
	v59 =	vld [tilespmem:s1+$0x71E0]  }
.Ltmp2:
0x125: {  	[tilespmem:s1+$0x13480] =	vst v54;
	v54 =	vadd.f32 v57, v17;
	v57 =	vld [tilespmem:s1+$0x71F0];
	(pc) =	sbr.rel @p0 .LBB2_7-.Ltmp2, $4  }
0x126: {  	[tilespmem:s1+$0x13490] =	vst v53;
	v53 =	vadd.f32 v55, v16;
	v55 =	vld [tilespmem:s1+$0x7580]  }
0x127: {  	[tilespmem:s1+$0x134A0] =	vst v54;
	v56 =	vadd.f32 v56, v15;
	v54 =	vld [tilespmem:s1+$0x7590]  }
0x128: {  	[tilespmem:s1+$0x134B0] =	vst v53;
	v58 =	vadd.f32 v58, v14;
	v53 =	vld [tilespmem:s1+$0x75A0]  }
0x129: {  	s30 =	sshrl.u32 s29, $0x3;
	s29 =	sadd.s32 $0x1, s29;
	[tilespmem:s1+$0x134C0] =	vst v56;
	v59 =	vadd.f32 v59, v13;
	v56 =	vld [tilespmem:s1+$0x75B0]  }
0x12a: {  	[tilespmem:s1+$0x134D0] =	vst v58;
	v58 =	vld [tilespmem:s1+$0x75C0];
	v57 =	vadd.f32 v57, v12;
	s0 =	smul.u32 $0x1800, s30;
	s7 =	sadd.s32 $0x80, s7  }
0x12b: {  	[tilespmem:s1+$0x134E0] =	vst v59;
	v59 =	vld [tilespmem:s1+$0x75D0];
	s7 =	sand.u32 $0x380, s7;
	v55 =	vadd.f32 v55, v11  }
0x12c: {  	[tilespmem:s1+$0x134F0] =	vst v57;
	s7 =	sor.u32 s7, s0;
	v57 =	vld [tilespmem:s1+$0x75E0];
	v54 =	vadd.f32 v54, v10  }
0x12d: {  	v60 =	vld [tilespmem:s7+$0x75F0];
	[tilespmem:s1+$0x13880] =	vst v55;
	v53 =	vadd.f32 v53, v9  }
0x12e: {  	v55 =	vld [tilespmem:s7+$0x6180];
	[tilespmem:s1+$0x13890] =	vst v54;
	v56 =	vadd.f32 v56, v8  }
0x12f: {  	v54 =	vld [tilespmem:s7+$0x6190];
	[tilespmem:s1+$0x138A0] =	vst v53;
	v58 =	vadd.f32 v58, v7  }
0x130: {  	v53 =	vld [tilespmem:s7+$0x61A0];
	[tilespmem:s1+$0x138B0] =	vst v56;
	v59 =	vadd.f32 v59, v6  }
0x131: {  	v56 =	vld [tilespmem:s7+$0x61B0];
	[tilespmem:s1+$0x138C0] =	vst v58;
	v57 =	vadd.f32 v57, v5  }
0x132: {  	v58 =	vld [tilespmem:s7+$0x61C0];
	[tilespmem:s1+$0x138D0] =	vst v59;
	v52 =	vadd.f32 v60, v52  }
0x133: {  	v59 =	vld [tilespmem:s7+$0x61D0];
	v51 =	vadd.f32 v55, v51;
	[tilespmem:s1+$0x138E0] =	vst v57  }
0x134: {  	v50 =	vadd.f32 v54, v50;
	v63 =	vld [tilespmem:s7+$0x61E0];
	[tilespmem:s7+$0x138F0] =	vst v52  }
0x135: {  	v55 =	vld [tilespmem:s7+$0x61F0];
	[tilespmem:s7+$0x12480] =	vst v51;
	v49 =	vadd.f32 v53, v49  }
0x136: {  	v57 =	vld [tilespmem:s7+$0x6580];
	[tilespmem:s7+$0x12490] =	vst v50;
	v48 =	vadd.f32 v56, v48  }
0x137: {  	v60 =	vld [tilespmem:s7+$0x65B0];
	[tilespmem:s7+$0x124A0] =	vst v49;
	v47 =	vadd.f32 v58, v47  }
0x138: {  	v61 =	vld [tilespmem:s7+$0x65C0];
	[tilespmem:s7+$0x124B0] =	vst v48;
	v46 =	vadd.f32 v59, v46  }
0x139: {  	v62 =	vld [tilespmem:s7+$0x65D0];
	[tilespmem:s7+$0x124C0] =	vst v47;
	v45 =	vadd.f32 v63, v45  }
0x13a: {  	v52 =	vld [tilespmem:s7+$0x69B0];
	v44 =	vadd.f32 v55, v44;
	[tilespmem:s7+$0x124D0] =	vst v46  }
0x13b: {  	v54 =	vld [tilespmem:s7+$0x69D0];
	v43 =	vadd.f32 v57, v43;
	[tilespmem:s7+$0x124E0] =	vst v45  }
0x13c: {  	v51 =	vld [tilespmem:s7+$0x69A0];
	v40 =	vadd.f32 v60, v40;
	[tilespmem:s7+$0x124F0] =	vst v44  }
0x13d: {  	v53 =	vld [tilespmem:s7+$0x69C0];
	v39 =	vadd.f32 v61, v39;
	[tilespmem:s7+$0x12880] =	vst v43  }
0x13e: {  	v50 =	vld [tilespmem:s7+$0x6990];
	v38 =	vadd.f32 v62, v38;
	[tilespmem:s7+$0x128B0] =	vst v40  }
0x13f: {  	v56 =	vld [tilespmem:s7+$0x69F0];
	v32 =	vadd.f32 v52, v32;
	[tilespmem:s7+$0x128C0] =	vst v39  }
0x140: {  	v58 =	vld [tilespmem:s7+$0x6590];
	v30 =	vadd.f32 v54, v30;
	[tilespmem:s7+$0x128D0] =	vst v38  }
0x141: {  	v49 =	vld [tilespmem:s7+$0x6980];
	v33 =	vadd.f32 v51, v33;
	[tilespmem:s7+$0x12CB0] =	vst v32  }
0x142: {  	v59 =	vld [tilespmem:s7+$0x65A0];
	v31 =	vadd.f32 v53, v31;
	[tilespmem:s7+$0x12CD0] =	vst v30  }
0x143: {  	v48 =	vld [tilespmem:s7+$0x65F0];
	v34 =	vadd.f32 v50, v34;
	[tilespmem:s7+$0x12CA0] =	vst v33  }
0x144: {  	v63 =	vld [tilespmem:s7+$0x65E0];
	v28 =	vadd.f32 v56, v28;
	[tilespmem:s7+$0x12CC0] =	vst v31  }
0x145: {  	v55 =	vld [tilespmem:s7+$0x69E0];
	v42 =	vadd.f32 v58, v42;
	[tilespmem:s7+$0x12C90] =	vst v34  }
0x146: {  	v57 =	vld [tilespmem:s7+$0x6D80];
	v35 =	vadd.f32 v49, v35;
	[tilespmem:s7+$0x12CF0] =	vst v28  }
0x147: {  	v58 =	vld [tilespmem:s7+$0x6D90];
	v41 =	vadd.f32 v59, v41;
	[tilespmem:s7+$0x12890] =	vst v42  }
0x148: {  	v30 =	vld [tilespmem:s7+$0x6DC0];
	v36 =	vadd.f32 v48, v36;
	[tilespmem:s7+$0x12C80] =	vst v35  }
0x149: {  	v31 =	vld [tilespmem:s7+$0x6DB0];
	v37 =	vadd.f32 v63, v37;
	[tilespmem:s7+$0x128A0] =	vst v41  }
0x14a: {  	v59 =	vld [tilespmem:s7+$0x6DA0];
	v29 =	vadd.f32 v55, v29;
	[tilespmem:s7+$0x128F0] =	vst v36  }
0x14b: {  	v28 =	vld [tilespmem:s7+$0x6DE0];
	v27 =	vadd.f32 v57, v27;
	[tilespmem:s7+$0x128E0] =	vst v37  }
0x14c: {  	[tilespmem:s7+$0x12CE0] =	vst v29;
	v29 =	vld [tilespmem:s7+$0x6DD0];
	v26 =	vadd.f32 v58, v26  }
0x14d: {  	[tilespmem:s7+$0x13080] =	vst v27;
	v27 =	vld [tilespmem:s7+$0x6DF0];
	v23 =	vadd.f32 v30, v23  }
0x14e: {  	v24 =	vadd.f32 v31, v24;
	[tilespmem:s7+$0x13090] =	vst v26;
	v26 =	vld [tilespmem:s7+$0x7180]  }
0x14f: {  	v25 =	vadd.f32 v59, v25;
	[tilespmem:s7+$0x130C0] =	vst v23;
	v23 =	vld [tilespmem:s7+$0x71B0]  }
0x150: {  	v21 =	vadd.f32 v28, v21;
	[tilespmem:s7+$0x130B0] =	vst v24;
	v24 =	vld [tilespmem:s7+$0x71A0]  }
0x151: {  	[tilespmem:s7+$0x130A0] =	vst v25;
	v25 =	vld [tilespmem:s7+$0x7190];
	v22 =	vadd.f32 v29, v22  }
0x152: {  	[tilespmem:s7+$0x130E0] =	vst v21;
	v21 =	vld [tilespmem:s7+$0x71D0];
	v20 =	vadd.f32 v27, v20  }
0x153: {  	[tilespmem:s7+$0x130D0] =	vst v22;
	v22 =	vld [tilespmem:s7+$0x71C0];
	v19 =	vadd.f32 v26, v19  }
0x154: {  	[tilespmem:s7+$0x130F0] =	vst v20;
	v20 =	vld [tilespmem:s7+$0x71E0];
	v16 =	vadd.f32 v23, v16  }
0x155: {  	v17 =	vadd.f32 v24, v17;
	[tilespmem:s7+$0x13480] =	vst v19;
	v19 =	vld [tilespmem:s7+$0x71F0]  }
0x156: {  	v18 =	vadd.f32 v25, v18;
	[tilespmem:s7+$0x134B0] =	vst v16;
	v16 =	vld [tilespmem:s7+$0x75A0]  }
0x157: {  	v14 =	vadd.f32 v21, v14;
	[tilespmem:s7+$0x134A0] =	vst v17;
	v17 =	vld [tilespmem:s7+$0x7590]  }
0x158: {  	[tilespmem:s7+$0x13490] =	vst v18;
	v18 =	vld [tilespmem:s7+$0x7580];
	v15 =	vadd.f32 v22, v15  }
0x159: {  	[tilespmem:s7+$0x134D0] =	vst v14;
	v14 =	vld [tilespmem:s7+$0x75C0];
	v13 =	vadd.f32 v20, v13  }
0x15a: {  	[tilespmem:s7+$0x134C0] =	vst v15;
	v15 =	vld [tilespmem:s7+$0x75B0];
	v12 =	vadd.f32 v19, v12  }
0x15b: {  	[tilespmem:s7+$0x134E0] =	vst v13;
	v13 =	vld [tilespmem:s7+$0x75D0];
	v9 =	vadd.f32 v16, v9  }
0x15c: {  	v10 =	vadd.f32 v17, v10;
	[tilespmem:s7+$0x134F0] =	vst v12;
	v12 =	vld [tilespmem:s7+$0x75E0]  }
0x15d: {  	v11 =	vadd.f32 v18, v11;
	[tilespmem:s7+$0x138A0] =	vst v9  }
0x15e: {  	s29 =	sshll.u32 s22, $0x6;
	v7 =	vadd.f32 v14, v7;
	[tilespmem:s7+$0x13890] =	vst v10  }
0x15f: {  	s0 =	sadd.s32 s14, s29;
	[tilespmem:s7+$0x13880] =	vst v11;
	v8 =	vadd.f32 v15, v8  }
0x160: {  	s0 =	sshrl.u32 s0, $0x3;
	[tilespmem:s7+$0x138C0] =	vst v7;
	v6 =	vadd.f32 v13, v6  }
0x161: {  	s0 =	smul.u32 $0x300, s0;
	[tilespmem:s7+$0x138B0] =	vst v8;
	v5 =	vadd.f32 v12, v5  }
0x162: {  	[tilespmem:s7+$0x138D0] =	vst v6  }
0x163: {  	s0 =	sadd.s32 s4, s0;
	s1 =	sshllo.u32 s22, $0x1;
	[tilespmem:s7+$0x138E0] =	vst v5;
	s7 =	simm.s32 $0x0  }
0x164: {  	[hbm4b:s0+s7] =	stream.linear.scatter [tilespmem:s6], [sflag:$0x2], $0x6000, $0x38;
	[tilespmem:$0x1E480] =	vst v63  }
0x165: {  	s30 =	sshll.u32 s1, $0x7;
	_ =	swait.ge [sflag:s17], $0x6000  }
0x166: {  	s0 =	sand.u32 $0x380, s30;
	[sflag:s17] =	ssyncset.done $0x0  }
0x167: {  	s23 =	sadd.s32 s0, s23;
	[sflag:s17] =	ssyncadd.s32 $0xFFFFA000  }
0x168: {  	v51 =	vld [tilespmem:s23+$0x0]  }
0x169: {  	v50 =	vld [tilespmem:s23+$0x10]  }
0x16a: {  	v49 =	vld [tilespmem:s23+$0x20]  }
0x16b: {  	v48 =	vld [tilespmem:s23+$0x30]  }
0x16c: {  	v47 =	vld [tilespmem:s23+$0x40]  }
0x16d: {  	v46 =	vld [tilespmem:s23+$0x50]  }
0x16e: {  	v45 =	vld [tilespmem:s23+$0x60]  }
0x16f: {  	v44 =	vld [tilespmem:s23+$0x70]  }
0x170: {  	v43 =	vld [tilespmem:s23+$0x400]  }
0x171: {  	v42 =	vld [tilespmem:s23+$0x410]  }
0x172: {  	v41 =	vld [tilespmem:s23+$0x420]  }
0x173: {  	v40 =	vld [tilespmem:s23+$0x430]  }
0x174: {  	v39 =	vld [tilespmem:s23+$0x440]  }
0x175: {  	v38 =	vld [tilespmem:s23+$0x450]  }
0x176: {  	v37 =	vld [tilespmem:s23+$0x460]  }
0x177: {  	s24 =	sadd.s32 s0, s24;
	v36 =	vld [tilespmem:s23+$0x470]  }
0x178: {  	v35 =	vld [tilespmem:s24+$0x0]  }
0x179: {  	v34 =	vld [tilespmem:s24+$0x10]  }
0x17a: {  	v33 =	vld [tilespmem:s24+$0x20]  }
0x17b: {  	v32 =	vld [tilespmem:s24+$0x30]  }
0x17c: {  	v31 =	vld [tilespmem:s24+$0x40]  }
0x17d: {  	v30 =	vld [tilespmem:s24+$0x50]  }
0x17e: {  	v29 =	vld [tilespmem:s24+$0x60]  }
0x17f: {  	s25 =	sadd.s32 s0, s25;
	v28 =	vld [tilespmem:s24+$0x70]  }
0x180: {  	v27 =	vld [tilespmem:s25+$0x0]  }
0x181: {  	v26 =	vld [tilespmem:s25+$0x10]  }
0x182: {  	v25 =	vld [tilespmem:s25+$0x20]  }
0x183: {  	v24 =	vld [tilespmem:s25+$0x30]  }
0x184: {  	v23 =	vld [tilespmem:s25+$0x40]  }
0x185: {  	v22 =	vld [tilespmem:s25+$0x50]  }
0x186: {  	v21 =	vld [tilespmem:s25+$0x60]  }
0x187: {  	s26 =	sadd.s32 s0, s26;
	v20 =	vld [tilespmem:s25+$0x70]  }
0x188: {  	v19 =	vld [tilespmem:s26+$0x0]  }
0x189: {  	v18 =	vld [tilespmem:s26+$0x10]  }
0x18a: {  	v17 =	vld [tilespmem:s26+$0x20]  }
0x18b: {  	v16 =	vld [tilespmem:s26+$0x30]  }
0x18c: {  	v15 =	vld [tilespmem:s26+$0x40]  }
0x18d: {  	v14 =	vld [tilespmem:s26+$0x50]  }
0x18e: {  	v13 =	vld [tilespmem:s26+$0x60]  }
0x18f: {  	s0 =	sadd.s32 s0, s28;
	v12 =	vld [tilespmem:s26+$0x70]  }
0x190: {  	v11 =	vld [tilespmem:s0+$0x0]  }
0x191: {  	v10 =	vld [tilespmem:s0+$0x10]  }
0x192: {  	v9 =	vld [tilespmem:s0+$0x20]  }
0x193: {  	v8 =	vld [tilespmem:s0+$0x30]  }
0x194: {  	s29 =	simm.s32 $0x0;
	v7 =	vld [tilespmem:s0+$0x40]  }
0x195: {  	v6 =	vld [tilespmem:s0+$0x50];
	s23 =	smul.u32 $0x1800, s29  }
0x196: {  	s30 =	sand.u32 $0x380, s7;
	v5 =	vld [tilespmem:s0+$0x60]  }
0x197: {  	v52 =	vld [tilespmem:s0+$0x70];
	s23 =	sor.u32 s30, s23  }
0x198: {  	v60 =	vld [tilespmem:s23+$0x75F0]  }
0x199: {  	v61 =	vld [tilespmem:s23+$0x6180]  }
0x19a: {  	v55 =	vld [tilespmem:s23+$0x6190]  }
0x19b: {  	v56 =	vld [tilespmem:s23+$0x61A0]  }
0x19c: {  	v57 =	vld [tilespmem:s23+$0x61B0]  }
0x19d: {  	v58 =	vld [tilespmem:s23+$0x61C0]  }
0x19e: {  	v59 =	vld [tilespmem:s23+$0x61D0];
	v53 =	vadd.f32 v60, v52  }
0x19f: {  	v54 =	vadd.f32 v61, v51;
	v60 =	vld [tilespmem:s23+$0x61E0]  }
0x1a0: {  	v62 =	vadd.f32 v55, v50;
	v55 =	vld [tilespmem:s23+$0x6590];
	[tilespmem:s23+$0x198F0] =	vst v53  }
0x1a1: {  	v63 =	vadd.f32 v56, v49;
	v56 =	vld [tilespmem:s23+$0x65A0];
	[tilespmem:s23+$0x18480] =	vst v54  }
0x1a2: {  	v61 =	vadd.f32 v57, v48;
	v57 =	vld [tilespmem:s23+$0x65B0];
	[tilespmem:s23+$0x18490] =	vst v62  }
0x1a3: {  	v54 =	vld [tilespmem:s23+$0x61F0];
	[tilespmem:s23+$0x184A0] =	vst v63;
	v62 =	vadd.f32 v58, v47  }
0x1a4: {  	v53 =	vld [tilespmem:s23+$0x6580];
	[tilespmem:s23+$0x184B0] =	vst v61;
	v63 =	vadd.f32 v59, v46  }
0x1a5: {  	v61 =	vld [tilespmem:s23+$0x65C0];
	[tilespmem:s23+$0x184C0] =	vst v62;
	v60 =	vadd.f32 v60, v45  }
0x1a6: {  	[tilespmem:s23+$0x184D0] =	vst v63;
	v55 =	vadd.f32 v55, v42  }
0x1a7: {  	v62 =	vld [tilespmem:s23+$0x65D0];
	v56 =	vadd.f32 v56, v41;
	[tilespmem:s23+$0x184E0] =	vst v60  }
0x1a8: {  	v63 =	vld [tilespmem:s23+$0x6980];
	v57 =	vadd.f32 v57, v40;
	[tilespmem:s23+$0x18890] =	vst v55  }
0x1a9: {  	v54 =	vadd.f32 v54, v44;
	[tilespmem:s23+$0x188A0] =	vst v56;
	v60 =	vld [tilespmem:s23+$0x6990]  }
0x1aa: {  	v53 =	vadd.f32 v53, v43;
	v58 =	vadd.f32 v61, v39;
	[tilespmem:s23+$0x188B0] =	vst v57;
	v61 =	vld [tilespmem:s23+$0x69A0]  }
0x1ab: {  	[tilespmem:s23+$0x184F0] =	vst v54;
	v54 =	vld [tilespmem:s23+$0x65E0]  }
0x1ac: {  	[tilespmem:s23+$0x18880] =	vst v53;
	v53 =	vld [tilespmem:s23+$0x65F0];
	v59 =	vadd.f32 v62, v38  }
0x1ad: {  	[tilespmem:s23+$0x188C0] =	vst v58;
	v62 =	vld [tilespmem:s23+$0x69B0];
	v55 =	vadd.f32 v63, v35  }
0x1ae: {  	[tilespmem:s23+$0x188D0] =	vst v59;
	v59 =	vld [tilespmem:s23+$0x69C0];
	v56 =	vadd.f32 v60, v34  }
0x1af: {  	v63 =	vld [tilespmem:s23+$0x69E0];
	[tilespmem:s23+$0x18C80] =	vst v55;
	v57 =	vadd.f32 v61, v33  }
0x1b0: {  	v60 =	vld [tilespmem:s23+$0x69F0];
	v54 =	vadd.f32 v54, v37;
	[tilespmem:s23+$0x18C90] =	vst v56  }
0x1b1: {  	v61 =	vld [tilespmem:s23+$0x6D80];
	v53 =	vadd.f32 v53, v36;
	[tilespmem:s23+$0x18CA0] =	vst v57  }
0x1b2: {  	v58 =	vadd.f32 v62, v32;
	v62 =	vld [tilespmem:s23+$0x6D90];
	[tilespmem:s23+$0x188E0] =	vst v54  }
0x1b3: {  	v54 =	vld [tilespmem:s23+$0x69D0];
	[tilespmem:s23+$0x188F0] =	vst v53;
	v59 =	vadd.f32 v59, v31  }
0x1b4: {  	[tilespmem:s23+$0x18CB0] =	vst v58;
	v58 =	vld [tilespmem:s23+$0x6DA0];
	v53 =	vadd.f32 v63, v29  }
0x1b5: {  	v55 =	vadd.f32 v60, v28;
	v60 =	vld [tilespmem:s23+$0x6DD0];
	[tilespmem:s23+$0x18CC0] =	vst v59  }
0x1b6: {  	v56 =	vadd.f32 v61, v27;
	v59 =	vld [tilespmem:s23+$0x6DB0];
	[tilespmem:s23+$0x18CE0] =	vst v53  }
0x1b7: {  	v63 =	vld [tilespmem:s23+$0x6DC0];
	[tilespmem:s23+$0x18CF0] =	vst v55;
	v57 =	vadd.f32 v62, v26  }
0x1b8: {  	v61 =	vld [tilespmem:s23+$0x6DE0];
	[tilespmem:s23+$0x19080] =	vst v56;
	v54 =	vadd.f32 v54, v30  }
0x1b9: {  	v62 =	vld [tilespmem:s23+$0x6DF0];
	v58 =	vadd.f32 v58, v25;
	[tilespmem:s23+$0x19090] =	vst v57  }
0x1ba: {  	v57 =	vld [tilespmem:s23+$0x7180];
	v53 =	vadd.f32 v60, v22;
	[tilespmem:s23+$0x18CD0] =	vst v54  }
0x1bb: {  	v59 =	vadd.f32 v59, v24;
	[tilespmem:s23+$0x190A0] =	vst v58;
	v58 =	vld [tilespmem:s23+$0x7190]  }
0x1bc: {  	v54 =	vadd.f32 v63, v23;
	[tilespmem:s23+$0x190D0] =	vst v53;
	v53 =	vld [tilespmem:s23+$0x71C0]  }
0x1bd: {  	v55 =	vadd.f32 v61, v21;
	[tilespmem:s23+$0x190B0] =	vst v59;
	v59 =	vld [tilespmem:s23+$0x71A0]  }
0x1be: {  	v56 =	vadd.f32 v62, v20;
	[tilespmem:s23+$0x190C0] =	vst v54;
	v54 =	vld [tilespmem:s23+$0x71B0]  }
0x1bf: {  	v60 =	vld [tilespmem:s23+$0x71D0];
	[tilespmem:s23+$0x190E0] =	vst v55;
	v63 =	vadd.f32 v57, v19  }
0x1c0: {  	v61 =	vld [tilespmem:s23+$0x71E0];
	[tilespmem:s23+$0x190F0] =	vst v56;
	v58 =	vadd.f32 v58, v18  }
0x1c1: {  	v57 =	vld [tilespmem:s23+$0x71F0];
	[tilespmem:s23+$0x19480] =	vst v63;
	v63 =	vadd.f32 v53, v15  }
0x1c2: {  	v55 =	vld [tilespmem:s23+$0x7580];
	v59 =	vadd.f32 v59, v17;
	[tilespmem:s23+$0x19490] =	vst v58  }
0x1c3: {  	v62 =	vadd.f32 v54, v16;
	v54 =	vld [tilespmem:s23+$0x7590];
	[tilespmem:s23+$0x194C0] =	vst v63  }
0x1c4: {  	v53 =	vld [tilespmem:s23+$0x75A0];
	v58 =	vadd.f32 v60, v14;
	[tilespmem:s23+$0x194A0] =	vst v59  }
0x1c5: {  	s25 =	simm.s32 $0x0;
	s24 =	simm.s32 $0x2;
	v56 =	vld [tilespmem:s23+$0x75B0];
	[tilespmem:s23+$0x194B0] =	vst v62;
	v59 =	vadd.f32 v61, v13  }
.LBB2_9:
0x1c6: {  	p0 =	sne.s32 s24, $0x1F;
	s0 =	smul.u32 $0x1800, s25;
	[tilespmem:s23+$0x194D0] =	vst v58;
	v57 =	vadd.f32 v57, v12;
	v58 =	vld [tilespmem:s23+$0x75C0];
	s7 =	sadd.s32 $0x80, s7  }
0x1c7: {  	s25 =	sand.u32 $0x380, s7;
	[tilespmem:s23+$0x194E0] =	vst v59;
	v55 =	vadd.f32 v55, v11;
	v59 =	vld [tilespmem:s23+$0x75D0]  }
0x1c8: {  	s0 =	sor.u32 s25, s0;
	[tilespmem:s23+$0x194F0] =	vst v57;
	v54 =	vadd.f32 v54, v10;
	v57 =	vld [tilespmem:s23+$0x75E0]  }
0x1c9: {  	v60 =	vld [tilespmem:s0+$0x75F0];
	[tilespmem:s23+$0x19880] =	vst v55;
	v53 =	vadd.f32 v53, v9  }
0x1ca: {  	v55 =	vld [tilespmem:s0+$0x6180];
	[tilespmem:s23+$0x19890] =	vst v54;
	v54 =	vadd.f32 v56, v8  }
0x1cb: {  	v56 =	vld [tilespmem:s0+$0x6190];
	[tilespmem:s23+$0x198A0] =	vst v53;
	v53 =	vadd.f32 v58, v7  }
0x1cc: {  	v58 =	vld [tilespmem:s0+$0x61A0];
	[tilespmem:s23+$0x198B0] =	vst v54;
	v54 =	vadd.f32 v59, v6  }
0x1cd: {  	v59 =	vld [tilespmem:s0+$0x61B0];
	[tilespmem:s23+$0x198C0] =	vst v53;
	v53 =	vadd.f32 v57, v5  }
0x1ce: {  	v57 =	vld [tilespmem:s0+$0x61C0];
	v60 =	vadd.f32 v60, v52;
	[tilespmem:s23+$0x198D0] =	vst v54  }
0x1cf: {  	v54 =	vadd.f32 v55, v51;
	v55 =	vld [tilespmem:s0+$0x61D0];
	[tilespmem:s23+$0x198E0] =	vst v53;
	s23 =	smov.u32 s0  }
0x1d0: {  	v53 =	vadd.f32 v56, v50;
	v56 =	vld [tilespmem:s23+$0x61E0];
	[tilespmem:s23+$0x198F0] =	vst v60  }
0x1d1: {  	[tilespmem:s23+$0x18480] =	vst v54;
	v54 =	vadd.f32 v58, v49;
	v58 =	vld [tilespmem:s23+$0x61F0]  }
0x1d2: {  	[tilespmem:s23+$0x18490] =	vst v53;
	v53 =	vadd.f32 v59, v48;
	v59 =	vld [tilespmem:s23+$0x6580]  }
0x1d3: {  	[tilespmem:s23+$0x184A0] =	vst v54;
	v54 =	vadd.f32 v57, v47;
	v57 =	vld [tilespmem:s23+$0x6590]  }
0x1d4: {  	[tilespmem:s23+$0x184B0] =	vst v53;
	v53 =	vadd.f32 v55, v46;
	v55 =	vld [tilespmem:s23+$0x65A0]  }
0x1d5: {  	[tilespmem:s23+$0x184C0] =	vst v54;
	v54 =	vadd.f32 v56, v45;
	v56 =	vld [tilespmem:s23+$0x65B0]  }
0x1d6: {  	[tilespmem:s23+$0x184D0] =	vst v53;
	v53 =	vadd.f32 v58, v44;
	v58 =	vld [tilespmem:s23+$0x65C0]  }
0x1d7: {  	[tilespmem:s23+$0x184E0] =	vst v54;
	v54 =	vadd.f32 v59, v43;
	v59 =	vld [tilespmem:s23+$0x65D0]  }
0x1d8: {  	[tilespmem:s23+$0x184F0] =	vst v53;
	v53 =	vadd.f32 v57, v42;
	v57 =	vld [tilespmem:s23+$0x65E0]  }
0x1d9: {  	[tilespmem:s23+$0x18880] =	vst v54;
	v54 =	vadd.f32 v55, v41;
	v55 =	vld [tilespmem:s23+$0x65F0]  }
0x1da: {  	[tilespmem:s23+$0x18890] =	vst v53;
	v53 =	vadd.f32 v56, v40;
	v56 =	vld [tilespmem:s23+$0x6980]  }
0x1db: {  	[tilespmem:s23+$0x188A0] =	vst v54;
	v54 =	vadd.f32 v58, v39;
	v58 =	vld [tilespmem:s23+$0x6990]  }
0x1dc: {  	[tilespmem:s23+$0x188B0] =	vst v53;
	v53 =	vadd.f32 v59, v38;
	v59 =	vld [tilespmem:s23+$0x69A0]  }
0x1dd: {  	[tilespmem:s23+$0x188C0] =	vst v54;
	v54 =	vadd.f32 v57, v37;
	v57 =	vld [tilespmem:s23+$0x69B0]  }
0x1de: {  	[tilespmem:s23+$0x188D0] =	vst v53;
	v53 =	vadd.f32 v55, v36;
	v55 =	vld [tilespmem:s23+$0x69C0]  }
0x1df: {  	[tilespmem:s23+$0x188E0] =	vst v54;
	v54 =	vadd.f32 v56, v35;
	v56 =	vld [tilespmem:s23+$0x69D0]  }
0x1e0: {  	[tilespmem:s23+$0x188F0] =	vst v53;
	v53 =	vadd.f32 v58, v34;
	v58 =	vld [tilespmem:s23+$0x69E0]  }
0x1e1: {  	[tilespmem:s23+$0x18C80] =	vst v54;
	v54 =	vadd.f32 v59, v33;
	v59 =	vld [tilespmem:s23+$0x69F0]  }
0x1e2: {  	[tilespmem:s23+$0x18C90] =	vst v53;
	v53 =	vadd.f32 v57, v32;
	v57 =	vld [tilespmem:s23+$0x6D80]  }
0x1e3: {  	[tilespmem:s23+$0x18CA0] =	vst v54;
	v54 =	vadd.f32 v55, v31;
	v55 =	vld [tilespmem:s23+$0x6D90]  }
0x1e4: {  	[tilespmem:s23+$0x18CB0] =	vst v53;
	v53 =	vadd.f32 v56, v30;
	v56 =	vld [tilespmem:s23+$0x6DA0]  }
0x1e5: {  	[tilespmem:s23+$0x18CC0] =	vst v54;
	v54 =	vadd.f32 v58, v29;
	v58 =	vld [tilespmem:s23+$0x6DB0]  }
0x1e6: {  	[tilespmem:s23+$0x18CD0] =	vst v53;
	v53 =	vadd.f32 v59, v28;
	v59 =	vld [tilespmem:s23+$0x6DC0]  }
0x1e7: {  	[tilespmem:s23+$0x18CE0] =	vst v54;
	v54 =	vadd.f32 v57, v27;
	v57 =	vld [tilespmem:s23+$0x6DD0]  }
0x1e8: {  	[tilespmem:s23+$0x18CF0] =	vst v53;
	v53 =	vadd.f32 v55, v26;
	v55 =	vld [tilespmem:s23+$0x6DE0]  }
0x1e9: {  	[tilespmem:s23+$0x19080] =	vst v54;
	v54 =	vadd.f32 v56, v25;
	v56 =	vld [tilespmem:s23+$0x6DF0]  }
0x1ea: {  	[tilespmem:s23+$0x19090] =	vst v53;
	v53 =	vadd.f32 v58, v24;
	v58 =	vld [tilespmem:s23+$0x7180]  }
0x1eb: {  	[tilespmem:s23+$0x190A0] =	vst v54;
	v54 =	vadd.f32 v59, v23;
	v59 =	vld [tilespmem:s23+$0x7190]  }
0x1ec: {  	[tilespmem:s23+$0x190B0] =	vst v53;
	v53 =	vadd.f32 v57, v22;
	v57 =	vld [tilespmem:s23+$0x71A0]  }
0x1ed: {  	[tilespmem:s23+$0x190C0] =	vst v54;
	v54 =	vadd.f32 v55, v21;
	v55 =	vld [tilespmem:s23+$0x71B0]  }
0x1ee: {  	[tilespmem:s23+$0x190D0] =	vst v53;
	v53 =	vadd.f32 v56, v20;
	v56 =	vld [tilespmem:s23+$0x71C0]  }
0x1ef: {  	[tilespmem:s23+$0x190E0] =	vst v54;
	v54 =	vadd.f32 v58, v19;
	v58 =	vld [tilespmem:s23+$0x71D0]  }
0x1f0: {  	[tilespmem:s23+$0x190F0] =	vst v53;
	v53 =	vadd.f32 v59, v18;
	v59 =	vld [tilespmem:s23+$0x71E0]  }
.Ltmp3:
0x1f1: {  	[tilespmem:s23+$0x19480] =	vst v54;
	v54 =	vadd.f32 v57, v17;
	v57 =	vld [tilespmem:s23+$0x71F0];
	(pc) =	sbr.rel @p0 .LBB2_9-.Ltmp3, $4  }
0x1f2: {  	[tilespmem:s23+$0x19490] =	vst v53;
	v53 =	vadd.f32 v55, v16;
	v55 =	vld [tilespmem:s23+$0x7580]  }
0x1f3: {  	[tilespmem:s23+$0x194A0] =	vst v54;
	v56 =	vadd.f32 v56, v15;
	v54 =	vld [tilespmem:s23+$0x7590]  }
0x1f4: {  	[tilespmem:s23+$0x194B0] =	vst v53;
	v58 =	vadd.f32 v58, v14;
	v53 =	vld [tilespmem:s23+$0x75A0]  }
0x1f5: {  	s25 =	sshrl.u32 s24, $0x3;
	s24 =	sadd.s32 $0x1, s24;
	[tilespmem:s23+$0x194C0] =	vst v56;
	v59 =	vadd.f32 v59, v13;
	v56 =	vld [tilespmem:s23+$0x75B0]  }
0x1f6: {  	[tilespmem:s23+$0x194D0] =	vst v58;
	v58 =	vld [tilespmem:s23+$0x75C0];
	v57 =	vadd.f32 v57, v12;
	s0 =	smul.u32 $0x1800, s25;
	s7 =	sadd.s32 $0x80, s7  }
0x1f7: {  	[tilespmem:s23+$0x194E0] =	vst v59;
	v59 =	vld [tilespmem:s23+$0x75D0];
	s7 =	sand.u32 $0x380, s7;
	v55 =	vadd.f32 v55, v11  }
0x1f8: {  	[tilespmem:s23+$0x194F0] =	vst v57;
	s7 =	sor.u32 s7, s0;
	v57 =	vld [tilespmem:s23+$0x75E0];
	v54 =	vadd.f32 v54, v10  }
0x1f9: {  	v60 =	vld [tilespmem:s7+$0x75F0];
	[tilespmem:s23+$0x19880] =	vst v55;
	v53 =	vadd.f32 v53, v9  }
0x1fa: {  	v55 =	vld [tilespmem:s7+$0x6180];
	[tilespmem:s23+$0x19890] =	vst v54;
	v56 =	vadd.f32 v56, v8  }
0x1fb: {  	v54 =	vld [tilespmem:s7+$0x6190];
	[tilespmem:s23+$0x198A0] =	vst v53;
	v58 =	vadd.f32 v58, v7  }
0x1fc: {  	v53 =	vld [tilespmem:s7+$0x61A0];
	[tilespmem:s23+$0x198B0] =	vst v56;
	v59 =	vadd.f32 v59, v6  }
0x1fd: {  	v56 =	vld [tilespmem:s7+$0x61B0];
	[tilespmem:s23+$0x198C0] =	vst v58;
	v57 =	vadd.f32 v57, v5  }
0x1fe: {  	v58 =	vld [tilespmem:s7+$0x61C0];
	[tilespmem:s23+$0x198D0] =	vst v59;
	v52 =	vadd.f32 v60, v52  }
0x1ff: {  	v59 =	vld [tilespmem:s7+$0x61D0];
	v51 =	vadd.f32 v55, v51;
	[tilespmem:s23+$0x198E0] =	vst v57  }
0x200: {  	v50 =	vadd.f32 v54, v50;
	v63 =	vld [tilespmem:s7+$0x61E0];
	[tilespmem:s7+$0x198F0] =	vst v52  }
0x201: {  	v55 =	vld [tilespmem:s7+$0x61F0];
	[tilespmem:s7+$0x18480] =	vst v51;
	v49 =	vadd.f32 v53, v49  }
0x202: {  	v57 =	vld [tilespmem:s7+$0x6580];
	[tilespmem:s7+$0x18490] =	vst v50;
	v48 =	vadd.f32 v56, v48  }
0x203: {  	v60 =	vld [tilespmem:s7+$0x6590];
	[tilespmem:s7+$0x184A0] =	vst v49;
	v47 =	vadd.f32 v58, v47  }
0x204: {  	v61 =	vld [tilespmem:s7+$0x65A0];
	[tilespmem:s7+$0x184B0] =	vst v48;
	v46 =	vadd.f32 v59, v46  }
0x205: {  	v62 =	vld [tilespmem:s7+$0x65B0];
	[tilespmem:s7+$0x184C0] =	vst v47;
	v45 =	vadd.f32 v63, v45  }
0x206: {  	v52 =	vld [tilespmem:s7+$0x65E0];
	v44 =	vadd.f32 v55, v44;
	[tilespmem:s7+$0x184D0] =	vst v46  }
0x207: {  	v54 =	vld [tilespmem:s7+$0x6980];
	v43 =	vadd.f32 v57, v43;
	[tilespmem:s7+$0x184E0] =	vst v45  }
0x208: {  	v51 =	vld [tilespmem:s7+$0x65D0];
	v42 =	vadd.f32 v60, v42;
	[tilespmem:s7+$0x184F0] =	vst v44  }
0x209: {  	v53 =	vld [tilespmem:s7+$0x65F0];
	v41 =	vadd.f32 v61, v41;
	[tilespmem:s7+$0x18880] =	vst v43  }
0x20a: {  	v56 =	vld [tilespmem:s7+$0x69A0];
	v40 =	vadd.f32 v62, v40;
	[tilespmem:s7+$0x18890] =	vst v42  }
0x20b: {  	v50 =	vld [tilespmem:s7+$0x71E0];
	v37 =	vadd.f32 v52, v37;
	[tilespmem:s7+$0x188A0] =	vst v41  }
0x20c: {  	v58 =	vld [tilespmem:s7+$0x69C0];
	v35 =	vadd.f32 v54, v35;
	[tilespmem:s7+$0x188B0] =	vst v40  }
0x20d: {  	v49 =	vld [tilespmem:s7+$0x71D0];
	v38 =	vadd.f32 v51, v38;
	[tilespmem:s7+$0x188E0] =	vst v37  }
0x20e: {  	v59 =	vld [tilespmem:s7+$0x69D0];
	v36 =	vadd.f32 v53, v36;
	[tilespmem:s7+$0x18C80] =	vst v35  }
0x20f: {  	v48 =	vld [tilespmem:s7+$0x71C0];
	v33 =	vadd.f32 v56, v33;
	[tilespmem:s7+$0x188D0] =	vst v38  }
0x210: {  	v63 =	vld [tilespmem:s7+$0x65C0];
	v13 =	vadd.f32 v50, v13;
	[tilespmem:s7+$0x188F0] =	vst v36  }
0x211: {  	v55 =	vld [tilespmem:s7+$0x6990];
	v31 =	vadd.f32 v58, v31;
	[tilespmem:s7+$0x18CA0] =	vst v33  }
0x212: {  	v57 =	vld [tilespmem:s7+$0x69B0];
	v14 =	vadd.f32 v49, v14;
	[tilespmem:s7+$0x194E0] =	vst v13  }
0x213: {  	v60 =	vld [tilespmem:s7+$0x69E0];
	v30 =	vadd.f32 v59, v30;
	[tilespmem:s7+$0x18CC0] =	vst v31  }
0x214: {  	v61 =	vld [tilespmem:s7+$0x69F0];
	v15 =	vadd.f32 v48, v15;
	[tilespmem:s7+$0x194D0] =	vst v14  }
0x215: {  	v62 =	vld [tilespmem:s7+$0x6D80];
	v39 =	vadd.f32 v63, v39;
	[tilespmem:s7+$0x18CD0] =	vst v30  }
0x216: {  	v47 =	vld [tilespmem:s7+$0x71B0];
	v34 =	vadd.f32 v55, v34;
	[tilespmem:s7+$0x194C0] =	vst v15  }
0x217: {  	v52 =	vld [tilespmem:s7+$0x7580];
	v32 =	vadd.f32 v57, v32;
	[tilespmem:s7+$0x188C0] =	vst v39  }
0x218: {  	v54 =	vld [tilespmem:s7+$0x75A0];
	v29 =	vadd.f32 v60, v29;
	[tilespmem:s7+$0x18C90] =	vst v34  }
0x219: {  	v46 =	vld [tilespmem:s7+$0x71A0];
	v28 =	vadd.f32 v61, v28;
	[tilespmem:s7+$0x18CB0] =	vst v32  }
0x21a: {  	v51 =	vld [tilespmem:s7+$0x71F0];
	v27 =	vadd.f32 v62, v27;
	[tilespmem:s7+$0x18CE0] =	vst v29  }
0x21b: {  	v53 =	vld [tilespmem:s7+$0x7590];
	v16 =	vadd.f32 v47, v16;
	[tilespmem:s7+$0x18CF0] =	vst v28  }
0x21c: {  	v40 =	vld [tilespmem:s7+$0x6DC0];
	v58 =	vadd.f32 v52, v11;
	[tilespmem:s7+$0x19080] =	vst v27  }
0x21d: {  	v41 =	vld [tilespmem:s7+$0x6DD0];
	v62 =	vadd.f32 v54, v9;
	[tilespmem:s7+$0x194B0] =	vst v16  }
0x21e: {  	v42 =	vld [tilespmem:s7+$0x6DE0];
	v17 =	vadd.f32 v46, v17;
	[tilespmem:s7+$0x19880] =	vst v58  }
0x21f: {  	v43 =	vld [tilespmem:s7+$0x6DF0];
	v56 =	vadd.f32 v51, v12;
	[tilespmem:s7+$0x198A0] =	vst v62  }
0x220: {  	v44 =	vld [tilespmem:s7+$0x7180];
	v60 =	vadd.f32 v53, v10;
	[tilespmem:s7+$0x194A0] =	vst v17  }
0x221: {  	v45 =	vld [tilespmem:s7+$0x7190];
	v23 =	vadd.f32 v40, v23;
	[tilespmem:s7+$0x194F0] =	vst v56  }
0x222: {  	v38 =	vld [tilespmem:s7+$0x6DA0];
	v22 =	vadd.f32 v41, v22;
	[tilespmem:s7+$0x19890] =	vst v60  }
0x223: {  	v59 =	vld [tilespmem:s7+$0x75D0];
	v21 =	vadd.f32 v42, v21;
	[tilespmem:s7+$0x190C0] =	vst v23  }
0x224: {  	v63 =	vld [tilespmem:s7+$0x6D90];
	v20 =	vadd.f32 v43, v20;
	[tilespmem:s7+$0x190D0] =	vst v22  }
0x225: {  	v55 =	vld [tilespmem:s7+$0x75B0];
	v19 =	vadd.f32 v44, v19;
	[tilespmem:s7+$0x190E0] =	vst v21  }
0x226: {  	v57 =	vld [tilespmem:s7+$0x75C0];
	v18 =	vadd.f32 v45, v18;
	[tilespmem:s7+$0x190F0] =	vst v20  }
0x227: {  	v61 =	vld [tilespmem:s7+$0x75E0];
	v25 =	vadd.f32 v38, v25;
	[tilespmem:s7+$0x19480] =	vst v19  }
0x228: {  	v39 =	vld [tilespmem:s7+$0x6DB0];
	[tilespmem:s7+$0x19490] =	vst v18;
	v6 =	vadd.f32 v59, v6  }
0x229: {  	v26 =	vadd.f32 v63, v26;
	[tilespmem:s7+$0x190A0] =	vst v25  }
0x22a: {  	s30 =	sshll.u32 s1, $0x5;
	v63 =	vadd.f32 v55, v8;
	[tilespmem:s7+$0x198D0] =	vst v6  }
0x22b: {  	s0 =	sadd.s32 s14, s30;
	v7 =	vadd.f32 v57, v7;
	[tilespmem:s7+$0x19090] =	vst v26  }
0x22c: {  	s0 =	sshrl.u32 s0, $0x3;
	v5 =	vadd.f32 v61, v5;
	[tilespmem:s7+$0x198B0] =	vst v63  }
0x22d: {  	s22 =	sadd.s32 $0x1, s22;
	s0 =	smul.u32 $0x300, s0;
	v24 =	vadd.f32 v39, v24;
	[tilespmem:s7+$0x198C0] =	vst v7  }
0x22e: {  	p0 =	sne.s32 s22, $0x10;
	[tilespmem:s7+$0x198E0] =	vst v5  }
.Ltmp4:
0x22f: {  	s0 =	sadd.s32 s4, s0;
	[tilespmem:s7+$0x190B0] =	vst v24;
	(pc) =	sbr.rel @p0 .LBB2_6-.Ltmp4, $4  }
0x230: {  	[hbm4b:s0+s5] =	stream.linear.scatter [tilespmem:s18], [sflag:$0x2], $0x6000, $0x38;
	[tilespmem:$0x1E480] =	vst v63  }
0x231: {  	_ =	swait.ge [sflag:s17], $0x6000  }
0x232: {  	[sflag:s17] =	ssyncset.done $0x0  }
0x233: {  	[sflag:s17] =	ssyncadd.s32 $0xFFFFA000  }
0x234: {  	p0 =	slt.s32 s12, s20  }
0x235: {  	s20 =	smov.u32 @p0 s12  }
0x236: {  	s0 =	sshrl.u32 s20, $0x3  }
0x237: {  	s1 =	sshll.u32 s20, $0x7;
	s0 =	smul.u32 $0x1800, s0  }
0x238: {  	s1 =	sand.u32 $0x380, s1  }
0x239: {  	s0 =	sor.u32 s1, s0  }
0x23a: {  	s30 =	smov.u32 s16;
	s29 =	simm.s32 $0x400;
	s0 =	sshrl.u32 s0, $0x3  }
0x23b: {  	s7 =	simm.s32 $0xC180;
	s0 =	sadd.s32 s16, s0;
	s16 =	simm.s32 $0x80  }
0x23c: {  	[tilespmem:s7], [sflag:$0x2] =	stream.strided.gather [hbm4b:s0+s16], $0x300, s29, s16, $0x38;
	[tilespmem:$0x1E480] =	vst v63  }
0x23d: {  	_ =	swait.ge [sflag:s17], $0x300  }
0x23e: {  	[sflag:s17] =	ssyncset.done $0x0  }
0x23f: {  	s1 =	simm.s32 $0x0;
	s7 =	simm.s32 $0x0;
	[sflag:s17] =	ssyncadd.s32 $0xFFFFFD00  }
.LBB2_12:
0x240: {  	s0 =	simm.s32 $0x0  }
0x241: {  	s20 =	sshll.u32 s7, $0x7;
	s0 =	smul.u32 $0x1800, s0  }
0x242: {  	s20 =	sand.u32 $0x1C00, s20  }
0x243: {  	s22 =	sshll.u32 s7, $0x4;
	s23 =	sand.u32 $0x380, s1;
	s0 =	sadd.s32 s20, s0  }
0x244: {  	s21 =	sand.u32 $0x70, s22;
	s0 =	sor.u32 s23, s0  }
0x245: {  	v5 =	vld [tilespmem:s22+$0xC180];
	s22 =	sor.u32 s21, s0  }
0x246: {  	s29 =	simm.s32 $0x0;
	v6 =	vld [tilespmem:s22+$0x180]  }
0x247: {  	s0 =	smul.u32 $0x1800, s29  }
0x248: {  	s23 =	simm.s32 $0x80  }
0x249: {  	s24 =	sand.u32 $0x380, s23;
	s0 =	sadd.s32 s20, s0  }
0x24a: {  	s0 =	sor.u32 s24, s0  }
0x24b: {  	s24 =	simm.s32 $0x2;
	s25 =	sor.u32 s21, s0;
	v6 =	vadd.f32 v6, v5  }
.LBB2_13:
0x24c: {  	s0 =	sshrl.u32 s24, $0x3  }
0x24d: {  	p0 =	sne.s32 s24, $0x1F;
	s24 =	sadd.s32 $0x1, s24;
	v7 =	vld [tilespmem:s25+$0x180];
	s0 =	smul.u32 $0x1800, s0  }
.Ltmp5:
0x24e: {  	[tilespmem:s22+$0xC480] =	vst v6;
	(pc) =	sbr.rel @p0 .LBB2_13-.Ltmp5, $4  }
0x24f: {  	s23 =	sadd.s32 $0x80, s23;
	s22 =	smov.u32 s25  }
0x250: {  	s25 =	sand.u32 $0x380, s23;
	s0 =	sadd.s32 s20, s0  }
0x251: {  	s0 =	sor.u32 s25, s0  }
0x252: {  	s25 =	sor.u32 s21, s0;
	v6 =	vadd.f32 v7, v5  }
0x253: {  	v7 =	vld [tilespmem:s25+$0x180]  }
0x254: {  	s7 =	sadd.s32 $0x1, s7  }
0x255: {  	p0 =	sne.s32 s7, $0x30  }
.Ltmp6:
0x256: {  	_ = 	snop;
	(pc) =	sbr.rel @p0 .LBB2_12-.Ltmp6, $4  }
0x257: {  	_ = 	snop  }
0x258: {  	v5 =	vadd.f32 v7, v5  }
0x259: {  	[tilespmem:s22+$0xC480] =	vst v6  }
0x25a: {  	s20 =	simm.s32 $0x0;
	[tilespmem:s25+$0xC480] =	vst v5  }
0x25b: {  	s21 =	simm.s32 $0x0  }
.LBB2_16:
0x25c: {  	s0 =	sshrl.u32 s21, $0x2  }
0x25d: {  	s0 =	smul.u32 $0x6000, s0;
	_ =	sdelay $0x1  }
0x25e: {  	s1 =	sshll.u32 s21, $0x8;
	s0 =	sshra.s32 s0, $0x2  }
0x25f: {  	s1 =	sand.u32 $0x300, s1;
	s22 =	sadd.s32 $0xC480, s0  }
0x260: {  	s7 =	sor.u32 s1, s22  }
0x261: {  	v51 =	vld [tilespmem:s7+$0x0]  }
0x262: {  	v50 =	vld [tilespmem:s7+$0x10]  }
0x263: {  	v49 =	vld [tilespmem:s7+$0x20]  }
0x264: {  	v48 =	vld [tilespmem:s7+$0x30]  }
0x265: {  	v47 =	vld [tilespmem:s7+$0x40]  }
0x266: {  	v46 =	vld [tilespmem:s7+$0x50]  }
0x267: {  	v45 =	vld [tilespmem:s7+$0x60]  }
0x268: {  	v44 =	vld [tilespmem:s7+$0x70]  }
0x269: {  	v43 =	vld [tilespmem:s7+$0x400]  }
0x26a: {  	v42 =	vld [tilespmem:s7+$0x410]  }
0x26b: {  	v41 =	vld [tilespmem:s7+$0x420]  }
0x26c: {  	v40 =	vld [tilespmem:s7+$0x430]  }
0x26d: {  	v39 =	vld [tilespmem:s7+$0x440]  }
0x26e: {  	v38 =	vld [tilespmem:s7+$0x450]  }
0x26f: {  	s23 =	sadd.s32 $0xCC80, s0;
	v37 =	vld [tilespmem:s7+$0x460]  }
0x270: {  	s25 =	sor.u32 s1, s23;
	v36 =	vld [tilespmem:s7+$0x470]  }
0x271: {  	v35 =	vld [tilespmem:s25+$0x0]  }
0x272: {  	v34 =	vld [tilespmem:s25+$0x10]  }
0x273: {  	v33 =	vld [tilespmem:s25+$0x20]  }
0x274: {  	v32 =	vld [tilespmem:s25+$0x30]  }
0x275: {  	v31 =	vld [tilespmem:s25+$0x40]  }
0x276: {  	v30 =	vld [tilespmem:s25+$0x50]  }
0x277: {  	s24 =	sadd.s32 $0xD080, s0;
	v29 =	vld [tilespmem:s25+$0x60]  }
0x278: {  	s26 =	sor.u32 s1, s24;
	v28 =	vld [tilespmem:s25+$0x70]  }
0x279: {  	v27 =	vld [tilespmem:s26+$0x0]  }
0x27a: {  	v26 =	vld [tilespmem:s26+$0x10]  }
0x27b: {  	v25 =	vld [tilespmem:s26+$0x20]  }
0x27c: {  	v24 =	vld [tilespmem:s26+$0x30]  }
0x27d: {  	v23 =	vld [tilespmem:s26+$0x40]  }
0x27e: {  	v22 =	vld [tilespmem:s26+$0x50]  }
0x27f: {  	v21 =	vld [tilespmem:s26+$0x60];
	s25 =	sadd.s32 $0xD480, s0  }
0x280: {  	v20 =	vld [tilespmem:s26+$0x70];
	s7 =	sor.u32 s1, s25  }
0x281: {  	v19 =	vld [tilespmem:s7+$0x0]  }
0x282: {  	v18 =	vld [tilespmem:s7+$0x10]  }
0x283: {  	v17 =	vld [tilespmem:s7+$0x20]  }
0x284: {  	v16 =	vld [tilespmem:s7+$0x30]  }
0x285: {  	v15 =	vld [tilespmem:s7+$0x40]  }
0x286: {  	v14 =	vld [tilespmem:s7+$0x50]  }
0x287: {  	s26 =	sadd.s32 $0xD880, s0;
	v13 =	vld [tilespmem:s7+$0x60]  }
0x288: {  	s0 =	sor.u32 s1, s26;
	v12 =	vld [tilespmem:s7+$0x70]  }
0x289: {  	v11 =	vld [tilespmem:s0+$0x0]  }
0x28a: {  	v10 =	vld [tilespmem:s0+$0x10]  }
0x28b: {  	v9 =	vld [tilespmem:s0+$0x20]  }
0x28c: {  	v8 =	vld [tilespmem:s0+$0x30]  }
0x28d: {  	v7 =	vld [tilespmem:s0+$0x40];
	s7 =	simm.s32 $0x0  }
0x28e: {  	v6 =	vld [tilespmem:s0+$0x50];
	s1 =	smul.u32 $0x1800, s7  }
0x28f: {  	v5 =	vld [tilespmem:s0+$0x60];
	s7 =	sand.u32 $0x380, s20  }
0x290: {  	v52 =	vld [tilespmem:s0+$0x70];
	s1 =	sor.u32 s7, s1  }
0x291: {  	v53 =	vld [tilespmem:s1+$0x75F0]  }
0x292: {  	v54 =	vld [tilespmem:s1+$0x6180]  }
0x293: {  	v55 =	vld [tilespmem:s1+$0x6190]  }
0x294: {  	v56 =	vld [tilespmem:s1+$0x61A0]  }
0x295: {  	v57 =	vld [tilespmem:s1+$0x61B0]  }
0x296: {  	v58 =	vld [tilespmem:s1+$0x61C0]  }
0x297: {  	v60 =	vld [tilespmem:s1+$0x61E0];
	v53 =	vadd.f32 v53, v52  }
0x298: {  	v59 =	vld [tilespmem:s1+$0x61D0];
	v54 =	vadd.f32 v54, v51  }
0x299: {  	v62 =	vadd.f32 v55, v50;
	v55 =	vld [tilespmem:s1+$0x6590];
	[tilespmem:s1+$0x138F0] =	vst v53  }
0x29a: {  	v63 =	vadd.f32 v56, v49;
	v56 =	vld [tilespmem:s1+$0x65A0];
	[tilespmem:s1+$0x12480] =	vst v54  }
0x29b: {  	v61 =	vadd.f32 v57, v48;
	v57 =	vld [tilespmem:s1+$0x65B0];
	[tilespmem:s1+$0x12490] =	vst v62  }
0x29c: {  	v60 =	vadd.f32 v60, v45;
	v54 =	vld [tilespmem:s1+$0x61F0];
	[tilespmem:s1+$0x124A0] =	vst v63  }
0x29d: {  	v53 =	vld [tilespmem:s1+$0x6580];
	v62 =	vadd.f32 v58, v47;
	[tilespmem:s1+$0x124B0] =	vst v61  }
0x29e: {  	v63 =	vadd.f32 v59, v46;
	v61 =	vld [tilespmem:s1+$0x65C0];
	[tilespmem:s1+$0x124E0] =	vst v60  }
0x29f: {  	v60 =	vld [tilespmem:s1+$0x6990];
	[tilespmem:s1+$0x124C0] =	vst v62;
	v55 =	vadd.f32 v55, v42  }
0x2a0: {  	[tilespmem:s1+$0x124D0] =	vst v63;
	v56 =	vadd.f32 v56, v41  }
0x2a1: {  	v62 =	vld [tilespmem:s1+$0x65D0];
	v57 =	vadd.f32 v57, v40;
	[tilespmem:s1+$0x12890] =	vst v55  }
0x2a2: {  	v63 =	vld [tilespmem:s1+$0x6980];
	v54 =	vadd.f32 v54, v44;
	[tilespmem:s1+$0x128A0] =	vst v56  }
0x2a3: {  	v53 =	vadd.f32 v53, v43;
	v58 =	vadd.f32 v61, v39;
	[tilespmem:s1+$0x128B0] =	vst v57;
	v61 =	vld [tilespmem:s1+$0x69A0]  }
0x2a4: {  	v56 =	vadd.f32 v60, v34;
	v60 =	vld [tilespmem:s1+$0x69F0];
	[tilespmem:s1+$0x124F0] =	vst v54  }
0x2a5: {  	v54 =	vld [tilespmem:s1+$0x65E0];
	[tilespmem:s1+$0x12880] =	vst v53  }
0x2a6: {  	v59 =	vadd.f32 v62, v38;
	[tilespmem:s1+$0x128C0] =	vst v58;
	v62 =	vld [tilespmem:s1+$0x69B0]  }
0x2a7: {  	v53 =	vld [tilespmem:s1+$0x65F0];
	v55 =	vadd.f32 v63, v35;
	[tilespmem:s1+$0x12C90] =	vst v56  }
0x2a8: {  	[tilespmem:s1+$0x128D0] =	vst v59;
	v59 =	vld [tilespmem:s1+$0x69C0];
	v57 =	vadd.f32 v61, v33  }
0x2a9: {  	v63 =	vld [tilespmem:s1+$0x69E0];
	[tilespmem:s1+$0x12C80] =	vst v55;
	v55 =	vadd.f32 v60, v28  }
0x2aa: {  	v61 =	vld [tilespmem:s1+$0x6D80];
	v54 =	vadd.f32 v54, v37;
	[tilespmem:s1+$0x12CA0] =	vst v57  }
0x2ab: {  	v60 =	vld [tilespmem:s1+$0x6DD0];
	v58 =	vadd.f32 v62, v32;
	[tilespmem:s1+$0x12CF0] =	vst v55  }
0x2ac: {  	v53 =	vadd.f32 v53, v36;
	v62 =	vld [tilespmem:s1+$0x6D90];
	[tilespmem:s1+$0x128E0] =	vst v54  }
0x2ad: {  	v59 =	vadd.f32 v59, v31;
	[tilespmem:s1+$0x12CB0] =	vst v58;
	v58 =	vld [tilespmem:s1+$0x6DA0]  }
0x2ae: {  	v54 =	vld [tilespmem:s1+$0x69D0];
	[tilespmem:s1+$0x128F0] =	vst v53;
	v53 =	vadd.f32 v63, v29  }
0x2af: {  	v56 =	vadd.f32 v61, v27;
	[tilespmem:s1+$0x12CC0] =	vst v59;
	v59 =	vld [tilespmem:s1+$0x6DB0]  }
0x2b0: {  	v63 =	vld [tilespmem:s1+$0x6DC0];
	[tilespmem:s1+$0x12CE0] =	vst v53;
	v53 =	vadd.f32 v60, v22  }
0x2b1: {  	v61 =	vld [tilespmem:s1+$0x6DE0];
	v57 =	vadd.f32 v62, v26;
	[tilespmem:s1+$0x13080] =	vst v56  }
0x2b2: {  	v62 =	vld [tilespmem:s1+$0x6DF0];
	[tilespmem:s1+$0x130D0] =	vst v53;
	v58 =	vadd.f32 v58, v25  }
0x2b3: {  	v54 =	vadd.f32 v54, v30;
	[tilespmem:s1+$0x13090] =	vst v57;
	v57 =	vld [tilespmem:s1+$0x7180]  }
0x2b4: {  	v59 =	vadd.f32 v59, v24;
	[tilespmem:s1+$0x130A0] =	vst v58;
	v58 =	vld [tilespmem:s1+$0x7190]  }
0x2b5: {  	v53 =	vld [tilespmem:s1+$0x71C0];
	[tilespmem:s1+$0x12CD0] =	vst v54;
	v54 =	vadd.f32 v63, v23  }
0x2b6: {  	v55 =	vadd.f32 v61, v21;
	[tilespmem:s1+$0x130B0] =	vst v59;
	v59 =	vld [tilespmem:s1+$0x71A0]  }
0x2b7: {  	v56 =	vadd.f32 v62, v20;
	[tilespmem:s1+$0x130C0] =	vst v54;
	v54 =	vld [tilespmem:s1+$0x71B0]  }
0x2b8: {  	v60 =	vld [tilespmem:s1+$0x71D0];
	[tilespmem:s1+$0x130E0] =	vst v55;
	v63 =	vadd.f32 v57, v19  }
0x2b9: {  	v61 =	vld [tilespmem:s1+$0x71E0];
	[tilespmem:s1+$0x130F0] =	vst v56;
	v58 =	vadd.f32 v58, v18  }
0x2ba: {  	v57 =	vld [tilespmem:s1+$0x71F0];
	[tilespmem:s1+$0x13480] =	vst v63;
	v63 =	vadd.f32 v53, v15  }
0x2bb: {  	v55 =	vld [tilespmem:s1+$0x7580];
	v59 =	vadd.f32 v59, v17;
	[tilespmem:s1+$0x13490] =	vst v58  }
0x2bc: {  	v62 =	vadd.f32 v54, v16;
	v54 =	vld [tilespmem:s1+$0x7590];
	[tilespmem:s1+$0x134C0] =	vst v63  }
0x2bd: {  	v53 =	vld [tilespmem:s1+$0x75A0];
	v58 =	vadd.f32 v60, v14;
	[tilespmem:s1+$0x134A0] =	vst v59  }
0x2be: {  	s29 =	simm.s32 $0x0;
	s28 =	simm.s32 $0x2;
	s7 =	simm.s32 $0x0;
	v56 =	vld [tilespmem:s1+$0x75B0];
	[tilespmem:s1+$0x134B0] =	vst v62;
	v59 =	vadd.f32 v61, v13  }
.LBB2_17:
0x2bf: {  	p0 =	sne.s32 s28, $0x1F;
	s0 =	smul.u32 $0x1800, s29;
	[tilespmem:s1+$0x134D0] =	vst v58;
	v57 =	vadd.f32 v57, v12;
	v58 =	vld [tilespmem:s1+$0x75C0];
	s7 =	sadd.s32 $0x80, s7  }
0x2c0: {  	s29 =	sand.u32 $0x380, s7;
	[tilespmem:s1+$0x134E0] =	vst v59;
	v55 =	vadd.f32 v55, v11;
	v59 =	vld [tilespmem:s1+$0x75D0]  }
0x2c1: {  	s0 =	sor.u32 s29, s0;
	[tilespmem:s1+$0x134F0] =	vst v57;
	v54 =	vadd.f32 v54, v10;
	v57 =	vld [tilespmem:s1+$0x75E0]  }
0x2c2: {  	v60 =	vld [tilespmem:s0+$0x75F0];
	[tilespmem:s1+$0x13880] =	vst v55;
	v53 =	vadd.f32 v53, v9  }
0x2c3: {  	v55 =	vld [tilespmem:s0+$0x6180];
	[tilespmem:s1+$0x13890] =	vst v54;
	v54 =	vadd.f32 v56, v8  }
0x2c4: {  	v56 =	vld [tilespmem:s0+$0x6190];
	[tilespmem:s1+$0x138A0] =	vst v53;
	v53 =	vadd.f32 v58, v7  }
0x2c5: {  	v58 =	vld [tilespmem:s0+$0x61A0];
	[tilespmem:s1+$0x138B0] =	vst v54;
	v54 =	vadd.f32 v59, v6  }
0x2c6: {  	v59 =	vld [tilespmem:s0+$0x61B0];
	[tilespmem:s1+$0x138C0] =	vst v53;
	v53 =	vadd.f32 v57, v5  }
0x2c7: {  	v57 =	vld [tilespmem:s0+$0x61C0];
	v60 =	vadd.f32 v60, v52;
	[tilespmem:s1+$0x138D0] =	vst v54  }
0x2c8: {  	v54 =	vadd.f32 v55, v51;
	v55 =	vld [tilespmem:s0+$0x61D0];
	[tilespmem:s1+$0x138E0] =	vst v53;
	s1 =	smov.u32 s0  }
0x2c9: {  	v53 =	vadd.f32 v56, v50;
	v56 =	vld [tilespmem:s1+$0x61E0];
	[tilespmem:s1+$0x138F0] =	vst v60  }
0x2ca: {  	[tilespmem:s1+$0x12480] =	vst v54;
	v54 =	vadd.f32 v58, v49;
	v58 =	vld [tilespmem:s1+$0x61F0]  }
0x2cb: {  	[tilespmem:s1+$0x12490] =	vst v53;
	v53 =	vadd.f32 v59, v48;
	v59 =	vld [tilespmem:s1+$0x6580]  }
0x2cc: {  	[tilespmem:s1+$0x124A0] =	vst v54;
	v54 =	vadd.f32 v57, v47;
	v57 =	vld [tilespmem:s1+$0x6590]  }
0x2cd: {  	[tilespmem:s1+$0x124B0] =	vst v53;
	v53 =	vadd.f32 v55, v46;
	v55 =	vld [tilespmem:s1+$0x65A0]  }
0x2ce: {  	[tilespmem:s1+$0x124C0] =	vst v54;
	v54 =	vadd.f32 v56, v45;
	v56 =	vld [tilespmem:s1+$0x65B0]  }
0x2cf: {  	[tilespmem:s1+$0x124D0] =	vst v53;
	v53 =	vadd.f32 v58, v44;
	v58 =	vld [tilespmem:s1+$0x65C0]  }
0x2d0: {  	[tilespmem:s1+$0x124E0] =	vst v54;
	v54 =	vadd.f32 v59, v43;
	v59 =	vld [tilespmem:s1+$0x65D0]  }
0x2d1: {  	[tilespmem:s1+$0x124F0] =	vst v53;
	v53 =	vadd.f32 v57, v42;
	v57 =	vld [tilespmem:s1+$0x65E0]  }
0x2d2: {  	[tilespmem:s1+$0x12880] =	vst v54;
	v54 =	vadd.f32 v55, v41;
	v55 =	vld [tilespmem:s1+$0x65F0]  }
0x2d3: {  	[tilespmem:s1+$0x12890] =	vst v53;
	v53 =	vadd.f32 v56, v40;
	v56 =	vld [tilespmem:s1+$0x6980]  }
0x2d4: {  	[tilespmem:s1+$0x128A0] =	vst v54;
	v54 =	vadd.f32 v58, v39;
	v58 =	vld [tilespmem:s1+$0x6990]  }
0x2d5: {  	[tilespmem:s1+$0x128B0] =	vst v53;
	v53 =	vadd.f32 v59, v38;
	v59 =	vld [tilespmem:s1+$0x69A0]  }
0x2d6: {  	[tilespmem:s1+$0x128C0] =	vst v54;
	v54 =	vadd.f32 v57, v37;
	v57 =	vld [tilespmem:s1+$0x69B0]  }
0x2d7: {  	[tilespmem:s1+$0x128D0] =	vst v53;
	v53 =	vadd.f32 v55, v36;
	v55 =	vld [tilespmem:s1+$0x69C0]  }
0x2d8: {  	[tilespmem:s1+$0x128E0] =	vst v54;
	v54 =	vadd.f32 v56, v35;
	v56 =	vld [tilespmem:s1+$0x69D0]  }
0x2d9: {  	[tilespmem:s1+$0x128F0] =	vst v53;
	v53 =	vadd.f32 v58, v34;
	v58 =	vld [tilespmem:s1+$0x69E0]  }
0x2da: {  	[tilespmem:s1+$0x12C80] =	vst v54;
	v54 =	vadd.f32 v59, v33;
	v59 =	vld [tilespmem:s1+$0x69F0]  }
0x2db: {  	[tilespmem:s1+$0x12C90] =	vst v53;
	v53 =	vadd.f32 v57, v32;
	v57 =	vld [tilespmem:s1+$0x6D80]  }
0x2dc: {  	[tilespmem:s1+$0x12CA0] =	vst v54;
	v54 =	vadd.f32 v55, v31;
	v55 =	vld [tilespmem:s1+$0x6D90]  }
0x2dd: {  	[tilespmem:s1+$0x12CB0] =	vst v53;
	v53 =	vadd.f32 v56, v30;
	v56 =	vld [tilespmem:s1+$0x6DA0]  }
0x2de: {  	[tilespmem:s1+$0x12CC0] =	vst v54;
	v54 =	vadd.f32 v58, v29;
	v58 =	vld [tilespmem:s1+$0x6DB0]  }
0x2df: {  	[tilespmem:s1+$0x12CD0] =	vst v53;
	v53 =	vadd.f32 v59, v28;
	v59 =	vld [tilespmem:s1+$0x6DC0]  }
0x2e0: {  	[tilespmem:s1+$0x12CE0] =	vst v54;
	v54 =	vadd.f32 v57, v27;
	v57 =	vld [tilespmem:s1+$0x6DD0]  }
0x2e1: {  	[tilespmem:s1+$0x12CF0] =	vst v53;
	v53 =	vadd.f32 v55, v26;
	v55 =	vld [tilespmem:s1+$0x6DE0]  }
0x2e2: {  	[tilespmem:s1+$0x13080] =	vst v54;
	v54 =	vadd.f32 v56, v25;
	v56 =	vld [tilespmem:s1+$0x6DF0]  }
0x2e3: {  	[tilespmem:s1+$0x13090] =	vst v53;
	v53 =	vadd.f32 v58, v24;
	v58 =	vld [tilespmem:s1+$0x7180]  }
0x2e4: {  	[tilespmem:s1+$0x130A0] =	vst v54;
	v54 =	vadd.f32 v59, v23;
	v59 =	vld [tilespmem:s1+$0x7190]  }
0x2e5: {  	[tilespmem:s1+$0x130B0] =	vst v53;
	v53 =	vadd.f32 v57, v22;
	v57 =	vld [tilespmem:s1+$0x71A0]  }
0x2e6: {  	[tilespmem:s1+$0x130C0] =	vst v54;
	v54 =	vadd.f32 v55, v21;
	v55 =	vld [tilespmem:s1+$0x71B0]  }
0x2e7: {  	[tilespmem:s1+$0x130D0] =	vst v53;
	v53 =	vadd.f32 v56, v20;
	v56 =	vld [tilespmem:s1+$0x71C0]  }
0x2e8: {  	[tilespmem:s1+$0x130E0] =	vst v54;
	v54 =	vadd.f32 v58, v19;
	v58 =	vld [tilespmem:s1+$0x71D0]  }
0x2e9: {  	[tilespmem:s1+$0x130F0] =	vst v53;
	v53 =	vadd.f32 v59, v18;
	v59 =	vld [tilespmem:s1+$0x71E0]  }
.Ltmp7:
0x2ea: {  	[tilespmem:s1+$0x13480] =	vst v54;
	v54 =	vadd.f32 v57, v17;
	v57 =	vld [tilespmem:s1+$0x71F0];
	(pc) =	sbr.rel @p0 .LBB2_17-.Ltmp7, $4  }
0x2eb: {  	[tilespmem:s1+$0x13490] =	vst v53;
	v53 =	vadd.f32 v55, v16;
	v55 =	vld [tilespmem:s1+$0x7580]  }
0x2ec: {  	[tilespmem:s1+$0x134A0] =	vst v54;
	v56 =	vadd.f32 v56, v15;
	v54 =	vld [tilespmem:s1+$0x7590]  }
0x2ed: {  	[tilespmem:s1+$0x134B0] =	vst v53;
	v58 =	vadd.f32 v58, v14;
	v53 =	vld [tilespmem:s1+$0x75A0]  }
0x2ee: {  	s29 =	sshrl.u32 s28, $0x3;
	s28 =	sadd.s32 $0x1, s28;
	[tilespmem:s1+$0x134C0] =	vst v56;
	v59 =	vadd.f32 v59, v13;
	v56 =	vld [tilespmem:s1+$0x75B0]  }
0x2ef: {  	[tilespmem:s1+$0x134D0] =	vst v58;
	v58 =	vld [tilespmem:s1+$0x75C0];
	v57 =	vadd.f32 v57, v12;
	s0 =	smul.u32 $0x1800, s29;
	s7 =	sadd.s32 $0x80, s7  }
0x2f0: {  	[tilespmem:s1+$0x134E0] =	vst v59;
	v59 =	vld [tilespmem:s1+$0x75D0];
	s7 =	sand.u32 $0x380, s7;
	v55 =	vadd.f32 v55, v11  }
0x2f1: {  	[tilespmem:s1+$0x134F0] =	vst v57;
	s7 =	sor.u32 s7, s0;
	v57 =	vld [tilespmem:s1+$0x75E0];
	v54 =	vadd.f32 v54, v10  }
0x2f2: {  	v60 =	vld [tilespmem:s7+$0x75F0];
	[tilespmem:s1+$0x13880] =	vst v55;
	v53 =	vadd.f32 v53, v9  }
0x2f3: {  	v55 =	vld [tilespmem:s7+$0x6180];
	[tilespmem:s1+$0x13890] =	vst v54;
	v56 =	vadd.f32 v56, v8  }
0x2f4: {  	v54 =	vld [tilespmem:s7+$0x6190];
	[tilespmem:s1+$0x138A0] =	vst v53;
	v58 =	vadd.f32 v58, v7  }
0x2f5: {  	v53 =	vld [tilespmem:s7+$0x61A0];
	[tilespmem:s1+$0x138B0] =	vst v56;
	v59 =	vadd.f32 v59, v6  }
0x2f6: {  	v56 =	vld [tilespmem:s7+$0x61B0];
	[tilespmem:s1+$0x138C0] =	vst v58;
	v57 =	vadd.f32 v57, v5  }
0x2f7: {  	v58 =	vld [tilespmem:s7+$0x61C0];
	[tilespmem:s1+$0x138D0] =	vst v59;
	v52 =	vadd.f32 v60, v52  }
0x2f8: {  	v59 =	vld [tilespmem:s7+$0x61D0];
	v51 =	vadd.f32 v55, v51;
	[tilespmem:s1+$0x138E0] =	vst v57  }
0x2f9: {  	v50 =	vadd.f32 v54, v50;
	v63 =	vld [tilespmem:s7+$0x61E0];
	[tilespmem:s7+$0x138F0] =	vst v52  }
0x2fa: {  	v55 =	vld [tilespmem:s7+$0x61F0];
	[tilespmem:s7+$0x12480] =	vst v51;
	v49 =	vadd.f32 v53, v49  }
0x2fb: {  	v57 =	vld [tilespmem:s7+$0x6580];
	[tilespmem:s7+$0x12490] =	vst v50;
	v48 =	vadd.f32 v56, v48  }
0x2fc: {  	v60 =	vld [tilespmem:s7+$0x65B0];
	[tilespmem:s7+$0x124A0] =	vst v49;
	v47 =	vadd.f32 v58, v47  }
0x2fd: {  	v61 =	vld [tilespmem:s7+$0x65C0];
	[tilespmem:s7+$0x124B0] =	vst v48;
	v46 =	vadd.f32 v59, v46  }
0x2fe: {  	v62 =	vld [tilespmem:s7+$0x65D0];
	[tilespmem:s7+$0x124C0] =	vst v47;
	v45 =	vadd.f32 v63, v45  }
0x2ff: {  	v52 =	vld [tilespmem:s7+$0x69B0];
	v44 =	vadd.f32 v55, v44;
	[tilespmem:s7+$0x124D0] =	vst v46  }
0x300: {  	v54 =	vld [tilespmem:s7+$0x69D0];
	v43 =	vadd.f32 v57, v43;
	[tilespmem:s7+$0x124E0] =	vst v45  }
0x301: {  	v51 =	vld [tilespmem:s7+$0x69A0];
	v40 =	vadd.f32 v60, v40;
	[tilespmem:s7+$0x124F0] =	vst v44  }
0x302: {  	v53 =	vld [tilespmem:s7+$0x69C0];
	v39 =	vadd.f32 v61, v39;
	[tilespmem:s7+$0x12880] =	vst v43  }
0x303: {  	v50 =	vld [tilespmem:s7+$0x6990];
	v38 =	vadd.f32 v62, v38;
	[tilespmem:s7+$0x128B0] =	vst v40  }
0x304: {  	v56 =	vld [tilespmem:s7+$0x69F0];
	v32 =	vadd.f32 v52, v32;
	[tilespmem:s7+$0x128C0] =	vst v39  }
0x305: {  	v58 =	vld [tilespmem:s7+$0x6590];
	v30 =	vadd.f32 v54, v30;
	[tilespmem:s7+$0x128D0] =	vst v38  }
0x306: {  	v49 =	vld [tilespmem:s7+$0x6980];
	v33 =	vadd.f32 v51, v33;
	[tilespmem:s7+$0x12CB0] =	vst v32  }
0x307: {  	v59 =	vld [tilespmem:s7+$0x65A0];
	v31 =	vadd.f32 v53, v31;
	[tilespmem:s7+$0x12CD0] =	vst v30  }
0x308: {  	v48 =	vld [tilespmem:s7+$0x65F0];
	v34 =	vadd.f32 v50, v34;
	[tilespmem:s7+$0x12CA0] =	vst v33  }
0x309: {  	v63 =	vld [tilespmem:s7+$0x65E0];
	v28 =	vadd.f32 v56, v28;
	[tilespmem:s7+$0x12CC0] =	vst v31  }
0x30a: {  	v55 =	vld [tilespmem:s7+$0x69E0];
	v42 =	vadd.f32 v58, v42;
	[tilespmem:s7+$0x12C90] =	vst v34  }
0x30b: {  	v57 =	vld [tilespmem:s7+$0x6D80];
	v35 =	vadd.f32 v49, v35;
	[tilespmem:s7+$0x12CF0] =	vst v28  }
0x30c: {  	v58 =	vld [tilespmem:s7+$0x6D90];
	v41 =	vadd.f32 v59, v41;
	[tilespmem:s7+$0x12890] =	vst v42  }
0x30d: {  	v30 =	vld [tilespmem:s7+$0x6DC0];
	v36 =	vadd.f32 v48, v36;
	[tilespmem:s7+$0x12C80] =	vst v35  }
0x30e: {  	v31 =	vld [tilespmem:s7+$0x6DB0];
	v37 =	vadd.f32 v63, v37;
	[tilespmem:s7+$0x128A0] =	vst v41  }
0x30f: {  	v59 =	vld [tilespmem:s7+$0x6DA0];
	v29 =	vadd.f32 v55, v29;
	[tilespmem:s7+$0x128F0] =	vst v36  }
0x310: {  	v28 =	vld [tilespmem:s7+$0x6DE0];
	v27 =	vadd.f32 v57, v27;
	[tilespmem:s7+$0x128E0] =	vst v37  }
0x311: {  	[tilespmem:s7+$0x12CE0] =	vst v29;
	v29 =	vld [tilespmem:s7+$0x6DD0];
	v26 =	vadd.f32 v58, v26  }
0x312: {  	[tilespmem:s7+$0x13080] =	vst v27;
	v27 =	vld [tilespmem:s7+$0x6DF0];
	v23 =	vadd.f32 v30, v23  }
0x313: {  	v24 =	vadd.f32 v31, v24;
	[tilespmem:s7+$0x13090] =	vst v26;
	v26 =	vld [tilespmem:s7+$0x7180]  }
0x314: {  	v25 =	vadd.f32 v59, v25;
	[tilespmem:s7+$0x130C0] =	vst v23;
	v23 =	vld [tilespmem:s7+$0x71B0]  }
0x315: {  	v21 =	vadd.f32 v28, v21;
	[tilespmem:s7+$0x130B0] =	vst v24;
	v24 =	vld [tilespmem:s7+$0x71A0]  }
0x316: {  	[tilespmem:s7+$0x130A0] =	vst v25;
	v25 =	vld [tilespmem:s7+$0x7190];
	v22 =	vadd.f32 v29, v22  }
0x317: {  	[tilespmem:s7+$0x130E0] =	vst v21;
	v21 =	vld [tilespmem:s7+$0x71D0];
	v20 =	vadd.f32 v27, v20  }
0x318: {  	[tilespmem:s7+$0x130D0] =	vst v22;
	v22 =	vld [tilespmem:s7+$0x71C0];
	v19 =	vadd.f32 v26, v19  }
0x319: {  	[tilespmem:s7+$0x130F0] =	vst v20;
	v20 =	vld [tilespmem:s7+$0x71E0];
	v16 =	vadd.f32 v23, v16  }
0x31a: {  	v17 =	vadd.f32 v24, v17;
	[tilespmem:s7+$0x13480] =	vst v19;
	v19 =	vld [tilespmem:s7+$0x71F0]  }
0x31b: {  	v18 =	vadd.f32 v25, v18;
	[tilespmem:s7+$0x134B0] =	vst v16;
	v16 =	vld [tilespmem:s7+$0x75A0]  }
0x31c: {  	v14 =	vadd.f32 v21, v14;
	[tilespmem:s7+$0x134A0] =	vst v17;
	v17 =	vld [tilespmem:s7+$0x7590]  }
0x31d: {  	[tilespmem:s7+$0x13490] =	vst v18;
	v18 =	vld [tilespmem:s7+$0x7580];
	v15 =	vadd.f32 v22, v15  }
0x31e: {  	[tilespmem:s7+$0x134D0] =	vst v14;
	v14 =	vld [tilespmem:s7+$0x75C0];
	v13 =	vadd.f32 v20, v13  }
0x31f: {  	[tilespmem:s7+$0x134C0] =	vst v15;
	v15 =	vld [tilespmem:s7+$0x75B0];
	v12 =	vadd.f32 v19, v12  }
0x320: {  	[tilespmem:s7+$0x134E0] =	vst v13;
	v13 =	vld [tilespmem:s7+$0x75D0];
	v9 =	vadd.f32 v16, v9  }
0x321: {  	v10 =	vadd.f32 v17, v10;
	[tilespmem:s7+$0x134F0] =	vst v12;
	v12 =	vld [tilespmem:s7+$0x75E0]  }
0x322: {  	v11 =	vadd.f32 v18, v11;
	[tilespmem:s7+$0x138A0] =	vst v9  }
0x323: {  	s28 =	sshll.u32 s21, $0x6;
	v7 =	vadd.f32 v14, v7;
	[tilespmem:s7+$0x13890] =	vst v10  }
0x324: {  	s0 =	sadd.s32 s15, s28;
	[tilespmem:s7+$0x13880] =	vst v11;
	v8 =	vadd.f32 v15, v8  }
0x325: {  	s0 =	sshrl.u32 s0, $0x3;
	[tilespmem:s7+$0x138C0] =	vst v7;
	v6 =	vadd.f32 v13, v6  }
0x326: {  	s0 =	smul.u32 $0x300, s0;
	[tilespmem:s7+$0x138B0] =	vst v8;
	v5 =	vadd.f32 v12, v5  }
0x327: {  	[tilespmem:s7+$0x138D0] =	vst v6  }
0x328: {  	s0 =	sadd.s32 s4, s0;
	s1 =	sshllo.u32 s21, $0x1;
	[tilespmem:s7+$0x138E0] =	vst v5;
	s7 =	simm.s32 $0x0  }
0x329: {  	[hbm4b:s0+s7] =	stream.linear.scatter [tilespmem:s6], [sflag:$0x2], $0x6000, $0x38;
	[tilespmem:$0x1E480] =	vst v63  }
0x32a: {  	s29 =	sshll.u32 s1, $0x7;
	_ =	swait.ge [sflag:s17], $0x6000  }
0x32b: {  	s0 =	sand.u32 $0x380, s29;
	[sflag:s17] =	ssyncset.done $0x0  }
0x32c: {  	s22 =	sadd.s32 s0, s22;
	[sflag:s17] =	ssyncadd.s32 $0xFFFFA000  }
0x32d: {  	v51 =	vld [tilespmem:s22+$0x0]  }
0x32e: {  	v50 =	vld [tilespmem:s22+$0x10]  }
0x32f: {  	v49 =	vld [tilespmem:s22+$0x20]  }
0x330: {  	v48 =	vld [tilespmem:s22+$0x30]  }
0x331: {  	v47 =	vld [tilespmem:s22+$0x40]  }
0x332: {  	v46 =	vld [tilespmem:s22+$0x50]  }
0x333: {  	v45 =	vld [tilespmem:s22+$0x60]  }
0x334: {  	v44 =	vld [tilespmem:s22+$0x70]  }
0x335: {  	v43 =	vld [tilespmem:s22+$0x400]  }
0x336: {  	v42 =	vld [tilespmem:s22+$0x410]  }
0x337: {  	v41 =	vld [tilespmem:s22+$0x420]  }
0x338: {  	v40 =	vld [tilespmem:s22+$0x430]  }
0x339: {  	v39 =	vld [tilespmem:s22+$0x440]  }
0x33a: {  	v38 =	vld [tilespmem:s22+$0x450]  }
0x33b: {  	v37 =	vld [tilespmem:s22+$0x460]  }
0x33c: {  	s23 =	sadd.s32 s0, s23;
	v36 =	vld [tilespmem:s22+$0x470]  }
0x33d: {  	v35 =	vld [tilespmem:s23+$0x0]  }
0x33e: {  	v34 =	vld [tilespmem:s23+$0x10]  }
0x33f: {  	v33 =	vld [tilespmem:s23+$0x20]  }
0x340: {  	v32 =	vld [tilespmem:s23+$0x30]  }
0x341: {  	v31 =	vld [tilespmem:s23+$0x40]  }
0x342: {  	v30 =	vld [tilespmem:s23+$0x50]  }
0x343: {  	v29 =	vld [tilespmem:s23+$0x60]  }
0x344: {  	s24 =	sadd.s32 s0, s24;
	v28 =	vld [tilespmem:s23+$0x70]  }
0x345: {  	v27 =	vld [tilespmem:s24+$0x0]  }
0x346: {  	v26 =	vld [tilespmem:s24+$0x10]  }
0x347: {  	v25 =	vld [tilespmem:s24+$0x20]  }
0x348: {  	v24 =	vld [tilespmem:s24+$0x30]  }
0x349: {  	v23 =	vld [tilespmem:s24+$0x40]  }
0x34a: {  	v22 =	vld [tilespmem:s24+$0x50]  }
0x34b: {  	v21 =	vld [tilespmem:s24+$0x60]  }
0x34c: {  	s25 =	sadd.s32 s0, s25;
	v20 =	vld [tilespmem:s24+$0x70]  }
0x34d: {  	v19 =	vld [tilespmem:s25+$0x0]  }
0x34e: {  	v18 =	vld [tilespmem:s25+$0x10]  }
0x34f: {  	v17 =	vld [tilespmem:s25+$0x20]  }
0x350: {  	v16 =	vld [tilespmem:s25+$0x30]  }
0x351: {  	v15 =	vld [tilespmem:s25+$0x40]  }
0x352: {  	v14 =	vld [tilespmem:s25+$0x50]  }
0x353: {  	v13 =	vld [tilespmem:s25+$0x60]  }
0x354: {  	s0 =	sadd.s32 s0, s26;
	v12 =	vld [tilespmem:s25+$0x70]  }
0x355: {  	v11 =	vld [tilespmem:s0+$0x0]  }
0x356: {  	v10 =	vld [tilespmem:s0+$0x10]  }
0x357: {  	v9 =	vld [tilespmem:s0+$0x20]  }
0x358: {  	v8 =	vld [tilespmem:s0+$0x30]  }
0x359: {  	s28 =	simm.s32 $0x0;
	v7 =	vld [tilespmem:s0+$0x40]  }
0x35a: {  	v6 =	vld [tilespmem:s0+$0x50];
	s22 =	smul.u32 $0x1800, s28  }
0x35b: {  	s29 =	sand.u32 $0x380, s7;
	v5 =	vld [tilespmem:s0+$0x60]  }
0x35c: {  	v52 =	vld [tilespmem:s0+$0x70];
	s22 =	sor.u32 s29, s22  }
0x35d: {  	v60 =	vld [tilespmem:s22+$0x75F0]  }
0x35e: {  	v61 =	vld [tilespmem:s22+$0x6180]  }
0x35f: {  	v55 =	vld [tilespmem:s22+$0x6190]  }
0x360: {  	v56 =	vld [tilespmem:s22+$0x61A0]  }
0x361: {  	v57 =	vld [tilespmem:s22+$0x61B0]  }
0x362: {  	v58 =	vld [tilespmem:s22+$0x61C0]  }
0x363: {  	v59 =	vld [tilespmem:s22+$0x61D0];
	v53 =	vadd.f32 v60, v52  }
0x364: {  	v54 =	vadd.f32 v61, v51;
	v60 =	vld [tilespmem:s22+$0x61E0]  }
0x365: {  	v62 =	vadd.f32 v55, v50;
	v55 =	vld [tilespmem:s22+$0x6590];
	[tilespmem:s22+$0x198F0] =	vst v53  }
0x366: {  	v63 =	vadd.f32 v56, v49;
	v56 =	vld [tilespmem:s22+$0x65A0];
	[tilespmem:s22+$0x18480] =	vst v54  }
0x367: {  	v61 =	vadd.f32 v57, v48;
	v57 =	vld [tilespmem:s22+$0x65B0];
	[tilespmem:s22+$0x18490] =	vst v62  }
0x368: {  	v54 =	vld [tilespmem:s22+$0x61F0];
	[tilespmem:s22+$0x184A0] =	vst v63;
	v62 =	vadd.f32 v58, v47  }
0x369: {  	v53 =	vld [tilespmem:s22+$0x6580];
	[tilespmem:s22+$0x184B0] =	vst v61;
	v63 =	vadd.f32 v59, v46  }
0x36a: {  	v61 =	vld [tilespmem:s22+$0x65C0];
	[tilespmem:s22+$0x184C0] =	vst v62;
	v60 =	vadd.f32 v60, v45  }
0x36b: {  	[tilespmem:s22+$0x184D0] =	vst v63;
	v55 =	vadd.f32 v55, v42  }
0x36c: {  	v62 =	vld [tilespmem:s22+$0x65D0];
	v56 =	vadd.f32 v56, v41;
	[tilespmem:s22+$0x184E0] =	vst v60  }
0x36d: {  	v63 =	vld [tilespmem:s22+$0x6980];
	v57 =	vadd.f32 v57, v40;
	[tilespmem:s22+$0x18890] =	vst v55  }
0x36e: {  	v54 =	vadd.f32 v54, v44;
	[tilespmem:s22+$0x188A0] =	vst v56;
	v60 =	vld [tilespmem:s22+$0x6990]  }
0x36f: {  	v53 =	vadd.f32 v53, v43;
	v58 =	vadd.f32 v61, v39;
	[tilespmem:s22+$0x188B0] =	vst v57;
	v61 =	vld [tilespmem:s22+$0x69A0]  }
0x370: {  	[tilespmem:s22+$0x184F0] =	vst v54;
	v54 =	vld [tilespmem:s22+$0x65E0]  }
0x371: {  	[tilespmem:s22+$0x18880] =	vst v53;
	v53 =	vld [tilespmem:s22+$0x65F0];
	v59 =	vadd.f32 v62, v38  }
0x372: {  	[tilespmem:s22+$0x188C0] =	vst v58;
	v62 =	vld [tilespmem:s22+$0x69B0];
	v55 =	vadd.f32 v63, v35  }
0x373: {  	[tilespmem:s22+$0x188D0] =	vst v59;
	v59 =	vld [tilespmem:s22+$0x69C0];
	v56 =	vadd.f32 v60, v34  }
0x374: {  	v63 =	vld [tilespmem:s22+$0x69E0];
	[tilespmem:s22+$0x18C80] =	vst v55;
	v57 =	vadd.f32 v61, v33  }
0x375: {  	v60 =	vld [tilespmem:s22+$0x69F0];
	v54 =	vadd.f32 v54, v37;
	[tilespmem:s22+$0x18C90] =	vst v56  }
0x376: {  	v61 =	vld [tilespmem:s22+$0x6D80];
	v53 =	vadd.f32 v53, v36;
	[tilespmem:s22+$0x18CA0] =	vst v57  }
0x377: {  	v58 =	vadd.f32 v62, v32;
	v62 =	vld [tilespmem:s22+$0x6D90];
	[tilespmem:s22+$0x188E0] =	vst v54  }
0x378: {  	v54 =	vld [tilespmem:s22+$0x69D0];
	[tilespmem:s22+$0x188F0] =	vst v53;
	v59 =	vadd.f32 v59, v31  }
0x379: {  	[tilespmem:s22+$0x18CB0] =	vst v58;
	v58 =	vld [tilespmem:s22+$0x6DA0];
	v53 =	vadd.f32 v63, v29  }
0x37a: {  	v55 =	vadd.f32 v60, v28;
	v60 =	vld [tilespmem:s22+$0x6DD0];
	[tilespmem:s22+$0x18CC0] =	vst v59  }
0x37b: {  	v56 =	vadd.f32 v61, v27;
	v59 =	vld [tilespmem:s22+$0x6DB0];
	[tilespmem:s22+$0x18CE0] =	vst v53  }
0x37c: {  	v63 =	vld [tilespmem:s22+$0x6DC0];
	[tilespmem:s22+$0x18CF0] =	vst v55;
	v57 =	vadd.f32 v62, v26  }
0x37d: {  	v61 =	vld [tilespmem:s22+$0x6DE0];
	[tilespmem:s22+$0x19080] =	vst v56;
	v54 =	vadd.f32 v54, v30  }
0x37e: {  	v62 =	vld [tilespmem:s22+$0x6DF0];
	v58 =	vadd.f32 v58, v25;
	[tilespmem:s22+$0x19090] =	vst v57  }
0x37f: {  	v57 =	vld [tilespmem:s22+$0x7180];
	v53 =	vadd.f32 v60, v22;
	[tilespmem:s22+$0x18CD0] =	vst v54  }
0x380: {  	v59 =	vadd.f32 v59, v24;
	[tilespmem:s22+$0x190A0] =	vst v58;
	v58 =	vld [tilespmem:s22+$0x7190]  }
0x381: {  	v54 =	vadd.f32 v63, v23;
	[tilespmem:s22+$0x190D0] =	vst v53;
	v53 =	vld [tilespmem:s22+$0x71C0]  }
0x382: {  	v55 =	vadd.f32 v61, v21;
	[tilespmem:s22+$0x190B0] =	vst v59;
	v59 =	vld [tilespmem:s22+$0x71A0]  }
0x383: {  	v56 =	vadd.f32 v62, v20;
	[tilespmem:s22+$0x190C0] =	vst v54;
	v54 =	vld [tilespmem:s22+$0x71B0]  }
0x384: {  	v60 =	vld [tilespmem:s22+$0x71D0];
	[tilespmem:s22+$0x190E0] =	vst v55;
	v63 =	vadd.f32 v57, v19  }
0x385: {  	v61 =	vld [tilespmem:s22+$0x71E0];
	[tilespmem:s22+$0x190F0] =	vst v56;
	v58 =	vadd.f32 v58, v18  }
0x386: {  	v57 =	vld [tilespmem:s22+$0x71F0];
	[tilespmem:s22+$0x19480] =	vst v63;
	v63 =	vadd.f32 v53, v15  }
0x387: {  	v55 =	vld [tilespmem:s22+$0x7580];
	v59 =	vadd.f32 v59, v17;
	[tilespmem:s22+$0x19490] =	vst v58  }
0x388: {  	v62 =	vadd.f32 v54, v16;
	v54 =	vld [tilespmem:s22+$0x7590];
	[tilespmem:s22+$0x194C0] =	vst v63  }
0x389: {  	v53 =	vld [tilespmem:s22+$0x75A0];
	v58 =	vadd.f32 v60, v14;
	[tilespmem:s22+$0x194A0] =	vst v59  }
0x38a: {  	s24 =	simm.s32 $0x0;
	s23 =	simm.s32 $0x2;
	v56 =	vld [tilespmem:s22+$0x75B0];
	[tilespmem:s22+$0x194B0] =	vst v62;
	v59 =	vadd.f32 v61, v13  }
.LBB2_19:
0x38b: {  	p0 =	sne.s32 s23, $0x1F;
	s0 =	smul.u32 $0x1800, s24;
	[tilespmem:s22+$0x194D0] =	vst v58;
	v57 =	vadd.f32 v57, v12;
	v58 =	vld [tilespmem:s22+$0x75C0];
	s7 =	sadd.s32 $0x80, s7  }
0x38c: {  	s24 =	sand.u32 $0x380, s7;
	[tilespmem:s22+$0x194E0] =	vst v59;
	v55 =	vadd.f32 v55, v11;
	v59 =	vld [tilespmem:s22+$0x75D0]  }
0x38d: {  	s0 =	sor.u32 s24, s0;
	[tilespmem:s22+$0x194F0] =	vst v57;
	v54 =	vadd.f32 v54, v10;
	v57 =	vld [tilespmem:s22+$0x75E0]  }
0x38e: {  	v60 =	vld [tilespmem:s0+$0x75F0];
	[tilespmem:s22+$0x19880] =	vst v55;
	v53 =	vadd.f32 v53, v9  }
0x38f: {  	v55 =	vld [tilespmem:s0+$0x6180];
	[tilespmem:s22+$0x19890] =	vst v54;
	v54 =	vadd.f32 v56, v8  }
0x390: {  	v56 =	vld [tilespmem:s0+$0x6190];
	[tilespmem:s22+$0x198A0] =	vst v53;
	v53 =	vadd.f32 v58, v7  }
0x391: {  	v58 =	vld [tilespmem:s0+$0x61A0];
	[tilespmem:s22+$0x198B0] =	vst v54;
	v54 =	vadd.f32 v59, v6  }
0x392: {  	v59 =	vld [tilespmem:s0+$0x61B0];
	[tilespmem:s22+$0x198C0] =	vst v53;
	v53 =	vadd.f32 v57, v5  }
0x393: {  	v57 =	vld [tilespmem:s0+$0x61C0];
	v60 =	vadd.f32 v60, v52;
	[tilespmem:s22+$0x198D0] =	vst v54  }
0x394: {  	v54 =	vadd.f32 v55, v51;
	v55 =	vld [tilespmem:s0+$0x61D0];
	[tilespmem:s22+$0x198E0] =	vst v53;
	s22 =	smov.u32 s0  }
0x395: {  	v53 =	vadd.f32 v56, v50;
	v56 =	vld [tilespmem:s22+$0x61E0];
	[tilespmem:s22+$0x198F0] =	vst v60  }
0x396: {  	[tilespmem:s22+$0x18480] =	vst v54;
	v54 =	vadd.f32 v58, v49;
	v58 =	vld [tilespmem:s22+$0x61F0]  }
0x397: {  	[tilespmem:s22+$0x18490] =	vst v53;
	v53 =	vadd.f32 v59, v48;
	v59 =	vld [tilespmem:s22+$0x6580]  }
0x398: {  	[tilespmem:s22+$0x184A0] =	vst v54;
	v54 =	vadd.f32 v57, v47;
	v57 =	vld [tilespmem:s22+$0x6590]  }
0x399: {  	[tilespmem:s22+$0x184B0] =	vst v53;
	v53 =	vadd.f32 v55, v46;
	v55 =	vld [tilespmem:s22+$0x65A0]  }
0x39a: {  	[tilespmem:s22+$0x184C0] =	vst v54;
	v54 =	vadd.f32 v56, v45;
	v56 =	vld [tilespmem:s22+$0x65B0]  }
0x39b: {  	[tilespmem:s22+$0x184D0] =	vst v53;
	v53 =	vadd.f32 v58, v44;
	v58 =	vld [tilespmem:s22+$0x65C0]  }
0x39c: {  	[tilespmem:s22+$0x184E0] =	vst v54;
	v54 =	vadd.f32 v59, v43;
	v59 =	vld [tilespmem:s22+$0x65D0]  }
0x39d: {  	[tilespmem:s22+$0x184F0] =	vst v53;
	v53 =	vadd.f32 v57, v42;
	v57 =	vld [tilespmem:s22+$0x65E0]  }
0x39e: {  	[tilespmem:s22+$0x18880] =	vst v54;
	v54 =	vadd.f32 v55, v41;
	v55 =	vld [tilespmem:s22+$0x65F0]  }
0x39f: {  	[tilespmem:s22+$0x18890] =	vst v53;
	v53 =	vadd.f32 v56, v40;
	v56 =	vld [tilespmem:s22+$0x6980]  }
0x3a0: {  	[tilespmem:s22+$0x188A0] =	vst v54;
	v54 =	vadd.f32 v58, v39;
	v58 =	vld [tilespmem:s22+$0x6990]  }
0x3a1: {  	[tilespmem:s22+$0x188B0] =	vst v53;
	v53 =	vadd.f32 v59, v38;
	v59 =	vld [tilespmem:s22+$0x69A0]  }
0x3a2: {  	[tilespmem:s22+$0x188C0] =	vst v54;
	v54 =	vadd.f32 v57, v37;
	v57 =	vld [tilespmem:s22+$0x69B0]  }
0x3a3: {  	[tilespmem:s22+$0x188D0] =	vst v53;
	v53 =	vadd.f32 v55, v36;
	v55 =	vld [tilespmem:s22+$0x69C0]  }
0x3a4: {  	[tilespmem:s22+$0x188E0] =	vst v54;
	v54 =	vadd.f32 v56, v35;
	v56 =	vld [tilespmem:s22+$0x69D0]  }
0x3a5: {  	[tilespmem:s22+$0x188F0] =	vst v53;
	v53 =	vadd.f32 v58, v34;
	v58 =	vld [tilespmem:s22+$0x69E0]  }
0x3a6: {  	[tilespmem:s22+$0x18C80] =	vst v54;
	v54 =	vadd.f32 v59, v33;
	v59 =	vld [tilespmem:s22+$0x69F0]  }
0x3a7: {  	[tilespmem:s22+$0x18C90] =	vst v53;
	v53 =	vadd.f32 v57, v32;
	v57 =	vld [tilespmem:s22+$0x6D80]  }
0x3a8: {  	[tilespmem:s22+$0x18CA0] =	vst v54;
	v54 =	vadd.f32 v55, v31;
	v55 =	vld [tilespmem:s22+$0x6D90]  }
0x3a9: {  	[tilespmem:s22+$0x18CB0] =	vst v53;
	v53 =	vadd.f32 v56, v30;
	v56 =	vld [tilespmem:s22+$0x6DA0]  }
0x3aa: {  	[tilespmem:s22+$0x18CC0] =	vst v54;
	v54 =	vadd.f32 v58, v29;
	v58 =	vld [tilespmem:s22+$0x6DB0]  }
0x3ab: {  	[tilespmem:s22+$0x18CD0] =	vst v53;
	v53 =	vadd.f32 v59, v28;
	v59 =	vld [tilespmem:s22+$0x6DC0]  }
0x3ac: {  	[tilespmem:s22+$0x18CE0] =	vst v54;
	v54 =	vadd.f32 v57, v27;
	v57 =	vld [tilespmem:s22+$0x6DD0]  }
0x3ad: {  	[tilespmem:s22+$0x18CF0] =	vst v53;
	v53 =	vadd.f32 v55, v26;
	v55 =	vld [tilespmem:s22+$0x6DE0]  }
0x3ae: {  	[tilespmem:s22+$0x19080] =	vst v54;
	v54 =	vadd.f32 v56, v25;
	v56 =	vld [tilespmem:s22+$0x6DF0]  }
0x3af: {  	[tilespmem:s22+$0x19090] =	vst v53;
	v53 =	vadd.f32 v58, v24;
	v58 =	vld [tilespmem:s22+$0x7180]  }
0x3b0: {  	[tilespmem:s22+$0x190A0] =	vst v54;
	v54 =	vadd.f32 v59, v23;
	v59 =	vld [tilespmem:s22+$0x7190]  }
0x3b1: {  	[tilespmem:s22+$0x190B0] =	vst v53;
	v53 =	vadd.f32 v57, v22;
	v57 =	vld [tilespmem:s22+$0x71A0]  }
0x3b2: {  	[tilespmem:s22+$0x190C0] =	vst v54;
	v54 =	vadd.f32 v55, v21;
	v55 =	vld [tilespmem:s22+$0x71B0]  }
0x3b3: {  	[tilespmem:s22+$0x190D0] =	vst v53;
	v53 =	vadd.f32 v56, v20;
	v56 =	vld [tilespmem:s22+$0x71C0]  }
0x3b4: {  	[tilespmem:s22+$0x190E0] =	vst v54;
	v54 =	vadd.f32 v58, v19;
	v58 =	vld [tilespmem:s22+$0x71D0]  }
0x3b5: {  	[tilespmem:s22+$0x190F0] =	vst v53;
	v53 =	vadd.f32 v59, v18;
	v59 =	vld [tilespmem:s22+$0x71E0]  }
.Ltmp8:
0x3b6: {  	[tilespmem:s22+$0x19480] =	vst v54;
	v54 =	vadd.f32 v57, v17;
	v57 =	vld [tilespmem:s22+$0x71F0];
	(pc) =	sbr.rel @p0 .LBB2_19-.Ltmp8, $4  }
0x3b7: {  	[tilespmem:s22+$0x19490] =	vst v53;
	v53 =	vadd.f32 v55, v16;
	v55 =	vld [tilespmem:s22+$0x7580]  }
0x3b8: {  	[tilespmem:s22+$0x194A0] =	vst v54;
	v56 =	vadd.f32 v56, v15;
	v54 =	vld [tilespmem:s22+$0x7590]  }
0x3b9: {  	[tilespmem:s22+$0x194B0] =	vst v53;
	v58 =	vadd.f32 v58, v14;
	v53 =	vld [tilespmem:s22+$0x75A0]  }
0x3ba: {  	s24 =	sshrl.u32 s23, $0x3;
	s23 =	sadd.s32 $0x1, s23;
	[tilespmem:s22+$0x194C0] =	vst v56;
	v59 =	vadd.f32 v59, v13;
	v56 =	vld [tilespmem:s22+$0x75B0]  }
0x3bb: {  	[tilespmem:s22+$0x194D0] =	vst v58;
	v58 =	vld [tilespmem:s22+$0x75C0];
	v57 =	vadd.f32 v57, v12;
	s0 =	smul.u32 $0x1800, s24;
	s7 =	sadd.s32 $0x80, s7  }
0x3bc: {  	[tilespmem:s22+$0x194E0] =	vst v59;
	v59 =	vld [tilespmem:s22+$0x75D0];
	s7 =	sand.u32 $0x380, s7;
	v55 =	vadd.f32 v55, v11  }
0x3bd: {  	[tilespmem:s22+$0x194F0] =	vst v57;
	s7 =	sor.u32 s7, s0;
	v57 =	vld [tilespmem:s22+$0x75E0];
	v54 =	vadd.f32 v54, v10  }
0x3be: {  	v60 =	vld [tilespmem:s7+$0x75F0];
	[tilespmem:s22+$0x19880] =	vst v55;
	v53 =	vadd.f32 v53, v9  }
0x3bf: {  	v55 =	vld [tilespmem:s7+$0x6180];
	[tilespmem:s22+$0x19890] =	vst v54;
	v56 =	vadd.f32 v56, v8  }
0x3c0: {  	v54 =	vld [tilespmem:s7+$0x6190];
	[tilespmem:s22+$0x198A0] =	vst v53;
	v58 =	vadd.f32 v58, v7  }
0x3c1: {  	v53 =	vld [tilespmem:s7+$0x61A0];
	[tilespmem:s22+$0x198B0] =	vst v56;
	v59 =	vadd.f32 v59, v6  }
0x3c2: {  	v56 =	vld [tilespmem:s7+$0x61B0];
	[tilespmem:s22+$0x198C0] =	vst v58;
	v57 =	vadd.f32 v57, v5  }
0x3c3: {  	v58 =	vld [tilespmem:s7+$0x61C0];
	[tilespmem:s22+$0x198D0] =	vst v59;
	v52 =	vadd.f32 v60, v52  }
0x3c4: {  	v59 =	vld [tilespmem:s7+$0x61D0];
	v51 =	vadd.f32 v55, v51;
	[tilespmem:s22+$0x198E0] =	vst v57  }
0x3c5: {  	v50 =	vadd.f32 v54, v50;
	v63 =	vld [tilespmem:s7+$0x61E0];
	[tilespmem:s7+$0x198F0] =	vst v52  }
0x3c6: {  	v55 =	vld [tilespmem:s7+$0x61F0];
	[tilespmem:s7+$0x18480] =	vst v51;
	v49 =	vadd.f32 v53, v49  }
0x3c7: {  	v57 =	vld [tilespmem:s7+$0x6580];
	[tilespmem:s7+$0x18490] =	vst v50;
	v48 =	vadd.f32 v56, v48  }
0x3c8: {  	v60 =	vld [tilespmem:s7+$0x6590];
	[tilespmem:s7+$0x184A0] =	vst v49;
	v47 =	vadd.f32 v58, v47  }
0x3c9: {  	v61 =	vld [tilespmem:s7+$0x65A0];
	[tilespmem:s7+$0x184B0] =	vst v48;
	v46 =	vadd.f32 v59, v46  }
0x3ca: {  	v62 =	vld [tilespmem:s7+$0x65B0];
	[tilespmem:s7+$0x184C0] =	vst v47;
	v45 =	vadd.f32 v63, v45  }
0x3cb: {  	v52 =	vld [tilespmem:s7+$0x65E0];
	v44 =	vadd.f32 v55, v44;
	[tilespmem:s7+$0x184D0] =	vst v46  }
0x3cc: {  	v54 =	vld [tilespmem:s7+$0x6980];
	v43 =	vadd.f32 v57, v43;
	[tilespmem:s7+$0x184E0] =	vst v45  }
0x3cd: {  	v51 =	vld [tilespmem:s7+$0x65D0];
	v42 =	vadd.f32 v60, v42;
	[tilespmem:s7+$0x184F0] =	vst v44  }
0x3ce: {  	v53 =	vld [tilespmem:s7+$0x65F0];
	v41 =	vadd.f32 v61, v41;
	[tilespmem:s7+$0x18880] =	vst v43  }
0x3cf: {  	v56 =	vld [tilespmem:s7+$0x69A0];
	v40 =	vadd.f32 v62, v40;
	[tilespmem:s7+$0x18890] =	vst v42  }
0x3d0: {  	v50 =	vld [tilespmem:s7+$0x71E0];
	v37 =	vadd.f32 v52, v37;
	[tilespmem:s7+$0x188A0] =	vst v41  }
0x3d1: {  	v58 =	vld [tilespmem:s7+$0x69C0];
	v35 =	vadd.f32 v54, v35;
	[tilespmem:s7+$0x188B0] =	vst v40  }
0x3d2: {  	v49 =	vld [tilespmem:s7+$0x71D0];
	v38 =	vadd.f32 v51, v38;
	[tilespmem:s7+$0x188E0] =	vst v37  }
0x3d3: {  	v59 =	vld [tilespmem:s7+$0x69D0];
	v36 =	vadd.f32 v53, v36;
	[tilespmem:s7+$0x18C80] =	vst v35  }
0x3d4: {  	v48 =	vld [tilespmem:s7+$0x71C0];
	v33 =	vadd.f32 v56, v33;
	[tilespmem:s7+$0x188D0] =	vst v38  }
0x3d5: {  	v63 =	vld [tilespmem:s7+$0x65C0];
	v13 =	vadd.f32 v50, v13;
	[tilespmem:s7+$0x188F0] =	vst v36  }
0x3d6: {  	v55 =	vld [tilespmem:s7+$0x6990];
	v31 =	vadd.f32 v58, v31;
	[tilespmem:s7+$0x18CA0] =	vst v33  }
0x3d7: {  	v57 =	vld [tilespmem:s7+$0x69B0];
	v14 =	vadd.f32 v49, v14;
	[tilespmem:s7+$0x194E0] =	vst v13  }
0x3d8: {  	v60 =	vld [tilespmem:s7+$0x69E0];
	v30 =	vadd.f32 v59, v30;
	[tilespmem:s7+$0x18CC0] =	vst v31  }
0x3d9: {  	v61 =	vld [tilespmem:s7+$0x69F0];
	v15 =	vadd.f32 v48, v15;
	[tilespmem:s7+$0x194D0] =	vst v14  }
0x3da: {  	v62 =	vld [tilespmem:s7+$0x6D80];
	v39 =	vadd.f32 v63, v39;
	[tilespmem:s7+$0x18CD0] =	vst v30  }
0x3db: {  	v47 =	vld [tilespmem:s7+$0x71B0];
	v34 =	vadd.f32 v55, v34;
	[tilespmem:s7+$0x194C0] =	vst v15  }
0x3dc: {  	v52 =	vld [tilespmem:s7+$0x7580];
	v32 =	vadd.f32 v57, v32;
	[tilespmem:s7+$0x188C0] =	vst v39  }
0x3dd: {  	v54 =	vld [tilespmem:s7+$0x75A0];
	v29 =	vadd.f32 v60, v29;
	[tilespmem:s7+$0x18C90] =	vst v34  }
0x3de: {  	v46 =	vld [tilespmem:s7+$0x71A0];
	v28 =	vadd.f32 v61, v28;
	[tilespmem:s7+$0x18CB0] =	vst v32  }
0x3df: {  	v51 =	vld [tilespmem:s7+$0x71F0];
	v27 =	vadd.f32 v62, v27;
	[tilespmem:s7+$0x18CE0] =	vst v29  }
0x3e0: {  	v53 =	vld [tilespmem:s7+$0x7590];
	v16 =	vadd.f32 v47, v16;
	[tilespmem:s7+$0x18CF0] =	vst v28  }
0x3e1: {  	v40 =	vld [tilespmem:s7+$0x6DC0];
	v58 =	vadd.f32 v52, v11;
	[tilespmem:s7+$0x19080] =	vst v27  }
0x3e2: {  	v41 =	vld [tilespmem:s7+$0x6DD0];
	v62 =	vadd.f32 v54, v9;
	[tilespmem:s7+$0x194B0] =	vst v16  }
0x3e3: {  	v42 =	vld [tilespmem:s7+$0x6DE0];
	v17 =	vadd.f32 v46, v17;
	[tilespmem:s7+$0x19880] =	vst v58  }
0x3e4: {  	v43 =	vld [tilespmem:s7+$0x6DF0];
	v56 =	vadd.f32 v51, v12;
	[tilespmem:s7+$0x198A0] =	vst v62  }
0x3e5: {  	v44 =	vld [tilespmem:s7+$0x7180];
	v60 =	vadd.f32 v53, v10;
	[tilespmem:s7+$0x194A0] =	vst v17  }
0x3e6: {  	v45 =	vld [tilespmem:s7+$0x7190];
	v23 =	vadd.f32 v40, v23;
	[tilespmem:s7+$0x194F0] =	vst v56  }
0x3e7: {  	v38 =	vld [tilespmem:s7+$0x6DA0];
	v22 =	vadd.f32 v41, v22;
	[tilespmem:s7+$0x19890] =	vst v60  }
0x3e8: {  	v59 =	vld [tilespmem:s7+$0x75D0];
	v21 =	vadd.f32 v42, v21;
	[tilespmem:s7+$0x190C0] =	vst v23  }
0x3e9: {  	v63 =	vld [tilespmem:s7+$0x6D90];
	v20 =	vadd.f32 v43, v20;
	[tilespmem:s7+$0x190D0] =	vst v22  }
0x3ea: {  	v55 =	vld [tilespmem:s7+$0x75B0];
	v19 =	vadd.f32 v44, v19;
	[tilespmem:s7+$0x190E0] =	vst v21  }
0x3eb: {  	v57 =	vld [tilespmem:s7+$0x75C0];
	v18 =	vadd.f32 v45, v18;
	[tilespmem:s7+$0x190F0] =	vst v20  }
0x3ec: {  	v61 =	vld [tilespmem:s7+$0x75E0];
	v25 =	vadd.f32 v38, v25;
	[tilespmem:s7+$0x19480] =	vst v19  }
0x3ed: {  	v39 =	vld [tilespmem:s7+$0x6DB0];
	[tilespmem:s7+$0x19490] =	vst v18;
	v6 =	vadd.f32 v59, v6  }
0x3ee: {  	v26 =	vadd.f32 v63, v26;
	[tilespmem:s7+$0x190A0] =	vst v25  }
0x3ef: {  	s29 =	sshll.u32 s1, $0x5;
	v63 =	vadd.f32 v55, v8;
	[tilespmem:s7+$0x198D0] =	vst v6  }
0x3f0: {  	s0 =	sadd.s32 s15, s29;
	v7 =	vadd.f32 v57, v7;
	[tilespmem:s7+$0x19090] =	vst v26  }
0x3f1: {  	s0 =	sshrl.u32 s0, $0x3;
	v5 =	vadd.f32 v61, v5;
	[tilespmem:s7+$0x198B0] =	vst v63  }
0x3f2: {  	s21 =	sadd.s32 $0x1, s21;
	s0 =	smul.u32 $0x300, s0;
	v24 =	vadd.f32 v39, v24;
	[tilespmem:s7+$0x198C0] =	vst v7  }
0x3f3: {  	p0 =	sne.s32 s21, $0x10;
	[tilespmem:s7+$0x198E0] =	vst v5  }
.Ltmp9:
0x3f4: {  	s0 =	sadd.s32 s4, s0;
	[tilespmem:s7+$0x190B0] =	vst v24;
	(pc) =	sbr.rel @p0 .LBB2_16-.Ltmp9, $4  }
0x3f5: {  	[hbm4b:s0+s5] =	stream.linear.scatter [tilespmem:s18], [sflag:$0x2], $0x6000, $0x38;
	[tilespmem:$0x1E480] =	vst v63  }
0x3f6: {  	_ =	swait.ge [sflag:s17], $0x6000  }
0x3f7: {  	[sflag:s17] =	ssyncset.done $0x0  }
0x3f8: {  	[sflag:s17] =	ssyncadd.s32 $0xFFFFA000  }
0x3f9: {  	s19 =	sadd.s32 $0x1, s19;
	s0 =	rddreg [dreg:$0x7]  }
0x3fa: {  	p0 =	sne.s32 s19, s0  }
.Ltmp10:
0x3fb: {  	_ = 	snop;
	(pc) =	sbr.rel @p0 .LBB2_1-.Ltmp10, $1  }
0x3fc: {  	_ =	sdelay $0x3  }
0x3fd: {  	_ =	sfence.sel $0x180000  }
0x3fe: {  	[bflag:$0x0] =	sbarrier.arrive $0xFFFF  }
0x3ff: {  	_ =	strace $0x90000047  }
0x400: {  	s0 =	stileid.u32;
	[bflag:$0x2] =	sbarrier.arrive $0xFFFF  }
0x401: {  	p0 =	sne.s32 s0, $0x0;
	s0 =	rddreg [dreg:$0x5]  }
0x402: {  	s0 =	sadd.s32 @!p0 $0x100000, s0  }
0x403: {  	[sflag:s0] =	ssyncadd.tile.s32 @!p0 $0x1;
	_ =	shalt  }
.Lfunc_end2:
_tile_overlayer_lowered:
.L_overlay_start_2:
0x404: {  	(tag) =	ssettag $0x2  }
0x405: {  	s0 =	rddreg [dreg:$0x0];
	s2 =	stileid.u32  }
0x406: {  	s1 =	rddreg [dreg:$0x1];
	p0 =	sne.s32 s2, $0x0  }
0x407: {  	s3 =	rddreg [dreg:$0x2];
	[bflag:$0x3] =	sbarrier.arrive $0xFFFF;
	s2 =	simm.s32 @!p0 $0x1C02  }
0x408: {  	[timem:s3], [sflag:s2] =	dma.local @!p0 [hbm:s0], s1  }
0x409: {  	s0 =	simm.s32 @!p0 $0x2  }
0x40a: {  	_ =	swait.ge @!p0 [sflag:s0], s1  }
0x40b: {  	s1 =	ssub.s32 @!p0 $0x0, s1;
	[sflag:s0] =	ssyncset.done @!p0 $0x0  }
0x40c: {  	[sflag:s0] =	ssyncadd.s32 @!p0 s1  }
0x40d: {  	[bflag:$0x3] =	sbarrier.arrive $0xFFFF  }
0x40e: {  	_ =	shalt  }

</sc_bundles>
